<compile_context>
chip_gen: v7x
topology: tpu7x:2x2x1
jax: 0.10.2.dev20260603
libtpu: 0.0.44.dev20260713+nightly
codegen_flags: <defaults>
</compile_context>

<pallas_src>
import functools

import jax
import jax.numpy as jnp
import numpy as np
from jax import lax
from jax.experimental import pallas as pl
from jax.experimental.pallas import tpu as pltpu
from jax.experimental.pallas import tpu_sc as plsc

N = 10000
NPAD = 10240
RB = 128
NBLK = NPAD // RB
E1 = 320000
EP1 = 327680
PAD_DST = 10200
K = 4
E2 = NPAD * K
NW = 32
CHUNK = 128
MW = 80
INT_MIN = -(2 ** 31)


def _fs(shape):
    return pl.BlockSpec(shape, lambda i: tuple(0 for _ in shape))


def _rep8(v):
    return jnp.tile(v.reshape(1, -1), (8, 1))


def _bn_fold(p, n):
    s = p[n + "_g"] / jnp.sqrt(p[n + "_rv"] + 1e-5)
    t = p[n + "_b"] - s * p[n + "_rm"]
    return s, t


def _lin_bn_fold(p, ln, bn):
    s, t = _bn_fold(p, bn)
    Wf = (s[:, None] * p[ln + "_W"]).T
    bf = s * p[ln + "_b"] + t
    return Wf, bf


def _edge_l1_fold(p, ln, bn, cin):
    W = p[ln + "_W"]
    Wa, Wb = W[:, :cin], W[:, cin:]
    s, t = _bn_fold(p, bn)
    Wd = (s[:, None] * (Wa - Wb)).T
    Ws = (s[:, None] * Wb).T
    c = s * p[ln + "_b"] + t
    return Wd, Ws, c


def _rowmask(nrows):
    r = lax.broadcasted_iota(jnp.int32, (nrows, 1), 0)
    return (r < N).astype(jnp.float32)


def _gn_body(xm, w, b, ms, mask):
    m = jnp.sum(xm, axis=0, keepdims=True) * (1.0 / N)
    o = (xm - ms * m) * mask
    v = jnp.sum(o * o, axis=0, keepdims=True) * (1.0 / N)
    return w * o * lax.rsqrt(v + 1e-5) + b



def _pre0_kernel(xp, gnw, gnb, gnms, wd, ws, wsc, bsc):
    def body(x_ref, gw, gb, gms, wd_r, ws_r, wsc_r, bsc_r, u_o, v_o, sc_o):
        mask = _rowmask(NPAD)
        x = x_ref[...] * mask
        h = _gn_body(x, gw[0:1, :], gb[0:1, :], gms[0:1, :], mask)
        u_o[...] = jnp.dot(h, wd_r[...],
                           preferred_element_type=jnp.float32).astype(jnp.bfloat16)
        v_o[...] = jnp.dot(h, ws_r[...],
                           preferred_element_type=jnp.float32).astype(jnp.bfloat16)
        sc_o[...] = (jnp.dot(h, wsc_r[...], preferred_element_type=jnp.float32)
                     + bsc_r[0:1, :])

    f32 = jnp.float32
    bf16 = jnp.bfloat16
    return pl.pallas_call(
        body,
        grid=(1,),
        in_specs=[_fs(xp.shape), _fs((8, 128)), _fs((8, 128)), _fs((8, 128)),
                  _fs(wd.shape), _fs(ws.shape), _fs(wsc.shape), _fs((8, 64))],
        out_specs=[_fs((NPAD, 64)), _fs((NPAD, 64)), _fs((NPAD, 64))],
        out_shape=[jax.ShapeDtypeStruct((NPAD, 64), bf16),
                   jax.ShapeDtypeStruct((NPAD, 64), bf16),
                   jax.ShapeDtypeStruct((NPAD, 64), f32)],
    )(xp, gnw, gnb, gnms, wd, ws, wsc, bsc)


def _edge_mlp_c1(e1, w2, w3, c1b, b2, b3):
    EB = 2048

    def body(e_r, w2_r, w3_r, c_r, b2_r, b3_r, o_r):
        t = jnp.maximum(e_r[...].astype(jnp.float32) + c_r[0:1, :], 0.0)
        t = jnp.maximum(
            jnp.dot(t, w2_r[...], preferred_element_type=jnp.float32)
            + b2_r[0:1, :], 0.0)
        t = jnp.maximum(
            jnp.dot(t, w3_r[...], preferred_element_type=jnp.float32)
            + b3_r[0:1, :], 0.0)
        o_r[...] = jnp.concatenate(
            [t, jnp.ones((EB, 1), jnp.float32),
             jnp.zeros((EB, MW - 65), jnp.float32)], axis=1)

    eb = pl.BlockSpec((EB, 64), lambda i: (i, 0))
    ob = pl.BlockSpec((EB, MW), lambda i: (i, 0))
    return pl.pallas_call(
        body,
        grid=(EP1 // EB,),
        in_specs=[eb, _fs((64, 64)), _fs((64, 64)),
                  _fs((8, 64)), _fs((8, 64)), _fs((8, 64))],
        out_specs=ob,
        out_shape=jax.ShapeDtypeStruct((EP1, MW), jnp.float32),
    )(e1, w2, w3, c1b, b2, b3)


def _combine_pre(acc, sco1, gnw, gnb, gnms, wd, ws, wsc, bsc):
    def body(a_r, s_r, gw, gb, gms, wd_r, ws_r, wsc_r, bsc_r,
             kq_o, kk_o, u_o, v_o, sc_o):
        a = a_r[0:NPAD, 0:64] + a_r[NPAD:2 * NPAD, 0:64]
        c = a_r[0:NPAD, 64:65] + a_r[NPAD:2 * NPAD, 64:65]
        h1 = jnp.maximum(a / jnp.maximum(c, 1.0) + s_r[...], 0.0)
        mask = _rowmask(NPAD)
        h1 = h1 * mask
        hn = _gn_body(h1, gw[0:1, :], gb[0:1, :], gms[0:1, :], mask)
        sq = jnp.sum(hn * hn, axis=1, keepdims=True)
        aug = jnp.where(mask > 0.0, -0.5 * sq, -1e30)
        z7 = jnp.zeros((NPAD, 7), jnp.float32)
        kq_o[...] = jnp.concatenate(
            [hn, jnp.ones((NPAD, 1), jnp.float32), z7],
            axis=1).astype(jnp.bfloat16)
        kk_o[...] = jnp.concatenate([hn, aug, z7], axis=1).astype(jnp.bfloat16)
        u_o[...] = jnp.dot(hn, wd_r[...], preferred_element_type=jnp.float32)
        v_o[...] = jnp.dot(hn, ws_r[...],
                           preferred_element_type=jnp.float32).astype(jnp.bfloat16)
        sc_o[...] = (jnp.dot(hn, wsc_r[...], preferred_element_type=jnp.float32)
                     + bsc_r[0:1, :])

    f32 = jnp.float32
    return pl.pallas_call(
        body,
        grid=(1,),
        in_specs=[_fs((2 * NPAD, MW)), _fs((NPAD, 64)),
                  _fs((8, 64)), _fs((8, 64)), _fs((8, 64)),
                  _fs((64, 128)), _fs((64, 128)), _fs((64, 128)), _fs((8, 128))],
        out_specs=[_fs((NPAD, 72)), _fs((NPAD, 72)),
                   _fs((NPAD, 128)), _fs((NPAD, 128)), _fs((NPAD, 128))],
        out_shape=[jax.ShapeDtypeStruct((NPAD, 72), jnp.bfloat16),
                   jax.ShapeDtypeStruct((NPAD, 72), jnp.bfloat16),
                   jax.ShapeDtypeStruct((NPAD, 128), f32),
                   jax.ShapeDtypeStruct((NPAD, 128), jnp.bfloat16),
                   jax.ShapeDtypeStruct((NPAD, 128), f32)],
    )(acc, sco1, gnw, gnb, gnms, wd, ws, wsc, bsc)


def _gn_pre(h, gnw, gnb, gnms, wd, ws, wsc, bsc):
    def body(h_r, gw, gb, gms, wd_r, ws_r, wsc_r, bsc_r,
             kq_o, kk_o, u_o, v_o, sc_o):
        mask = _rowmask(NPAD)
        hm = h_r[...] * mask
        hn = _gn_body(hm, gw[0:1, :], gb[0:1, :], gms[0:1, :], mask)
        sq = jnp.sum(hn * hn, axis=1, keepdims=True)
        aug = jnp.where(mask > 0.0, -0.5 * sq, -1e30)
        z7 = jnp.zeros((NPAD, 7), jnp.float32)
        kq_o[...] = jnp.concatenate(
            [hn, jnp.ones((NPAD, 1), jnp.float32), z7],
            axis=1).astype(jnp.bfloat16)
        kk_o[...] = jnp.concatenate([hn, aug, z7], axis=1).astype(jnp.bfloat16)
        u_o[...] = jnp.dot(hn, wd_r[...], preferred_element_type=jnp.float32)
        v_o[...] = jnp.dot(hn, ws_r[...],
                           preferred_element_type=jnp.float32).astype(jnp.bfloat16)
        sc_o[...] = (jnp.dot(hn, wsc_r[...], preferred_element_type=jnp.float32)
                     + bsc_r[0:1, :])

    f32 = jnp.float32
    return pl.pallas_call(
        body,
        grid=(1,),
        in_specs=[_fs((NPAD, 128)),
                  _fs((8, 128)), _fs((8, 128)), _fs((8, 128)),
                  _fs((128, 128)), _fs((128, 128)), _fs((128, 128)),
                  _fs((8, 128))],
        out_specs=[_fs((NPAD, 136)), _fs((NPAD, 136)),
                   _fs((NPAD, 128)), _fs((NPAD, 128)), _fs((NPAD, 128))],
        out_shape=[jax.ShapeDtypeStruct((NPAD, 136), jnp.bfloat16),
                   jax.ShapeDtypeStruct((NPAD, 136), jnp.bfloat16),
                   jax.ShapeDtypeStruct((NPAD, 128), f32),
                   jax.ShapeDtypeStruct((NPAD, 128), jnp.bfloat16),
                   jax.ShapeDtypeStruct((NPAD, 128), f32)],
    )(h, gnw, gnb, gnms, wd, ws, wsc, bsc)


def _knn(kq, kk):
    D = kq.shape[1]

    def body(q_r, k_r, o_r):
        i = pl.program_id(0)
        s = lax.dot_general(q_r[...], k_r[...], (((1,), (1,)), ((), ())),
                            preferred_element_type=jnp.float32)
        col = lax.broadcasted_iota(jnp.int32, (RB, NPAD), 1)
        rowg = i * RB + lax.broadcasted_iota(jnp.int32, (RB, NPAD), 0)
        b = lax.bitcast_convert_type(s, jnp.int32)
        key = jnp.where(b < 0, jnp.bitwise_xor(b, jnp.int32(0x7FFFFFFF)), b)
        packed = jnp.bitwise_or(jnp.bitwise_and(key, jnp.int32(-16384)),
                                jnp.int32(16383) - col)
        imin = jnp.int32(INT_MIN)
        packed = jnp.where(col == rowg, imin, packed)
        outs = []
        for kk in range(K):
            m = jnp.max(packed, axis=1, keepdims=True)
            outs.append(jnp.int32(16383) - jnp.bitwise_and(m, jnp.int32(16383)))
            if kk + 1 < K:
                packed = jnp.where(packed == m, imin, packed)
        outs += [jnp.zeros((RB, 1), jnp.int32)] * (8 - K)
        o_r[...] = jnp.concatenate(outs, axis=1)

    return pl.pallas_call(
        body,
        grid=(NBLK,),
        in_specs=[pl.BlockSpec((RB, D), lambda i: (i, 0)), _fs((NPAD, D))],
        out_specs=pl.BlockSpec((RB, 8), lambda i: (i, 0)),
        out_shape=jax.ShapeDtypeStruct((NPAD, 8), jnp.int32),
    )(kq, kk)


def _edge_knn(u, vg, sco, rmat, pmat, w2, w3, cb, b2, b3):
    def body(u_r, v_r, s_r, r_r, p_r, w2_r, w3_r, c_r, b2_r, b3_r, o_r):
        i = pl.program_id(0)
        urep = jnp.dot(r_r[...], u_r[...], preferred_element_type=jnp.float32)
        t = jnp.maximum(urep + v_r[...].astype(jnp.float32) + c_r[0:1, :], 0.0)
        t = jnp.maximum(
            jnp.dot(t, w2_r[...], preferred_element_type=jnp.float32)
            + b2_r[0:1, :], 0.0)
        t = jnp.maximum(
            jnp.dot(t, w3_r[...], preferred_element_type=jnp.float32)
            + b3_r[0:1, :], 0.0)
        m4 = jnp.dot(p_r[...], t, preferred_element_type=jnp.float32)
        h = jnp.maximum(m4 + s_r[...], 0.0)
        rowg = i * RB + lax.broadcasted_iota(jnp.int32, (RB, 1), 0)
        o_r[...] = jnp.where(rowg < N, h, 0.0)

    nb = pl.BlockSpec((RB, 128), lambda i: (i, 0))
    ebk = pl.BlockSpec((RB * K, 128), lambda i: (i, 0))
    return pl.pallas_call(
        body,
        grid=(NBLK,),
        in_specs=[nb, ebk, nb, _fs((RB * K, RB)), _fs((RB, RB * K)),
                  _fs((128, 128)), _fs((128, 128)),
                  _fs((8, 128)), _fs((8, 128)), _fs((8, 128))],
        out_specs=nb,
        out_shape=jax.ShapeDtypeStruct((NPAD, 128), jnp.float32),
    )(u, vg, sco, rmat, pmat, w2, w3, cb, b2, b3)


def _head(h3, gnw, gnb, gnms, w1, b1, w2, b2, w3, b3):
    def body(h_r, gw, gb, gms, w1_r, b1_r, w2_r, b2_r, w3_r, b3_r, o_r):
        mask = _rowmask(NPAD)
        hm = h_r[...] * mask
        hn = _gn_body(hm, gw[0:1, :], gb[0:1, :], gms[0:1, :], mask)
        g = jnp.sum(hn * mask, axis=0, keepdims=True) * (1.0 / N)
        t = jnp.maximum(
            jnp.dot(g, w1_r[...], preferred_element_type=jnp.float32)
            + b1_r[0:1, :], 0.0)
        t = jnp.maximum(
            jnp.dot(t, w2_r[...], preferred_element_type=jnp.float32)
            + b2_r[0:1, :], 0.0)
        z = (jnp.dot(t, w3_r[...], preferred_element_type=jnp.float32)
             + b3_r[0:1, :])
        z2 = z[:, 0:2]
        zm = jnp.max(z2, axis=1, keepdims=True)
        e = jnp.exp(z2 - zm)
        prob = e / jnp.sum(e, axis=1, keepdims=True)
        o_r[...] = jnp.zeros((8, 128), jnp.float32)
        o_r[0:1, 0:2] = prob

    return pl.pallas_call(
        body,
        grid=(1,),
        in_specs=[_fs((NPAD, 128)), _fs((8, 128)), _fs((8, 128)),
                  _fs((8, 128)), _fs((128, 64)), _fs((8, 64)),
                  _fs((64, 64)), _fs((8, 64)), _fs((64, 8)), _fs((8, 8))],
        out_specs=_fs((8, 128)),
        out_shape=jax.ShapeDtypeStruct((8, 128), jnp.float32),
    )(h3, gnw, gnb, gnms, w1, b1, w2, b2, w3, b3)



def _sc_gather(table, idx, flip=False):
    B = idx.shape[0]
    D = table.shape[1]
    dt = table.dtype
    per_w = B // NW
    chunk = CHUNK
    nch = per_w // chunk
    mesh = plsc.VectorSubcoreMesh(core_axis_name="c", subcore_axis_name="s")

    @functools.partial(
        pl.kernel, mesh=mesh,
        out_type=jax.ShapeDtypeStruct((B, D), dt),
        compiler_params=pltpu.CompilerParams(use_tc_tiling_on_sc=False),
        scratch_types=[pltpu.VMEM((per_w,), jnp.int32),
                       pltpu.VMEM((2, chunk, D), dt),
                       pltpu.SemaphoreType.DMA, pltpu.SemaphoreType.DMA],
    )
    def k(table_hbm, idx_hbm, out_hbm, idx_v, rows_v, semA, semB):
        if flip:
            wid = lax.axis_index("c") * 16 + lax.axis_index("s")
        else:
            wid = lax.axis_index("s") * 2 + lax.axis_index("c")
        base = pl.multiple_of(wid * per_w, 8)
        pltpu.sync_copy(idx_hbm.at[pl.ds(base, per_w)], idx_v)

        def start(ch, buf, sem):
            off = pl.multiple_of(ch * chunk, 8)
            pltpu.async_copy(table_hbm.at[idx_v.at[pl.ds(off, chunk)]],
                             rows_v.at[buf], sem)

        def drain(ch, buf, sem):
            pltpu.make_async_copy(table_hbm.at[idx_v.at[pl.ds(0, chunk)]],
                                  rows_v.at[buf], sem).wait()
            off = pl.multiple_of(base + ch * chunk, 8)
            pltpu.sync_copy(rows_v.at[buf], out_hbm.at[pl.ds(off, chunk)])

        start(0, 0, semA)
        start(1, 1, semB)

        def body(g, carry):
            drain(2 * g, 0, semA)
            start(2 * g + 2, 0, semA)
            drain(2 * g + 1, 1, semB)
            start(2 * g + 3, 1, semB)
            return carry

        lax.fori_loop(0, nch // 2 - 1, body, 0)
        drain(nch - 2, 0, semA)
        drain(nch - 1, 1, semB)

    return k(table, idx)


def _sc_gather_add(tab_a, idx_a, tab_b, idx_b):
    B = idx_a.shape[0]
    D = tab_a.shape[1]
    dt = tab_a.dtype
    per_w = B // NW
    nch = per_w // CHUNK
    mesh = plsc.VectorSubcoreMesh(core_axis_name="c", subcore_axis_name="s")

    @functools.partial(
        pl.kernel, mesh=mesh,
        out_type=jax.ShapeDtypeStruct((B, D), dt),
        compiler_params=pltpu.CompilerParams(use_tc_tiling_on_sc=False),
        scratch_types=[pltpu.VMEM((per_w,), jnp.int32),
                       pltpu.VMEM((per_w,), jnp.int32),
                       pltpu.VMEM((2, CHUNK, D), dt),
                       pltpu.SemaphoreType.DMA, pltpu.SemaphoreType.DMA,
                       pltpu.SemaphoreType.DMA, pltpu.SemaphoreType.DMA],
    )
    def k(ta_hbm, ia_hbm, tb_hbm, ib_hbm, out_hbm,
          ia_v, ib_v, rows_v, sa0, sa1, sb0, sb1):
        wid = lax.axis_index("s") * 2 + lax.axis_index("c")
        base = pl.multiple_of(wid * per_w, 8)
        pltpu.sync_copy(ia_hbm.at[pl.ds(base, per_w)], ia_v)
        pltpu.sync_copy(ib_hbm.at[pl.ds(base, per_w)], ib_v)

        def start_a(ch, buf, sem):
            off = pl.multiple_of(ch * CHUNK, 8)
            pltpu.async_copy(ta_hbm.at[ia_v.at[pl.ds(off, CHUNK)]],
                             rows_v.at[buf], sem)

        def wait(buf, sem):
            pltpu.make_async_copy(ta_hbm.at[ia_v.at[pl.ds(0, CHUNK)]],
                                  rows_v.at[buf], sem).wait()

        def add_b(ch, buf, sem):
            off = pl.multiple_of(ch * CHUNK, 8)
            pltpu.async_copy(tb_hbm.at[ib_v.at[pl.ds(off, CHUNK)]],
                             rows_v.at[buf], sem, add=True)

        def write(ch, buf):
            off = pl.multiple_of(base + ch * CHUNK, 8)
            pltpu.sync_copy(rows_v.at[buf], out_hbm.at[pl.ds(off, CHUNK)])

        start_a(0, 0, sa0)
        start_a(1, 1, sa1)

        def body(g, carry):
            wait(0, sa0)
            add_b(2 * g, 0, sb0)
            wait(0, sb0)
            write(2 * g, 0)
            start_a(2 * g + 2, 0, sa0)
            wait(1, sa1)
            add_b(2 * g + 1, 1, sb1)
            wait(1, sb1)
            write(2 * g + 1, 1)
            start_a(2 * g + 3, 1, sa1)
            return carry

        lax.fori_loop(0, nch // 2 - 1, body, 0)
        wait(0, sa0)
        add_b(nch - 2, 0, sb0)
        wait(0, sb0)
        write(nch - 2, 0)
        wait(1, sa1)
        add_b(nch - 1, 1, sb1)
        wait(1, sb1)
        write(nch - 1, 1)

    return k(tab_a, idx_a, tab_b, idx_b)


def _sc_scatter(msg, dst3, z80):
    per_w = EP1 // NW
    nch = per_w // CHUNK
    mesh = plsc.VectorSubcoreMesh(core_axis_name="c", subcore_axis_name="s")
    SL = NPAD // 16
    f32 = jnp.float32

    @functools.partial(
        pl.kernel, mesh=mesh,
        out_type=jax.ShapeDtypeStruct((2 * NPAD, MW), f32),
        compiler_params=pltpu.CompilerParams(use_tc_tiling_on_sc=False),
        scratch_types=[pltpu.VMEM((nch, CHUNK), jnp.int32),
                       pltpu.VMEM((2, CHUNK, MW), f32),
                       pltpu.VMEM_SHARED((NPAD, MW), f32),
                       pltpu.SemaphoreType.DMA, pltpu.SemaphoreType.DMA],
    )
    def k(m_hbm, dst_hbm, z_hbm, acc_out, dst_v, m_v, acc_sh, semA, semB):
        cid = lax.axis_index("c")
        sid = lax.axis_index("s")
        wid = sid * 2 + cid
        base = pl.multiple_of(wid * per_w, 8)
        pltpu.sync_copy(z_hbm, acc_sh.at[pl.ds(sid * SL, SL)])
        pltpu.sync_copy(dst_hbm.at[wid], dst_v)
        plsc.subcore_barrier()

        def start(ch, buf, sem):
            off = pl.multiple_of(base + ch * CHUNK, 8)
            pltpu.async_copy(m_hbm.at[pl.ds(off, CHUNK)], m_v.at[buf], sem)

        def drain(ch, buf, sem):
            pltpu.make_async_copy(m_hbm.at[pl.ds(0, CHUNK)],
                                  m_v.at[buf], sem).wait()
            pltpu.sync_copy(m_v.at[buf], acc_sh.at[dst_v.at[ch]], add=True)

        start(0, 0, semA)
        start(1, 1, semB)

        def body(g, carry):
            drain(2 * g, 0, semA)
            start(2 * g + 2, 0, semA)
            drain(2 * g + 1, 1, semB)
            start(2 * g + 3, 1, semB)
            return carry

        lax.fori_loop(0, nch // 2 - 1, body, 0)
        drain(nch - 2, 0, semA)
        drain(nch - 1, 1, semB)
        plsc.subcore_barrier()
        row = pl.multiple_of(cid * NPAD + sid * SL, 8)
        pltpu.sync_copy(acc_sh.at[pl.ds(sid * SL, SL)],
                        acc_out.at[pl.ds(row, SL)])

    return k(msg, dst3, z80)



def kernel(x, edge_index, params):
    p = params
    f32 = jnp.float32

    wd1, ws1, c1b = _edge_l1_fold(p, "c1_l1", "c1_bn1", 128)
    w12, b12 = _lin_bn_fold(p, "c1_l2", "c1_bn2")
    w13, b13 = _lin_bn_fold(p, "c1_l3", "c1_bn3")
    wsc1, bsc1 = _lin_bn_fold(p, "c1_sc", "c1_scbn")
    wd2, ws2, c2b = _edge_l1_fold(p, "c2_l1", "c2_bn1", 64)
    w22, b22 = _lin_bn_fold(p, "c2_l2", "c2_bn2")
    w23, b23 = _lin_bn_fold(p, "c2_l3", "c2_bn3")
    wsc2, bsc2 = _lin_bn_fold(p, "c2_sc", "c2_scbn")
    wd3, ws3, c3b = _edge_l1_fold(p, "c3_l1", "c3_bn1", 128)
    w32, b32 = _lin_bn_fold(p, "c3_l2", "c3_bn2")
    w33, b33 = _lin_bn_fold(p, "c3_l3", "c3_bn3")
    wsc3, bsc3 = _lin_bn_fold(p, "c3_sc", "c3_scbn")

    xp = jnp.pad(x, ((0, NPAD - N), (0, 0)))
    u1, v1, sco1 = _pre0_kernel(
        xp, _rep8(p["gn0_w"]), _rep8(p["gn0_b"]), _rep8(p["gn0_ms"]),
        wd1, ws1, wsc1, _rep8(bsc1))

    src = edge_index[0]
    dst = edge_index[1]
    npad_e = EP1 - E1
    dstp = jnp.concatenate([dst, jnp.full((npad_e,), PAD_DST, jnp.int32)])
    srcp = jnp.concatenate([src, jnp.zeros((npad_e,), jnp.int32)])

    e1 = _sc_gather_add(u1, dstp, v1, srcp)
    msg1 = _edge_mlp_c1(e1, w12, w13,
                        _rep8(c1b), _rep8(b12), _rep8(b13))

    z80 = jnp.zeros((NPAD // 16, MW), f32)
    dst3 = dstp.reshape(NW, EP1 // NW // CHUNK, CHUNK)
    acc = _sc_scatter(msg1, dst3, z80)

    kq2, kk2, u2, v2, sco2 = _combine_pre(
        acc, sco1,
        _rep8(p["gn1_w"]), _rep8(p["gn1_b"]), _rep8(p["gn1_ms"]),
        wd2, ws2, wsc2, _rep8(bsc2))

    rmat = jnp.asarray(np.repeat(np.eye(RB, dtype=np.float32), K, axis=0))
    pmat = jnp.asarray(
        np.repeat(np.eye(RB, dtype=np.float32), K, axis=1) / float(K))

    idx2 = _knn(kq2, kk2)
    idx2f = idx2[:, :K].reshape(-1)
    vg2 = _sc_gather(v2, idx2f)
    h2 = _edge_knn(u2, vg2, sco2, rmat, pmat, w22, w23,
                   _rep8(c2b), _rep8(b22), _rep8(b23))

    kq3, kk3, u3, v3, sco3 = _gn_pre(
        h2, _rep8(p["gn2_w"]), _rep8(p["gn2_b"]), _rep8(p["gn2_ms"]),
        wd3, ws3, wsc3, _rep8(bsc3))

    idx3 = _knn(kq3, kk3)
    idx3f = idx3[:, :K].reshape(-1)
    vg3 = _sc_gather(v3, idx3f, flip=True)
    h3 = _edge_knn(u3, vg3, sco3, rmat, pmat, w32, w33,
                   _rep8(c3b), _rep8(b32), _rep8(b33))

    w3o = jnp.pad(p["out_W"].T, ((0, 0), (0, 6)))
    b3o = jnp.pad(_rep8(p["out_b"]), ((0, 0), (0, 6)))
    buf = _head(h3, _rep8(p["gn3_w"]), _rep8(p["gn3_b"]), _rep8(p["gn3_ms"]),
                p["d1_W"].T, _rep8(p["d1_b"]),
                p["d2_W"].T, _rep8(p["d2_b"]), w3o, b3o)
    return buf[0:1, 0:2]

# --- scband reference (transcript-rebuilt; emitter-appended) ---
"""Pipeline reference for scband-particle-net-21139829031582 (READ-ONLY COPY).

The authoritative reference and input builder live on the scoring server;
editing this copy changes nothing except your own understanding.
"""

import jax, jax.numpy as jnp
import numpy as np


def _make_params():
    rng = np.random.RandomState(42)
    p = {}
    def lin(name, i, o):
        p[name + "_W"] = jnp.asarray((rng.randn(o, i) / np.sqrt(i)).astype(np.float32))
        p[name + "_b"] = jnp.asarray((rng.randn(o) * 0.01).astype(np.float32))
    def bn(name, c):
        p[name + "_g"] = jnp.asarray((0.75 + 0.5 * rng.rand(c)).astype(np.float32))
        p[name + "_b"] = jnp.asarray((rng.randn(c) * 0.01).astype(np.float32))
        p[name + "_rm"] = jnp.zeros((c,), jnp.float32)
        p[name + "_rv"] = jnp.ones((c,), jnp.float32)
    def gn(name, c):
        p[name + "_w"] = jnp.ones((c,), jnp.float32)
        p[name + "_b"] = jnp.zeros((c,), jnp.float32)
        p[name + "_ms"] = jnp.ones((c,), jnp.float32)
    gn("gn0", 128)
    lin("c1_l1", 256, 64); bn("c1_bn1", 64)
    lin("c1_l2", 64, 64); bn("c1_bn2", 64)
    lin("c1_l3", 64, 64); bn("c1_bn3", 64)
    lin("c1_sc", 128, 64); bn("c1_scbn", 64)
    gn("gn1", 64)
    lin("c2_l1", 128, 128); bn("c2_bn1", 128)
    lin("c2_l2", 128, 128); bn("c2_bn2", 128)
    lin("c2_l3", 128, 128); bn("c2_bn3", 128)
    lin("c2_sc", 64, 128); bn("c2_scbn", 128)
    gn("gn2", 128)
    lin("c3_l1", 256, 128); bn("c3_bn1", 128)
    lin("c3_l2", 128, 128); bn("c3_bn2", 128)
    lin("c3_l3", 128, 128); bn("c3_bn3", 128)
    lin("c3_sc", 128, 128); bn("c3_scbn", 128)
    gn("gn3", 128)
    lin("d1", 128, 64)
    lin("d2", 64, 64)
    lin("out", 64, 2)
    return p


def setup_inputs(seed: int = 0):
    key = jax.random.key(seed)
    k1, k2 = jax.random.split(key)
    n_nodes, d_feat, n_edges = 10000, 128, 320000
    x = jax.random.normal(k1, (n_nodes, d_feat), dtype=jnp.float32)
    edge_index = jax.random.randint(k2, (2, n_edges), 0, n_nodes, dtype=jnp.int32)
    params = _make_params()
    return {"x": x, "edge_index": edge_index, "params": params}


def _lin(x, p, n):
    return x @ p[n + "_W"].T + p[n + "_b"]


def _bn(x, p, n):
    # BatchNorm1d in eval mode with running stats (rm=0, rv=1)
    return p[n + "_g"] * (x - p[n + "_rm"]) / jnp.sqrt(p[n + "_rv"] + 1e-5) + p[n + "_b"]


def _gn(x, p, n):
    # PyG GraphNorm, batch=None -> single graph
    m = jnp.mean(x, axis=0)
    o = x - p[n + "_ms"] * m
    v = jnp.mean(o * o, axis=0)
    return p[n + "_w"] * o / jnp.sqrt(v + 1e-5) + p[n + "_b"]


def _mlp(t, p, pre):
    for i in (1, 2, 3):
        t = jax.nn.relu(_bn(_lin(t, p, pre + "_l%d" % i), p, pre + "_bn%d" % i))
    return t


def _edge_conv(x, ei, p, pre):
    # flow='source_to_target': ei[0]=src (j), ei[1]=dst (i); aggr='mean'
    src, dst = ei[0], ei[1]
    x_i = x[dst]
    x_j = x[src]
    msg = _mlp(jnp.concatenate([x_i, x_j - x_i], axis=1), p, pre)
    n = x.shape[0]
    agg = jax.ops.segment_sum(msg, dst, num_segments=n)
    cnt = jax.ops.segment_sum(jnp.ones((dst.shape[0],), jnp.float32), dst, num_segments=n)
    return agg / jnp.clip(cnt, 1.0)[:, None]


def _knn_graph(x, k):
    # knn_graph(x, k, loop=False, flow='source_to_target'):
    # edges from each node's k nearest neighbors (sources) to the node (target)
    n = x.shape[0]
    sq = jnp.sum(x * x, axis=1)
    d = sq[:, None] + sq[None, :] - 2.0 * (x @ x.T)
    d = jnp.where(jnp.eye(n, dtype=bool), jnp.inf, d)
    _, idx = jax.lax.top_k(-d, k)
    dst = jnp.repeat(jnp.arange(n), k)
    src = idx.reshape(-1)
    return jnp.stack([src, dst])


def _dyn_edge_conv(x, ei, p, pre, k=4):
    if ei is None:
        ei = _knn_graph(x, k)
    out = _edge_conv(x, ei, p, pre)
    out = out + _bn(_lin(x, p, pre + "_sc"), p, pre + "_scbn")
    return jax.nn.relu(out)


def reference(x, edge_index, params):
    h = _gn(x, params, "gn0")
    h = _dyn_edge_conv(h, edge_index, params, "c1")
    h = _gn(h, params, "gn1")
    h = _dyn_edge_conv(h, None, params, "c2")
    h = _gn(h, params, "gn2")
    h = _dyn_edge_conv(h, None, params, "c3")
    h = _gn(h, params, "gn3")
    g = jnp.mean(h, axis=0, keepdims=True)  # global_mean_pool, batch=None
    g = jax.nn.relu(_lin(g, params, "d1"))
    # dropout is identity in eval mode
    g = jax.nn.relu(_lin(g, params, "d2"))
    g = _lin(g, params, "out")
    return jax.nn.softmax(g, axis=1)

if __name__ == "__main__":
    import jax
    _d = setup_inputs()
    print(jax.jit(kernel)(*tuple(_d.values())))

</pallas_src>

<mosaic_0001>
#map = affine_map<(d0, d1) -> (0, 0)>
#map1 = affine_map<(d0, d1) -> (0)>
module attributes {stable_mosaic.version = 14 : i64} {
  func.func @k(%arg0: i32, %arg1: i32, %arg2: memref<10240x64xbf16, #tpu.memory_space<hbm>>, %arg3: memref<327680xi32, #tpu.memory_space<hbm>>, %arg4: memref<10240x64xbf16, #tpu.memory_space<hbm>>, %arg5: memref<327680xi32, #tpu.memory_space<hbm>>, %arg6: memref<327680x64xbf16, #tpu.memory_space<hbm>>, %arg7: memref<10240xi32, #tpu.memory_space<vmem>>, %arg8: memref<10240xi32, #tpu.memory_space<vmem>>, %arg9: memref<2x128x64xbf16, #tpu.memory_space<vmem>>, %arg10: memref<!tpu.dma_semaphore, #tpu.memory_space<semaphore_mem>>, %arg11: memref<!tpu.dma_semaphore, #tpu.memory_space<semaphore_mem>>, %arg12: memref<!tpu.dma_semaphore, #tpu.memory_space<semaphore_mem>>, %arg13: memref<!tpu.dma_semaphore, #tpu.memory_space<semaphore_mem>>) attributes {dimension_semantics = [#tpu.dimension_semantics<core_parallel>, #tpu.dimension_semantics<subcore_parallel>], iteration_bounds = array<i64: 2, 16>, scalar_prefetch = 0 : i64, scratch_operands = 7 : i64, tpu.core_type = #tpu.core_type<sc_vector_subcore>, window_params = [{transform_indices = #map}, {transform_indices = #map1}, {transform_indices = #map}, {transform_indices = #map1}, {transform_indices = #map}]} {
    %mul3A = arith.constant 2 : i32
    %mul3A_0 = arith.muli %arg1, %mul3A : i32
    %add3A = arith.addi %mul3A_0, %arg0 : i32
    %mul3A_1 = arith.constant 10240 : i32
    %mul3A_2 = arith.muli %add3A, %mul3A_1 : i32
    %multiple_of3A = tpu.assume_multiple %mul3A_2, 8 : i32
    "tpu.region"() ({
      %run_scoped3A_97 = tpu.sem_alloc : memref<!tpu.dma_semaphore, #tpu.memory_space<semaphore_mem>>
      %dma_start3A_98 = tpu.memref_slice %arg3[%multiple_of3A] : memref<327680xi32, #tpu.memory_space<hbm>> -> memref<10240xi32, #tpu.memory_space<hbm>>
      %dma_start3A_99 = tpu.memref_slice %arg3[%multiple_of3A] : memref<327680xi32, #tpu.memory_space<hbm>> -> memref<10240xi32, #tpu.memory_space<hbm>>
      tpu.enqueue_dma source(%dma_start3A_99 : memref<10240xi32, #tpu.memory_space<hbm>>) target(%arg7 : memref<10240xi32, #tpu.memory_space<vmem>>) target_semaphore(%run_scoped3A_97 : memref<!tpu.dma_semaphore, #tpu.memory_space<semaphore_mem>>)
      %dma_wait3A_100 = tpu.memref_slice %arg3[%multiple_of3A] : memref<327680xi32, #tpu.memory_space<hbm>> -> memref<10240xi32, #tpu.memory_space<hbm>>
      %dma_wait3A_101 = tpu.memref_slice %arg3[%multiple_of3A] : memref<327680xi32, #tpu.memory_space<hbm>> -> memref<10240xi32, #tpu.memory_space<hbm>>
      tpu.wait_dma2 semaphore(%run_scoped3A_97 : memref<!tpu.dma_semaphore, #tpu.memory_space<semaphore_mem>>) src(%dma_wait3A_101 : memref<10240xi32, #tpu.memory_space<hbm>>) dst(%arg7 : memref<10240xi32, #tpu.memory_space<vmem>>)
      tpu.yield
    }) : () -> ()
    "tpu.region"() ({
      %run_scoped3A_97 = tpu.sem_alloc : memref<!tpu.dma_semaphore, #tpu.memory_space<semaphore_mem>>
      %dma_start3A_98 = tpu.memref_slice %arg5[%multiple_of3A] : memref<327680xi32, #tpu.memory_space<hbm>> -> memref<10240xi32, #tpu.memory_space<hbm>>
      %dma_start3A_99 = tpu.memref_slice %arg5[%multiple_of3A] : memref<327680xi32, #tpu.memory_space<hbm>> -> memref<10240xi32, #tpu.memory_space<hbm>>
      tpu.enqueue_dma source(%dma_start3A_99 : memref<10240xi32, #tpu.memory_space<hbm>>) target(%arg8 : memref<10240xi32, #tpu.memory_space<vmem>>) target_semaphore(%run_scoped3A_97 : memref<!tpu.dma_semaphore, #tpu.memory_space<semaphore_mem>>)
      %dma_wait3A_100 = tpu.memref_slice %arg5[%multiple_of3A] : memref<327680xi32, #tpu.memory_space<hbm>> -> memref<10240xi32, #tpu.memory_space<hbm>>
      %dma_wait3A_101 = tpu.memref_slice %arg5[%multiple_of3A] : memref<327680xi32, #tpu.memory_space<hbm>> -> memref<10240xi32, #tpu.memory_space<hbm>>
      tpu.wait_dma2 semaphore(%run_scoped3A_97 : memref<!tpu.dma_semaphore, #tpu.memory_space<semaphore_mem>>) src(%dma_wait3A_101 : memref<10240xi32, #tpu.memory_space<hbm>>) dst(%arg8 : memref<10240xi32, #tpu.memory_space<vmem>>)
      tpu.yield
    }) : () -> ()
    %multiple_of3A_3 = arith.constant 0 : i32
    %multiple_of3A_4 = tpu.assume_multiple %multiple_of3A_3, 8 : i32
    %dma_start3A = arith.constant 0 : i32
    %dma_start3A_5 = arith.constant 0 : i32
    %dma_start3A_6 = arith.constant 0 : i32
    %dma_start3A_7 = tpu.memref_slice %arg9[%dma_start3A, %dma_start3A_5, %dma_start3A_6] : memref<2x128x64xbf16, #tpu.memory_space<vmem>> -> memref<1x128x64xbf16, #tpu.memory_space<vmem>>
    %dma_start3A_8 = tpu.memref_squeeze %dma_start3A_7 : memref<1x128x64xbf16, #tpu.memory_space<vmem>> -> memref<128x64xbf16, #tpu.memory_space<vmem>>
    %dma_start3A_9 = tpu.memref_slice %arg7[%multiple_of3A_4] : memref<10240xi32, #tpu.memory_space<vmem>> -> memref<128xi32, #tpu.memory_space<vmem>>
    %dma_start3A_10 = arith.constant 0 : i32
    %dma_start3A_11 = arith.constant 0 : i32
    %dma_start3A_12 = tpu.memref_slice %arg2[%dma_start3A_10, %dma_start3A_11] : memref<10240x64xbf16, #tpu.memory_space<hbm>> -> memref<10240x64xbf16, #tpu.memory_space<hbm>>
    tpu.enqueue_indirect_dma source(%dma_start3A_12 : memref<10240x64xbf16, #tpu.memory_space<hbm>>) target(%dma_start3A_8 : memref<128x64xbf16, #tpu.memory_space<vmem>>) offsets(%dma_start3A_9 : memref<128xi32, #tpu.memory_space<vmem>>) semaphore(%arg10 : memref<!tpu.dma_semaphore, #tpu.memory_space<semaphore_mem>>)
    %multiple_of3A_13 = arith.constant 128 : i32
    %multiple_of3A_14 = tpu.assume_multiple %multiple_of3A_13, 8 : i32
    %dma_start3A_15 = arith.constant 1 : i32
    %dma_start3A_16 = arith.constant 0 : i32
    %dma_start3A_17 = arith.constant 0 : i32
    %dma_start3A_18 = tpu.memref_slice %arg9[%dma_start3A_15, %dma_start3A_16, %dma_start3A_17] : memref<2x128x64xbf16, #tpu.memory_space<vmem>> -> memref<1x128x64xbf16, #tpu.memory_space<vmem>>
    %dma_start3A_19 = tpu.memref_squeeze %dma_start3A_18 : memref<1x128x64xbf16, #tpu.memory_space<vmem>> -> memref<128x64xbf16, #tpu.memory_space<vmem>>
    %dma_start3A_20 = tpu.memref_slice %arg7[%multiple_of3A_14] : memref<10240xi32, #tpu.memory_space<vmem>> -> memref<128xi32, #tpu.memory_space<vmem>>
    %dma_start3A_21 = arith.constant 0 : i32
    %dma_start3A_22 = arith.constant 0 : i32
    %dma_start3A_23 = tpu.memref_slice %arg2[%dma_start3A_21, %dma_start3A_22] : memref<10240x64xbf16, #tpu.memory_space<hbm>> -> memref<10240x64xbf16, #tpu.memory_space<hbm>>
    tpu.enqueue_indirect_dma source(%dma_start3A_23 : memref<10240x64xbf16, #tpu.memory_space<hbm>>) target(%dma_start3A_19 : memref<128x64xbf16, #tpu.memory_space<vmem>>) offsets(%dma_start3A_20 : memref<128xi32, #tpu.memory_space<vmem>>) semaphore(%arg11 : memref<!tpu.dma_semaphore, #tpu.memory_space<semaphore_mem>>)
    %scan3A = arith.constant 0 : i32
    %scan3A_24 = arith.constant 0 : i32
    %scan3A_25 = arith.constant 39 : i32
    %scan3A_26 = arith.addi %scan3A_24, %scan3A_25 : i32
    %scan3A_27 = arith.constant 1 : i32
    scf.for %scan3A_97 = %scan3A_24 to %scan3A_26 step %scan3A_27  : i32 {
      %dma_wait3A_98 = arith.constant 0 : i32
      %dma_wait3A_99 = arith.constant 0 : i32
      %dma_wait3A_100 = arith.constant 0 : i32
      %dma_wait3A_101 = tpu.memref_slice %arg9[%dma_wait3A_98, %dma_wait3A_99, %dma_wait3A_100] : memref<2x128x64xbf16, #tpu.memory_space<vmem>> -> memref<1x128x64xbf16, #tpu.memory_space<vmem>>
      %dma_wait3A_102 = tpu.memref_squeeze %dma_wait3A_101 : memref<1x128x64xbf16, #tpu.memory_space<vmem>> -> memref<128x64xbf16, #tpu.memory_space<vmem>>
      %dma_wait3A_103 = arith.constant 0 : i32
      %dma_wait3A_104 = tpu.memref_slice %arg7[%dma_wait3A_103] : memref<10240xi32, #tpu.memory_space<vmem>> -> memref<128xi32, #tpu.memory_space<vmem>>
      %dma_wait3A_105 = arith.constant 0 : i32
      %dma_wait3A_106 = arith.constant 0 : i32
      %dma_wait3A_107 = tpu.memref_slice %arg2[%dma_wait3A_105, %dma_wait3A_106] : memref<10240x64xbf16, #tpu.memory_space<hbm>> -> memref<10240x64xbf16, #tpu.memory_space<hbm>>
      tpu.wait_indirect_dma semaphore(%arg10 : memref<!tpu.dma_semaphore, #tpu.memory_space<semaphore_mem>>) src(%dma_wait3A_107 : memref<10240x64xbf16, #tpu.memory_space<hbm>>) dst(%dma_wait3A_102 : memref<128x64xbf16, #tpu.memory_space<vmem>>)
      %mul3A_108 = arith.constant 2 : i32
      %mul3A_109 = arith.muli %mul3A_108, %scan3A_97 : i32
      %mul3A_110 = arith.constant 128 : i32
      %mul3A_111 = arith.muli %mul3A_109, %mul3A_110 : i32
      %multiple_of3A_112 = tpu.assume_multiple %mul3A_111, 8 : i32
      %dma_start3A_113 = arith.constant 0 : i32
      %dma_start3A_114 = arith.constant 0 : i32
      %dma_start3A_115 = arith.constant 0 : i32
      %dma_start3A_116 = tpu.memref_slice %arg9[%dma_start3A_113, %dma_start3A_114, %dma_start3A_115] : memref<2x128x64xbf16, #tpu.memory_space<vmem>> -> memref<1x128x64xbf16, #tpu.memory_space<vmem>>
      %dma_start3A_117 = tpu.memref_squeeze %dma_start3A_116 : memref<1x128x64xbf16, #tpu.memory_space<vmem>> -> memref<128x64xbf16, #tpu.memory_space<vmem>>
      %dma_start3A_118 = tpu.memref_slice %arg8[%multiple_of3A_112] : memref<10240xi32, #tpu.memory_space<vmem>> -> memref<128xi32, #tpu.memory_space<vmem>>
      %dma_start3A_119 = arith.constant 0 : i32
      %dma_start3A_120 = arith.constant 0 : i32
      %dma_start3A_121 = tpu.memref_slice %arg4[%dma_start3A_119, %dma_start3A_120] : memref<10240x64xbf16, #tpu.memory_space<hbm>> -> memref<10240x64xbf16, #tpu.memory_space<hbm>>
      tpu.enqueue_indirect_dma source(%dma_start3A_121 : memref<10240x64xbf16, #tpu.memory_space<hbm>>) target(%dma_start3A_117 : memref<128x64xbf16, #tpu.memory_space<vmem>>) offsets(%dma_start3A_118 : memref<128xi32, #tpu.memory_space<vmem>>) semaphore(%arg12 : memref<!tpu.dma_semaphore, #tpu.memory_space<semaphore_mem>>) {add = true}
      %dma_wait3A_122 = arith.constant 0 : i32
      %dma_wait3A_123 = arith.constant 0 : i32
      %dma_wait3A_124 = arith.constant 0 : i32
      %dma_wait3A_125 = tpu.memref_slice %arg9[%dma_wait3A_122, %dma_wait3A_123, %dma_wait3A_124] : memref<2x128x64xbf16, #tpu.memory_space<vmem>> -> memref<1x128x64xbf16, #tpu.memory_space<vmem>>
      %dma_wait3A_126 = tpu.memref_squeeze %dma_wait3A_125 : memref<1x128x64xbf16, #tpu.memory_space<vmem>> -> memref<128x64xbf16, #tpu.memory_space<vmem>>
      %dma_wait3A_127 = arith.constant 0 : i32
      %dma_wait3A_128 = tpu.memref_slice %arg7[%dma_wait3A_127] : memref<10240xi32, #tpu.memory_space<vmem>> -> memref<128xi32, #tpu.memory_space<vmem>>
      %dma_wait3A_129 = arith.constant 0 : i32
      %dma_wait3A_130 = arith.constant 0 : i32
      %dma_wait3A_131 = tpu.memref_slice %arg2[%dma_wait3A_129, %dma_wait3A_130] : memref<10240x64xbf16, #tpu.memory_space<hbm>> -> memref<10240x64xbf16, #tpu.memory_space<hbm>>
      tpu.wait_indirect_dma semaphore(%arg12 : memref<!tpu.dma_semaphore, #tpu.memory_space<semaphore_mem>>) src(%dma_wait3A_131 : memref<10240x64xbf16, #tpu.memory_space<hbm>>) dst(%dma_wait3A_126 : memref<128x64xbf16, #tpu.memory_space<vmem>>)
      %mul3A_132 = arith.constant 2 : i32
      %mul3A_133 = arith.muli %mul3A_132, %scan3A_97 : i32
      %mul3A_134 = arith.constant 128 : i32
      %mul3A_135 = arith.muli %mul3A_133, %mul3A_134 : i32
      %add3A_136 = arith.addi %multiple_of3A, %mul3A_135 : i32
      %multiple_of3A_137 = tpu.assume_multiple %add3A_136, 8 : i32
      %run_scoped3A_138 = arith.constant 0 : i32
      "tpu.region"() ({
        %run_scoped3A_216 = tpu.sem_alloc : memref<!tpu.dma_semaphore, #tpu.memory_space<semaphore_mem>>
        %dma_start3A_217 = arith.constant 0 : i32
        %dma_start3A_218 = arith.constant 0 : i32
        %dma_start3A_219 = tpu.memref_slice %arg9[%run_scoped3A_138, %dma_start3A_217, %dma_start3A_218] : memref<2x128x64xbf16, #tpu.memory_space<vmem>> -> memref<1x128x64xbf16, #tpu.memory_space<vmem>>
        %dma_start3A_220 = tpu.memref_squeeze %dma_start3A_219 : memref<1x128x64xbf16, #tpu.memory_space<vmem>> -> memref<128x64xbf16, #tpu.memory_space<vmem>>
        %dma_start3A_221 = arith.constant 0 : i32
        %dma_start3A_222 = tpu.memref_slice %arg6[%multiple_of3A_137, %dma_start3A_221] : memref<327680x64xbf16, #tpu.memory_space<hbm>> -> memref<128x64xbf16, #tpu.memory_space<hbm>>
        %dma_start3A_223 = arith.constant 0 : i32
        %dma_start3A_224 = tpu.memref_slice %arg6[%multiple_of3A_137, %dma_start3A_223] : memref<327680x64xbf16, #tpu.memory_space<hbm>> -> memref<128x64xbf16, #tpu.memory_space<hbm>>
        %dma_start3A_225 = arith.constant 0 : i32
        %dma_start3A_226 = arith.constant 0 : i32
        %dma_start3A_227 = tpu.memref_slice %arg9[%run_scoped3A_138, %dma_start3A_225, %dma_start3A_226] : memref<2x128x64xbf16, #tpu.memory_space<vmem>> -> memref<1x128x64xbf16, #tpu.memory_space<vmem>>
        %dma_start3A_228 = tpu.memref_squeeze %dma_start3A_227 : memref<1x128x64xbf16, #tpu.memory_space<vmem>> -> memref<128x64xbf16, #tpu.memory_space<vmem>>
        tpu.enqueue_dma source(%dma_start3A_228 : memref<128x64xbf16, #tpu.memory_space<vmem>>) target(%dma_start3A_224 : memref<128x64xbf16, #tpu.memory_space<hbm>>) target_semaphore(%run_scoped3A_216 : memref<!tpu.dma_semaphore, #tpu.memory_space<semaphore_mem>>)
        %dma_wait3A_229 = arith.constant 0 : i32
        %dma_wait3A_230 = arith.constant 0 : i32
        %dma_wait3A_231 = tpu.memref_slice %arg9[%run_scoped3A_138, %dma_wait3A_229, %dma_wait3A_230] : memref<2x128x64xbf16, #tpu.memory_space<vmem>> -> memref<1x128x64xbf16, #tpu.memory_space<vmem>>
        %dma_wait3A_232 = tpu.memref_squeeze %dma_wait3A_231 : memref<1x128x64xbf16, #tpu.memory_space<vmem>> -> memref<128x64xbf16, #tpu.memory_space<vmem>>
        %dma_wait3A_233 = arith.constant 0 : i32
        %dma_wait3A_234 = tpu.memref_slice %arg6[%multiple_of3A_137, %dma_wait3A_233] : memref<327680x64xbf16, #tpu.memory_space<hbm>> -> memref<128x64xbf16, #tpu.memory_space<hbm>>
        %dma_wait3A_235 = arith.constant 0 : i32
        %dma_wait3A_236 = tpu.memref_slice %arg6[%multiple_of3A_137, %dma_wait3A_235] : memref<327680x64xbf16, #tpu.memory_space<hbm>> -> memref<128x64xbf16, #tpu.memory_space<hbm>>
        %dma_wait3A_237 = arith.constant 0 : i32
        %dma_wait3A_238 = arith.constant 0 : i32
        %dma_wait3A_239 = tpu.memref_slice %arg9[%run_scoped3A_138, %dma_wait3A_237, %dma_wait3A_238] : memref<2x128x64xbf16, #tpu.memory_space<vmem>> -> memref<1x128x64xbf16, #tpu.memory_space<vmem>>
        %dma_wait3A_240 = tpu.memref_squeeze %dma_wait3A_239 : memref<1x128x64xbf16, #tpu.memory_space<vmem>> -> memref<128x64xbf16, #tpu.memory_space<vmem>>
        tpu.wait_dma2 semaphore(%run_scoped3A_216 : memref<!tpu.dma_semaphore, #tpu.memory_space<semaphore_mem>>) src(%dma_wait3A_240 : memref<128x64xbf16, #tpu.memory_space<vmem>>) dst(%dma_wait3A_236 : memref<128x64xbf16, #tpu.memory_space<hbm>>)
        tpu.yield
      }) : () -> ()
      %mul3A_139 = arith.constant 2 : i32
      %mul3A_140 = arith.muli %mul3A_139, %scan3A_97 : i32
      %add3A_141 = arith.constant 2 : i32
      %add3A_142 = arith.addi %mul3A_140, %add3A_141 : i32
      %mul3A_143 = arith.constant 128 : i32
      %mul3A_144 = arith.muli %add3A_142, %mul3A_143 : i32
      %multiple_of3A_145 = tpu.assume_multiple %mul3A_144, 8 : i32
      %dma_start3A_146 = arith.constant 0 : i32
      %dma_start3A_147 = arith.constant 0 : i32
      %dma_start3A_148 = arith.constant 0 : i32
      %dma_start3A_149 = tpu.memref_slice %arg9[%dma_start3A_146, %dma_start3A_147, %dma_start3A_148] : memref<2x128x64xbf16, #tpu.memory_space<vmem>> -> memref<1x128x64xbf16, #tpu.memory_space<vmem>>
      %dma_start3A_150 = tpu.memref_squeeze %dma_start3A_149 : memref<1x128x64xbf16, #tpu.memory_space<vmem>> -> memref<128x64xbf16, #tpu.memory_space<vmem>>
      %dma_start3A_151 = tpu.memref_slice %arg7[%multiple_of3A_145] : memref<10240xi32, #tpu.memory_space<vmem>> -> memref<128xi32, #tpu.memory_space<vmem>>
      %dma_start3A_152 = arith.constant 0 : i32
      %dma_start3A_153 = arith.constant 0 : i32
      %dma_start3A_154 = tpu.memref_slice %arg2[%dma_start3A_152, %dma_start3A_153] : memref<10240x64xbf16, #tpu.memory_space<hbm>> -> memref<10240x64xbf16, #tpu.memory_space<hbm>>
      tpu.enqueue_indirect_dma source(%dma_start3A_154 : memref<10240x64xbf16, #tpu.memory_space<hbm>>) target(%dma_start3A_150 : memref<128x64xbf16, #tpu.memory_space<vmem>>) offsets(%dma_start3A_151 : memref<128xi32, #tpu.memory_space<vmem>>) semaphore(%arg10 : memref<!tpu.dma_semaphore, #tpu.memory_space<semaphore_mem>>)
      %dma_wait3A_155 = arith.constant 1 : i32
      %dma_wait3A_156 = arith.constant 0 : i32
      %dma_wait3A_157 = arith.constant 0 : i32
      %dma_wait3A_158 = tpu.memref_slice %arg9[%dma_wait3A_155, %dma_wait3A_156, %dma_wait3A_157] : memref<2x128x64xbf16, #tpu.memory_space<vmem>> -> memref<1x128x64xbf16, #tpu.memory_space<vmem>>
      %dma_wait3A_159 = tpu.memref_squeeze %dma_wait3A_158 : memref<1x128x64xbf16, #tpu.memory_space<vmem>> -> memref<128x64xbf16, #tpu.memory_space<vmem>>
      %dma_wait3A_160 = arith.constant 0 : i32
      %dma_wait3A_161 = tpu.memref_slice %arg7[%dma_wait3A_160] : memref<10240xi32, #tpu.memory_space<vmem>> -> memref<128xi32, #tpu.memory_space<vmem>>
      %dma_wait3A_162 = arith.constant 0 : i32
      %dma_wait3A_163 = arith.constant 0 : i32
      %dma_wait3A_164 = tpu.memref_slice %arg2[%dma_wait3A_162, %dma_wait3A_163] : memref<10240x64xbf16, #tpu.memory_space<hbm>> -> memref<10240x64xbf16, #tpu.memory_space<hbm>>
      tpu.wait_indirect_dma semaphore(%arg11 : memref<!tpu.dma_semaphore, #tpu.memory_space<semaphore_mem>>) src(%dma_wait3A_164 : memref<10240x64xbf16, #tpu.memory_space<hbm>>) dst(%dma_wait3A_159 : memref<128x64xbf16, #tpu.memory_space<vmem>>)
      %mul3A_165 = arith.constant 2 : i32
      %mul3A_166 = arith.muli %mul3A_165, %scan3A_97 : i32
      %add3A_167 = arith.constant 1 : i32
      %add3A_168 = arith.addi %mul3A_166, %add3A_167 : i32
      %mul3A_169 = arith.constant 128 : i32
      %mul3A_170 = arith.muli %add3A_168, %mul3A_169 : i32
      %multiple_of3A_171 = tpu.assume_multiple %mul3A_170, 8 : i32
      %dma_start3A_172 = arith.constant 1 : i32
      %dma_start3A_173 = arith.constant 0 : i32
      %dma_start3A_174 = arith.constant 0 : i32
      %dma_start3A_175 = tpu.memref_slice %arg9[%dma_start3A_172, %dma_start3A_173, %dma_start3A_174] : memref<2x128x64xbf16, #tpu.memory_space<vmem>> -> memref<1x128x64xbf16, #tpu.memory_space<vmem>>
      %dma_start3A_176 = tpu.memref_squeeze %dma_start3A_175 : memref<1x128x64xbf16, #tpu.memory_space<vmem>> -> memref<128x64xbf16, #tpu.memory_space<vmem>>
      %dma_start3A_177 = tpu.memref_slice %arg8[%multiple_of3A_171] : memref<10240xi32, #tpu.memory_space<vmem>> -> memref<128xi32, #tpu.memory_space<vmem>>
      %dma_start3A_178 = arith.constant 0 : i32
      %dma_start3A_179 = arith.constant 0 : i32
      %dma_start3A_180 = tpu.memref_slice %arg4[%dma_start3A_178, %dma_start3A_179] : memref<10240x64xbf16, #tpu.memory_space<hbm>> -> memref<10240x64xbf16, #tpu.memory_space<hbm>>
      tpu.enqueue_indirect_dma source(%dma_start3A_180 : memref<10240x64xbf16, #tpu.memory_space<hbm>>) target(%dma_start3A_176 : memref<128x64xbf16, #tpu.memory_space<vmem>>) offsets(%dma_start3A_177 : memref<128xi32, #tpu.memory_space<vmem>>) semaphore(%arg13 : memref<!tpu.dma_semaphore, #tpu.memory_space<semaphore_mem>>) {add = true}
      %dma_wait3A_181 = arith.constant 1 : i32
      %dma_wait3A_182 = arith.constant 0 : i32
      %dma_wait3A_183 = arith.constant 0 : i32
      %dma_wait3A_184 = tpu.memref_slice %arg9[%dma_wait3A_181, %dma_wait3A_182, %dma_wait3A_183] : memref<2x128x64xbf16, #tpu.memory_space<vmem>> -> memref<1x128x64xbf16, #tpu.memory_space<vmem>>
      %dma_wait3A_185 = tpu.memref_squeeze %dma_wait3A_184 : memref<1x128x64xbf16, #tpu.memory_space<vmem>> -> memref<128x64xbf16, #tpu.memory_space<vmem>>
      %dma_wait3A_186 = arith.constant 0 : i32
      %dma_wait3A_187 = tpu.memref_slice %arg7[%dma_wait3A_186] : memref<10240xi32, #tpu.memory_space<vmem>> -> memref<128xi32, #tpu.memory_space<vmem>>
      %dma_wait3A_188 = arith.constant 0 : i32
      %dma_wait3A_189 = arith.constant 0 : i32
      %dma_wait3A_190 = tpu.memref_slice %arg2[%dma_wait3A_188, %dma_wait3A_189] : memref<10240x64xbf16, #tpu.memory_space<hbm>> -> memref<10240x64xbf16, #tpu.memory_space<hbm>>
      tpu.wait_indirect_dma semaphore(%arg13 : memref<!tpu.dma_semaphore, #tpu.memory_space<semaphore_mem>>) src(%dma_wait3A_190 : memref<10240x64xbf16, #tpu.memory_space<hbm>>) dst(%dma_wait3A_185 : memref<128x64xbf16, #tpu.memory_space<vmem>>)
      %mul3A_191 = arith.constant 2 : i32
      %mul3A_192 = arith.muli %mul3A_191, %scan3A_97 : i32
      %add3A_193 = arith.constant 1 : i32
      %add3A_194 = arith.addi %mul3A_192, %add3A_193 : i32
      %mul3A_195 = arith.constant 128 : i32
      %mul3A_196 = arith.muli %add3A_194, %mul3A_195 : i32
      %add3A_197 = arith.addi %multiple_of3A, %mul3A_196 : i32
      %multiple_of3A_198 = tpu.assume_multiple %add3A_197, 8 : i32
      %run_scoped3A_199 = arith.constant 1 : i32
      "tpu.region"() ({
        %run_scoped3A_216 = tpu.sem_alloc : memref<!tpu.dma_semaphore, #tpu.memory_space<semaphore_mem>>
        %dma_start3A_217 = arith.constant 0 : i32
        %dma_start3A_218 = arith.constant 0 : i32
        %dma_start3A_219 = tpu.memref_slice %arg9[%run_scoped3A_199, %dma_start3A_217, %dma_start3A_218] : memref<2x128x64xbf16, #tpu.memory_space<vmem>> -> memref<1x128x64xbf16, #tpu.memory_space<vmem>>
        %dma_start3A_220 = tpu.memref_squeeze %dma_start3A_219 : memref<1x128x64xbf16, #tpu.memory_space<vmem>> -> memref<128x64xbf16, #tpu.memory_space<vmem>>
        %dma_start3A_221 = arith.constant 0 : i32
        %dma_start3A_222 = tpu.memref_slice %arg6[%multiple_of3A_198, %dma_start3A_221] : memref<327680x64xbf16, #tpu.memory_space<hbm>> -> memref<128x64xbf16, #tpu.memory_space<hbm>>
        %dma_start3A_223 = arith.constant 0 : i32
        %dma_start3A_224 = tpu.memref_slice %arg6[%multiple_of3A_198, %dma_start3A_223] : memref<327680x64xbf16, #tpu.memory_space<hbm>> -> memref<128x64xbf16, #tpu.memory_space<hbm>>
        %dma_start3A_225 = arith.constant 0 : i32
        %dma_start3A_226 = arith.constant 0 : i32
        %dma_start3A_227 = tpu.memref_slice %arg9[%run_scoped3A_199, %dma_start3A_225, %dma_start3A_226] : memref<2x128x64xbf16, #tpu.memory_space<vmem>> -> memref<1x128x64xbf16, #tpu.memory_space<vmem>>
        %dma_start3A_228 = tpu.memref_squeeze %dma_start3A_227 : memref<1x128x64xbf16, #tpu.memory_space<vmem>> -> memref<128x64xbf16, #tpu.memory_space<vmem>>
        tpu.enqueue_dma source(%dma_start3A_228 : memref<128x64xbf16, #tpu.memory_space<vmem>>) target(%dma_start3A_224 : memref<128x64xbf16, #tpu.memory_space<hbm>>) target_semaphore(%run_scoped3A_216 : memref<!tpu.dma_semaphore, #tpu.memory_space<semaphore_mem>>)
        %dma_wait3A_229 = arith.constant 0 : i32
        %dma_wait3A_230 = arith.constant 0 : i32
        %dma_wait3A_231 = tpu.memref_slice %arg9[%run_scoped3A_199, %dma_wait3A_229, %dma_wait3A_230] : memref<2x128x64xbf16, #tpu.memory_space<vmem>> -> memref<1x128x64xbf16, #tpu.memory_space<vmem>>
        %dma_wait3A_232 = tpu.memref_squeeze %dma_wait3A_231 : memref<1x128x64xbf16, #tpu.memory_space<vmem>> -> memref<128x64xbf16, #tpu.memory_space<vmem>>
        %dma_wait3A_233 = arith.constant 0 : i32
        %dma_wait3A_234 = tpu.memref_slice %arg6[%multiple_of3A_198, %dma_wait3A_233] : memref<327680x64xbf16, #tpu.memory_space<hbm>> -> memref<128x64xbf16, #tpu.memory_space<hbm>>
        %dma_wait3A_235 = arith.constant 0 : i32
        %dma_wait3A_236 = tpu.memref_slice %arg6[%multiple_of3A_198, %dma_wait3A_235] : memref<327680x64xbf16, #tpu.memory_space<hbm>> -> memref<128x64xbf16, #tpu.memory_space<hbm>>
        %dma_wait3A_237 = arith.constant 0 : i32
        %dma_wait3A_238 = arith.constant 0 : i32
        %dma_wait3A_239 = tpu.memref_slice %arg9[%run_scoped3A_199, %dma_wait3A_237, %dma_wait3A_238] : memref<2x128x64xbf16, #tpu.memory_space<vmem>> -> memref<1x128x64xbf16, #tpu.memory_space<vmem>>
        %dma_wait3A_240 = tpu.memref_squeeze %dma_wait3A_239 : memref<1x128x64xbf16, #tpu.memory_space<vmem>> -> memref<128x64xbf16, #tpu.memory_space<vmem>>
        tpu.wait_dma2 semaphore(%run_scoped3A_216 : memref<!tpu.dma_semaphore, #tpu.memory_space<semaphore_mem>>) src(%dma_wait3A_240 : memref<128x64xbf16, #tpu.memory_space<vmem>>) dst(%dma_wait3A_236 : memref<128x64xbf16, #tpu.memory_space<hbm>>)
        tpu.yield
      }) : () -> ()
      %mul3A_200 = arith.constant 2 : i32
      %mul3A_201 = arith.muli %mul3A_200, %scan3A_97 : i32
      %add3A_202 = arith.constant 3 : i32
      %add3A_203 = arith.addi %mul3A_201, %add3A_202 : i32
      %mul3A_204 = arith.constant 128 : i32
      %mul3A_205 = arith.muli %add3A_203, %mul3A_204 : i32
      %multiple_of3A_206 = tpu.assume_multiple %mul3A_205, 8 : i32
      %dma_start3A_207 = arith.constant 1 : i32
      %dma_start3A_208 = arith.constant 0 : i32
      %dma_start3A_209 = arith.constant 0 : i32
      %dma_start3A_210 = tpu.memref_slice %arg9[%dma_start3A_207, %dma_start3A_208, %dma_start3A_209] : memref<2x128x64xbf16, #tpu.memory_space<vmem>> -> memref<1x128x64xbf16, #tpu.memory_space<vmem>>
      %dma_start3A_211 = tpu.memref_squeeze %dma_start3A_210 : memref<1x128x64xbf16, #tpu.memory_space<vmem>> -> memref<128x64xbf16, #tpu.memory_space<vmem>>
      %dma_start3A_212 = tpu.memref_slice %arg7[%multiple_of3A_206] : memref<10240xi32, #tpu.memory_space<vmem>> -> memref<128xi32, #tpu.memory_space<vmem>>
      %dma_start3A_213 = arith.constant 0 : i32
      %dma_start3A_214 = arith.constant 0 : i32
      %dma_start3A_215 = tpu.memref_slice %arg2[%dma_start3A_213, %dma_start3A_214] : memref<10240x64xbf16, #tpu.memory_space<hbm>> -> memref<10240x64xbf16, #tpu.memory_space<hbm>>
      tpu.enqueue_indirect_dma source(%dma_start3A_215 : memref<10240x64xbf16, #tpu.memory_space<hbm>>) target(%dma_start3A_211 : memref<128x64xbf16, #tpu.memory_space<vmem>>) offsets(%dma_start3A_212 : memref<128xi32, #tpu.memory_space<vmem>>) semaphore(%arg11 : memref<!tpu.dma_semaphore, #tpu.memory_space<semaphore_mem>>)
    }
    %scan3A_28 = arith.constant 39 : i32
    %dma_wait3A = arith.constant 0 : i32
    %dma_wait3A_29 = arith.constant 0 : i32
    %dma_wait3A_30 = arith.constant 0 : i32
    %dma_wait3A_31 = tpu.memref_slice %arg9[%dma_wait3A, %dma_wait3A_29, %dma_wait3A_30] : memref<2x128x64xbf16, #tpu.memory_space<vmem>> -> memref<1x128x64xbf16, #tpu.memory_space<vmem>>
    %dma_wait3A_32 = tpu.memref_squeeze %dma_wait3A_31 : memref<1x128x64xbf16, #tpu.memory_space<vmem>> -> memref<128x64xbf16, #tpu.memory_space<vmem>>
    %dma_wait3A_33 = arith.constant 0 : i32
    %dma_wait3A_34 = tpu.memref_slice %arg7[%dma_wait3A_33] : memref<10240xi32, #tpu.memory_space<vmem>> -> memref<128xi32, #tpu.memory_space<vmem>>
    %dma_wait3A_35 = arith.constant 0 : i32
    %dma_wait3A_36 = arith.constant 0 : i32
    %dma_wait3A_37 = tpu.memref_slice %arg2[%dma_wait3A_35, %dma_wait3A_36] : memref<10240x64xbf16, #tpu.memory_space<hbm>> -> memref<10240x64xbf16, #tpu.memory_space<hbm>>
    tpu.wait_indirect_dma semaphore(%arg10 : memref<!tpu.dma_semaphore, #tpu.memory_space<semaphore_mem>>) src(%dma_wait3A_37 : memref<10240x64xbf16, #tpu.memory_space<hbm>>) dst(%dma_wait3A_32 : memref<128x64xbf16, #tpu.memory_space<vmem>>)
    %multiple_of3A_38 = arith.constant 9984 : i32
    %multiple_of3A_39 = tpu.assume_multiple %multiple_of3A_38, 8 : i32
    %dma_start3A_40 = arith.constant 0 : i32
    %dma_start3A_41 = arith.constant 0 : i32
    %dma_start3A_42 = arith.constant 0 : i32
    %dma_start3A_43 = tpu.memref_slice %arg9[%dma_start3A_40, %dma_start3A_41, %dma_start3A_42] : memref<2x128x64xbf16, #tpu.memory_space<vmem>> -> memref<1x128x64xbf16, #tpu.memory_space<vmem>>
    %dma_start3A_44 = tpu.memref_squeeze %dma_start3A_43 : memref<1x128x64xbf16, #tpu.memory_space<vmem>> -> memref<128x64xbf16, #tpu.memory_space<vmem>>
    %dma_start3A_45 = tpu.memref_slice %arg8[%multiple_of3A_39] : memref<10240xi32, #tpu.memory_space<vmem>> -> memref<128xi32, #tpu.memory_space<vmem>>
    %dma_start3A_46 = arith.constant 0 : i32
    %dma_start3A_47 = arith.constant 0 : i32
    %dma_start3A_48 = tpu.memref_slice %arg4[%dma_start3A_46, %dma_start3A_47] : memref<10240x64xbf16, #tpu.memory_space<hbm>> -> memref<10240x64xbf16, #tpu.memory_space<hbm>>
    tpu.enqueue_indirect_dma source(%dma_start3A_48 : memref<10240x64xbf16, #tpu.memory_space<hbm>>) target(%dma_start3A_44 : memref<128x64xbf16, #tpu.memory_space<vmem>>) offsets(%dma_start3A_45 : memref<128xi32, #tpu.memory_space<vmem>>) semaphore(%arg12 : memref<!tpu.dma_semaphore, #tpu.memory_space<semaphore_mem>>) {add = true}
    %dma_wait3A_49 = arith.constant 0 : i32
    %dma_wait3A_50 = arith.constant 0 : i32
    %dma_wait3A_51 = arith.constant 0 : i32
    %dma_wait3A_52 = tpu.memref_slice %arg9[%dma_wait3A_49, %dma_wait3A_50, %dma_wait3A_51] : memref<2x128x64xbf16, #tpu.memory_space<vmem>> -> memref<1x128x64xbf16, #tpu.memory_space<vmem>>
    %dma_wait3A_53 = tpu.memref_squeeze %dma_wait3A_52 : memref<1x128x64xbf16, #tpu.memory_space<vmem>> -> memref<128x64xbf16, #tpu.memory_space<vmem>>
    %dma_wait3A_54 = arith.constant 0 : i32
    %dma_wait3A_55 = tpu.memref_slice %arg7[%dma_wait3A_54] : memref<10240xi32, #tpu.memory_space<vmem>> -> memref<128xi32, #tpu.memory_space<vmem>>
    %dma_wait3A_56 = arith.constant 0 : i32
    %dma_wait3A_57 = arith.constant 0 : i32
    %dma_wait3A_58 = tpu.memref_slice %arg2[%dma_wait3A_56, %dma_wait3A_57] : memref<10240x64xbf16, #tpu.memory_space<hbm>> -> memref<10240x64xbf16, #tpu.memory_space<hbm>>
    tpu.wait_indirect_dma semaphore(%arg12 : memref<!tpu.dma_semaphore, #tpu.memory_space<semaphore_mem>>) src(%dma_wait3A_58 : memref<10240x64xbf16, #tpu.memory_space<hbm>>) dst(%dma_wait3A_53 : memref<128x64xbf16, #tpu.memory_space<vmem>>)
    %add3A_59 = arith.constant 9984 : i32
    %add3A_60 = arith.addi %multiple_of3A, %add3A_59 : i32
    %multiple_of3A_61 = tpu.assume_multiple %add3A_60, 8 : i32
    %run_scoped3A = arith.constant 0 : i32
    "tpu.region"() ({
      %run_scoped3A_97 = tpu.sem_alloc : memref<!tpu.dma_semaphore, #tpu.memory_space<semaphore_mem>>
      %dma_start3A_98 = arith.constant 0 : i32
      %dma_start3A_99 = arith.constant 0 : i32
      %dma_start3A_100 = tpu.memref_slice %arg9[%run_scoped3A, %dma_start3A_98, %dma_start3A_99] : memref<2x128x64xbf16, #tpu.memory_space<vmem>> -> memref<1x128x64xbf16, #tpu.memory_space<vmem>>
      %dma_start3A_101 = tpu.memref_squeeze %dma_start3A_100 : memref<1x128x64xbf16, #tpu.memory_space<vmem>> -> memref<128x64xbf16, #tpu.memory_space<vmem>>
      %dma_start3A_102 = arith.constant 0 : i32
      %dma_start3A_103 = tpu.memref_slice %arg6[%multiple_of3A_61, %dma_start3A_102] : memref<327680x64xbf16, #tpu.memory_space<hbm>> -> memref<128x64xbf16, #tpu.memory_space<hbm>>
      %dma_start3A_104 = arith.constant 0 : i32
      %dma_start3A_105 = tpu.memref_slice %arg6[%multiple_of3A_61, %dma_start3A_104] : memref<327680x64xbf16, #tpu.memory_space<hbm>> -> memref<128x64xbf16, #tpu.memory_space<hbm>>
      %dma_start3A_106 = arith.constant 0 : i32
      %dma_start3A_107 = arith.constant 0 : i32
      %dma_start3A_108 = tpu.memref_slice %arg9[%run_scoped3A, %dma_start3A_106, %dma_start3A_107] : memref<2x128x64xbf16, #tpu.memory_space<vmem>> -> memref<1x128x64xbf16, #tpu.memory_space<vmem>>
      %dma_start3A_109 = tpu.memref_squeeze %dma_start3A_108 : memref<1x128x64xbf16, #tpu.memory_space<vmem>> -> memref<128x64xbf16, #tpu.memory_space<vmem>>
      tpu.enqueue_dma source(%dma_start3A_109 : memref<128x64xbf16, #tpu.memory_space<vmem>>) target(%dma_start3A_105 : memref<128x64xbf16, #tpu.memory_space<hbm>>) target_semaphore(%run_scoped3A_97 : memref<!tpu.dma_semaphore, #tpu.memory_space<semaphore_mem>>)
      %dma_wait3A_110 = arith.constant 0 : i32
      %dma_wait3A_111 = arith.constant 0 : i32
      %dma_wait3A_112 = tpu.memref_slice %arg9[%run_scoped3A, %dma_wait3A_110, %dma_wait3A_111] : memref<2x128x64xbf16, #tpu.memory_space<vmem>> -> memref<1x128x64xbf16, #tpu.memory_space<vmem>>
      %dma_wait3A_113 = tpu.memref_squeeze %dma_wait3A_112 : memref<1x128x64xbf16, #tpu.memory_space<vmem>> -> memref<128x64xbf16, #tpu.memory_space<vmem>>
      %dma_wait3A_114 = arith.constant 0 : i32
      %dma_wait3A_115 = tpu.memref_slice %arg6[%multiple_of3A_61, %dma_wait3A_114] : memref<327680x64xbf16, #tpu.memory_space<hbm>> -> memref<128x64xbf16, #tpu.memory_space<hbm>>
      %dma_wait3A_116 = arith.constant 0 : i32
      %dma_wait3A_117 = tpu.memref_slice %arg6[%multiple_of3A_61, %dma_wait3A_116] : memref<327680x64xbf16, #tpu.memory_space<hbm>> -> memref<128x64xbf16, #tpu.memory_space<hbm>>
      %dma_wait3A_118 = arith.constant 0 : i32
      %dma_wait3A_119 = arith.constant 0 : i32
      %dma_wait3A_120 = tpu.memref_slice %arg9[%run_scoped3A, %dma_wait3A_118, %dma_wait3A_119] : memref<2x128x64xbf16, #tpu.memory_space<vmem>> -> memref<1x128x64xbf16, #tpu.memory_space<vmem>>
      %dma_wait3A_121 = tpu.memref_squeeze %dma_wait3A_120 : memref<1x128x64xbf16, #tpu.memory_space<vmem>> -> memref<128x64xbf16, #tpu.memory_space<vmem>>
      tpu.wait_dma2 semaphore(%run_scoped3A_97 : memref<!tpu.dma_semaphore, #tpu.memory_space<semaphore_mem>>) src(%dma_wait3A_121 : memref<128x64xbf16, #tpu.memory_space<vmem>>) dst(%dma_wait3A_117 : memref<128x64xbf16, #tpu.memory_space<hbm>>)
      tpu.yield
    }) : () -> ()
    %dma_wait3A_62 = arith.constant 1 : i32
    %dma_wait3A_63 = arith.constant 0 : i32
    %dma_wait3A_64 = arith.constant 0 : i32
    %dma_wait3A_65 = tpu.memref_slice %arg9[%dma_wait3A_62, %dma_wait3A_63, %dma_wait3A_64] : memref<2x128x64xbf16, #tpu.memory_space<vmem>> -> memref<1x128x64xbf16, #tpu.memory_space<vmem>>
    %dma_wait3A_66 = tpu.memref_squeeze %dma_wait3A_65 : memref<1x128x64xbf16, #tpu.memory_space<vmem>> -> memref<128x64xbf16, #tpu.memory_space<vmem>>
    %dma_wait3A_67 = arith.constant 0 : i32
    %dma_wait3A_68 = tpu.memref_slice %arg7[%dma_wait3A_67] : memref<10240xi32, #tpu.memory_space<vmem>> -> memref<128xi32, #tpu.memory_space<vmem>>
    %dma_wait3A_69 = arith.constant 0 : i32
    %dma_wait3A_70 = arith.constant 0 : i32
    %dma_wait3A_71 = tpu.memref_slice %arg2[%dma_wait3A_69, %dma_wait3A_70] : memref<10240x64xbf16, #tpu.memory_space<hbm>> -> memref<10240x64xbf16, #tpu.memory_space<hbm>>
    tpu.wait_indirect_dma semaphore(%arg11 : memref<!tpu.dma_semaphore, #tpu.memory_space<semaphore_mem>>) src(%dma_wait3A_71 : memref<10240x64xbf16, #tpu.memory_space<hbm>>) dst(%dma_wait3A_66 : memref<128x64xbf16, #tpu.memory_space<vmem>>)
    %multiple_of3A_72 = arith.constant 10112 : i32
    %multiple_of3A_73 = tpu.assume_multiple %multiple_of3A_72, 8 : i32
    %dma_start3A_74 = arith.constant 1 : i32
    %dma_start3A_75 = arith.constant 0 : i32
    %dma_start3A_76 = arith.constant 0 : i32
    %dma_start3A_77 = tpu.memref_slice %arg9[%dma_start3A_74, %dma_start3A_75, %dma_start3A_76] : memref<2x128x64xbf16, #tpu.memory_space<vmem>> -> memref<1x128x64xbf16, #tpu.memory_space<vmem>>
    %dma_start3A_78 = tpu.memref_squeeze %dma_start3A_77 : memref<1x128x64xbf16, #tpu.memory_space<vmem>> -> memref<128x64xbf16, #tpu.memory_space<vmem>>
    %dma_start3A_79 = tpu.memref_slice %arg8[%multiple_of3A_73] : memref<10240xi32, #tpu.memory_space<vmem>> -> memref<128xi32, #tpu.memory_space<vmem>>
    %dma_start3A_80 = arith.constant 0 : i32
    %dma_start3A_81 = arith.constant 0 : i32
    %dma_start3A_82 = tpu.memref_slice %arg4[%dma_start3A_80, %dma_start3A_81] : memref<10240x64xbf16, #tpu.memory_space<hbm>> -> memref<10240x64xbf16, #tpu.memory_space<hbm>>
    tpu.enqueue_indirect_dma source(%dma_start3A_82 : memref<10240x64xbf16, #tpu.memory_space<hbm>>) target(%dma_start3A_78 : memref<128x64xbf16, #tpu.memory_space<vmem>>) offsets(%dma_start3A_79 : memref<128xi32, #tpu.memory_space<vmem>>) semaphore(%arg13 : memref<!tpu.dma_semaphore, #tpu.memory_space<semaphore_mem>>) {add = true}
    %dma_wait3A_83 = arith.constant 1 : i32
    %dma_wait3A_84 = arith.constant 0 : i32
    %dma_wait3A_85 = arith.constant 0 : i32
    %dma_wait3A_86 = tpu.memref_slice %arg9[%dma_wait3A_83, %dma_wait3A_84, %dma_wait3A_85] : memref<2x128x64xbf16, #tpu.memory_space<vmem>> -> memref<1x128x64xbf16, #tpu.memory_space<vmem>>
    %dma_wait3A_87 = tpu.memref_squeeze %dma_wait3A_86 : memref<1x128x64xbf16, #tpu.memory_space<vmem>> -> memref<128x64xbf16, #tpu.memory_space<vmem>>
    %dma_wait3A_88 = arith.constant 0 : i32
    %dma_wait3A_89 = tpu.memref_slice %arg7[%dma_wait3A_88] : memref<10240xi32, #tpu.memory_space<vmem>> -> memref<128xi32, #tpu.memory_space<vmem>>
    %dma_wait3A_90 = arith.constant 0 : i32
    %dma_wait3A_91 = arith.constant 0 : i32
    %dma_wait3A_92 = tpu.memref_slice %arg2[%dma_wait3A_90, %dma_wait3A_91] : memref<10240x64xbf16, #tpu.memory_space<hbm>> -> memref<10240x64xbf16, #tpu.memory_space<hbm>>
    tpu.wait_indirect_dma semaphore(%arg13 : memref<!tpu.dma_semaphore, #tpu.memory_space<semaphore_mem>>) src(%dma_wait3A_92 : memref<10240x64xbf16, #tpu.memory_space<hbm>>) dst(%dma_wait3A_87 : memref<128x64xbf16, #tpu.memory_space<vmem>>)
    %add3A_93 = arith.constant 10112 : i32
    %add3A_94 = arith.addi %multiple_of3A, %add3A_93 : i32
    %multiple_of3A_95 = tpu.assume_multiple %add3A_94, 8 : i32
    %run_scoped3A_96 = arith.constant 1 : i32
    "tpu.region"() ({
      %run_scoped3A_97 = tpu.sem_alloc : memref<!tpu.dma_semaphore, #tpu.memory_space<semaphore_mem>>
      %dma_start3A_98 = arith.constant 0 : i32
      %dma_start3A_99 = arith.constant 0 : i32
      %dma_start3A_100 = tpu.memref_slice %arg9[%run_scoped3A_96, %dma_start3A_98, %dma_start3A_99] : memref<2x128x64xbf16, #tpu.memory_space<vmem>> -> memref<1x128x64xbf16, #tpu.memory_space<vmem>>
      %dma_start3A_101 = tpu.memref_squeeze %dma_start3A_100 : memref<1x128x64xbf16, #tpu.memory_space<vmem>> -> memref<128x64xbf16, #tpu.memory_space<vmem>>
      %dma_start3A_102 = arith.constant 0 : i32
      %dma_start3A_103 = tpu.memref_slice %arg6[%multiple_of3A_95, %dma_start3A_102] : memref<327680x64xbf16, #tpu.memory_space<hbm>> -> memref<128x64xbf16, #tpu.memory_space<hbm>>
      %dma_start3A_104 = arith.constant 0 : i32
      %dma_start3A_105 = tpu.memref_slice %arg6[%multiple_of3A_95, %dma_start3A_104] : memref<327680x64xbf16, #tpu.memory_space<hbm>> -> memref<128x64xbf16, #tpu.memory_space<hbm>>
      %dma_start3A_106 = arith.constant 0 : i32
      %dma_start3A_107 = arith.constant 0 : i32
      %dma_start3A_108 = tpu.memref_slice %arg9[%run_scoped3A_96, %dma_start3A_106, %dma_start3A_107] : memref<2x128x64xbf16, #tpu.memory_space<vmem>> -> memref<1x128x64xbf16, #tpu.memory_space<vmem>>
      %dma_start3A_109 = tpu.memref_squeeze %dma_start3A_108 : memref<1x128x64xbf16, #tpu.memory_space<vmem>> -> memref<128x64xbf16, #tpu.memory_space<vmem>>
      tpu.enqueue_dma source(%dma_start3A_109 : memref<128x64xbf16, #tpu.memory_space<vmem>>) target(%dma_start3A_105 : memref<128x64xbf16, #tpu.memory_space<hbm>>) target_semaphore(%run_scoped3A_97 : memref<!tpu.dma_semaphore, #tpu.memory_space<semaphore_mem>>)
      %dma_wait3A_110 = arith.constant 0 : i32
      %dma_wait3A_111 = arith.constant 0 : i32
      %dma_wait3A_112 = tpu.memref_slice %arg9[%run_scoped3A_96, %dma_wait3A_110, %dma_wait3A_111] : memref<2x128x64xbf16, #tpu.memory_space<vmem>> -> memref<1x128x64xbf16, #tpu.memory_space<vmem>>
      %dma_wait3A_113 = tpu.memref_squeeze %dma_wait3A_112 : memref<1x128x64xbf16, #tpu.memory_space<vmem>> -> memref<128x64xbf16, #tpu.memory_space<vmem>>
      %dma_wait3A_114 = arith.constant 0 : i32
      %dma_wait3A_115 = tpu.memref_slice %arg6[%multiple_of3A_95, %dma_wait3A_114] : memref<327680x64xbf16, #tpu.memory_space<hbm>> -> memref<128x64xbf16, #tpu.memory_space<hbm>>
      %dma_wait3A_116 = arith.constant 0 : i32
      %dma_wait3A_117 = tpu.memref_slice %arg6[%multiple_of3A_95, %dma_wait3A_116] : memref<327680x64xbf16, #tpu.memory_space<hbm>> -> memref<128x64xbf16, #tpu.memory_space<hbm>>
      %dma_wait3A_118 = arith.constant 0 : i32
      %dma_wait3A_119 = arith.constant 0 : i32
      %dma_wait3A_120 = tpu.memref_slice %arg9[%run_scoped3A_96, %dma_wait3A_118, %dma_wait3A_119] : memref<2x128x64xbf16, #tpu.memory_space<vmem>> -> memref<1x128x64xbf16, #tpu.memory_space<vmem>>
      %dma_wait3A_121 = tpu.memref_squeeze %dma_wait3A_120 : memref<1x128x64xbf16, #tpu.memory_space<vmem>> -> memref<128x64xbf16, #tpu.memory_space<vmem>>
      tpu.wait_dma2 semaphore(%run_scoped3A_97 : memref<!tpu.dma_semaphore, #tpu.memory_space<semaphore_mem>>) src(%dma_wait3A_121 : memref<128x64xbf16, #tpu.memory_space<vmem>>) dst(%dma_wait3A_117 : memref<128x64xbf16, #tpu.memory_space<hbm>>)
      tpu.yield
    }) : () -> ()
    return
  }
}

#map = affine_map<(d0, d1) -> (0, 0)>
#map1 = affine_map<(d0, d1) -> (0)>
module attributes {stable_mosaic.version = 14 : i64} {
  func.func @k(%arg0: i32, %arg1: i32, %arg2: memref<10240x128xbf16, #tpu.memory_space<hbm>>, %arg3: memref<40960xi32, #tpu.memory_space<hbm>>, %arg4: memref<40960x128xbf16, #tpu.memory_space<hbm>>, %arg5: memref<1280xi32, #tpu.memory_space<vmem>>, %arg6: memref<2x128x128xbf16, #tpu.memory_space<vmem>>, %arg7: memref<!tpu.dma_semaphore, #tpu.memory_space<semaphore_mem>>, %arg8: memref<!tpu.dma_semaphore, #tpu.memory_space<semaphore_mem>>) attributes {dimension_semantics = [#tpu.dimension_semantics<core_parallel>, #tpu.dimension_semantics<subcore_parallel>], iteration_bounds = array<i64: 2, 16>, scalar_prefetch = 0 : i64, scratch_operands = 4 : i64, tpu.core_type = #tpu.core_type<sc_vector_subcore>, window_params = [{transform_indices = #map}, {transform_indices = #map1}, {transform_indices = #map}]} {
    %mul3A = arith.constant 16 : i32
    %mul3A_0 = arith.muli %arg0, %mul3A : i32
    %add3A = arith.addi %mul3A_0, %arg1 : i32
    %mul3A_1 = arith.constant 1280 : i32
    %mul3A_2 = arith.muli %add3A, %mul3A_1 : i32
    %multiple_of3A = tpu.assume_multiple %mul3A_2, 8 : i32
    "tpu.region"() ({
      %run_scoped3A_55 = tpu.sem_alloc : memref<!tpu.dma_semaphore, #tpu.memory_space<semaphore_mem>>
      %dma_start3A_56 = tpu.memref_slice %arg3[%multiple_of3A] : memref<40960xi32, #tpu.memory_space<hbm>> -> memref<1280xi32, #tpu.memory_space<hbm>>
      %dma_start3A_57 = tpu.memref_slice %arg3[%multiple_of3A] : memref<40960xi32, #tpu.memory_space<hbm>> -> memref<1280xi32, #tpu.memory_space<hbm>>
      tpu.enqueue_dma source(%dma_start3A_57 : memref<1280xi32, #tpu.memory_space<hbm>>) target(%arg5 : memref<1280xi32, #tpu.memory_space<vmem>>) target_semaphore(%run_scoped3A_55 : memref<!tpu.dma_semaphore, #tpu.memory_space<semaphore_mem>>)
      %dma_wait3A_58 = tpu.memref_slice %arg3[%multiple_of3A] : memref<40960xi32, #tpu.memory_space<hbm>> -> memref<1280xi32, #tpu.memory_space<hbm>>
      %dma_wait3A_59 = tpu.memref_slice %arg3[%multiple_of3A] : memref<40960xi32, #tpu.memory_space<hbm>> -> memref<1280xi32, #tpu.memory_space<hbm>>
      tpu.wait_dma2 semaphore(%run_scoped3A_55 : memref<!tpu.dma_semaphore, #tpu.memory_space<semaphore_mem>>) src(%dma_wait3A_59 : memref<1280xi32, #tpu.memory_space<hbm>>) dst(%arg5 : memref<1280xi32, #tpu.memory_space<vmem>>)
      tpu.yield
    }) : () -> ()
    %multiple_of3A_3 = arith.constant 0 : i32
    %multiple_of3A_4 = tpu.assume_multiple %multiple_of3A_3, 8 : i32
    %dma_start3A = arith.constant 0 : i32
    %dma_start3A_5 = arith.constant 0 : i32
    %dma_start3A_6 = arith.constant 0 : i32
    %dma_start3A_7 = tpu.memref_slice %arg6[%dma_start3A, %dma_start3A_5, %dma_start3A_6] : memref<2x128x128xbf16, #tpu.memory_space<vmem>> -> memref<1x128x128xbf16, #tpu.memory_space<vmem>>
    %dma_start3A_8 = tpu.memref_squeeze %dma_start3A_7 : memref<1x128x128xbf16, #tpu.memory_space<vmem>> -> memref<128x128xbf16, #tpu.memory_space<vmem>>
    %dma_start3A_9 = tpu.memref_slice %arg5[%multiple_of3A_4] : memref<1280xi32, #tpu.memory_space<vmem>> -> memref<128xi32, #tpu.memory_space<vmem>>
    %dma_start3A_10 = arith.constant 0 : i32
    %dma_start3A_11 = arith.constant 0 : i32
    %dma_start3A_12 = tpu.memref_slice %arg2[%dma_start3A_10, %dma_start3A_11] : memref<10240x128xbf16, #tpu.memory_space<hbm>> -> memref<10240x128xbf16, #tpu.memory_space<hbm>>
    tpu.enqueue_indirect_dma source(%dma_start3A_12 : memref<10240x128xbf16, #tpu.memory_space<hbm>>) target(%dma_start3A_8 : memref<128x128xbf16, #tpu.memory_space<vmem>>) offsets(%dma_start3A_9 : memref<128xi32, #tpu.memory_space<vmem>>) semaphore(%arg7 : memref<!tpu.dma_semaphore, #tpu.memory_space<semaphore_mem>>)
    %multiple_of3A_13 = arith.constant 128 : i32
    %multiple_of3A_14 = tpu.assume_multiple %multiple_of3A_13, 8 : i32
    %dma_start3A_15 = arith.constant 1 : i32
    %dma_start3A_16 = arith.constant 0 : i32
    %dma_start3A_17 = arith.constant 0 : i32
    %dma_start3A_18 = tpu.memref_slice %arg6[%dma_start3A_15, %dma_start3A_16, %dma_start3A_17] : memref<2x128x128xbf16, #tpu.memory_space<vmem>> -> memref<1x128x128xbf16, #tpu.memory_space<vmem>>
    %dma_start3A_19 = tpu.memref_squeeze %dma_start3A_18 : memref<1x128x128xbf16, #tpu.memory_space<vmem>> -> memref<128x128xbf16, #tpu.memory_space<vmem>>
    %dma_start3A_20 = tpu.memref_slice %arg5[%multiple_of3A_14] : memref<1280xi32, #tpu.memory_space<vmem>> -> memref<128xi32, #tpu.memory_space<vmem>>
    %dma_start3A_21 = arith.constant 0 : i32
    %dma_start3A_22 = arith.constant 0 : i32
    %dma_start3A_23 = tpu.memref_slice %arg2[%dma_start3A_21, %dma_start3A_22] : memref<10240x128xbf16, #tpu.memory_space<hbm>> -> memref<10240x128xbf16, #tpu.memory_space<hbm>>
    tpu.enqueue_indirect_dma source(%dma_start3A_23 : memref<10240x128xbf16, #tpu.memory_space<hbm>>) target(%dma_start3A_19 : memref<128x128xbf16, #tpu.memory_space<vmem>>) offsets(%dma_start3A_20 : memref<128xi32, #tpu.memory_space<vmem>>) semaphore(%arg8 : memref<!tpu.dma_semaphore, #tpu.memory_space<semaphore_mem>>)
    %scan3A = arith.constant 0 : i32
    %scan3A_24 = arith.constant 0 : i32
    %scan3A_25 = arith.constant 4 : i32
    %scan3A_26 = arith.addi %scan3A_24, %scan3A_25 : i32
    %scan3A_27 = arith.constant 1 : i32
    scf.for %scan3A_55 = %scan3A_24 to %scan3A_26 step %scan3A_27  : i32 {
      %mul3A_56 = arith.constant 2 : i32
      %mul3A_57 = arith.muli %mul3A_56, %scan3A_55 : i32
      %dma_wait3A_58 = arith.constant 0 : i32
      %dma_wait3A_59 = arith.constant 0 : i32
      %dma_wait3A_60 = arith.constant 0 : i32
      %dma_wait3A_61 = tpu.memref_slice %arg6[%dma_wait3A_58, %dma_wait3A_59, %dma_wait3A_60] : memref<2x128x128xbf16, #tpu.memory_space<vmem>> -> memref<1x128x128xbf16, #tpu.memory_space<vmem>>
      %dma_wait3A_62 = tpu.memref_squeeze %dma_wait3A_61 : memref<1x128x128xbf16, #tpu.memory_space<vmem>> -> memref<128x128xbf16, #tpu.memory_space<vmem>>
      %dma_wait3A_63 = arith.constant 0 : i32
      %dma_wait3A_64 = tpu.memref_slice %arg5[%dma_wait3A_63] : memref<1280xi32, #tpu.memory_space<vmem>> -> memref<128xi32, #tpu.memory_space<vmem>>
      %dma_wait3A_65 = arith.constant 0 : i32
      %dma_wait3A_66 = arith.constant 0 : i32
      %dma_wait3A_67 = tpu.memref_slice %arg2[%dma_wait3A_65, %dma_wait3A_66] : memref<10240x128xbf16, #tpu.memory_space<hbm>> -> memref<10240x128xbf16, #tpu.memory_space<hbm>>
      tpu.wait_indirect_dma semaphore(%arg7 : memref<!tpu.dma_semaphore, #tpu.memory_space<semaphore_mem>>) src(%dma_wait3A_67 : memref<10240x128xbf16, #tpu.memory_space<hbm>>) dst(%dma_wait3A_62 : memref<128x128xbf16, #tpu.memory_space<vmem>>)
      %mul3A_68 = arith.constant 128 : i32
      %mul3A_69 = arith.muli %mul3A_57, %mul3A_68 : i32
      %add3A_70 = arith.addi %multiple_of3A, %mul3A_69 : i32
      %multiple_of3A_71 = tpu.assume_multiple %add3A_70, 8 : i32
      %run_scoped3A_72 = arith.constant 0 : i32
      "tpu.region"() ({
        %run_scoped3A_124 = tpu.sem_alloc : memref<!tpu.dma_semaphore, #tpu.memory_space<semaphore_mem>>
        %dma_start3A_125 = arith.constant 0 : i32
        %dma_start3A_126 = arith.constant 0 : i32
        %dma_start3A_127 = tpu.memref_slice %arg6[%run_scoped3A_72, %dma_start3A_125, %dma_start3A_126] : memref<2x128x128xbf16, #tpu.memory_space<vmem>> -> memref<1x128x128xbf16, #tpu.memory_space<vmem>>
        %dma_start3A_128 = tpu.memref_squeeze %dma_start3A_127 : memref<1x128x128xbf16, #tpu.memory_space<vmem>> -> memref<128x128xbf16, #tpu.memory_space<vmem>>
        %dma_start3A_129 = arith.constant 0 : i32
        %dma_start3A_130 = tpu.memref_slice %arg4[%multiple_of3A_71, %dma_start3A_129] : memref<40960x128xbf16, #tpu.memory_space<hbm>> -> memref<128x128xbf16, #tpu.memory_space<hbm>>
        %dma_start3A_131 = arith.constant 0 : i32
        %dma_start3A_132 = tpu.memref_slice %arg4[%multiple_of3A_71, %dma_start3A_131] : memref<40960x128xbf16, #tpu.memory_space<hbm>> -> memref<128x128xbf16, #tpu.memory_space<hbm>>
        %dma_start3A_133 = arith.constant 0 : i32
        %dma_start3A_134 = arith.constant 0 : i32
        %dma_start3A_135 = tpu.memref_slice %arg6[%run_scoped3A_72, %dma_start3A_133, %dma_start3A_134] : memref<2x128x128xbf16, #tpu.memory_space<vmem>> -> memref<1x128x128xbf16, #tpu.memory_space<vmem>>
        %dma_start3A_136 = tpu.memref_squeeze %dma_start3A_135 : memref<1x128x128xbf16, #tpu.memory_space<vmem>> -> memref<128x128xbf16, #tpu.memory_space<vmem>>
        tpu.enqueue_dma source(%dma_start3A_136 : memref<128x128xbf16, #tpu.memory_space<vmem>>) target(%dma_start3A_132 : memref<128x128xbf16, #tpu.memory_space<hbm>>) target_semaphore(%run_scoped3A_124 : memref<!tpu.dma_semaphore, #tpu.memory_space<semaphore_mem>>)
        %dma_wait3A_137 = arith.constant 0 : i32
        %dma_wait3A_138 = arith.constant 0 : i32
        %dma_wait3A_139 = tpu.memref_slice %arg6[%run_scoped3A_72, %dma_wait3A_137, %dma_wait3A_138] : memref<2x128x128xbf16, #tpu.memory_space<vmem>> -> memref<1x128x128xbf16, #tpu.memory_space<vmem>>
        %dma_wait3A_140 = tpu.memref_squeeze %dma_wait3A_139 : memref<1x128x128xbf16, #tpu.memory_space<vmem>> -> memref<128x128xbf16, #tpu.memory_space<vmem>>
        %dma_wait3A_141 = arith.constant 0 : i32
        %dma_wait3A_142 = tpu.memref_slice %arg4[%multiple_of3A_71, %dma_wait3A_141] : memref<40960x128xbf16, #tpu.memory_space<hbm>> -> memref<128x128xbf16, #tpu.memory_space<hbm>>
        %dma_wait3A_143 = arith.constant 0 : i32
        %dma_wait3A_144 = tpu.memref_slice %arg4[%multiple_of3A_71, %dma_wait3A_143] : memref<40960x128xbf16, #tpu.memory_space<hbm>> -> memref<128x128xbf16, #tpu.memory_space<hbm>>
        %dma_wait3A_145 = arith.constant 0 : i32
        %dma_wait3A_146 = arith.constant 0 : i32
        %dma_wait3A_147 = tpu.memref_slice %arg6[%run_scoped3A_72, %dma_wait3A_145, %dma_wait3A_146] : memref<2x128x128xbf16, #tpu.memory_space<vmem>> -> memref<1x128x128xbf16, #tpu.memory_space<vmem>>
        %dma_wait3A_148 = tpu.memref_squeeze %dma_wait3A_147 : memref<1x128x128xbf16, #tpu.memory_space<vmem>> -> memref<128x128xbf16, #tpu.memory_space<vmem>>
        tpu.wait_dma2 semaphore(%run_scoped3A_124 : memref<!tpu.dma_semaphore, #tpu.memory_space<semaphore_mem>>) src(%dma_wait3A_148 : memref<128x128xbf16, #tpu.memory_space<vmem>>) dst(%dma_wait3A_144 : memref<128x128xbf16, #tpu.memory_space<hbm>>)
        tpu.yield
      }) : () -> ()
      %mul3A_73 = arith.constant 2 : i32
      %mul3A_74 = arith.muli %mul3A_73, %scan3A_55 : i32
      %add3A_75 = arith.constant 2 : i32
      %add3A_76 = arith.addi %mul3A_74, %add3A_75 : i32
      %mul3A_77 = arith.constant 128 : i32
      %mul3A_78 = arith.muli %add3A_76, %mul3A_77 : i32
      %multiple_of3A_79 = tpu.assume_multiple %mul3A_78, 8 : i32
      %dma_start3A_80 = arith.constant 0 : i32
      %dma_start3A_81 = arith.constant 0 : i32
      %dma_start3A_82 = arith.constant 0 : i32
      %dma_start3A_83 = tpu.memref_slice %arg6[%dma_start3A_80, %dma_start3A_81, %dma_start3A_82] : memref<2x128x128xbf16, #tpu.memory_space<vmem>> -> memref<1x128x128xbf16, #tpu.memory_space<vmem>>
      %dma_start3A_84 = tpu.memref_squeeze %dma_start3A_83 : memref<1x128x128xbf16, #tpu.memory_space<vmem>> -> memref<128x128xbf16, #tpu.memory_space<vmem>>
      %dma_start3A_85 = tpu.memref_slice %arg5[%multiple_of3A_79] : memref<1280xi32, #tpu.memory_space<vmem>> -> memref<128xi32, #tpu.memory_space<vmem>>
      %dma_start3A_86 = arith.constant 0 : i32
      %dma_start3A_87 = arith.constant 0 : i32
      %dma_start3A_88 = tpu.memref_slice %arg2[%dma_start3A_86, %dma_start3A_87] : memref<10240x128xbf16, #tpu.memory_space<hbm>> -> memref<10240x128xbf16, #tpu.memory_space<hbm>>
      tpu.enqueue_indirect_dma source(%dma_start3A_88 : memref<10240x128xbf16, #tpu.memory_space<hbm>>) target(%dma_start3A_84 : memref<128x128xbf16, #tpu.memory_space<vmem>>) offsets(%dma_start3A_85 : memref<128xi32, #tpu.memory_space<vmem>>) semaphore(%arg7 : memref<!tpu.dma_semaphore, #tpu.memory_space<semaphore_mem>>)
      %mul3A_89 = arith.constant 2 : i32
      %mul3A_90 = arith.muli %mul3A_89, %scan3A_55 : i32
      %add3A_91 = arith.constant 1 : i32
      %add3A_92 = arith.addi %mul3A_90, %add3A_91 : i32
      %dma_wait3A_93 = arith.constant 1 : i32
      %dma_wait3A_94 = arith.constant 0 : i32
      %dma_wait3A_95 = arith.constant 0 : i32
      %dma_wait3A_96 = tpu.memref_slice %arg6[%dma_wait3A_93, %dma_wait3A_94, %dma_wait3A_95] : memref<2x128x128xbf16, #tpu.memory_space<vmem>> -> memref<1x128x128xbf16, #tpu.memory_space<vmem>>
      %dma_wait3A_97 = tpu.memref_squeeze %dma_wait3A_96 : memref<1x128x128xbf16, #tpu.memory_space<vmem>> -> memref<128x128xbf16, #tpu.memory_space<vmem>>
      %dma_wait3A_98 = arith.constant 0 : i32
      %dma_wait3A_99 = tpu.memref_slice %arg5[%dma_wait3A_98] : memref<1280xi32, #tpu.memory_space<vmem>> -> memref<128xi32, #tpu.memory_space<vmem>>
      %dma_wait3A_100 = arith.constant 0 : i32
      %dma_wait3A_101 = arith.constant 0 : i32
      %dma_wait3A_102 = tpu.memref_slice %arg2[%dma_wait3A_100, %dma_wait3A_101] : memref<10240x128xbf16, #tpu.memory_space<hbm>> -> memref<10240x128xbf16, #tpu.memory_space<hbm>>
      tpu.wait_indirect_dma semaphore(%arg8 : memref<!tpu.dma_semaphore, #tpu.memory_space<semaphore_mem>>) src(%dma_wait3A_102 : memref<10240x128xbf16, #tpu.memory_space<hbm>>) dst(%dma_wait3A_97 : memref<128x128xbf16, #tpu.memory_space<vmem>>)
      %mul3A_103 = arith.constant 128 : i32
      %mul3A_104 = arith.muli %add3A_92, %mul3A_103 : i32
      %add3A_105 = arith.addi %multiple_of3A, %mul3A_104 : i32
      %multiple_of3A_106 = tpu.assume_multiple %add3A_105, 8 : i32
      %run_scoped3A_107 = arith.constant 1 : i32
      "tpu.region"() ({
        %run_scoped3A_124 = tpu.sem_alloc : memref<!tpu.dma_semaphore, #tpu.memory_space<semaphore_mem>>
        %dma_start3A_125 = arith.constant 0 : i32
        %dma_start3A_126 = arith.constant 0 : i32
        %dma_start3A_127 = tpu.memref_slice %arg6[%run_scoped3A_107, %dma_start3A_125, %dma_start3A_126] : memref<2x128x128xbf16, #tpu.memory_space<vmem>> -> memref<1x128x128xbf16, #tpu.memory_space<vmem>>
        %dma_start3A_128 = tpu.memref_squeeze %dma_start3A_127 : memref<1x128x128xbf16, #tpu.memory_space<vmem>> -> memref<128x128xbf16, #tpu.memory_space<vmem>>
        %dma_start3A_129 = arith.constant 0 : i32
        %dma_start3A_130 = tpu.memref_slice %arg4[%multiple_of3A_106, %dma_start3A_129] : memref<40960x128xbf16, #tpu.memory_space<hbm>> -> memref<128x128xbf16, #tpu.memory_space<hbm>>
        %dma_start3A_131 = arith.constant 0 : i32
        %dma_start3A_132 = tpu.memref_slice %arg4[%multiple_of3A_106, %dma_start3A_131] : memref<40960x128xbf16, #tpu.memory_space<hbm>> -> memref<128x128xbf16, #tpu.memory_space<hbm>>
        %dma_start3A_133 = arith.constant 0 : i32
        %dma_start3A_134 = arith.constant 0 : i32
        %dma_start3A_135 = tpu.memref_slice %arg6[%run_scoped3A_107, %dma_start3A_133, %dma_start3A_134] : memref<2x128x128xbf16, #tpu.memory_space<vmem>> -> memref<1x128x128xbf16, #tpu.memory_space<vmem>>
        %dma_start3A_136 = tpu.memref_squeeze %dma_start3A_135 : memref<1x128x128xbf16, #tpu.memory_space<vmem>> -> memref<128x128xbf16, #tpu.memory_space<vmem>>
        tpu.enqueue_dma source(%dma_start3A_136 : memref<128x128xbf16, #tpu.memory_space<vmem>>) target(%dma_start3A_132 : memref<128x128xbf16, #tpu.memory_space<hbm>>) target_semaphore(%run_scoped3A_124 : memref<!tpu.dma_semaphore, #tpu.memory_space<semaphore_mem>>)
        %dma_wait3A_137 = arith.constant 0 : i32
        %dma_wait3A_138 = arith.constant 0 : i32
        %dma_wait3A_139 = tpu.memref_slice %arg6[%run_scoped3A_107, %dma_wait3A_137, %dma_wait3A_138] : memref<2x128x128xbf16, #tpu.memory_space<vmem>> -> memref<1x128x128xbf16, #tpu.memory_space<vmem>>
        %dma_wait3A_140 = tpu.memref_squeeze %dma_wait3A_139 : memref<1x128x128xbf16, #tpu.memory_space<vmem>> -> memref<128x128xbf16, #tpu.memory_space<vmem>>
        %dma_wait3A_141 = arith.constant 0 : i32
        %dma_wait3A_142 = tpu.memref_slice %arg4[%multiple_of3A_106, %dma_wait3A_141] : memref<40960x128xbf16, #tpu.memory_space<hbm>> -> memref<128x128xbf16, #tpu.memory_space<hbm>>
        %dma_wait3A_143 = arith.constant 0 : i32
        %dma_wait3A_144 = tpu.memref_slice %arg4[%multiple_of3A_106, %dma_wait3A_143] : memref<40960x128xbf16, #tpu.memory_space<hbm>> -> memref<128x128xbf16, #tpu.memory_space<hbm>>
        %dma_wait3A_145 = arith.constant 0 : i32
        %dma_wait3A_146 = arith.constant 0 : i32
        %dma_wait3A_147 = tpu.memref_slice %arg6[%run_scoped3A_107, %dma_wait3A_145, %dma_wait3A_146] : memref<2x128x128xbf16, #tpu.memory_space<vmem>> -> memref<1x128x128xbf16, #tpu.memory_space<vmem>>
        %dma_wait3A_148 = tpu.memref_squeeze %dma_wait3A_147 : memref<1x128x128xbf16, #tpu.memory_space<vmem>> -> memref<128x128xbf16, #tpu.memory_space<vmem>>
        tpu.wait_dma2 semaphore(%run_scoped3A_124 : memref<!tpu.dma_semaphore, #tpu.memory_space<semaphore_mem>>) src(%dma_wait3A_148 : memref<128x128xbf16, #tpu.memory_space<vmem>>) dst(%dma_wait3A_144 : memref<128x128xbf16, #tpu.memory_space<hbm>>)
        tpu.yield
      }) : () -> ()
      %mul3A_108 = arith.constant 2 : i32
      %mul3A_109 = arith.muli %mul3A_108, %scan3A_55 : i32
      %add3A_110 = arith.constant 3 : i32
      %add3A_111 = arith.addi %mul3A_109, %add3A_110 : i32
      %mul3A_112 = arith.constant 128 : i32
      %mul3A_113 = arith.muli %add3A_111, %mul3A_112 : i32
      %multiple_of3A_114 = tpu.assume_multiple %mul3A_113, 8 : i32
      %dma_start3A_115 = arith.constant 1 : i32
      %dma_start3A_116 = arith.constant 0 : i32
      %dma_start3A_117 = arith.constant 0 : i32
      %dma_start3A_118 = tpu.memref_slice %arg6[%dma_start3A_115, %dma_start3A_116, %dma_start3A_117] : memref<2x128x128xbf16, #tpu.memory_space<vmem>> -> memref<1x128x128xbf16, #tpu.memory_space<vmem>>
      %dma_start3A_119 = tpu.memref_squeeze %dma_start3A_118 : memref<1x128x128xbf16, #tpu.memory_space<vmem>> -> memref<128x128xbf16, #tpu.memory_space<vmem>>
      %dma_start3A_120 = tpu.memref_slice %arg5[%multiple_of3A_114] : memref<1280xi32, #tpu.memory_space<vmem>> -> memref<128xi32, #tpu.memory_space<vmem>>
      %dma_start3A_121 = arith.constant 0 : i32
      %dma_start3A_122 = arith.constant 0 : i32
      %dma_start3A_123 = tpu.memref_slice %arg2[%dma_start3A_121, %dma_start3A_122] : memref<10240x128xbf16, #tpu.memory_space<hbm>> -> memref<10240x128xbf16, #tpu.memory_space<hbm>>
      tpu.enqueue_indirect_dma source(%dma_start3A_123 : memref<10240x128xbf16, #tpu.memory_space<hbm>>) target(%dma_start3A_119 : memref<128x128xbf16, #tpu.memory_space<vmem>>) offsets(%dma_start3A_120 : memref<128xi32, #tpu.memory_space<vmem>>) semaphore(%arg8 : memref<!tpu.dma_semaphore, #tpu.memory_space<semaphore_mem>>)
    }
    %scan3A_28 = arith.constant 4 : i32
    %dma_wait3A = arith.constant 0 : i32
    %dma_wait3A_29 = arith.constant 0 : i32
    %dma_wait3A_30 = arith.constant 0 : i32
    %dma_wait3A_31 = tpu.memref_slice %arg6[%dma_wait3A, %dma_wait3A_29, %dma_wait3A_30] : memref<2x128x128xbf16, #tpu.memory_space<vmem>> -> memref<1x128x128xbf16, #tpu.memory_space<vmem>>
    %dma_wait3A_32 = tpu.memref_squeeze %dma_wait3A_31 : memref<1x128x128xbf16, #tpu.memory_space<vmem>> -> memref<128x128xbf16, #tpu.memory_space<vmem>>
    %dma_wait3A_33 = arith.constant 0 : i32
    %dma_wait3A_34 = tpu.memref_slice %arg5[%dma_wait3A_33] : memref<1280xi32, #tpu.memory_space<vmem>> -> memref<128xi32, #tpu.memory_space<vmem>>
    %dma_wait3A_35 = arith.constant 0 : i32
    %dma_wait3A_36 = arith.constant 0 : i32
    %dma_wait3A_37 = tpu.memref_slice %arg2[%dma_wait3A_35, %dma_wait3A_36] : memref<10240x128xbf16, #tpu.memory_space<hbm>> -> memref<10240x128xbf16, #tpu.memory_space<hbm>>
    tpu.wait_indirect_dma semaphore(%arg7 : memref<!tpu.dma_semaphore, #tpu.memory_space<semaphore_mem>>) src(%dma_wait3A_37 : memref<10240x128xbf16, #tpu.memory_space<hbm>>) dst(%dma_wait3A_32 : memref<128x128xbf16, #tpu.memory_space<vmem>>)
    %add3A_38 = arith.constant 1024 : i32
    %add3A_39 = arith.addi %multiple_of3A, %add3A_38 : i32
    %multiple_of3A_40 = tpu.assume_multiple %add3A_39, 8 : i32
    %run_scoped3A = arith.constant 0 : i32
    "tpu.region"() ({
      %run_scoped3A_55 = tpu.sem_alloc : memref<!tpu.dma_semaphore, #tpu.memory_space<semaphore_mem>>
      %dma_start3A_56 = arith.constant 0 : i32
      %dma_start3A_57 = arith.constant 0 : i32
      %dma_start3A_58 = tpu.memref_slice %arg6[%run_scoped3A, %dma_start3A_56, %dma_start3A_57] : memref<2x128x128xbf16, #tpu.memory_space<vmem>> -> memref<1x128x128xbf16, #tpu.memory_space<vmem>>
      %dma_start3A_59 = tpu.memref_squeeze %dma_start3A_58 : memref<1x128x128xbf16, #tpu.memory_space<vmem>> -> memref<128x128xbf16, #tpu.memory_space<vmem>>
      %dma_start3A_60 = arith.constant 0 : i32
      %dma_start3A_61 = tpu.memref_slice %arg4[%multiple_of3A_40, %dma_start3A_60] : memref<40960x128xbf16, #tpu.memory_space<hbm>> -> memref<128x128xbf16, #tpu.memory_space<hbm>>
      %dma_start3A_62 = arith.constant 0 : i32
      %dma_start3A_63 = tpu.memref_slice %arg4[%multiple_of3A_40, %dma_start3A_62] : memref<40960x128xbf16, #tpu.memory_space<hbm>> -> memref<128x128xbf16, #tpu.memory_space<hbm>>
      %dma_start3A_64 = arith.constant 0 : i32
      %dma_start3A_65 = arith.constant 0 : i32
      %dma_start3A_66 = tpu.memref_slice %arg6[%run_scoped3A, %dma_start3A_64, %dma_start3A_65] : memref<2x128x128xbf16, #tpu.memory_space<vmem>> -> memref<1x128x128xbf16, #tpu.memory_space<vmem>>
      %dma_start3A_67 = tpu.memref_squeeze %dma_start3A_66 : memref<1x128x128xbf16, #tpu.memory_space<vmem>> -> memref<128x128xbf16, #tpu.memory_space<vmem>>
      tpu.enqueue_dma source(%dma_start3A_67 : memref<128x128xbf16, #tpu.memory_space<vmem>>) target(%dma_start3A_63 : memref<128x128xbf16, #tpu.memory_space<hbm>>) target_semaphore(%run_scoped3A_55 : memref<!tpu.dma_semaphore, #tpu.memory_space<semaphore_mem>>)
      %dma_wait3A_68 = arith.constant 0 : i32
      %dma_wait3A_69 = arith.constant 0 : i32
      %dma_wait3A_70 = tpu.memref_slice %arg6[%run_scoped3A, %dma_wait3A_68, %dma_wait3A_69] : memref<2x128x128xbf16, #tpu.memory_space<vmem>> -> memref<1x128x128xbf16, #tpu.memory_space<vmem>>
      %dma_wait3A_71 = tpu.memref_squeeze %dma_wait3A_70 : memref<1x128x128xbf16, #tpu.memory_space<vmem>> -> memref<128x128xbf16, #tpu.memory_space<vmem>>
      %dma_wait3A_72 = arith.constant 0 : i32
      %dma_wait3A_73 = tpu.memref_slice %arg4[%multiple_of3A_40, %dma_wait3A_72] : memref<40960x128xbf16, #tpu.memory_space<hbm>> -> memref<128x128xbf16, #tpu.memory_space<hbm>>
      %dma_wait3A_74 = arith.constant 0 : i32
      %dma_wait3A_75 = tpu.memref_slice %arg4[%multiple_of3A_40, %dma_wait3A_74] : memref<40960x128xbf16, #tpu.memory_space<hbm>> -> memref<128x128xbf16, #tpu.memory_space<hbm>>
      %dma_wait3A_76 = arith.constant 0 : i32
      %dma_wait3A_77 = arith.constant 0 : i32
      %dma_wait3A_78 = tpu.memref_slice %arg6[%run_scoped3A, %dma_wait3A_76, %dma_wait3A_77] : memref<2x128x128xbf16, #tpu.memory_space<vmem>> -> memref<1x128x128xbf16, #tpu.memory_space<vmem>>
      %dma_wait3A_79 = tpu.memref_squeeze %dma_wait3A_78 : memref<1x128x128xbf16, #tpu.memory_space<vmem>> -> memref<128x128xbf16, #tpu.memory_space<vmem>>
      tpu.wait_dma2 semaphore(%run_scoped3A_55 : memref<!tpu.dma_semaphore, #tpu.memory_space<semaphore_mem>>) src(%dma_wait3A_79 : memref<128x128xbf16, #tpu.memory_space<vmem>>) dst(%dma_wait3A_75 : memref<128x128xbf16, #tpu.memory_space<hbm>>)
      tpu.yield
    }) : () -> ()
    %dma_wait3A_41 = arith.constant 1 : i32
    %dma_wait3A_42 = arith.constant 0 : i32
    %dma_wait3A_43 = arith.constant 0 : i32
    %dma_wait3A_44 = tpu.memref_slice %arg6[%dma_wait3A_41, %dma_wait3A_42, %dma_wait3A_43] : memref<2x128x128xbf16, #tpu.memory_space<vmem>> -> memref<1x128x128xbf16, #tpu.memory_space<vmem>>
    %dma_wait3A_45 = tpu.memref_squeeze %dma_wait3A_44 : memref<1x128x128xbf16, #tpu.memory_space<vmem>> -> memref<128x128xbf16, #tpu.memory_space<vmem>>
    %dma_wait3A_46 = arith.constant 0 : i32
    %dma_wait3A_47 = tpu.memref_slice %arg5[%dma_wait3A_46] : memref<1280xi32, #tpu.memory_space<vmem>> -> memref<128xi32, #tpu.memory_space<vmem>>
    %dma_wait3A_48 = arith.constant 0 : i32
    %dma_wait3A_49 = arith.constant 0 : i32
    %dma_wait3A_50 = tpu.memref_slice %arg2[%dma_wait3A_48, %dma_wait3A_49] : memref<10240x128xbf16, #tpu.memory_space<hbm>> -> memref<10240x128xbf16, #tpu.memory_space<hbm>>
    tpu.wait_indirect_dma semaphore(%arg8 : memref<!tpu.dma_semaphore, #tpu.memory_space<semaphore_mem>>) src(%dma_wait3A_50 : memref<10240x128xbf16, #tpu.memory_space<hbm>>) dst(%dma_wait3A_45 : memref<128x128xbf16, #tpu.memory_space<vmem>>)
    %add3A_51 = arith.constant 1152 : i32
    %add3A_52 = arith.addi %multiple_of3A, %add3A_51 : i32
    %multiple_of3A_53 = tpu.assume_multiple %add3A_52, 8 : i32
    %run_scoped3A_54 = arith.constant 1 : i32
    "tpu.region"() ({
      %run_scoped3A_55 = tpu.sem_alloc : memref<!tpu.dma_semaphore, #tpu.memory_space<semaphore_mem>>
      %dma_start3A_56 = arith.constant 0 : i32
      %dma_start3A_57 = arith.constant 0 : i32
      %dma_start3A_58 = tpu.memref_slice %arg6[%run_scoped3A_54, %dma_start3A_56, %dma_start3A_57] : memref<2x128x128xbf16, #tpu.memory_space<vmem>> -> memref<1x128x128xbf16, #tpu.memory_space<vmem>>
      %dma_start3A_59 = tpu.memref_squeeze %dma_start3A_58 : memref<1x128x128xbf16, #tpu.memory_space<vmem>> -> memref<128x128xbf16, #tpu.memory_space<vmem>>
      %dma_start3A_60 = arith.constant 0 : i32
      %dma_start3A_61 = tpu.memref_slice %arg4[%multiple_of3A_53, %dma_start3A_60] : memref<40960x128xbf16, #tpu.memory_space<hbm>> -> memref<128x128xbf16, #tpu.memory_space<hbm>>
      %dma_start3A_62 = arith.constant 0 : i32
      %dma_start3A_63 = tpu.memref_slice %arg4[%multiple_of3A_53, %dma_start3A_62] : memref<40960x128xbf16, #tpu.memory_space<hbm>> -> memref<128x128xbf16, #tpu.memory_space<hbm>>
      %dma_start3A_64 = arith.constant 0 : i32
      %dma_start3A_65 = arith.constant 0 : i32
      %dma_start3A_66 = tpu.memref_slice %arg6[%run_scoped3A_54, %dma_start3A_64, %dma_start3A_65] : memref<2x128x128xbf16, #tpu.memory_space<vmem>> -> memref<1x128x128xbf16, #tpu.memory_space<vmem>>
      %dma_start3A_67 = tpu.memref_squeeze %dma_start3A_66 : memref<1x128x128xbf16, #tpu.memory_space<vmem>> -> memref<128x128xbf16, #tpu.memory_space<vmem>>
      tpu.enqueue_dma source(%dma_start3A_67 : memref<128x128xbf16, #tpu.memory_space<vmem>>) target(%dma_start3A_63 : memref<128x128xbf16, #tpu.memory_space<hbm>>) target_semaphore(%run_scoped3A_55 : memref<!tpu.dma_semaphore, #tpu.memory_space<semaphore_mem>>)
      %dma_wait3A_68 = arith.constant 0 : i32
      %dma_wait3A_69 = arith.constant 0 : i32
      %dma_wait3A_70 = tpu.memref_slice %arg6[%run_scoped3A_54, %dma_wait3A_68, %dma_wait3A_69] : memref<2x128x128xbf16, #tpu.memory_space<vmem>> -> memref<1x128x128xbf16, #tpu.memory_space<vmem>>
      %dma_wait3A_71 = tpu.memref_squeeze %dma_wait3A_70 : memref<1x128x128xbf16, #tpu.memory_space<vmem>> -> memref<128x128xbf16, #tpu.memory_space<vmem>>
      %dma_wait3A_72 = arith.constant 0 : i32
      %dma_wait3A_73 = tpu.memref_slice %arg4[%multiple_of3A_53, %dma_wait3A_72] : memref<40960x128xbf16, #tpu.memory_space<hbm>> -> memref<128x128xbf16, #tpu.memory_space<hbm>>
      %dma_wait3A_74 = arith.constant 0 : i32
      %dma_wait3A_75 = tpu.memref_slice %arg4[%multiple_of3A_53, %dma_wait3A_74] : memref<40960x128xbf16, #tpu.memory_space<hbm>> -> memref<128x128xbf16, #tpu.memory_space<hbm>>
      %dma_wait3A_76 = arith.constant 0 : i32
      %dma_wait3A_77 = arith.constant 0 : i32
      %dma_wait3A_78 = tpu.memref_slice %arg6[%run_scoped3A_54, %dma_wait3A_76, %dma_wait3A_77] : memref<2x128x128xbf16, #tpu.memory_space<vmem>> -> memref<1x128x128xbf16, #tpu.memory_space<vmem>>
      %dma_wait3A_79 = tpu.memref_squeeze %dma_wait3A_78 : memref<1x128x128xbf16, #tpu.memory_space<vmem>> -> memref<128x128xbf16, #tpu.memory_space<vmem>>
      tpu.wait_dma2 semaphore(%run_scoped3A_55 : memref<!tpu.dma_semaphore, #tpu.memory_space<semaphore_mem>>) src(%dma_wait3A_79 : memref<128x128xbf16, #tpu.memory_space<vmem>>) dst(%dma_wait3A_75 : memref<128x128xbf16, #tpu.memory_space<hbm>>)
      tpu.yield
    }) : () -> ()
    return
  }
}

#map = affine_map<(d0, d1) -> (0, 0)>
#map1 = affine_map<(d0, d1) -> (0, 0, 0)>
module attributes {stable_mosaic.version = 14 : i64} {
  func.func @k(%arg0: i32, %arg1: i32, %arg2: memref<327680x80xf32, #tpu.memory_space<hbm>>, %arg3: memref<32x80x128xi32, #tpu.memory_space<hbm>>, %arg4: memref<640x80xf32, #tpu.memory_space<hbm>>, %arg5: memref<20480x80xf32, #tpu.memory_space<hbm>>, %arg6: memref<80x128xi32, #tpu.memory_space<vmem>>, %arg7: memref<2x128x80xf32, #tpu.memory_space<vmem>>, %arg8: memref<10240x80xf32, #tpu.memory_space<vmem_shared>>, %arg9: memref<!tpu.dma_semaphore, #tpu.memory_space<semaphore_mem>>, %arg10: memref<!tpu.dma_semaphore, #tpu.memory_space<semaphore_mem>>) attributes {dimension_semantics = [#tpu.dimension_semantics<core_parallel>, #tpu.dimension_semantics<subcore_parallel>], iteration_bounds = array<i64: 2, 16>, scalar_prefetch = 0 : i64, scratch_operands = 5 : i64, tpu.core_type = #tpu.core_type<sc_vector_subcore>, window_params = [{transform_indices = #map}, {transform_indices = #map1}, {transform_indices = #map}, {transform_indices = #map}]} {
    %mul3A = arith.constant 2 : i32
    %mul3A_0 = arith.muli %arg1, %mul3A : i32
    %add3A = arith.addi %mul3A_0, %arg0 : i32
    %mul3A_1 = arith.constant 10240 : i32
    %mul3A_2 = arith.muli %add3A, %mul3A_1 : i32
    %multiple_of3A = tpu.assume_multiple %mul3A_2, 8 : i32
    %mul3A_3 = arith.constant 640 : i32
    %mul3A_4 = arith.muli %arg1, %mul3A_3 : i32
    "tpu.region"() ({
      %run_scoped3A_82 = tpu.sem_alloc : memref<!tpu.dma_semaphore, #tpu.memory_space<semaphore_mem>>
      %dma_start3A_83 = arith.constant 0 : i32
      %dma_start3A_84 = tpu.memref_slice %arg8[%mul3A_4, %dma_start3A_83] : memref<10240x80xf32, #tpu.memory_space<vmem_shared>> -> memref<640x80xf32, #tpu.memory_space<vmem_shared>>
      tpu.enqueue_dma source(%arg4 : memref<640x80xf32, #tpu.memory_space<hbm>>) target(%dma_start3A_84 : memref<640x80xf32, #tpu.memory_space<vmem_shared>>) target_semaphore(%run_scoped3A_82 : memref<!tpu.dma_semaphore, #tpu.memory_space<semaphore_mem>>)
      %dma_wait3A_85 = arith.constant 0 : i32
      %dma_wait3A_86 = tpu.memref_slice %arg8[%mul3A_4, %dma_wait3A_85] : memref<10240x80xf32, #tpu.memory_space<vmem_shared>> -> memref<640x80xf32, #tpu.memory_space<vmem_shared>>
      tpu.wait_dma2 semaphore(%run_scoped3A_82 : memref<!tpu.dma_semaphore, #tpu.memory_space<semaphore_mem>>) src(%arg4 : memref<640x80xf32, #tpu.memory_space<hbm>>) dst(%dma_wait3A_86 : memref<640x80xf32, #tpu.memory_space<vmem_shared>>)
      tpu.yield
    }) : () -> ()
    "tpu.region"() ({
      %run_scoped3A_82 = tpu.sem_alloc : memref<!tpu.dma_semaphore, #tpu.memory_space<semaphore_mem>>
      %dma_start3A_83 = arith.constant 0 : i32
      %dma_start3A_84 = arith.constant 0 : i32
      %dma_start3A_85 = tpu.memref_slice %arg3[%add3A, %dma_start3A_83, %dma_start3A_84] : memref<32x80x128xi32, #tpu.memory_space<hbm>> -> memref<1x80x128xi32, #tpu.memory_space<hbm>>
      %dma_start3A_86 = tpu.memref_squeeze %dma_start3A_85 : memref<1x80x128xi32, #tpu.memory_space<hbm>> -> memref<80x128xi32, #tpu.memory_space<hbm>>
      %dma_start3A_87 = arith.constant 0 : i32
      %dma_start3A_88 = arith.constant 0 : i32
      %dma_start3A_89 = tpu.memref_slice %arg3[%add3A, %dma_start3A_87, %dma_start3A_88] : memref<32x80x128xi32, #tpu.memory_space<hbm>> -> memref<1x80x128xi32, #tpu.memory_space<hbm>>
      %dma_start3A_90 = tpu.memref_squeeze %dma_start3A_89 : memref<1x80x128xi32, #tpu.memory_space<hbm>> -> memref<80x128xi32, #tpu.memory_space<hbm>>
      tpu.enqueue_dma source(%dma_start3A_90 : memref<80x128xi32, #tpu.memory_space<hbm>>) target(%arg6 : memref<80x128xi32, #tpu.memory_space<vmem>>) target_semaphore(%run_scoped3A_82 : memref<!tpu.dma_semaphore, #tpu.memory_space<semaphore_mem>>)
      %dma_wait3A_91 = arith.constant 0 : i32
      %dma_wait3A_92 = arith.constant 0 : i32
      %dma_wait3A_93 = tpu.memref_slice %arg3[%add3A, %dma_wait3A_91, %dma_wait3A_92] : memref<32x80x128xi32, #tpu.memory_space<hbm>> -> memref<1x80x128xi32, #tpu.memory_space<hbm>>
      %dma_wait3A_94 = tpu.memref_squeeze %dma_wait3A_93 : memref<1x80x128xi32, #tpu.memory_space<hbm>> -> memref<80x128xi32, #tpu.memory_space<hbm>>
      %dma_wait3A_95 = arith.constant 0 : i32
      %dma_wait3A_96 = arith.constant 0 : i32
      %dma_wait3A_97 = tpu.memref_slice %arg3[%add3A, %dma_wait3A_95, %dma_wait3A_96] : memref<32x80x128xi32, #tpu.memory_space<hbm>> -> memref<1x80x128xi32, #tpu.memory_space<hbm>>
      %dma_wait3A_98 = tpu.memref_squeeze %dma_wait3A_97 : memref<1x80x128xi32, #tpu.memory_space<hbm>> -> memref<80x128xi32, #tpu.memory_space<hbm>>
      tpu.wait_dma2 semaphore(%run_scoped3A_82 : memref<!tpu.dma_semaphore, #tpu.memory_space<semaphore_mem>>) src(%dma_wait3A_98 : memref<80x128xi32, #tpu.memory_space<hbm>>) dst(%arg6 : memref<80x128xi32, #tpu.memory_space<vmem>>)
      tpu.yield
    }) : () -> ()
    %barrier3A = arith.constant 0 : index
    tpu.barrier barrier_id(%barrier3A)
    %add3A_5 = arith.constant 0 : i32
    %add3A_6 = arith.addi %multiple_of3A, %add3A_5 : i32
    %multiple_of3A_7 = tpu.assume_multiple %add3A_6, 8 : i32
    %dma_start3A = arith.constant 0 : i32
    %dma_start3A_8 = arith.constant 0 : i32
    %dma_start3A_9 = arith.constant 0 : i32
    %dma_start3A_10 = tpu.memref_slice %arg7[%dma_start3A, %dma_start3A_8, %dma_start3A_9] : memref<2x128x80xf32, #tpu.memory_space<vmem>> -> memref<1x128x80xf32, #tpu.memory_space<vmem>>
    %dma_start3A_11 = tpu.memref_squeeze %dma_start3A_10 : memref<1x128x80xf32, #tpu.memory_space<vmem>> -> memref<128x80xf32, #tpu.memory_space<vmem>>
    %dma_start3A_12 = arith.constant 0 : i32
    %dma_start3A_13 = tpu.memref_slice %arg2[%multiple_of3A_7, %dma_start3A_12] : memref<327680x80xf32, #tpu.memory_space<hbm>> -> memref<128x80xf32, #tpu.memory_space<hbm>>
    %dma_start3A_14 = arith.constant 0 : i32
    %dma_start3A_15 = arith.constant 0 : i32
    %dma_start3A_16 = tpu.memref_slice %arg7[%dma_start3A, %dma_start3A_14, %dma_start3A_15] : memref<2x128x80xf32, #tpu.memory_space<vmem>> -> memref<1x128x80xf32, #tpu.memory_space<vmem>>
    %dma_start3A_17 = tpu.memref_squeeze %dma_start3A_16 : memref<1x128x80xf32, #tpu.memory_space<vmem>> -> memref<128x80xf32, #tpu.memory_space<vmem>>
    %dma_start3A_18 = arith.constant 0 : i32
    %dma_start3A_19 = tpu.memref_slice %arg2[%multiple_of3A_7, %dma_start3A_18] : memref<327680x80xf32, #tpu.memory_space<hbm>> -> memref<128x80xf32, #tpu.memory_space<hbm>>
    tpu.enqueue_dma source(%dma_start3A_19 : memref<128x80xf32, #tpu.memory_space<hbm>>) target(%dma_start3A_17 : memref<128x80xf32, #tpu.memory_space<vmem>>) target_semaphore(%arg9 : memref<!tpu.dma_semaphore, #tpu.memory_space<semaphore_mem>>)
    %add3A_20 = arith.constant 128 : i32
    %add3A_21 = arith.addi %multiple_of3A, %add3A_20 : i32
    %multiple_of3A_22 = tpu.assume_multiple %add3A_21, 8 : i32
    %dma_start3A_23 = arith.constant 1 : i32
    %dma_start3A_24 = arith.constant 0 : i32
    %dma_start3A_25 = arith.constant 0 : i32
    %dma_start3A_26 = tpu.memref_slice %arg7[%dma_start3A_23, %dma_start3A_24, %dma_start3A_25] : memref<2x128x80xf32, #tpu.memory_space<vmem>> -> memref<1x128x80xf32, #tpu.memory_space<vmem>>
    %dma_start3A_27 = tpu.memref_squeeze %dma_start3A_26 : memref<1x128x80xf32, #tpu.memory_space<vmem>> -> memref<128x80xf32, #tpu.memory_space<vmem>>
    %dma_start3A_28 = arith.constant 0 : i32
    %dma_start3A_29 = tpu.memref_slice %arg2[%multiple_of3A_22, %dma_start3A_28] : memref<327680x80xf32, #tpu.memory_space<hbm>> -> memref<128x80xf32, #tpu.memory_space<hbm>>
    %dma_start3A_30 = arith.constant 0 : i32
    %dma_start3A_31 = arith.constant 0 : i32
    %dma_start3A_32 = tpu.memref_slice %arg7[%dma_start3A_23, %dma_start3A_30, %dma_start3A_31] : memref<2x128x80xf32, #tpu.memory_space<vmem>> -> memref<1x128x80xf32, #tpu.memory_space<vmem>>
    %dma_start3A_33 = tpu.memref_squeeze %dma_start3A_32 : memref<1x128x80xf32, #tpu.memory_space<vmem>> -> memref<128x80xf32, #tpu.memory_space<vmem>>
    %dma_start3A_34 = arith.constant 0 : i32
    %dma_start3A_35 = tpu.memref_slice %arg2[%multiple_of3A_22, %dma_start3A_34] : memref<327680x80xf32, #tpu.memory_space<hbm>> -> memref<128x80xf32, #tpu.memory_space<hbm>>
    tpu.enqueue_dma source(%dma_start3A_35 : memref<128x80xf32, #tpu.memory_space<hbm>>) target(%dma_start3A_33 : memref<128x80xf32, #tpu.memory_space<vmem>>) target_semaphore(%arg10 : memref<!tpu.dma_semaphore, #tpu.memory_space<semaphore_mem>>)
    %scan3A = arith.constant 0 : i32
    %scan3A_36 = arith.constant 0 : i32
    %scan3A_37 = arith.constant 39 : i32
    %scan3A_38 = arith.addi %scan3A_36, %scan3A_37 : i32
    %scan3A_39 = arith.constant 1 : i32
    scf.for %scan3A_82 = %scan3A_36 to %scan3A_38 step %scan3A_39  : i32 {
      %mul3A_83 = arith.constant 2 : i32
      %mul3A_84 = arith.muli %mul3A_83, %scan3A_82 : i32
      %dma_wait3A_85 = arith.constant 0 : i32
      %dma_wait3A_86 = arith.constant 0 : i32
      %dma_wait3A_87 = arith.constant 0 : i32
      %dma_wait3A_88 = tpu.memref_slice %arg7[%dma_wait3A_85, %dma_wait3A_86, %dma_wait3A_87] : memref<2x128x80xf32, #tpu.memory_space<vmem>> -> memref<1x128x80xf32, #tpu.memory_space<vmem>>
      %dma_wait3A_89 = tpu.memref_squeeze %dma_wait3A_88 : memref<1x128x80xf32, #tpu.memory_space<vmem>> -> memref<128x80xf32, #tpu.memory_space<vmem>>
      %dma_wait3A_90 = arith.constant 0 : i32
      %dma_wait3A_91 = arith.constant 0 : i32
      %dma_wait3A_92 = tpu.memref_slice %arg2[%dma_wait3A_90, %dma_wait3A_91] : memref<327680x80xf32, #tpu.memory_space<hbm>> -> memref<128x80xf32, #tpu.memory_space<hbm>>
      %dma_wait3A_93 = arith.constant 0 : i32
      %dma_wait3A_94 = arith.constant 0 : i32
      %dma_wait3A_95 = tpu.memref_slice %arg7[%dma_wait3A_85, %dma_wait3A_93, %dma_wait3A_94] : memref<2x128x80xf32, #tpu.memory_space<vmem>> -> memref<1x128x80xf32, #tpu.memory_space<vmem>>
      %dma_wait3A_96 = tpu.memref_squeeze %dma_wait3A_95 : memref<1x128x80xf32, #tpu.memory_space<vmem>> -> memref<128x80xf32, #tpu.memory_space<vmem>>
      %dma_wait3A_97 = arith.constant 0 : i32
      %dma_wait3A_98 = arith.constant 0 : i32
      %dma_wait3A_99 = tpu.memref_slice %arg2[%dma_wait3A_97, %dma_wait3A_98] : memref<327680x80xf32, #tpu.memory_space<hbm>> -> memref<128x80xf32, #tpu.memory_space<hbm>>
      tpu.wait_dma2 semaphore(%arg9 : memref<!tpu.dma_semaphore, #tpu.memory_space<semaphore_mem>>) src(%dma_wait3A_99 : memref<128x80xf32, #tpu.memory_space<hbm>>) dst(%dma_wait3A_96 : memref<128x80xf32, #tpu.memory_space<vmem>>)
      %run_scoped3A_100 = arith.constant 0 : i32
      "tpu.region"() ({
        %run_scoped3A_163 = tpu.sem_alloc : memref<!tpu.dma_semaphore, #tpu.memory_space<semaphore_mem>>
        %dma_start3A_164 = arith.constant 0 : i32
        %dma_start3A_165 = arith.constant 0 : i32
        %dma_start3A_166 = tpu.memref_slice %arg7[%run_scoped3A_100, %dma_start3A_164, %dma_start3A_165] : memref<2x128x80xf32, #tpu.memory_space<vmem>> -> memref<1x128x80xf32, #tpu.memory_space<vmem>>
        %dma_start3A_167 = tpu.memref_squeeze %dma_start3A_166 : memref<1x128x80xf32, #tpu.memory_space<vmem>> -> memref<128x80xf32, #tpu.memory_space<vmem>>
        %dma_start3A_168 = arith.constant 0 : i32
        %dma_start3A_169 = tpu.memref_slice %arg6[%mul3A_84, %dma_start3A_168] : memref<80x128xi32, #tpu.memory_space<vmem>> -> memref<1x128xi32, #tpu.memory_space<vmem>>
        %dma_start3A_170 = tpu.memref_squeeze %dma_start3A_169 : memref<1x128xi32, #tpu.memory_space<vmem>> -> memref<128xi32, #tpu.memory_space<vmem>>
        %dma_start3A_171 = arith.constant 0 : i32
        %dma_start3A_172 = arith.constant 0 : i32
        %dma_start3A_173 = tpu.memref_slice %arg8[%dma_start3A_171, %dma_start3A_172] : memref<10240x80xf32, #tpu.memory_space<vmem_shared>> -> memref<10240x80xf32, #tpu.memory_space<vmem_shared>>
        tpu.enqueue_indirect_dma source(%dma_start3A_167 : memref<128x80xf32, #tpu.memory_space<vmem>>) target(%dma_start3A_173 : memref<10240x80xf32, #tpu.memory_space<vmem_shared>>) offsets(%dma_start3A_170 : memref<128xi32, #tpu.memory_space<vmem>>) semaphore(%run_scoped3A_163 : memref<!tpu.dma_semaphore, #tpu.memory_space<semaphore_mem>>) {add = true}
        %dma_wait3A_174 = arith.constant 0 : i32
        %dma_wait3A_175 = arith.constant 0 : i32
        %dma_wait3A_176 = tpu.memref_slice %arg7[%run_scoped3A_100, %dma_wait3A_174, %dma_wait3A_175] : memref<2x128x80xf32, #tpu.memory_space<vmem>> -> memref<1x128x80xf32, #tpu.memory_space<vmem>>
        %dma_wait3A_177 = tpu.memref_squeeze %dma_wait3A_176 : memref<1x128x80xf32, #tpu.memory_space<vmem>> -> memref<128x80xf32, #tpu.memory_space<vmem>>
        %dma_wait3A_178 = arith.constant 0 : i32
        %dma_wait3A_179 = tpu.memref_slice %arg6[%mul3A_84, %dma_wait3A_178] : memref<80x128xi32, #tpu.memory_space<vmem>> -> memref<1x128xi32, #tpu.memory_space<vmem>>
        %dma_wait3A_180 = tpu.memref_squeeze %dma_wait3A_179 : memref<1x128xi32, #tpu.memory_space<vmem>> -> memref<128xi32, #tpu.memory_space<vmem>>
        %dma_wait3A_181 = arith.constant 0 : i32
        %dma_wait3A_182 = arith.constant 0 : i32
        %dma_wait3A_183 = tpu.memref_slice %arg8[%dma_wait3A_181, %dma_wait3A_182] : memref<10240x80xf32, #tpu.memory_space<vmem_shared>> -> memref<10240x80xf32, #tpu.memory_space<vmem_shared>>
        tpu.wait_indirect_dma semaphore(%run_scoped3A_163 : memref<!tpu.dma_semaphore, #tpu.memory_space<semaphore_mem>>) src(%dma_wait3A_177 : memref<128x80xf32, #tpu.memory_space<vmem>>) dst(%dma_wait3A_183 : memref<10240x80xf32, #tpu.memory_space<vmem_shared>>)
        tpu.yield
      }) : () -> ()
      %mul3A_101 = arith.constant 2 : i32
      %mul3A_102 = arith.muli %mul3A_101, %scan3A_82 : i32
      %add3A_103 = arith.constant 2 : i32
      %add3A_104 = arith.addi %mul3A_102, %add3A_103 : i32
      %mul3A_105 = arith.constant 128 : i32
      %mul3A_106 = arith.muli %add3A_104, %mul3A_105 : i32
      %add3A_107 = arith.addi %multiple_of3A, %mul3A_106 : i32
      %multiple_of3A_108 = tpu.assume_multiple %add3A_107, 8 : i32
      %dma_start3A_109 = arith.constant 0 : i32
      %dma_start3A_110 = arith.constant 0 : i32
      %dma_start3A_111 = arith.constant 0 : i32
      %dma_start3A_112 = tpu.memref_slice %arg7[%dma_start3A_109, %dma_start3A_110, %dma_start3A_111] : memref<2x128x80xf32, #tpu.memory_space<vmem>> -> memref<1x128x80xf32, #tpu.memory_space<vmem>>
      %dma_start3A_113 = tpu.memref_squeeze %dma_start3A_112 : memref<1x128x80xf32, #tpu.memory_space<vmem>> -> memref<128x80xf32, #tpu.memory_space<vmem>>
      %dma_start3A_114 = arith.constant 0 : i32
      %dma_start3A_115 = tpu.memref_slice %arg2[%multiple_of3A_108, %dma_start3A_114] : memref<327680x80xf32, #tpu.memory_space<hbm>> -> memref<128x80xf32, #tpu.memory_space<hbm>>
      %dma_start3A_116 = arith.constant 0 : i32
      %dma_start3A_117 = arith.constant 0 : i32
      %dma_start3A_118 = tpu.memref_slice %arg7[%dma_start3A_109, %dma_start3A_116, %dma_start3A_117] : memref<2x128x80xf32, #tpu.memory_space<vmem>> -> memref<1x128x80xf32, #tpu.memory_space<vmem>>
      %dma_start3A_119 = tpu.memref_squeeze %dma_start3A_118 : memref<1x128x80xf32, #tpu.memory_space<vmem>> -> memref<128x80xf32, #tpu.memory_space<vmem>>
      %dma_start3A_120 = arith.constant 0 : i32
      %dma_start3A_121 = tpu.memref_slice %arg2[%multiple_of3A_108, %dma_start3A_120] : memref<327680x80xf32, #tpu.memory_space<hbm>> -> memref<128x80xf32, #tpu.memory_space<hbm>>
      tpu.enqueue_dma source(%dma_start3A_121 : memref<128x80xf32, #tpu.memory_space<hbm>>) target(%dma_start3A_119 : memref<128x80xf32, #tpu.memory_space<vmem>>) target_semaphore(%arg9 : memref<!tpu.dma_semaphore, #tpu.memory_space<semaphore_mem>>)
      %mul3A_122 = arith.constant 2 : i32
      %mul3A_123 = arith.muli %mul3A_122, %scan3A_82 : i32
      %add3A_124 = arith.constant 1 : i32
      %add3A_125 = arith.addi %mul3A_123, %add3A_124 : i32
      %dma_wait3A_126 = arith.constant 1 : i32
      %dma_wait3A_127 = arith.constant 0 : i32
      %dma_wait3A_128 = arith.constant 0 : i32
      %dma_wait3A_129 = tpu.memref_slice %arg7[%dma_wait3A_126, %dma_wait3A_127, %dma_wait3A_128] : memref<2x128x80xf32, #tpu.memory_space<vmem>> -> memref<1x128x80xf32, #tpu.memory_space<vmem>>
      %dma_wait3A_130 = tpu.memref_squeeze %dma_wait3A_129 : memref<1x128x80xf32, #tpu.memory_space<vmem>> -> memref<128x80xf32, #tpu.memory_space<vmem>>
      %dma_wait3A_131 = arith.constant 0 : i32
      %dma_wait3A_132 = arith.constant 0 : i32
      %dma_wait3A_133 = tpu.memref_slice %arg2[%dma_wait3A_131, %dma_wait3A_132] : memref<327680x80xf32, #tpu.memory_space<hbm>> -> memref<128x80xf32, #tpu.memory_space<hbm>>
      %dma_wait3A_134 = arith.constant 0 : i32
      %dma_wait3A_135 = arith.constant 0 : i32
      %dma_wait3A_136 = tpu.memref_slice %arg7[%dma_wait3A_126, %dma_wait3A_134, %dma_wait3A_135] : memref<2x128x80xf32, #tpu.memory_space<vmem>> -> memref<1x128x80xf32, #tpu.memory_space<vmem>>
      %dma_wait3A_137 = tpu.memref_squeeze %dma_wait3A_136 : memref<1x128x80xf32, #tpu.memory_space<vmem>> -> memref<128x80xf32, #tpu.memory_space<vmem>>
      %dma_wait3A_138 = arith.constant 0 : i32
      %dma_wait3A_139 = arith.constant 0 : i32
      %dma_wait3A_140 = tpu.memref_slice %arg2[%dma_wait3A_138, %dma_wait3A_139] : memref<327680x80xf32, #tpu.memory_space<hbm>> -> memref<128x80xf32, #tpu.memory_space<hbm>>
      tpu.wait_dma2 semaphore(%arg10 : memref<!tpu.dma_semaphore, #tpu.memory_space<semaphore_mem>>) src(%dma_wait3A_140 : memref<128x80xf32, #tpu.memory_space<hbm>>) dst(%dma_wait3A_137 : memref<128x80xf32, #tpu.memory_space<vmem>>)
      %run_scoped3A_141 = arith.constant 1 : i32
      "tpu.region"() ({
        %run_scoped3A_163 = tpu.sem_alloc : memref<!tpu.dma_semaphore, #tpu.memory_space<semaphore_mem>>
        %dma_start3A_164 = arith.constant 0 : i32
        %dma_start3A_165 = arith.constant 0 : i32
        %dma_start3A_166 = tpu.memref_slice %arg7[%run_scoped3A_141, %dma_start3A_164, %dma_start3A_165] : memref<2x128x80xf32, #tpu.memory_space<vmem>> -> memref<1x128x80xf32, #tpu.memory_space<vmem>>
        %dma_start3A_167 = tpu.memref_squeeze %dma_start3A_166 : memref<1x128x80xf32, #tpu.memory_space<vmem>> -> memref<128x80xf32, #tpu.memory_space<vmem>>
        %dma_start3A_168 = arith.constant 0 : i32
        %dma_start3A_169 = tpu.memref_slice %arg6[%add3A_125, %dma_start3A_168] : memref<80x128xi32, #tpu.memory_space<vmem>> -> memref<1x128xi32, #tpu.memory_space<vmem>>
        %dma_start3A_170 = tpu.memref_squeeze %dma_start3A_169 : memref<1x128xi32, #tpu.memory_space<vmem>> -> memref<128xi32, #tpu.memory_space<vmem>>
        %dma_start3A_171 = arith.constant 0 : i32
        %dma_start3A_172 = arith.constant 0 : i32
        %dma_start3A_173 = tpu.memref_slice %arg8[%dma_start3A_171, %dma_start3A_172] : memref<10240x80xf32, #tpu.memory_space<vmem_shared>> -> memref<10240x80xf32, #tpu.memory_space<vmem_shared>>
        tpu.enqueue_indirect_dma source(%dma_start3A_167 : memref<128x80xf32, #tpu.memory_space<vmem>>) target(%dma_start3A_173 : memref<10240x80xf32, #tpu.memory_space<vmem_shared>>) offsets(%dma_start3A_170 : memref<128xi32, #tpu.memory_space<vmem>>) semaphore(%run_scoped3A_163 : memref<!tpu.dma_semaphore, #tpu.memory_space<semaphore_mem>>) {add = true}
        %dma_wait3A_174 = arith.constant 0 : i32
        %dma_wait3A_175 = arith.constant 0 : i32
        %dma_wait3A_176 = tpu.memref_slice %arg7[%run_scoped3A_141, %dma_wait3A_174, %dma_wait3A_175] : memref<2x128x80xf32, #tpu.memory_space<vmem>> -> memref<1x128x80xf32, #tpu.memory_space<vmem>>
        %dma_wait3A_177 = tpu.memref_squeeze %dma_wait3A_176 : memref<1x128x80xf32, #tpu.memory_space<vmem>> -> memref<128x80xf32, #tpu.memory_space<vmem>>
        %dma_wait3A_178 = arith.constant 0 : i32
        %dma_wait3A_179 = tpu.memref_slice %arg6[%add3A_125, %dma_wait3A_178] : memref<80x128xi32, #tpu.memory_space<vmem>> -> memref<1x128xi32, #tpu.memory_space<vmem>>
        %dma_wait3A_180 = tpu.memref_squeeze %dma_wait3A_179 : memref<1x128xi32, #tpu.memory_space<vmem>> -> memref<128xi32, #tpu.memory_space<vmem>>
        %dma_wait3A_181 = arith.constant 0 : i32
        %dma_wait3A_182 = arith.constant 0 : i32
        %dma_wait3A_183 = tpu.memref_slice %arg8[%dma_wait3A_181, %dma_wait3A_182] : memref<10240x80xf32, #tpu.memory_space<vmem_shared>> -> memref<10240x80xf32, #tpu.memory_space<vmem_shared>>
        tpu.wait_indirect_dma semaphore(%run_scoped3A_163 : memref<!tpu.dma_semaphore, #tpu.memory_space<semaphore_mem>>) src(%dma_wait3A_177 : memref<128x80xf32, #tpu.memory_space<vmem>>) dst(%dma_wait3A_183 : memref<10240x80xf32, #tpu.memory_space<vmem_shared>>)
        tpu.yield
      }) : () -> ()
      %mul3A_142 = arith.constant 2 : i32
      %mul3A_143 = arith.muli %mul3A_142, %scan3A_82 : i32
      %add3A_144 = arith.constant 3 : i32
      %add3A_145 = arith.addi %mul3A_143, %add3A_144 : i32
      %mul3A_146 = arith.constant 128 : i32
      %mul3A_147 = arith.muli %add3A_145, %mul3A_146 : i32
      %add3A_148 = arith.addi %multiple_of3A, %mul3A_147 : i32
      %multiple_of3A_149 = tpu.assume_multiple %add3A_148, 8 : i32
      %dma_start3A_150 = arith.constant 1 : i32
      %dma_start3A_151 = arith.constant 0 : i32
      %dma_start3A_152 = arith.constant 0 : i32
      %dma_start3A_153 = tpu.memref_slice %arg7[%dma_start3A_150, %dma_start3A_151, %dma_start3A_152] : memref<2x128x80xf32, #tpu.memory_space<vmem>> -> memref<1x128x80xf32, #tpu.memory_space<vmem>>
      %dma_start3A_154 = tpu.memref_squeeze %dma_start3A_153 : memref<1x128x80xf32, #tpu.memory_space<vmem>> -> memref<128x80xf32, #tpu.memory_space<vmem>>
      %dma_start3A_155 = arith.constant 0 : i32
      %dma_start3A_156 = tpu.memref_slice %arg2[%multiple_of3A_149, %dma_start3A_155] : memref<327680x80xf32, #tpu.memory_space<hbm>> -> memref<128x80xf32, #tpu.memory_space<hbm>>
      %dma_start3A_157 = arith.constant 0 : i32
      %dma_start3A_158 = arith.constant 0 : i32
      %dma_start3A_159 = tpu.memref_slice %arg7[%dma_start3A_150, %dma_start3A_157, %dma_start3A_158] : memref<2x128x80xf32, #tpu.memory_space<vmem>> -> memref<1x128x80xf32, #tpu.memory_space<vmem>>
      %dma_start3A_160 = tpu.memref_squeeze %dma_start3A_159 : memref<1x128x80xf32, #tpu.memory_space<vmem>> -> memref<128x80xf32, #tpu.memory_space<vmem>>
      %dma_start3A_161 = arith.constant 0 : i32
      %dma_start3A_162 = tpu.memref_slice %arg2[%multiple_of3A_149, %dma_start3A_161] : memref<327680x80xf32, #tpu.memory_space<hbm>> -> memref<128x80xf32, #tpu.memory_space<hbm>>
      tpu.enqueue_dma source(%dma_start3A_162 : memref<128x80xf32, #tpu.memory_space<hbm>>) target(%dma_start3A_160 : memref<128x80xf32, #tpu.memory_space<vmem>>) target_semaphore(%arg10 : memref<!tpu.dma_semaphore, #tpu.memory_space<semaphore_mem>>)
    }
    %scan3A_40 = arith.constant 39 : i32
    %dma_wait3A = arith.constant 0 : i32
    %dma_wait3A_41 = arith.constant 0 : i32
    %dma_wait3A_42 = arith.constant 0 : i32
    %dma_wait3A_43 = tpu.memref_slice %arg7[%dma_wait3A, %dma_wait3A_41, %dma_wait3A_42] : memref<2x128x80xf32, #tpu.memory_space<vmem>> -> memref<1x128x80xf32, #tpu.memory_space<vmem>>
    %dma_wait3A_44 = tpu.memref_squeeze %dma_wait3A_43 : memref<1x128x80xf32, #tpu.memory_space<vmem>> -> memref<128x80xf32, #tpu.memory_space<vmem>>
    %dma_wait3A_45 = arith.constant 0 : i32
    %dma_wait3A_46 = arith.constant 0 : i32
    %dma_wait3A_47 = tpu.memref_slice %arg2[%dma_wait3A_45, %dma_wait3A_46] : memref<327680x80xf32, #tpu.memory_space<hbm>> -> memref<128x80xf32, #tpu.memory_space<hbm>>
    %dma_wait3A_48 = arith.constant 0 : i32
    %dma_wait3A_49 = arith.constant 0 : i32
    %dma_wait3A_50 = tpu.memref_slice %arg7[%dma_wait3A, %dma_wait3A_48, %dma_wait3A_49] : memref<2x128x80xf32, #tpu.memory_space<vmem>> -> memref<1x128x80xf32, #tpu.memory_space<vmem>>
    %dma_wait3A_51 = tpu.memref_squeeze %dma_wait3A_50 : memref<1x128x80xf32, #tpu.memory_space<vmem>> -> memref<128x80xf32, #tpu.memory_space<vmem>>
    %dma_wait3A_52 = arith.constant 0 : i32
    %dma_wait3A_53 = arith.constant 0 : i32
    %dma_wait3A_54 = tpu.memref_slice %arg2[%dma_wait3A_52, %dma_wait3A_53] : memref<327680x80xf32, #tpu.memory_space<hbm>> -> memref<128x80xf32, #tpu.memory_space<hbm>>
    tpu.wait_dma2 semaphore(%arg9 : memref<!tpu.dma_semaphore, #tpu.memory_space<semaphore_mem>>) src(%dma_wait3A_54 : memref<128x80xf32, #tpu.memory_space<hbm>>) dst(%dma_wait3A_51 : memref<128x80xf32, #tpu.memory_space<vmem>>)
    %run_scoped3A = arith.constant 0 : i32
    %run_scoped3A_55 = arith.constant 78 : i32
    "tpu.region"() ({
      %run_scoped3A_82 = tpu.sem_alloc : memref<!tpu.dma_semaphore, #tpu.memory_space<semaphore_mem>>
      %dma_start3A_83 = arith.constant 0 : i32
      %dma_start3A_84 = arith.constant 0 : i32
      %dma_start3A_85 = tpu.memref_slice %arg7[%run_scoped3A, %dma_start3A_83, %dma_start3A_84] : memref<2x128x80xf32, #tpu.memory_space<vmem>> -> memref<1x128x80xf32, #tpu.memory_space<vmem>>
      %dma_start3A_86 = tpu.memref_squeeze %dma_start3A_85 : memref<1x128x80xf32, #tpu.memory_space<vmem>> -> memref<128x80xf32, #tpu.memory_space<vmem>>
      %dma_start3A_87 = arith.constant 0 : i32
      %dma_start3A_88 = tpu.memref_slice %arg6[%run_scoped3A_55, %dma_start3A_87] : memref<80x128xi32, #tpu.memory_space<vmem>> -> memref<1x128xi32, #tpu.memory_space<vmem>>
      %dma_start3A_89 = tpu.memref_squeeze %dma_start3A_88 : memref<1x128xi32, #tpu.memory_space<vmem>> -> memref<128xi32, #tpu.memory_space<vmem>>
      %dma_start3A_90 = arith.constant 0 : i32
      %dma_start3A_91 = arith.constant 0 : i32
      %dma_start3A_92 = tpu.memref_slice %arg8[%dma_start3A_90, %dma_start3A_91] : memref<10240x80xf32, #tpu.memory_space<vmem_shared>> -> memref<10240x80xf32, #tpu.memory_space<vmem_shared>>
      tpu.enqueue_indirect_dma source(%dma_start3A_86 : memref<128x80xf32, #tpu.memory_space<vmem>>) target(%dma_start3A_92 : memref<10240x80xf32, #tpu.memory_space<vmem_shared>>) offsets(%dma_start3A_89 : memref<128xi32, #tpu.memory_space<vmem>>) semaphore(%run_scoped3A_82 : memref<!tpu.dma_semaphore, #tpu.memory_space<semaphore_mem>>) {add = true}
      %dma_wait3A_93 = arith.constant 0 : i32
      %dma_wait3A_94 = arith.constant 0 : i32
      %dma_wait3A_95 = tpu.memref_slice %arg7[%run_scoped3A, %dma_wait3A_93, %dma_wait3A_94] : memref<2x128x80xf32, #tpu.memory_space<vmem>> -> memref<1x128x80xf32, #tpu.memory_space<vmem>>
      %dma_wait3A_96 = tpu.memref_squeeze %dma_wait3A_95 : memref<1x128x80xf32, #tpu.memory_space<vmem>> -> memref<128x80xf32, #tpu.memory_space<vmem>>
      %dma_wait3A_97 = arith.constant 0 : i32
      %dma_wait3A_98 = tpu.memref_slice %arg6[%run_scoped3A_55, %dma_wait3A_97] : memref<80x128xi32, #tpu.memory_space<vmem>> -> memref<1x128xi32, #tpu.memory_space<vmem>>
      %dma_wait3A_99 = tpu.memref_squeeze %dma_wait3A_98 : memref<1x128xi32, #tpu.memory_space<vmem>> -> memref<128xi32, #tpu.memory_space<vmem>>
      %dma_wait3A_100 = arith.constant 0 : i32
      %dma_wait3A_101 = arith.constant 0 : i32
      %dma_wait3A_102 = tpu.memref_slice %arg8[%dma_wait3A_100, %dma_wait3A_101] : memref<10240x80xf32, #tpu.memory_space<vmem_shared>> -> memref<10240x80xf32, #tpu.memory_space<vmem_shared>>
      tpu.wait_indirect_dma semaphore(%run_scoped3A_82 : memref<!tpu.dma_semaphore, #tpu.memory_space<semaphore_mem>>) src(%dma_wait3A_96 : memref<128x80xf32, #tpu.memory_space<vmem>>) dst(%dma_wait3A_102 : memref<10240x80xf32, #tpu.memory_space<vmem_shared>>)
      tpu.yield
    }) : () -> ()
    %dma_wait3A_56 = arith.constant 1 : i32
    %dma_wait3A_57 = arith.constant 0 : i32
    %dma_wait3A_58 = arith.constant 0 : i32
    %dma_wait3A_59 = tpu.memref_slice %arg7[%dma_wait3A_56, %dma_wait3A_57, %dma_wait3A_58] : memref<2x128x80xf32, #tpu.memory_space<vmem>> -> memref<1x128x80xf32, #tpu.memory_space<vmem>>
    %dma_wait3A_60 = tpu.memref_squeeze %dma_wait3A_59 : memref<1x128x80xf32, #tpu.memory_space<vmem>> -> memref<128x80xf32, #tpu.memory_space<vmem>>
    %dma_wait3A_61 = arith.constant 0 : i32
    %dma_wait3A_62 = arith.constant 0 : i32
    %dma_wait3A_63 = tpu.memref_slice %arg2[%dma_wait3A_61, %dma_wait3A_62] : memref<327680x80xf32, #tpu.memory_space<hbm>> -> memref<128x80xf32, #tpu.memory_space<hbm>>
    %dma_wait3A_64 = arith.constant 0 : i32
    %dma_wait3A_65 = arith.constant 0 : i32
    %dma_wait3A_66 = tpu.memref_slice %arg7[%dma_wait3A_56, %dma_wait3A_64, %dma_wait3A_65] : memref<2x128x80xf32, #tpu.memory_space<vmem>> -> memref<1x128x80xf32, #tpu.memory_space<vmem>>
    %dma_wait3A_67 = tpu.memref_squeeze %dma_wait3A_66 : memref<1x128x80xf32, #tpu.memory_space<vmem>> -> memref<128x80xf32, #tpu.memory_space<vmem>>
    %dma_wait3A_68 = arith.constant 0 : i32
    %dma_wait3A_69 = arith.constant 0 : i32
    %dma_wait3A_70 = tpu.memref_slice %arg2[%dma_wait3A_68, %dma_wait3A_69] : memref<327680x80xf32, #tpu.memory_space<hbm>> -> memref<128x80xf32, #tpu.memory_space<hbm>>
    tpu.wait_dma2 semaphore(%arg10 : memref<!tpu.dma_semaphore, #tpu.memory_space<semaphore_mem>>) src(%dma_wait3A_70 : memref<128x80xf32, #tpu.memory_space<hbm>>) dst(%dma_wait3A_67 : memref<128x80xf32, #tpu.memory_space<vmem>>)
    %run_scoped3A_71 = arith.constant 1 : i32
    %run_scoped3A_72 = arith.constant 79 : i32
    "tpu.region"() ({
      %run_scoped3A_82 = tpu.sem_alloc : memref<!tpu.dma_semaphore, #tpu.memory_space<semaphore_mem>>
      %dma_start3A_83 = arith.constant 0 : i32
      %dma_start3A_84 = arith.constant 0 : i32
      %dma_start3A_85 = tpu.memref_slice %arg7[%run_scoped3A_71, %dma_start3A_83, %dma_start3A_84] : memref<2x128x80xf32, #tpu.memory_space<vmem>> -> memref<1x128x80xf32, #tpu.memory_space<vmem>>
      %dma_start3A_86 = tpu.memref_squeeze %dma_start3A_85 : memref<1x128x80xf32, #tpu.memory_space<vmem>> -> memref<128x80xf32, #tpu.memory_space<vmem>>
      %dma_start3A_87 = arith.constant 0 : i32
      %dma_start3A_88 = tpu.memref_slice %arg6[%run_scoped3A_72, %dma_start3A_87] : memref<80x128xi32, #tpu.memory_space<vmem>> -> memref<1x128xi32, #tpu.memory_space<vmem>>
      %dma_start3A_89 = tpu.memref_squeeze %dma_start3A_88 : memref<1x128xi32, #tpu.memory_space<vmem>> -> memref<128xi32, #tpu.memory_space<vmem>>
      %dma_start3A_90 = arith.constant 0 : i32
      %dma_start3A_91 = arith.constant 0 : i32
      %dma_start3A_92 = tpu.memref_slice %arg8[%dma_start3A_90, %dma_start3A_91] : memref<10240x80xf32, #tpu.memory_space<vmem_shared>> -> memref<10240x80xf32, #tpu.memory_space<vmem_shared>>
      tpu.enqueue_indirect_dma source(%dma_start3A_86 : memref<128x80xf32, #tpu.memory_space<vmem>>) target(%dma_start3A_92 : memref<10240x80xf32, #tpu.memory_space<vmem_shared>>) offsets(%dma_start3A_89 : memref<128xi32, #tpu.memory_space<vmem>>) semaphore(%run_scoped3A_82 : memref<!tpu.dma_semaphore, #tpu.memory_space<semaphore_mem>>) {add = true}
      %dma_wait3A_93 = arith.constant 0 : i32
      %dma_wait3A_94 = arith.constant 0 : i32
      %dma_wait3A_95 = tpu.memref_slice %arg7[%run_scoped3A_71, %dma_wait3A_93, %dma_wait3A_94] : memref<2x128x80xf32, #tpu.memory_space<vmem>> -> memref<1x128x80xf32, #tpu.memory_space<vmem>>
      %dma_wait3A_96 = tpu.memref_squeeze %dma_wait3A_95 : memref<1x128x80xf32, #tpu.memory_space<vmem>> -> memref<128x80xf32, #tpu.memory_space<vmem>>
      %dma_wait3A_97 = arith.constant 0 : i32
      %dma_wait3A_98 = tpu.memref_slice %arg6[%run_scoped3A_72, %dma_wait3A_97] : memref<80x128xi32, #tpu.memory_space<vmem>> -> memref<1x128xi32, #tpu.memory_space<vmem>>
      %dma_wait3A_99 = tpu.memref_squeeze %dma_wait3A_98 : memref<1x128xi32, #tpu.memory_space<vmem>> -> memref<128xi32, #tpu.memory_space<vmem>>
      %dma_wait3A_100 = arith.constant 0 : i32
      %dma_wait3A_101 = arith.constant 0 : i32
      %dma_wait3A_102 = tpu.memref_slice %arg8[%dma_wait3A_100, %dma_wait3A_101] : memref<10240x80xf32, #tpu.memory_space<vmem_shared>> -> memref<10240x80xf32, #tpu.memory_space<vmem_shared>>
      tpu.wait_indirect_dma semaphore(%run_scoped3A_82 : memref<!tpu.dma_semaphore, #tpu.memory_space<semaphore_mem>>) src(%dma_wait3A_96 : memref<128x80xf32, #tpu.memory_space<vmem>>) dst(%dma_wait3A_102 : memref<10240x80xf32, #tpu.memory_space<vmem_shared>>)
      tpu.yield
    }) : () -> ()
    %barrier3A_73 = arith.constant 0 : index
    tpu.barrier barrier_id(%barrier3A_73)
    %mul3A_74 = arith.constant 10240 : i32
    %mul3A_75 = arith.muli %arg0, %mul3A_74 : i32
    %mul3A_76 = arith.constant 640 : i32
    %mul3A_77 = arith.muli %arg1, %mul3A_76 : i32
    %add3A_78 = arith.addi %mul3A_75, %mul3A_77 : i32
    %multiple_of3A_79 = tpu.assume_multiple %add3A_78, 8 : i32
    %mul3A_80 = arith.constant 640 : i32
    %mul3A_81 = arith.muli %arg1, %mul3A_80 : i32
    "tpu.region"() ({
      %run_scoped3A_82 = tpu.sem_alloc : memref<!tpu.dma_semaphore, #tpu.memory_space<semaphore_mem>>
      %dma_start3A_83 = arith.constant 0 : i32
      %dma_start3A_84 = tpu.memref_slice %arg5[%multiple_of3A_79, %dma_start3A_83] : memref<20480x80xf32, #tpu.memory_space<hbm>> -> memref<640x80xf32, #tpu.memory_space<hbm>>
      %dma_start3A_85 = arith.constant 0 : i32
      %dma_start3A_86 = tpu.memref_slice %arg8[%mul3A_81, %dma_start3A_85] : memref<10240x80xf32, #tpu.memory_space<vmem_shared>> -> memref<640x80xf32, #tpu.memory_space<vmem_shared>>
      tpu.enqueue_dma source(%dma_start3A_86 : memref<640x80xf32, #tpu.memory_space<vmem_shared>>) target(%dma_start3A_84 : memref<640x80xf32, #tpu.memory_space<hbm>>) target_semaphore(%run_scoped3A_82 : memref<!tpu.dma_semaphore, #tpu.memory_space<semaphore_mem>>)
      %dma_wait3A_87 = arith.constant 0 : i32
      %dma_wait3A_88 = tpu.memref_slice %arg5[%multiple_of3A_79, %dma_wait3A_87] : memref<20480x80xf32, #tpu.memory_space<hbm>> -> memref<640x80xf32, #tpu.memory_space<hbm>>
      %dma_wait3A_89 = arith.constant 0 : i32
      %dma_wait3A_90 = tpu.memref_slice %arg8[%mul3A_81, %dma_wait3A_89] : memref<10240x80xf32, #tpu.memory_space<vmem_shared>> -> memref<640x80xf32, #tpu.memory_space<vmem_shared>>
      tpu.wait_dma2 semaphore(%run_scoped3A_82 : memref<!tpu.dma_semaphore, #tpu.memory_space<semaphore_mem>>) src(%dma_wait3A_90 : memref<640x80xf32, #tpu.memory_space<vmem_shared>>) dst(%dma_wait3A_88 : memref<640x80xf32, #tpu.memory_space<hbm>>)
      tpu.yield
    }) : () -> ()
    return
  }
}

#map = affine_map<(d0, d1) -> (0, 0)>
#map1 = affine_map<(d0, d1) -> (0)>
module attributes {stable_mosaic.version = 14 : i64} {
  func.func @k(%arg0: i32, %arg1: i32, %arg2: memref<10240x128xbf16, #tpu.memory_space<hbm>>, %arg3: memref<40960xi32, #tpu.memory_space<hbm>>, %arg4: memref<40960x128xbf16, #tpu.memory_space<hbm>>, %arg5: memref<1280xi32, #tpu.memory_space<vmem>>, %arg6: memref<2x128x128xbf16, #tpu.memory_space<vmem>>, %arg7: memref<!tpu.dma_semaphore, #tpu.memory_space<semaphore_mem>>, %arg8: memref<!tpu.dma_semaphore, #tpu.memory_space<semaphore_mem>>) attributes {dimension_semantics = [#tpu.dimension_semantics<core_parallel>, #tpu.dimension_semantics<subcore_parallel>], iteration_bounds = array<i64: 2, 16>, scalar_prefetch = 0 : i64, scratch_operands = 4 : i64, tpu.core_type = #tpu.core_type<sc_vector_subcore>, window_params = [{transform_indices = #map}, {transform_indices = #map1}, {transform_indices = #map}]} {
    %mul3A = arith.constant 2 : i32
    %mul3A_0 = arith.muli %arg1, %mul3A : i32
    %add3A = arith.addi %mul3A_0, %arg0 : i32
    %mul3A_1 = arith.constant 1280 : i32
    %mul3A_2 = arith.muli %add3A, %mul3A_1 : i32
    %multiple_of3A = tpu.assume_multiple %mul3A_2, 8 : i32
    "tpu.region"() ({
      %run_scoped3A_55 = tpu.sem_alloc : memref<!tpu.dma_semaphore, #tpu.memory_space<semaphore_mem>>
      %dma_start3A_56 = tpu.memref_slice %arg3[%multiple_of3A] : memref<40960xi32, #tpu.memory_space<hbm>> -> memref<1280xi32, #tpu.memory_space<hbm>>
      %dma_start3A_57 = tpu.memref_slice %arg3[%multiple_of3A] : memref<40960xi32, #tpu.memory_space<hbm>> -> memref<1280xi32, #tpu.memory_space<hbm>>
      tpu.enqueue_dma source(%dma_start3A_57 : memref<1280xi32, #tpu.memory_space<hbm>>) target(%arg5 : memref<1280xi32, #tpu.memory_space<vmem>>) target_semaphore(%run_scoped3A_55 : memref<!tpu.dma_semaphore, #tpu.memory_space<semaphore_mem>>)
      %dma_wait3A_58 = tpu.memref_slice %arg3[%multiple_of3A] : memref<40960xi32, #tpu.memory_space<hbm>> -> memref<1280xi32, #tpu.memory_space<hbm>>
      %dma_wait3A_59 = tpu.memref_slice %arg3[%multiple_of3A] : memref<40960xi32, #tpu.memory_space<hbm>> -> memref<1280xi32, #tpu.memory_space<hbm>>
      tpu.wait_dma2 semaphore(%run_scoped3A_55 : memref<!tpu.dma_semaphore, #tpu.memory_space<semaphore_mem>>) src(%dma_wait3A_59 : memref<1280xi32, #tpu.memory_space<hbm>>) dst(%arg5 : memref<1280xi32, #tpu.memory_space<vmem>>)
      tpu.yield
    }) : () -> ()
    %multiple_of3A_3 = arith.constant 0 : i32
    %multiple_of3A_4 = tpu.assume_multiple %multiple_of3A_3, 8 : i32
    %dma_start3A = arith.constant 0 : i32
    %dma_start3A_5 = arith.constant 0 : i32
    %dma_start3A_6 = arith.constant 0 : i32
    %dma_start3A_7 = tpu.memref_slice %arg6[%dma_start3A, %dma_start3A_5, %dma_start3A_6] : memref<2x128x128xbf16, #tpu.memory_space<vmem>> -> memref<1x128x128xbf16, #tpu.memory_space<vmem>>
    %dma_start3A_8 = tpu.memref_squeeze %dma_start3A_7 : memref<1x128x128xbf16, #tpu.memory_space<vmem>> -> memref<128x128xbf16, #tpu.memory_space<vmem>>
    %dma_start3A_9 = tpu.memref_slice %arg5[%multiple_of3A_4] : memref<1280xi32, #tpu.memory_space<vmem>> -> memref<128xi32, #tpu.memory_space<vmem>>
    %dma_start3A_10 = arith.constant 0 : i32
    %dma_start3A_11 = arith.constant 0 : i32
    %dma_start3A_12 = tpu.memref_slice %arg2[%dma_start3A_10, %dma_start3A_11] : memref<10240x128xbf16, #tpu.memory_space<hbm>> -> memref<10240x128xbf16, #tpu.memory_space<hbm>>
    tpu.enqueue_indirect_dma source(%dma_start3A_12 : memref<10240x128xbf16, #tpu.memory_space<hbm>>) target(%dma_start3A_8 : memref<128x128xbf16, #tpu.memory_space<vmem>>) offsets(%dma_start3A_9 : memref<128xi32, #tpu.memory_space<vmem>>) semaphore(%arg7 : memref<!tpu.dma_semaphore, #tpu.memory_space<semaphore_mem>>)
    %multiple_of3A_13 = arith.constant 128 : i32
    %multiple_of3A_14 = tpu.assume_multiple %multiple_of3A_13, 8 : i32
    %dma_start3A_15 = arith.constant 1 : i32
    %dma_start3A_16 = arith.constant 0 : i32
    %dma_start3A_17 = arith.constant 0 : i32
    %dma_start3A_18 = tpu.memref_slice %arg6[%dma_start3A_15, %dma_start3A_16, %dma_start3A_17] : memref<2x128x128xbf16, #tpu.memory_space<vmem>> -> memref<1x128x128xbf16, #tpu.memory_space<vmem>>
    %dma_start3A_19 = tpu.memref_squeeze %dma_start3A_18 : memref<1x128x128xbf16, #tpu.memory_space<vmem>> -> memref<128x128xbf16, #tpu.memory_space<vmem>>
    %dma_start3A_20 = tpu.memref_slice %arg5[%multiple_of3A_14] : memref<1280xi32, #tpu.memory_space<vmem>> -> memref<128xi32, #tpu.memory_space<vmem>>
    %dma_start3A_21 = arith.constant 0 : i32
    %dma_start3A_22 = arith.constant 0 : i32
    %dma_start3A_23 = tpu.memref_slice %arg2[%dma_start3A_21, %dma_start3A_22] : memref<10240x128xbf16, #tpu.memory_space<hbm>> -> memref<10240x128xbf16, #tpu.memory_space<hbm>>
    tpu.enqueue_indirect_dma source(%dma_start3A_23 : memref<10240x128xbf16, #tpu.memory_space<hbm>>) target(%dma_start3A_19 : memref<128x128xbf16, #tpu.memory_space<vmem>>) offsets(%dma_start3A_20 : memref<128xi32, #tpu.memory_space<vmem>>) semaphore(%arg8 : memref<!tpu.dma_semaphore, #tpu.memory_space<semaphore_mem>>)
    %scan3A = arith.constant 0 : i32
    %scan3A_24 = arith.constant 0 : i32
    %scan3A_25 = arith.constant 4 : i32
    %scan3A_26 = arith.addi %scan3A_24, %scan3A_25 : i32
    %scan3A_27 = arith.constant 1 : i32
    scf.for %scan3A_55 = %scan3A_24 to %scan3A_26 step %scan3A_27  : i32 {
      %mul3A_56 = arith.constant 2 : i32
      %mul3A_57 = arith.muli %mul3A_56, %scan3A_55 : i32
      %dma_wait3A_58 = arith.constant 0 : i32
      %dma_wait3A_59 = arith.constant 0 : i32
      %dma_wait3A_60 = arith.constant 0 : i32
      %dma_wait3A_61 = tpu.memref_slice %arg6[%dma_wait3A_58, %dma_wait3A_59, %dma_wait3A_60] : memref<2x128x128xbf16, #tpu.memory_space<vmem>> -> memref<1x128x128xbf16, #tpu.memory_space<vmem>>
      %dma_wait3A_62 = tpu.memref_squeeze %dma_wait3A_61 : memref<1x128x128xbf16, #tpu.memory_space<vmem>> -> memref<128x128xbf16, #tpu.memory_space<vmem>>
      %dma_wait3A_63 = arith.constant 0 : i32
      %dma_wait3A_64 = tpu.memref_slice %arg5[%dma_wait3A_63] : memref<1280xi32, #tpu.memory_space<vmem>> -> memref<128xi32, #tpu.memory_space<vmem>>
      %dma_wait3A_65 = arith.constant 0 : i32
      %dma_wait3A_66 = arith.constant 0 : i32
      %dma_wait3A_67 = tpu.memref_slice %arg2[%dma_wait3A_65, %dma_wait3A_66] : memref<10240x128xbf16, #tpu.memory_space<hbm>> -> memref<10240x128xbf16, #tpu.memory_space<hbm>>
      tpu.wait_indirect_dma semaphore(%arg7 : memref<!tpu.dma_semaphore, #tpu.memory_space<semaphore_mem>>) src(%dma_wait3A_67 : memref<10240x128xbf16, #tpu.memory_space<hbm>>) dst(%dma_wait3A_62 : memref<128x128xbf16, #tpu.memory_space<vmem>>)
      %mul3A_68 = arith.constant 128 : i32
      %mul3A_69 = arith.muli %mul3A_57, %mul3A_68 : i32
      %add3A_70 = arith.addi %multiple_of3A, %mul3A_69 : i32
      %multiple_of3A_71 = tpu.assume_multiple %add3A_70, 8 : i32
      %run_scoped3A_72 = arith.constant 0 : i32
      "tpu.region"() ({
        %run_scoped3A_124 = tpu.sem_alloc : memref<!tpu.dma_semaphore, #tpu.memory_space<semaphore_mem>>
        %dma_start3A_125 = arith.constant 0 : i32
        %dma_start3A_126 = arith.constant 0 : i32
        %dma_start3A_127 = tpu.memref_slice %arg6[%run_scoped3A_72, %dma_start3A_125, %dma_start3A_126] : memref<2x128x128xbf16, #tpu.memory_space<vmem>> -> memref<1x128x128xbf16, #tpu.memory_space<vmem>>
        %dma_start3A_128 = tpu.memref_squeeze %dma_start3A_127 : memref<1x128x128xbf16, #tpu.memory_space<vmem>> -> memref<128x128xbf16, #tpu.memory_space<vmem>>
        %dma_start3A_129 = arith.constant 0 : i32
        %dma_start3A_130 = tpu.memref_slice %arg4[%multiple_of3A_71, %dma_start3A_129] : memref<40960x128xbf16, #tpu.memory_space<hbm>> -> memref<128x128xbf16, #tpu.memory_space<hbm>>
        %dma_start3A_131 = arith.constant 0 : i32
        %dma_start3A_132 = tpu.memref_slice %arg4[%multiple_of3A_71, %dma_start3A_131] : memref<40960x128xbf16, #tpu.memory_space<hbm>> -> memref<128x128xbf16, #tpu.memory_space<hbm>>
        %dma_start3A_133 = arith.constant 0 : i32
        %dma_start3A_134 = arith.constant 0 : i32
        %dma_start3A_135 = tpu.memref_slice %arg6[%run_scoped3A_72, %dma_start3A_133, %dma_start3A_134] : memref<2x128x128xbf16, #tpu.memory_space<vmem>> -> memref<1x128x128xbf16, #tpu.memory_space<vmem>>
        %dma_start3A_136 = tpu.memref_squeeze %dma_start3A_135 : memref<1x128x128xbf16, #tpu.memory_space<vmem>> -> memref<128x128xbf16, #tpu.memory_space<vmem>>
        tpu.enqueue_dma source(%dma_start3A_136 : memref<128x128xbf16, #tpu.memory_space<vmem>>) target(%dma_start3A_132 : memref<128x128xbf16, #tpu.memory_space<hbm>>) target_semaphore(%run_scoped3A_124 : memref<!tpu.dma_semaphore, #tpu.memory_space<semaphore_mem>>)
        %dma_wait3A_137 = arith.constant 0 : i32
        %dma_wait3A_138 = arith.constant 0 : i32
        %dma_wait3A_139 = tpu.memref_slice %arg6[%run_scoped3A_72, %dma_wait3A_137, %dma_wait3A_138] : memref<2x128x128xbf16, #tpu.memory_space<vmem>> -> memref<1x128x128xbf16, #tpu.memory_space<vmem>>
        %dma_wait3A_140 = tpu.memref_squeeze %dma_wait3A_139 : memref<1x128x128xbf16, #tpu.memory_space<vmem>> -> memref<128x128xbf16, #tpu.memory_space<vmem>>
        %dma_wait3A_141 = arith.constant 0 : i32
        %dma_wait3A_142 = tpu.memref_slice %arg4[%multiple_of3A_71, %dma_wait3A_141] : memref<40960x128xbf16, #tpu.memory_space<hbm>> -> memref<128x128xbf16, #tpu.memory_space<hbm>>
        %dma_wait3A_143 = arith.constant 0 : i32
        %dma_wait3A_144 = tpu.memref_slice %arg4[%multiple_of3A_71, %dma_wait3A_143] : memref<40960x128xbf16, #tpu.memory_space<hbm>> -> memref<128x128xbf16, #tpu.memory_space<hbm>>
        %dma_wait3A_145 = arith.constant 0 : i32
        %dma_wait3A_146 = arith.constant 0 : i32
        %dma_wait3A_147 = tpu.memref_slice %arg6[%run_scoped3A_72, %dma_wait3A_145, %dma_wait3A_146] : memref<2x128x128xbf16, #tpu.memory_space<vmem>> -> memref<1x128x128xbf16, #tpu.memory_space<vmem>>
        %dma_wait3A_148 = tpu.memref_squeeze %dma_wait3A_147 : memref<1x128x128xbf16, #tpu.memory_space<vmem>> -> memref<128x128xbf16, #tpu.memory_space<vmem>>
        tpu.wait_dma2 semaphore(%run_scoped3A_124 : memref<!tpu.dma_semaphore, #tpu.memory_space<semaphore_mem>>) src(%dma_wait3A_148 : memref<128x128xbf16, #tpu.memory_space<vmem>>) dst(%dma_wait3A_144 : memref<128x128xbf16, #tpu.memory_space<hbm>>)
        tpu.yield
      }) : () -> ()
      %mul3A_73 = arith.constant 2 : i32
      %mul3A_74 = arith.muli %mul3A_73, %scan3A_55 : i32
      %add3A_75 = arith.constant 2 : i32
      %add3A_76 = arith.addi %mul3A_74, %add3A_75 : i32
      %mul3A_77 = arith.constant 128 : i32
      %mul3A_78 = arith.muli %add3A_76, %mul3A_77 : i32
      %multiple_of3A_79 = tpu.assume_multiple %mul3A_78, 8 : i32
      %dma_start3A_80 = arith.constant 0 : i32
      %dma_start3A_81 = arith.constant 0 : i32
      %dma_start3A_82 = arith.constant 0 : i32
      %dma_start3A_83 = tpu.memref_slice %arg6[%dma_start3A_80, %dma_start3A_81, %dma_start3A_82] : memref<2x128x128xbf16, #tpu.memory_space<vmem>> -> memref<1x128x128xbf16, #tpu.memory_space<vmem>>
      %dma_start3A_84 = tpu.memref_squeeze %dma_start3A_83 : memref<1x128x128xbf16, #tpu.memory_space<vmem>> -> memref<128x128xbf16, #tpu.memory_space<vmem>>
      %dma_start3A_85 = tpu.memref_slice %arg5[%multiple_of3A_79] : memref<1280xi32, #tpu.memory_space<vmem>> -> memref<128xi32, #tpu.memory_space<vmem>>
      %dma_start3A_86 = arith.constant 0 : i32
      %dma_start3A_87 = arith.constant 0 : i32
      %dma_start3A_88 = tpu.memref_slice %arg2[%dma_start3A_86, %dma_start3A_87] : memref<10240x128xbf16, #tpu.memory_space<hbm>> -> memref<10240x128xbf16, #tpu.memory_space<hbm>>
      tpu.enqueue_indirect_dma source(%dma_start3A_88 : memref<10240x128xbf16, #tpu.memory_space<hbm>>) target(%dma_start3A_84 : memref<128x128xbf16, #tpu.memory_space<vmem>>) offsets(%dma_start3A_85 : memref<128xi32, #tpu.memory_space<vmem>>) semaphore(%arg7 : memref<!tpu.dma_semaphore, #tpu.memory_space<semaphore_mem>>)
      %mul3A_89 = arith.constant 2 : i32
      %mul3A_90 = arith.muli %mul3A_89, %scan3A_55 : i32
      %add3A_91 = arith.constant 1 : i32
      %add3A_92 = arith.addi %mul3A_90, %add3A_91 : i32
      %dma_wait3A_93 = arith.constant 1 : i32
      %dma_wait3A_94 = arith.constant 0 : i32
      %dma_wait3A_95 = arith.constant 0 : i32
      %dma_wait3A_96 = tpu.memref_slice %arg6[%dma_wait3A_93, %dma_wait3A_94, %dma_wait3A_95] : memref<2x128x128xbf16, #tpu.memory_space<vmem>> -> memref<1x128x128xbf16, #tpu.memory_space<vmem>>
      %dma_wait3A_97 = tpu.memref_squeeze %dma_wait3A_96 : memref<1x128x128xbf16, #tpu.memory_space<vmem>> -> memref<128x128xbf16, #tpu.memory_space<vmem>>
      %dma_wait3A_98 = arith.constant 0 : i32
      %dma_wait3A_99 = tpu.memref_slice %arg5[%dma_wait3A_98] : memref<1280xi32, #tpu.memory_space<vmem>> -> memref<128xi32, #tpu.memory_space<vmem>>
      %dma_wait3A_100 = arith.constant 0 : i32
      %dma_wait3A_101 = arith.constant 0 : i32
      %dma_wait3A_102 = tpu.memref_slice %arg2[%dma_wait3A_100, %dma_wait3A_101] : memref<10240x128xbf16, #tpu.memory_space<hbm>> -> memref<10240x128xbf16, #tpu.memory_space<hbm>>
      tpu.wait_indirect_dma semaphore(%arg8 : memref<!tpu.dma_semaphore, #tpu.memory_space<semaphore_mem>>) src(%dma_wait3A_102 : memref<10240x128xbf16, #tpu.memory_space<hbm>>) dst(%dma_wait3A_97 : memref<128x128xbf16, #tpu.memory_space<vmem>>)
      %mul3A_103 = arith.constant 128 : i32
      %mul3A_104 = arith.muli %add3A_92, %mul3A_103 : i32
      %add3A_105 = arith.addi %multiple_of3A, %mul3A_104 : i32
      %multiple_of3A_106 = tpu.assume_multiple %add3A_105, 8 : i32
      %run_scoped3A_107 = arith.constant 1 : i32
      "tpu.region"() ({
        %run_scoped3A_124 = tpu.sem_alloc : memref<!tpu.dma_semaphore, #tpu.memory_space<semaphore_mem>>
        %dma_start3A_125 = arith.constant 0 : i32
        %dma_start3A_126 = arith.constant 0 : i32
        %dma_start3A_127 = tpu.memref_slice %arg6[%run_scoped3A_107, %dma_start3A_125, %dma_start3A_126] : memref<2x128x128xbf16, #tpu.memory_space<vmem>> -> memref<1x128x128xbf16, #tpu.memory_space<vmem>>
        %dma_start3A_128 = tpu.memref_squeeze %dma_start3A_127 : memref<1x128x128xbf16, #tpu.memory_space<vmem>> -> memref<128x128xbf16, #tpu.memory_space<vmem>>
        %dma_start3A_129 = arith.constant 0 : i32
        %dma_start3A_130 = tpu.memref_slice %arg4[%multiple_of3A_106, %dma_start3A_129] : memref<40960x128xbf16, #tpu.memory_space<hbm>> -> memref<128x128xbf16, #tpu.memory_space<hbm>>
        %dma_start3A_131 = arith.constant 0 : i32
        %dma_start3A_132 = tpu.memref_slice %arg4[%multiple_of3A_106, %dma_start3A_131] : memref<40960x128xbf16, #tpu.memory_space<hbm>> -> memref<128x128xbf16, #tpu.memory_space<hbm>>
        %dma_start3A_133 = arith.constant 0 : i32
        %dma_start3A_134 = arith.constant 0 : i32
        %dma_start3A_135 = tpu.memref_slice %arg6[%run_scoped3A_107, %dma_start3A_133, %dma_start3A_134] : memref<2x128x128xbf16, #tpu.memory_space<vmem>> -> memref<1x128x128xbf16, #tpu.memory_space<vmem>>
        %dma_start3A_136 = tpu.memref_squeeze %dma_start3A_135 : memref<1x128x128xbf16, #tpu.memory_space<vmem>> -> memref<128x128xbf16, #tpu.memory_space<vmem>>
        tpu.enqueue_dma source(%dma_start3A_136 : memref<128x128xbf16, #tpu.memory_space<vmem>>) target(%dma_start3A_132 : memref<128x128xbf16, #tpu.memory_space<hbm>>) target_semaphore(%run_scoped3A_124 : memref<!tpu.dma_semaphore, #tpu.memory_space<semaphore_mem>>)
        %dma_wait3A_137 = arith.constant 0 : i32
        %dma_wait3A_138 = arith.constant 0 : i32
        %dma_wait3A_139 = tpu.memref_slice %arg6[%run_scoped3A_107, %dma_wait3A_137, %dma_wait3A_138] : memref<2x128x128xbf16, #tpu.memory_space<vmem>> -> memref<1x128x128xbf16, #tpu.memory_space<vmem>>
        %dma_wait3A_140 = tpu.memref_squeeze %dma_wait3A_139 : memref<1x128x128xbf16, #tpu.memory_space<vmem>> -> memref<128x128xbf16, #tpu.memory_space<vmem>>
        %dma_wait3A_141 = arith.constant 0 : i32
        %dma_wait3A_142 = tpu.memref_slice %arg4[%multiple_of3A_106, %dma_wait3A_141] : memref<40960x128xbf16, #tpu.memory_space<hbm>> -> memref<128x128xbf16, #tpu.memory_space<hbm>>
        %dma_wait3A_143 = arith.constant 0 : i32
        %dma_wait3A_144 = tpu.memref_slice %arg4[%multiple_of3A_106, %dma_wait3A_143] : memref<40960x128xbf16, #tpu.memory_space<hbm>> -> memref<128x128xbf16, #tpu.memory_space<hbm>>
        %dma_wait3A_145 = arith.constant 0 : i32
        %dma_wait3A_146 = arith.constant 0 : i32
        %dma_wait3A_147 = tpu.memref_slice %arg6[%run_scoped3A_107, %dma_wait3A_145, %dma_wait3A_146] : memref<2x128x128xbf16, #tpu.memory_space<vmem>> -> memref<1x128x128xbf16, #tpu.memory_space<vmem>>
        %dma_wait3A_148 = tpu.memref_squeeze %dma_wait3A_147 : memref<1x128x128xbf16, #tpu.memory_space<vmem>> -> memref<128x128xbf16, #tpu.memory_space<vmem>>
        tpu.wait_dma2 semaphore(%run_scoped3A_124 : memref<!tpu.dma_semaphore, #tpu.memory_space<semaphore_mem>>) src(%dma_wait3A_148 : memref<128x128xbf16, #tpu.memory_space<vmem>>) dst(%dma_wait3A_144 : memref<128x128xbf16, #tpu.memory_space<hbm>>)
        tpu.yield
      }) : () -> ()
      %mul3A_108 = arith.constant 2 : i32
      %mul3A_109 = arith.muli %mul3A_108, %scan3A_55 : i32
      %add3A_110 = arith.constant 3 : i32
      %add3A_111 = arith.addi %mul3A_109, %add3A_110 : i32
      %mul3A_112 = arith.constant 128 : i32
      %mul3A_113 = arith.muli %add3A_111, %mul3A_112 : i32
      %multiple_of3A_114 = tpu.assume_multiple %mul3A_113, 8 : i32
      %dma_start3A_115 = arith.constant 1 : i32
      %dma_start3A_116 = arith.constant 0 : i32
      %dma_start3A_117 = arith.constant 0 : i32
      %dma_start3A_118 = tpu.memref_slice %arg6[%dma_start3A_115, %dma_start3A_116, %dma_start3A_117] : memref<2x128x128xbf16, #tpu.memory_space<vmem>> -> memref<1x128x128xbf16, #tpu.memory_space<vmem>>
      %dma_start3A_119 = tpu.memref_squeeze %dma_start3A_118 : memref<1x128x128xbf16, #tpu.memory_space<vmem>> -> memref<128x128xbf16, #tpu.memory_space<vmem>>
      %dma_start3A_120 = tpu.memref_slice %arg5[%multiple_of3A_114] : memref<1280xi32, #tpu.memory_space<vmem>> -> memref<128xi32, #tpu.memory_space<vmem>>
      %dma_start3A_121 = arith.constant 0 : i32
      %dma_start3A_122 = arith.constant 0 : i32
      %dma_start3A_123 = tpu.memref_slice %arg2[%dma_start3A_121, %dma_start3A_122] : memref<10240x128xbf16, #tpu.memory_space<hbm>> -> memref<10240x128xbf16, #tpu.memory_space<hbm>>
      tpu.enqueue_indirect_dma source(%dma_start3A_123 : memref<10240x128xbf16, #tpu.memory_space<hbm>>) target(%dma_start3A_119 : memref<128x128xbf16, #tpu.memory_space<vmem>>) offsets(%dma_start3A_120 : memref<128xi32, #tpu.memory_space<vmem>>) semaphore(%arg8 : memref<!tpu.dma_semaphore, #tpu.memory_space<semaphore_mem>>)
    }
    %scan3A_28 = arith.constant 4 : i32
    %dma_wait3A = arith.constant 0 : i32
    %dma_wait3A_29 = arith.constant 0 : i32
    %dma_wait3A_30 = arith.constant 0 : i32
    %dma_wait3A_31 = tpu.memref_slice %arg6[%dma_wait3A, %dma_wait3A_29, %dma_wait3A_30] : memref<2x128x128xbf16, #tpu.memory_space<vmem>> -> memref<1x128x128xbf16, #tpu.memory_space<vmem>>
    %dma_wait3A_32 = tpu.memref_squeeze %dma_wait3A_31 : memref<1x128x128xbf16, #tpu.memory_space<vmem>> -> memref<128x128xbf16, #tpu.memory_space<vmem>>
    %dma_wait3A_33 = arith.constant 0 : i32
    %dma_wait3A_34 = tpu.memref_slice %arg5[%dma_wait3A_33] : memref<1280xi32, #tpu.memory_space<vmem>> -> memref<128xi32, #tpu.memory_space<vmem>>
    %dma_wait3A_35 = arith.constant 0 : i32
    %dma_wait3A_36 = arith.constant 0 : i32
    %dma_wait3A_37 = tpu.memref_slice %arg2[%dma_wait3A_35, %dma_wait3A_36] : memref<10240x128xbf16, #tpu.memory_space<hbm>> -> memref<10240x128xbf16, #tpu.memory_space<hbm>>
    tpu.wait_indirect_dma semaphore(%arg7 : memref<!tpu.dma_semaphore, #tpu.memory_space<semaphore_mem>>) src(%dma_wait3A_37 : memref<10240x128xbf16, #tpu.memory_space<hbm>>) dst(%dma_wait3A_32 : memref<128x128xbf16, #tpu.memory_space<vmem>>)
    %add3A_38 = arith.constant 1024 : i32
    %add3A_39 = arith.addi %multiple_of3A, %add3A_38 : i32
    %multiple_of3A_40 = tpu.assume_multiple %add3A_39, 8 : i32
    %run_scoped3A = arith.constant 0 : i32
    "tpu.region"() ({
      %run_scoped3A_55 = tpu.sem_alloc : memref<!tpu.dma_semaphore, #tpu.memory_space<semaphore_mem>>
      %dma_start3A_56 = arith.constant 0 : i32
      %dma_start3A_57 = arith.constant 0 : i32
      %dma_start3A_58 = tpu.memref_slice %arg6[%run_scoped3A, %dma_start3A_56, %dma_start3A_57] : memref<2x128x128xbf16, #tpu.memory_space<vmem>> -> memref<1x128x128xbf16, #tpu.memory_space<vmem>>
      %dma_start3A_59 = tpu.memref_squeeze %dma_start3A_58 : memref<1x128x128xbf16, #tpu.memory_space<vmem>> -> memref<128x128xbf16, #tpu.memory_space<vmem>>
      %dma_start3A_60 = arith.constant 0 : i32
      %dma_start3A_61 = tpu.memref_slice %arg4[%multiple_of3A_40, %dma_start3A_60] : memref<40960x128xbf16, #tpu.memory_space<hbm>> -> memref<128x128xbf16, #tpu.memory_space<hbm>>
      %dma_start3A_62 = arith.constant 0 : i32
      %dma_start3A_63 = tpu.memref_slice %arg4[%multiple_of3A_40, %dma_start3A_62] : memref<40960x128xbf16, #tpu.memory_space<hbm>> -> memref<128x128xbf16, #tpu.memory_space<hbm>>
      %dma_start3A_64 = arith.constant 0 : i32
      %dma_start3A_65 = arith.constant 0 : i32
      %dma_start3A_66 = tpu.memref_slice %arg6[%run_scoped3A, %dma_start3A_64, %dma_start3A_65] : memref<2x128x128xbf16, #tpu.memory_space<vmem>> -> memref<1x128x128xbf16, #tpu.memory_space<vmem>>
      %dma_start3A_67 = tpu.memref_squeeze %dma_start3A_66 : memref<1x128x128xbf16, #tpu.memory_space<vmem>> -> memref<128x128xbf16, #tpu.memory_space<vmem>>
      tpu.enqueue_dma source(%dma_start3A_67 : memref<128x128xbf16, #tpu.memory_space<vmem>>) target(%dma_start3A_63 : memref<128x128xbf16, #tpu.memory_space<hbm>>) target_semaphore(%run_scoped3A_55 : memref<!tpu.dma_semaphore, #tpu.memory_space<semaphore_mem>>)
      %dma_wait3A_68 = arith.constant 0 : i32
      %dma_wait3A_69 = arith.constant 0 : i32
      %dma_wait3A_70 = tpu.memref_slice %arg6[%run_scoped3A, %dma_wait3A_68, %dma_wait3A_69] : memref<2x128x128xbf16, #tpu.memory_space<vmem>> -> memref<1x128x128xbf16, #tpu.memory_space<vmem>>
      %dma_wait3A_71 = tpu.memref_squeeze %dma_wait3A_70 : memref<1x128x128xbf16, #tpu.memory_space<vmem>> -> memref<128x128xbf16, #tpu.memory_space<vmem>>
      %dma_wait3A_72 = arith.constant 0 : i32
      %dma_wait3A_73 = tpu.memref_slice %arg4[%multiple_of3A_40, %dma_wait3A_72] : memref<40960x128xbf16, #tpu.memory_space<hbm>> -> memref<128x128xbf16, #tpu.memory_space<hbm>>
      %dma_wait3A_74 = arith.constant 0 : i32
      %dma_wait3A_75 = tpu.memref_slice %arg4[%multiple_of3A_40, %dma_wait3A_74] : memref<40960x128xbf16, #tpu.memory_space<hbm>> -> memref<128x128xbf16, #tpu.memory_space<hbm>>
      %dma_wait3A_76 = arith.constant 0 : i32
      %dma_wait3A_77 = arith.constant 0 : i32
      %dma_wait3A_78 = tpu.memref_slice %arg6[%run_scoped3A, %dma_wait3A_76, %dma_wait3A_77] : memref<2x128x128xbf16, #tpu.memory_space<vmem>> -> memref<1x128x128xbf16, #tpu.memory_space<vmem>>
      %dma_wait3A_79 = tpu.memref_squeeze %dma_wait3A_78 : memref<1x128x128xbf16, #tpu.memory_space<vmem>> -> memref<128x128xbf16, #tpu.memory_space<vmem>>
      tpu.wait_dma2 semaphore(%run_scoped3A_55 : memref<!tpu.dma_semaphore, #tpu.memory_space<semaphore_mem>>) src(%dma_wait3A_79 : memref<128x128xbf16, #tpu.memory_space<vmem>>) dst(%dma_wait3A_75 : memref<128x128xbf16, #tpu.memory_space<hbm>>)
      tpu.yield
    }) : () -> ()
    %dma_wait3A_41 = arith.constant 1 : i32
    %dma_wait3A_42 = arith.constant 0 : i32
    %dma_wait3A_43 = arith.constant 0 : i32
    %dma_wait3A_44 = tpu.memref_slice %arg6[%dma_wait3A_41, %dma_wait3A_42, %dma_wait3A_43] : memref<2x128x128xbf16, #tpu.memory_space<vmem>> -> memref<1x128x128xbf16, #tpu.memory_space<vmem>>
    %dma_wait3A_45 = tpu.memref_squeeze %dma_wait3A_44 : memref<1x128x128xbf16, #tpu.memory_space<vmem>> -> memref<128x128xbf16, #tpu.memory_space<vmem>>
    %dma_wait3A_46 = arith.constant 0 : i32
    %dma_wait3A_47 = tpu.memref_slice %arg5[%dma_wait3A_46] : memref<1280xi32, #tpu.memory_space<vmem>> -> memref<128xi32, #tpu.memory_space<vmem>>
    %dma_wait3A_48 = arith.constant 0 : i32
    %dma_wait3A_49 = arith.constant 0 : i32
    %dma_wait3A_50 = tpu.memref_slice %arg2[%dma_wait3A_48, %dma_wait3A_49] : memref<10240x128xbf16, #tpu.memory_space<hbm>> -> memref<10240x128xbf16, #tpu.memory_space<hbm>>
    tpu.wait_indirect_dma semaphore(%arg8 : memref<!tpu.dma_semaphore, #tpu.memory_space<semaphore_mem>>) src(%dma_wait3A_50 : memref<10240x128xbf16, #tpu.memory_space<hbm>>) dst(%dma_wait3A_45 : memref<128x128xbf16, #tpu.memory_space<vmem>>)
    %add3A_51 = arith.constant 1152 : i32
    %add3A_52 = arith.addi %multiple_of3A, %add3A_51 : i32
    %multiple_of3A_53 = tpu.assume_multiple %add3A_52, 8 : i32
    %run_scoped3A_54 = arith.constant 1 : i32
    "tpu.region"() ({
      %run_scoped3A_55 = tpu.sem_alloc : memref<!tpu.dma_semaphore, #tpu.memory_space<semaphore_mem>>
      %dma_start3A_56 = arith.constant 0 : i32
      %dma_start3A_57 = arith.constant 0 : i32
      %dma_start3A_58 = tpu.memref_slice %arg6[%run_scoped3A_54, %dma_start3A_56, %dma_start3A_57] : memref<2x128x128xbf16, #tpu.memory_space<vmem>> -> memref<1x128x128xbf16, #tpu.memory_space<vmem>>
      %dma_start3A_59 = tpu.memref_squeeze %dma_start3A_58 : memref<1x128x128xbf16, #tpu.memory_space<vmem>> -> memref<128x128xbf16, #tpu.memory_space<vmem>>
      %dma_start3A_60 = arith.constant 0 : i32
      %dma_start3A_61 = tpu.memref_slice %arg4[%multiple_of3A_53, %dma_start3A_60] : memref<40960x128xbf16, #tpu.memory_space<hbm>> -> memref<128x128xbf16, #tpu.memory_space<hbm>>
      %dma_start3A_62 = arith.constant 0 : i32
      %dma_start3A_63 = tpu.memref_slice %arg4[%multiple_of3A_53, %dma_start3A_62] : memref<40960x128xbf16, #tpu.memory_space<hbm>> -> memref<128x128xbf16, #tpu.memory_space<hbm>>
      %dma_start3A_64 = arith.constant 0 : i32
      %dma_start3A_65 = arith.constant 0 : i32
      %dma_start3A_66 = tpu.memref_slice %arg6[%run_scoped3A_54, %dma_start3A_64, %dma_start3A_65] : memref<2x128x128xbf16, #tpu.memory_space<vmem>> -> memref<1x128x128xbf16, #tpu.memory_space<vmem>>
      %dma_start3A_67 = tpu.memref_squeeze %dma_start3A_66 : memref<1x128x128xbf16, #tpu.memory_space<vmem>> -> memref<128x128xbf16, #tpu.memory_space<vmem>>
      tpu.enqueue_dma source(%dma_start3A_67 : memref<128x128xbf16, #tpu.memory_space<vmem>>) target(%dma_start3A_63 : memref<128x128xbf16, #tpu.memory_space<hbm>>) target_semaphore(%run_scoped3A_55 : memref<!tpu.dma_semaphore, #tpu.memory_space<semaphore_mem>>)
      %dma_wait3A_68 = arith.constant 0 : i32
      %dma_wait3A_69 = arith.constant 0 : i32
      %dma_wait3A_70 = tpu.memref_slice %arg6[%run_scoped3A_54, %dma_wait3A_68, %dma_wait3A_69] : memref<2x128x128xbf16, #tpu.memory_space<vmem>> -> memref<1x128x128xbf16, #tpu.memory_space<vmem>>
      %dma_wait3A_71 = tpu.memref_squeeze %dma_wait3A_70 : memref<1x128x128xbf16, #tpu.memory_space<vmem>> -> memref<128x128xbf16, #tpu.memory_space<vmem>>
      %dma_wait3A_72 = arith.constant 0 : i32
      %dma_wait3A_73 = tpu.memref_slice %arg4[%multiple_of3A_53, %dma_wait3A_72] : memref<40960x128xbf16, #tpu.memory_space<hbm>> -> memref<128x128xbf16, #tpu.memory_space<hbm>>
      %dma_wait3A_74 = arith.constant 0 : i32
      %dma_wait3A_75 = tpu.memref_slice %arg4[%multiple_of3A_53, %dma_wait3A_74] : memref<40960x128xbf16, #tpu.memory_space<hbm>> -> memref<128x128xbf16, #tpu.memory_space<hbm>>
      %dma_wait3A_76 = arith.constant 0 : i32
      %dma_wait3A_77 = arith.constant 0 : i32
      %dma_wait3A_78 = tpu.memref_slice %arg6[%run_scoped3A_54, %dma_wait3A_76, %dma_wait3A_77] : memref<2x128x128xbf16, #tpu.memory_space<vmem>> -> memref<1x128x128xbf16, #tpu.memory_space<vmem>>
      %dma_wait3A_79 = tpu.memref_squeeze %dma_wait3A_78 : memref<1x128x128xbf16, #tpu.memory_space<vmem>> -> memref<128x128xbf16, #tpu.memory_space<vmem>>
      tpu.wait_dma2 semaphore(%run_scoped3A_55 : memref<!tpu.dma_semaphore, #tpu.memory_space<semaphore_mem>>) src(%dma_wait3A_79 : memref<128x128xbf16, #tpu.memory_space<vmem>>) dst(%dma_wait3A_75 : memref<128x128xbf16, #tpu.memory_space<hbm>>)
      tpu.yield
    }) : () -> ()
    return
  }
}

module attributes {stable_mosaic.version = 14 : i64} {
  func.func @body(%arg0: i32, %arg1: memref<10240x128xf32, #tpu.memory_space<vmem>>, %arg2: memref<8x128xf32, #tpu.memory_space<vmem>>, %arg3: memref<8x128xf32, #tpu.memory_space<vmem>>, %arg4: memref<8x128xf32, #tpu.memory_space<vmem>>, %arg5: memref<128x64xf32, #tpu.memory_space<vmem>>, %arg6: memref<128x64xf32, #tpu.memory_space<vmem>>, %arg7: memref<128x64xf32, #tpu.memory_space<vmem>>, %arg8: memref<8x64xf32, #tpu.memory_space<vmem>>, %arg9: memref<10240x64xbf16, #tpu.memory_space<vmem>>, %arg10: memref<10240x64xbf16, #tpu.memory_space<vmem>>, %arg11: memref<10240x64xf32, #tpu.memory_space<vmem>>) attributes {dimension_semantics = [#tpu.dimension_semantics<arbitrary>], iteration_bounds = array<i64: 1>, scalar_prefetch = 0 : i64, scratch_operands = 0 : i64, tpu.core_type = #tpu.core_type<tc>, window_params = [{pipeline_mode = #tpu.pipeline_mode<synchronous>, transform_indices = @transform_0, window_bounds = array<i64: 10240, 128>}, {pipeline_mode = #tpu.pipeline_mode<synchronous>, transform_indices = @transform_1, window_bounds = array<i64: 8, 128>}, {pipeline_mode = #tpu.pipeline_mode<synchronous>, transform_indices = @transform_2, window_bounds = array<i64: 8, 128>}, {pipeline_mode = #tpu.pipeline_mode<synchronous>, transform_indices = @transform_3, window_bounds = array<i64: 8, 128>}, {pipeline_mode = #tpu.pipeline_mode<synchronous>, transform_indices = @transform_4, window_bounds = array<i64: 128, 64>}, {pipeline_mode = #tpu.pipeline_mode<synchronous>, transform_indices = @transform_5, window_bounds = array<i64: 128, 64>}, {pipeline_mode = #tpu.pipeline_mode<synchronous>, transform_indices = @transform_6, window_bounds = array<i64: 128, 64>}, {pipeline_mode = #tpu.pipeline_mode<synchronous>, transform_indices = @transform_7, window_bounds = array<i64: 8, 64>}, {pipeline_mode = #tpu.pipeline_mode<synchronous>, transform_indices = @transform_8, window_bounds = array<i64: 10240, 64>}, {pipeline_mode = #tpu.pipeline_mode<synchronous>, transform_indices = @transform_9, window_bounds = array<i64: 10240, 64>}, {pipeline_mode = #tpu.pipeline_mode<synchronous>, transform_indices = @transform_10, window_bounds = array<i64: 10240, 64>}]} {
    %iota3A = tpu.iota {dimensions = array<i32: 0>} : vector<10240x1xi32>
    %lt3A = arith.constant 10000 : i32
    %lt3A_0 = vector.broadcast %lt3A : i32 to vector<10240x1xi32>
    %lt3A_1 = arith.cmpi slt, %iota3A, %lt3A_0 : vector<10240x1xi32>
    %convert_element_type3A = arith.extui %lt3A_1 : vector<10240x1xi1> to vector<10240x1xi32>
    %convert_element_type3A_2 = arith.sitofp %convert_element_type3A : vector<10240x1xi32> to vector<10240x1xf32>
    %get3A = arith.constant 0 : index
    %get3A_3 = arith.constant 0 : index
    %get3A_4 = vector.load %arg1[%get3A, %get3A_3] : memref<10240x128xf32, #tpu.memory_space<vmem>>, vector<10240x128xf32>
    %mul3A = vector.broadcast %convert_element_type3A_2 : vector<10240x1xf32> to vector<10240x128xf32>
    %mul3A_5 = arith.mulf %get3A_4, %mul3A : vector<10240x128xf32>
    %get3A_6 = arith.constant 0 : index
    %get3A_7 = arith.constant 0 : index
    %get3A_8 = vector.load %arg2[%get3A_6, %get3A_7] : memref<8x128xf32, #tpu.memory_space<vmem>>, vector<1x128xf32>
    %get3A_9 = arith.constant 0 : index
    %get3A_10 = arith.constant 0 : index
    %get3A_11 = vector.load %arg3[%get3A_9, %get3A_10] : memref<8x128xf32, #tpu.memory_space<vmem>>, vector<1x128xf32>
    %get3A_12 = arith.constant 0 : index
    %get3A_13 = arith.constant 0 : index
    %get3A_14 = vector.load %arg4[%get3A_12, %get3A_13] : memref<8x128xf32, #tpu.memory_space<vmem>>, vector<1x128xf32>
    %reduce_sum3A = arith.constant dense<0.000000e+00> : vector<128xf32>
    %reduce_sum3A_15 = vector.multi_reduction <add>, %mul3A_5, %reduce_sum3A [0] : vector<10240x128xf32> to vector<128xf32>
    %broadcast_in_dim3A = vector.shape_cast %reduce_sum3A_15 : vector<128xf32> to vector<1x128xf32>
    %mul3A_16 = arith.constant 9.99999974E-5 : f32
    %mul3A_17 = vector.broadcast %mul3A_16 : f32 to vector<1x128xf32>
    %mul3A_18 = arith.mulf %broadcast_in_dim3A, %mul3A_17 : vector<1x128xf32>
    %mul3A_19 = arith.mulf %get3A_14, %mul3A_18 : vector<1x128xf32>
    %sub3A = vector.broadcast %mul3A_19 : vector<1x128xf32> to vector<10240x128xf32>
    %sub3A_20 = arith.subf %mul3A_5, %sub3A : vector<10240x128xf32>
    %mul3A_21 = vector.broadcast %convert_element_type3A_2 : vector<10240x1xf32> to vector<10240x128xf32>
    %mul3A_22 = arith.mulf %sub3A_20, %mul3A_21 : vector<10240x128xf32>
    %mul3A_23 = arith.mulf %mul3A_22, %mul3A_22 : vector<10240x128xf32>
    %reduce_sum3A_24 = arith.constant dense<0.000000e+00> : vector<128xf32>
    %reduce_sum3A_25 = vector.multi_reduction <add>, %mul3A_23, %reduce_sum3A_24 [0] : vector<10240x128xf32> to vector<128xf32>
    %broadcast_in_dim3A_26 = vector.shape_cast %reduce_sum3A_25 : vector<128xf32> to vector<1x128xf32>
    %mul3A_27 = arith.constant 9.99999974E-5 : f32
    %mul3A_28 = vector.broadcast %mul3A_27 : f32 to vector<1x128xf32>
    %mul3A_29 = arith.mulf %broadcast_in_dim3A_26, %mul3A_28 : vector<1x128xf32>
    %mul3A_30 = vector.broadcast %get3A_8 : vector<1x128xf32> to vector<10240x128xf32>
    %mul3A_31 = arith.mulf %mul3A_30, %mul3A_22 : vector<10240x128xf32>
    %add3A = arith.constant 9.99999974E-6 : f32
    %add3A_32 = vector.broadcast %add3A : f32 to vector<1x128xf32>
    %add3A_33 = arith.addf %mul3A_29, %add3A_32 : vector<1x128xf32>
    %rsqrt3A = math.rsqrt %add3A_33 : vector<1x128xf32>
    %mul3A_34 = vector.broadcast %rsqrt3A : vector<1x128xf32> to vector<10240x128xf32>
    %mul3A_35 = arith.mulf %mul3A_31, %mul3A_34 : vector<10240x128xf32>
    %add3A_36 = vector.broadcast %get3A_11 : vector<1x128xf32> to vector<10240x128xf32>
    %add3A_37 = arith.addf %mul3A_35, %add3A_36 : vector<10240x128xf32>
    %get3A_38 = arith.constant 0 : index
    %get3A_39 = arith.constant 0 : index
    %get3A_40 = vector.load %arg5[%get3A_38, %get3A_39] : memref<128x64xf32, #tpu.memory_space<vmem>>, vector<128x64xf32>
    %dot_general3A = arith.constant dense<0.000000e+00> : vector<10240x64xf32>
    %dot_general3A_41 = tpu.matmul %add3A_37, %get3A_40, %dot_general3A {dimension_numbers = #tpu.dot_dimension_numbers<[1], [0], [0], [1], [0, 0, 1, 1], [], []>, transpose_lhs_hint = false} : vector<10240x128xf32>, vector<128x64xf32>, vector<10240x64xf32> -> vector<10240x64xf32>
    %convert_element_type3A_42 = arith.truncf %dot_general3A_41 : vector<10240x64xf32> to vector<10240x64xbf16>
    %swap3A = arith.constant 0 : index
    %swap3A_43 = arith.constant 0 : index
    %swap3A_44 = vector.load %arg9[%swap3A, %swap3A_43] : memref<10240x64xbf16, #tpu.memory_space<vmem>>, vector<10240x64xbf16>
    tpu.vector_store %arg9[%swap3A, %swap3A_43], %convert_element_type3A_42 {strides = array<i32>} : memref<10240x64xbf16, #tpu.memory_space<vmem>>, vector<10240x64xbf16>,
    %get3A_45 = arith.constant 0 : index
    %get3A_46 = arith.constant 0 : index
    %get3A_47 = vector.load %arg6[%get3A_45, %get3A_46] : memref<128x64xf32, #tpu.memory_space<vmem>>, vector<128x64xf32>
    %dot_general3A_48 = arith.constant dense<0.000000e+00> : vector<10240x64xf32>
    %dot_general3A_49 = tpu.matmul %add3A_37, %get3A_47, %dot_general3A_48 {dimension_numbers = #tpu.dot_dimension_numbers<[1], [0], [0], [1], [0, 0, 1, 1], [], []>, transpose_lhs_hint = false} : vector<10240x128xf32>, vector<128x64xf32>, vector<10240x64xf32> -> vector<10240x64xf32>
    %convert_element_type3A_50 = arith.truncf %dot_general3A_49 : vector<10240x64xf32> to vector<10240x64xbf16>
    %swap3A_51 = arith.constant 0 : index
    %swap3A_52 = arith.constant 0 : index
    %swap3A_53 = vector.load %arg10[%swap3A_51, %swap3A_52] : memref<10240x64xbf16, #tpu.memory_space<vmem>>, vector<10240x64xbf16>
    tpu.vector_store %arg10[%swap3A_51, %swap3A_52], %convert_element_type3A_50 {strides = array<i32>} : memref<10240x64xbf16, #tpu.memory_space<vmem>>, vector<10240x64xbf16>,
    %get3A_54 = arith.constant 0 : index
    %get3A_55 = arith.constant 0 : index
    %get3A_56 = vector.load %arg7[%get3A_54, %get3A_55] : memref<128x64xf32, #tpu.memory_space<vmem>>, vector<128x64xf32>
    %dot_general3A_57 = arith.constant dense<0.000000e+00> : vector<10240x64xf32>
    %dot_general3A_58 = tpu.matmul %add3A_37, %get3A_56, %dot_general3A_57 {dimension_numbers = #tpu.dot_dimension_numbers<[1], [0], [0], [1], [0, 0, 1, 1], [], []>, transpose_lhs_hint = false} : vector<10240x128xf32>, vector<128x64xf32>, vector<10240x64xf32> -> vector<10240x64xf32>
    %get3A_59 = arith.constant 0 : index
    %get3A_60 = arith.constant 0 : index
    %get3A_61 = vector.load %arg8[%get3A_59, %get3A_60] : memref<8x64xf32, #tpu.memory_space<vmem>>, vector<1x64xf32>
    %add3A_62 = vector.broadcast %get3A_61 : vector<1x64xf32> to vector<10240x64xf32>
    %add3A_63 = arith.addf %dot_general3A_58, %add3A_62 : vector<10240x64xf32>
    %swap3A_64 = arith.constant 0 : index
    %swap3A_65 = arith.constant 0 : index
    %swap3A_66 = vector.load %arg11[%swap3A_64, %swap3A_65] : memref<10240x64xf32, #tpu.memory_space<vmem>>, vector<10240x64xf32>
    tpu.vector_store %arg11[%swap3A_64, %swap3A_65], %add3A_63 {strides = array<i32>} : memref<10240x64xf32, #tpu.memory_space<vmem>>, vector<10240x64xf32>,
    return
  }
  func.func @transform_0(%arg0: i32) -> (i32, i32) {
    %c0_i32 = arith.constant 0 : i32
    %c0_i32_0 = arith.constant 0 : i32
    %c0_i32_1 = arith.constant 0 : i32
    return %c0_i32, %c0_i32_0 : i32, i32
  }
  func.func @transform_1(%arg0: i32) -> (i32, i32) {
    %c0_i32 = arith.constant 0 : i32
    %c0_i32_0 = arith.constant 0 : i32
    %c0_i32_1 = arith.constant 0 : i32
    return %c0_i32, %c0_i32_0 : i32, i32
  }
  func.func @transform_2(%arg0: i32) -> (i32, i32) {
    %c0_i32 = arith.constant 0 : i32
    %c0_i32_0 = arith.constant 0 : i32
    %c0_i32_1 = arith.constant 0 : i32
    return %c0_i32, %c0_i32_0 : i32, i32
  }
  func.func @transform_3(%arg0: i32) -> (i32, i32) {
    %c0_i32 = arith.constant 0 : i32
    %c0_i32_0 = arith.constant 0 : i32
    %c0_i32_1 = arith.constant 0 : i32
    return %c0_i32, %c0_i32_0 : i32, i32
  }
  func.func @transform_4(%arg0: i32) -> (i32, i32) {
    %c0_i32 = arith.constant 0 : i32
    %c0_i32_0 = arith.constant 0 : i32
    %c0_i32_1 = arith.constant 0 : i32
    return %c0_i32, %c0_i32_0 : i32, i32
  }
  func.func @transform_5(%arg0: i32) -> (i32, i32) {
    %c0_i32 = arith.constant 0 : i32
    %c0_i32_0 = arith.constant 0 : i32
    %c0_i32_1 = arith.constant 0 : i32
    return %c0_i32, %c0_i32_0 : i32, i32
  }
  func.func @transform_6(%arg0: i32) -> (i32, i32) {
    %c0_i32 = arith.constant 0 : i32
    %c0_i32_0 = arith.constant 0 : i32
    %c0_i32_1 = arith.constant 0 : i32
    return %c0_i32, %c0_i32_0 : i32, i32
  }
  func.func @transform_7(%arg0: i32) -> (i32, i32) {
    %c0_i32 = arith.constant 0 : i32
    %c0_i32_0 = arith.constant 0 : i32
    %c0_i32_1 = arith.constant 0 : i32
    return %c0_i32, %c0_i32_0 : i32, i32
  }
  func.func @transform_8(%arg0: i32) -> (i32, i32) {
    %c0_i32 = arith.constant 0 : i32
    %c0_i32_0 = arith.constant 0 : i32
    %c0_i32_1 = arith.constant 0 : i32
    return %c0_i32, %c0_i32_0 : i32, i32
  }
  func.func @transform_9(%arg0: i32) -> (i32, i32) {
    %c0_i32 = arith.constant 0 : i32
    %c0_i32_0 = arith.constant 0 : i32
    %c0_i32_1 = arith.constant 0 : i32
    return %c0_i32, %c0_i32_0 : i32, i32
  }
  func.func @transform_10(%arg0: i32) -> (i32, i32) {
    %c0_i32 = arith.constant 0 : i32
    %c0_i32_0 = arith.constant 0 : i32
    %c0_i32_1 = arith.constant 0 : i32
    return %c0_i32, %c0_i32_0 : i32, i32
  }
}

module attributes {stable_mosaic.version = 14 : i64} {
  func.func @body(%arg0: i32, %arg1: memref<2048x64xbf16, #tpu.memory_space<vmem>>, %arg2: memref<64x64xf32, #tpu.memory_space<vmem>>, %arg3: memref<64x64xf32, #tpu.memory_space<vmem>>, %arg4: memref<8x64xf32, #tpu.memory_space<vmem>>, %arg5: memref<8x64xf32, #tpu.memory_space<vmem>>, %arg6: memref<8x64xf32, #tpu.memory_space<vmem>>, %arg7: memref<2048x80xf32, #tpu.memory_space<vmem>>) attributes {dimension_semantics = [#tpu.dimension_semantics<arbitrary>], iteration_bounds = array<i64: 160>, scalar_prefetch = 0 : i64, scratch_operands = 0 : i64, tpu.core_type = #tpu.core_type<tc>, window_params = [{transform_indices = @transform_0, window_bounds = array<i64: 2048, 64>}, {pipeline_mode = #tpu.pipeline_mode<synchronous>, transform_indices = @transform_1, window_bounds = array<i64: 64, 64>}, {pipeline_mode = #tpu.pipeline_mode<synchronous>, transform_indices = @transform_2, window_bounds = array<i64: 64, 64>}, {pipeline_mode = #tpu.pipeline_mode<synchronous>, transform_indices = @transform_3, window_bounds = array<i64: 8, 64>}, {pipeline_mode = #tpu.pipeline_mode<synchronous>, transform_indices = @transform_4, window_bounds = array<i64: 8, 64>}, {pipeline_mode = #tpu.pipeline_mode<synchronous>, transform_indices = @transform_5, window_bounds = array<i64: 8, 64>}, {transform_indices = @transform_6, window_bounds = array<i64: 2048, 80>}]} {
    %get3A = arith.constant 0 : index
    %get3A_0 = arith.constant 0 : index
    %get3A_1 = vector.load %arg1[%get3A, %get3A_0] : memref<2048x64xbf16, #tpu.memory_space<vmem>>, vector<2048x64xbf16>
    %convert_element_type3A = arith.extf %get3A_1 : vector<2048x64xbf16> to vector<2048x64xf32>
    %get3A_2 = arith.constant 0 : index
    %get3A_3 = arith.constant 0 : index
    %get3A_4 = vector.load %arg4[%get3A_2, %get3A_3] : memref<8x64xf32, #tpu.memory_space<vmem>>, vector<1x64xf32>
    %add3A = vector.broadcast %get3A_4 : vector<1x64xf32> to vector<2048x64xf32>
    %add3A_5 = arith.addf %convert_element_type3A, %add3A : vector<2048x64xf32>
    %max3A = arith.constant 0.000000e+00 : f32
    %max3A_6 = vector.broadcast %max3A : f32 to vector<2048x64xf32>
    %max3A_7 = arith.maximumf %add3A_5, %max3A_6 : vector<2048x64xf32>
    %get3A_8 = arith.constant 0 : index
    %get3A_9 = arith.constant 0 : index
    %get3A_10 = vector.load %arg2[%get3A_8, %get3A_9] : memref<64x64xf32, #tpu.memory_space<vmem>>, vector<64x64xf32>
    %dot_general3A = arith.constant dense<0.000000e+00> : vector<2048x64xf32>
    %dot_general3A_11 = tpu.matmul %max3A_7, %get3A_10, %dot_general3A {dimension_numbers = #tpu.dot_dimension_numbers<[1], [0], [0], [1], [0, 0, 1, 1], [], []>, transpose_lhs_hint = false} : vector<2048x64xf32>, vector<64x64xf32>, vector<2048x64xf32> -> vector<2048x64xf32>
    %get3A_12 = arith.constant 0 : index
    %get3A_13 = arith.constant 0 : index
    %get3A_14 = vector.load %arg5[%get3A_12, %get3A_13] : memref<8x64xf32, #tpu.memory_space<vmem>>, vector<1x64xf32>
    %add3A_15 = vector.broadcast %get3A_14 : vector<1x64xf32> to vector<2048x64xf32>
    %add3A_16 = arith.addf %dot_general3A_11, %add3A_15 : vector<2048x64xf32>
    %max3A_17 = arith.constant 0.000000e+00 : f32
    %max3A_18 = vector.broadcast %max3A_17 : f32 to vector<2048x64xf32>
    %max3A_19 = arith.maximumf %add3A_16, %max3A_18 : vector<2048x64xf32>
    %get3A_20 = arith.constant 0 : index
    %get3A_21 = arith.constant 0 : index
    %get3A_22 = vector.load %arg3[%get3A_20, %get3A_21] : memref<64x64xf32, #tpu.memory_space<vmem>>, vector<64x64xf32>
    %dot_general3A_23 = arith.constant dense<0.000000e+00> : vector<2048x64xf32>
    %dot_general3A_24 = tpu.matmul %max3A_19, %get3A_22, %dot_general3A_23 {dimension_numbers = #tpu.dot_dimension_numbers<[1], [0], [0], [1], [0, 0, 1, 1], [], []>, transpose_lhs_hint = false} : vector<2048x64xf32>, vector<64x64xf32>, vector<2048x64xf32> -> vector<2048x64xf32>
    %get3A_25 = arith.constant 0 : index
    %get3A_26 = arith.constant 0 : index
    %get3A_27 = vector.load %arg6[%get3A_25, %get3A_26] : memref<8x64xf32, #tpu.memory_space<vmem>>, vector<1x64xf32>
    %add3A_28 = vector.broadcast %get3A_27 : vector<1x64xf32> to vector<2048x64xf32>
    %add3A_29 = arith.addf %dot_general3A_24, %add3A_28 : vector<2048x64xf32>
    %max3A_30 = arith.constant 0.000000e+00 : f32
    %max3A_31 = vector.broadcast %max3A_30 : f32 to vector<2048x64xf32>
    %max3A_32 = arith.maximumf %add3A_29, %max3A_31 : vector<2048x64xf32>
    %broadcast_in_dim3A = arith.constant 1.000000e+00 : f32
    %broadcast_in_dim3A_33 = vector.broadcast %broadcast_in_dim3A : f32 to vector<2048x1xf32>
    %broadcast_in_dim3A_34 = arith.constant 0.000000e+00 : f32
    %broadcast_in_dim3A_35 = vector.broadcast %broadcast_in_dim3A_34 : f32 to vector<2048x15xf32>
    %concatenate3A = tpu.concatenate %max3A_32, %broadcast_in_dim3A_33, %broadcast_in_dim3A_35 in 1 : vector<2048x64xf32>, vector<2048x1xf32>, vector<2048x15xf32> -> vector<2048x80xf32>
    %swap3A = arith.constant 0 : index
    %swap3A_36 = arith.constant 0 : index
    %swap3A_37 = vector.load %arg7[%swap3A, %swap3A_36] : memref<2048x80xf32, #tpu.memory_space<vmem>>, vector<2048x80xf32>
    tpu.vector_store %arg7[%swap3A, %swap3A_36], %concatenate3A {strides = array<i32>} : memref<2048x80xf32, #tpu.memory_space<vmem>>, vector<2048x80xf32>,
    return
  }
  func.func @transform_0(%arg0: i32) -> (i32, i32) {
    %c0_i32 = arith.constant 0 : i32
    %c0_i32_0 = arith.constant 0 : i32
    return %arg0, %c0_i32 : i32, i32
  }
  func.func @transform_1(%arg0: i32) -> (i32, i32) {
    %c0_i32 = arith.constant 0 : i32
    %c0_i32_0 = arith.constant 0 : i32
    %c0_i32_1 = arith.constant 0 : i32
    return %c0_i32, %c0_i32_0 : i32, i32
  }
  func.func @transform_2(%arg0: i32) -> (i32, i32) {
    %c0_i32 = arith.constant 0 : i32
    %c0_i32_0 = arith.constant 0 : i32
    %c0_i32_1 = arith.constant 0 : i32
    return %c0_i32, %c0_i32_0 : i32, i32
  }
  func.func @transform_3(%arg0: i32) -> (i32, i32) {
    %c0_i32 = arith.constant 0 : i32
    %c0_i32_0 = arith.constant 0 : i32
    %c0_i32_1 = arith.constant 0 : i32
    return %c0_i32, %c0_i32_0 : i32, i32
  }
  func.func @transform_4(%arg0: i32) -> (i32, i32) {
    %c0_i32 = arith.constant 0 : i32
    %c0_i32_0 = arith.constant 0 : i32
    %c0_i32_1 = arith.constant 0 : i32
    return %c0_i32, %c0_i32_0 : i32, i32
  }
  func.func @transform_5(%arg0: i32) -> (i32, i32) {
    %c0_i32 = arith.constant 0 : i32
    %c0_i32_0 = arith.constant 0 : i32
    %c0_i32_1 = arith.constant 0 : i32
    return %c0_i32, %c0_i32_0 : i32, i32
  }
  func.func @transform_6(%arg0: i32) -> (i32, i32) {
    %c0_i32 = arith.constant 0 : i32
    %c0_i32_0 = arith.constant 0 : i32
    return %arg0, %c0_i32 : i32, i32
  }
}

module attributes {stable_mosaic.version = 14 : i64} {
  func.func @body(%arg0: i32, %arg1: memref<20480x80xf32, #tpu.memory_space<vmem>>, %arg2: memref<10240x64xf32, #tpu.memory_space<vmem>>, %arg3: memref<8x64xf32, #tpu.memory_space<vmem>>, %arg4: memref<8x64xf32, #tpu.memory_space<vmem>>, %arg5: memref<8x64xf32, #tpu.memory_space<vmem>>, %arg6: memref<64x128xf32, #tpu.memory_space<vmem>>, %arg7: memref<64x128xf32, #tpu.memory_space<vmem>>, %arg8: memref<64x128xf32, #tpu.memory_space<vmem>>, %arg9: memref<8x128xf32, #tpu.memory_space<vmem>>, %arg10: memref<10240x72xbf16, #tpu.memory_space<vmem>>, %arg11: memref<10240x72xbf16, #tpu.memory_space<vmem>>, %arg12: memref<10240x128xf32, #tpu.memory_space<vmem>>, %arg13: memref<10240x128xbf16, #tpu.memory_space<vmem>>, %arg14: memref<10240x128xf32, #tpu.memory_space<vmem>>) attributes {dimension_semantics = [#tpu.dimension_semantics<arbitrary>], iteration_bounds = array<i64: 1>, scalar_prefetch = 0 : i64, scratch_operands = 0 : i64, tpu.core_type = #tpu.core_type<tc>, window_params = [{pipeline_mode = #tpu.pipeline_mode<synchronous>, transform_indices = @transform_0, window_bounds = array<i64: 20480, 80>}, {pipeline_mode = #tpu.pipeline_mode<synchronous>, transform_indices = @transform_1, window_bounds = array<i64: 10240, 64>}, {pipeline_mode = #tpu.pipeline_mode<synchronous>, transform_indices = @transform_2, window_bounds = array<i64: 8, 64>}, {pipeline_mode = #tpu.pipeline_mode<synchronous>, transform_indices = @transform_3, window_bounds = array<i64: 8, 64>}, {pipeline_mode = #tpu.pipeline_mode<synchronous>, transform_indices = @transform_4, window_bounds = array<i64: 8, 64>}, {pipeline_mode = #tpu.pipeline_mode<synchronous>, transform_indices = @transform_5, window_bounds = array<i64: 64, 128>}, {pipeline_mode = #tpu.pipeline_mode<synchronous>, transform_indices = @transform_6, window_bounds = array<i64: 64, 128>}, {pipeline_mode = #tpu.pipeline_mode<synchronous>, transform_indices = @transform_7, window_bounds = array<i64: 64, 128>}, {pipeline_mode = #tpu.pipeline_mode<synchronous>, transform_indices = @transform_8, window_bounds = array<i64: 8, 128>}, {pipeline_mode = #tpu.pipeline_mode<synchronous>, transform_indices = @transform_9, window_bounds = array<i64: 10240, 72>}, {pipeline_mode = #tpu.pipeline_mode<synchronous>, transform_indices = @transform_10, window_bounds = array<i64: 10240, 72>}, {pipeline_mode = #tpu.pipeline_mode<synchronous>, transform_indices = @transform_11, window_bounds = array<i64: 10240, 128>}, {pipeline_mode = #tpu.pipeline_mode<synchronous>, transform_indices = @transform_12, window_bounds = array<i64: 10240, 128>}, {pipeline_mode = #tpu.pipeline_mode<synchronous>, transform_indices = @transform_13, window_bounds = array<i64: 10240, 128>}]} {
    %get3A = arith.constant 0 : index
    %get3A_0 = arith.constant 0 : index
    %get3A_1 = vector.load %arg1[%get3A, %get3A_0] : memref<20480x80xf32, #tpu.memory_space<vmem>>, vector<10240x64xf32>
    %get3A_2 = arith.constant 10240 : index
    %get3A_3 = arith.constant 0 : index
    %get3A_4 = vector.load %arg1[%get3A_2, %get3A_3] : memref<20480x80xf32, #tpu.memory_space<vmem>>, vector<10240x64xf32>
    %add3A = arith.addf %get3A_1, %get3A_4 : vector<10240x64xf32>
    %get3A_5 = arith.constant 0 : index
    %get3A_6 = arith.constant 64 : index
    %get3A_7 = vector.load %arg1[%get3A_5, %get3A_6] : memref<20480x80xf32, #tpu.memory_space<vmem>>, vector<10240x1xf32>
    %get3A_8 = arith.constant 10240 : index
    %get3A_9 = arith.constant 64 : index
    %get3A_10 = vector.load %arg1[%get3A_8, %get3A_9] : memref<20480x80xf32, #tpu.memory_space<vmem>>, vector<10240x1xf32>
    %add3A_11 = arith.addf %get3A_7, %get3A_10 : vector<10240x1xf32>
    %max3A = arith.constant 1.000000e+00 : f32
    %max3A_12 = vector.broadcast %max3A : f32 to vector<10240x1xf32>
    %max3A_13 = arith.maximumf %add3A_11, %max3A_12 : vector<10240x1xf32>
    %div3A = vector.broadcast %max3A_13 : vector<10240x1xf32> to vector<10240x64xf32>
    %div3A_14 = arith.divf %add3A, %div3A : vector<10240x64xf32>
    %get3A_15 = arith.constant 0 : index
    %get3A_16 = arith.constant 0 : index
    %get3A_17 = vector.load %arg2[%get3A_15, %get3A_16] : memref<10240x64xf32, #tpu.memory_space<vmem>>, vector<10240x64xf32>
    %add3A_18 = arith.addf %div3A_14, %get3A_17 : vector<10240x64xf32>
    %max3A_19 = arith.constant 0.000000e+00 : f32
    %max3A_20 = vector.broadcast %max3A_19 : f32 to vector<10240x64xf32>
    %max3A_21 = arith.maximumf %add3A_18, %max3A_20 : vector<10240x64xf32>
    %iota3A = tpu.iota {dimensions = array<i32: 0>} : vector<10240x1xi32>
    %lt3A = arith.constant 10000 : i32
    %lt3A_22 = vector.broadcast %lt3A : i32 to vector<10240x1xi32>
    %lt3A_23 = arith.cmpi slt, %iota3A, %lt3A_22 : vector<10240x1xi32>
    %convert_element_type3A = arith.extui %lt3A_23 : vector<10240x1xi1> to vector<10240x1xi32>
    %convert_element_type3A_24 = arith.sitofp %convert_element_type3A : vector<10240x1xi32> to vector<10240x1xf32>
    %mul3A = vector.broadcast %convert_element_type3A_24 : vector<10240x1xf32> to vector<10240x64xf32>
    %mul3A_25 = arith.mulf %max3A_21, %mul3A : vector<10240x64xf32>
    %get3A_26 = arith.constant 0 : index
    %get3A_27 = arith.constant 0 : index
    %get3A_28 = vector.load %arg3[%get3A_26, %get3A_27] : memref<8x64xf32, #tpu.memory_space<vmem>>, vector<1x64xf32>
    %get3A_29 = arith.constant 0 : index
    %get3A_30 = arith.constant 0 : index
    %get3A_31 = vector.load %arg4[%get3A_29, %get3A_30] : memref<8x64xf32, #tpu.memory_space<vmem>>, vector<1x64xf32>
    %get3A_32 = arith.constant 0 : index
    %get3A_33 = arith.constant 0 : index
    %get3A_34 = vector.load %arg5[%get3A_32, %get3A_33] : memref<8x64xf32, #tpu.memory_space<vmem>>, vector<1x64xf32>
    %reduce_sum3A = arith.constant dense<0.000000e+00> : vector<64xf32>
    %reduce_sum3A_35 = vector.multi_reduction <add>, %mul3A_25, %reduce_sum3A [0] : vector<10240x64xf32> to vector<64xf32>
    %broadcast_in_dim3A = vector.shape_cast %reduce_sum3A_35 : vector<64xf32> to vector<1x64xf32>
    %mul3A_36 = arith.constant 9.99999974E-5 : f32
    %mul3A_37 = vector.broadcast %mul3A_36 : f32 to vector<1x64xf32>
    %mul3A_38 = arith.mulf %broadcast_in_dim3A, %mul3A_37 : vector<1x64xf32>
    %mul3A_39 = arith.mulf %get3A_34, %mul3A_38 : vector<1x64xf32>
    %sub3A = vector.broadcast %mul3A_39 : vector<1x64xf32> to vector<10240x64xf32>
    %sub3A_40 = arith.subf %mul3A_25, %sub3A : vector<10240x64xf32>
    %mul3A_41 = vector.broadcast %convert_element_type3A_24 : vector<10240x1xf32> to vector<10240x64xf32>
    %mul3A_42 = arith.mulf %sub3A_40, %mul3A_41 : vector<10240x64xf32>
    %mul3A_43 = arith.mulf %mul3A_42, %mul3A_42 : vector<10240x64xf32>
    %reduce_sum3A_44 = arith.constant dense<0.000000e+00> : vector<64xf32>
    %reduce_sum3A_45 = vector.multi_reduction <add>, %mul3A_43, %reduce_sum3A_44 [0] : vector<10240x64xf32> to vector<64xf32>
    %broadcast_in_dim3A_46 = vector.shape_cast %reduce_sum3A_45 : vector<64xf32> to vector<1x64xf32>
    %mul3A_47 = arith.constant 9.99999974E-5 : f32
    %mul3A_48 = vector.broadcast %mul3A_47 : f32 to vector<1x64xf32>
    %mul3A_49 = arith.mulf %broadcast_in_dim3A_46, %mul3A_48 : vector<1x64xf32>
    %mul3A_50 = vector.broadcast %get3A_28 : vector<1x64xf32> to vector<10240x64xf32>
    %mul3A_51 = arith.mulf %mul3A_50, %mul3A_42 : vector<10240x64xf32>
    %add3A_52 = arith.constant 9.99999974E-6 : f32
    %add3A_53 = vector.broadcast %add3A_52 : f32 to vector<1x64xf32>
    %add3A_54 = arith.addf %mul3A_49, %add3A_53 : vector<1x64xf32>
    %rsqrt3A = math.rsqrt %add3A_54 : vector<1x64xf32>
    %mul3A_55 = vector.broadcast %rsqrt3A : vector<1x64xf32> to vector<10240x64xf32>
    %mul3A_56 = arith.mulf %mul3A_51, %mul3A_55 : vector<10240x64xf32>
    %add3A_57 = vector.broadcast %get3A_31 : vector<1x64xf32> to vector<10240x64xf32>
    %add3A_58 = arith.addf %mul3A_56, %add3A_57 : vector<10240x64xf32>
    %mul3A_59 = arith.mulf %add3A_58, %add3A_58 : vector<10240x64xf32>
    %reduce_sum3A_60 = arith.constant dense<0.000000e+00> : vector<10240xf32>
    %reduce_sum3A_61 = vector.multi_reduction <add>, %mul3A_59, %reduce_sum3A_60 [1] : vector<10240x64xf32> to vector<10240xf32>
    %broadcast_in_dim3A_62 = vector.shape_cast %reduce_sum3A_61 : vector<10240xf32> to vector<10240x1xf32>
    %gt3A = arith.constant 0.000000e+00 : f32
    %gt3A_63 = vector.broadcast %gt3A : f32 to vector<10240x1xf32>
    %gt3A_64 = arith.cmpf ogt, %convert_element_type3A_24, %gt3A_63 : vector<10240x1xf32>
    %mul3A_65 = arith.constant -5.000000e-01 : f32
    %mul3A_66 = vector.broadcast %mul3A_65 : f32 to vector<10240x1xf32>
    %mul3A_67 = arith.mulf %mul3A_66, %broadcast_in_dim3A_62 : vector<10240x1xf32>
    %jit3A = arith.constant -1.000000e+30 : f32
    %broadcast_in_dim3A_68 = vector.broadcast %jit3A : f32 to vector<10240x1xf32>
    %select_n3A = arith.select %gt3A_64, %mul3A_67, %broadcast_in_dim3A_68 : vector<10240x1xi1>, vector<10240x1xf32>
    %broadcast_in_dim3A_69 = arith.constant 0.000000e+00 : f32
    %broadcast_in_dim3A_70 = vector.broadcast %broadcast_in_dim3A_69 : f32 to vector<10240x7xf32>
    %broadcast_in_dim3A_71 = arith.constant 1.000000e+00 : f32
    %broadcast_in_dim3A_72 = vector.broadcast %broadcast_in_dim3A_71 : f32 to vector<10240x1xf32>
    %concatenate3A = tpu.concatenate %add3A_58, %broadcast_in_dim3A_72, %broadcast_in_dim3A_70 in 1 : vector<10240x64xf32>, vector<10240x1xf32>, vector<10240x7xf32> -> vector<10240x72xf32>
    %convert_element_type3A_73 = arith.truncf %concatenate3A : vector<10240x72xf32> to vector<10240x72xbf16>
    %swap3A = arith.constant 0 : index
    %swap3A_74 = arith.constant 0 : index
    %swap3A_75 = vector.load %arg10[%swap3A, %swap3A_74] : memref<10240x72xbf16, #tpu.memory_space<vmem>>, vector<10240x72xbf16>
    tpu.vector_store %arg10[%swap3A, %swap3A_74], %convert_element_type3A_73 {strides = array<i32>} : memref<10240x72xbf16, #tpu.memory_space<vmem>>, vector<10240x72xbf16>,
    %concatenate3A_76 = tpu.concatenate %add3A_58, %select_n3A, %broadcast_in_dim3A_70 in 1 : vector<10240x64xf32>, vector<10240x1xf32>, vector<10240x7xf32> -> vector<10240x72xf32>
    %convert_element_type3A_77 = arith.truncf %concatenate3A_76 : vector<10240x72xf32> to vector<10240x72xbf16>
    %swap3A_78 = arith.constant 0 : index
    %swap3A_79 = arith.constant 0 : index
    %swap3A_80 = vector.load %arg11[%swap3A_78, %swap3A_79] : memref<10240x72xbf16, #tpu.memory_space<vmem>>, vector<10240x72xbf16>
    tpu.vector_store %arg11[%swap3A_78, %swap3A_79], %convert_element_type3A_77 {strides = array<i32>} : memref<10240x72xbf16, #tpu.memory_space<vmem>>, vector<10240x72xbf16>,
    %get3A_81 = arith.constant 0 : index
    %get3A_82 = arith.constant 0 : index
    %get3A_83 = vector.load %arg6[%get3A_81, %get3A_82] : memref<64x128xf32, #tpu.memory_space<vmem>>, vector<64x128xf32>
    %dot_general3A = arith.constant dense<0.000000e+00> : vector<10240x128xf32>
    %dot_general3A_84 = tpu.matmul %add3A_58, %get3A_83, %dot_general3A {dimension_numbers = #tpu.dot_dimension_numbers<[1], [0], [0], [1], [0, 0, 1, 1], [], []>, transpose_lhs_hint = false} : vector<10240x64xf32>, vector<64x128xf32>, vector<10240x128xf32> -> vector<10240x128xf32>
    %swap3A_85 = arith.constant 0 : index
    %swap3A_86 = arith.constant 0 : index
    %swap3A_87 = vector.load %arg12[%swap3A_85, %swap3A_86] : memref<10240x128xf32, #tpu.memory_space<vmem>>, vector<10240x128xf32>
    tpu.vector_store %arg12[%swap3A_85, %swap3A_86], %dot_general3A_84 {strides = array<i32>} : memref<10240x128xf32, #tpu.memory_space<vmem>>, vector<10240x128xf32>,
    %get3A_88 = arith.constant 0 : index
    %get3A_89 = arith.constant 0 : index
    %get3A_90 = vector.load %arg7[%get3A_88, %get3A_89] : memref<64x128xf32, #tpu.memory_space<vmem>>, vector<64x128xf32>
    %dot_general3A_91 = arith.constant dense<0.000000e+00> : vector<10240x128xf32>
    %dot_general3A_92 = tpu.matmul %add3A_58, %get3A_90, %dot_general3A_91 {dimension_numbers = #tpu.dot_dimension_numbers<[1], [0], [0], [1], [0, 0, 1, 1], [], []>, transpose_lhs_hint = false} : vector<10240x64xf32>, vector<64x128xf32>, vector<10240x128xf32> -> vector<10240x128xf32>
    %convert_element_type3A_93 = arith.truncf %dot_general3A_92 : vector<10240x128xf32> to vector<10240x128xbf16>
    %swap3A_94 = arith.constant 0 : index
    %swap3A_95 = arith.constant 0 : index
    %swap3A_96 = vector.load %arg13[%swap3A_94, %swap3A_95] : memref<10240x128xbf16, #tpu.memory_space<vmem>>, vector<10240x128xbf16>
    tpu.vector_store %arg13[%swap3A_94, %swap3A_95], %convert_element_type3A_93 {strides = array<i32>} : memref<10240x128xbf16, #tpu.memory_space<vmem>>, vector<10240x128xbf16>,
    %get3A_97 = arith.constant 0 : index
    %get3A_98 = arith.constant 0 : index
    %get3A_99 = vector.load %arg8[%get3A_97, %get3A_98] : memref<64x128xf32, #tpu.memory_space<vmem>>, vector<64x128xf32>
    %dot_general3A_100 = arith.constant dense<0.000000e+00> : vector<10240x128xf32>
    %dot_general3A_101 = tpu.matmul %add3A_58, %get3A_99, %dot_general3A_100 {dimension_numbers = #tpu.dot_dimension_numbers<[1], [0], [0], [1], [0, 0, 1, 1], [], []>, transpose_lhs_hint = false} : vector<10240x64xf32>, vector<64x128xf32>, vector<10240x128xf32> -> vector<10240x128xf32>
    %get3A_102 = arith.constant 0 : index
    %get3A_103 = arith.constant 0 : index
    %get3A_104 = vector.load %arg9[%get3A_102, %get3A_103] : memref<8x128xf32, #tpu.memory_space<vmem>>, vector<1x128xf32>
    %add3A_105 = vector.broadcast %get3A_104 : vector<1x128xf32> to vector<10240x128xf32>
    %add3A_106 = arith.addf %dot_general3A_101, %add3A_105 : vector<10240x128xf32>
    %swap3A_107 = arith.constant 0 : index
    %swap3A_108 = arith.constant 0 : index
    %swap3A_109 = vector.load %arg14[%swap3A_107, %swap3A_108] : memref<10240x128xf32, #tpu.memory_space<vmem>>, vector<10240x128xf32>
    tpu.vector_store %arg14[%swap3A_107, %swap3A_108], %add3A_106 {strides = array<i32>} : memref<10240x128xf32, #tpu.memory_space<vmem>>, vector<10240x128xf32>,
    return
  }
  func.func @transform_0(%arg0: i32) -> (i32, i32) {
    %c0_i32 = arith.constant 0 : i32
    %c0_i32_0 = arith.constant 0 : i32
    %c0_i32_1 = arith.constant 0 : i32
    return %c0_i32, %c0_i32_0 : i32, i32
  }
  func.func @transform_1(%arg0: i32) -> (i32, i32) {
    %c0_i32 = arith.constant 0 : i32
    %c0_i32_0 = arith.constant 0 : i32
    %c0_i32_1 = arith.constant 0 : i32
    return %c0_i32, %c0_i32_0 : i32, i32
  }
  func.func @transform_2(%arg0: i32) -> (i32, i32) {
    %c0_i32 = arith.constant 0 : i32
    %c0_i32_0 = arith.constant 0 : i32
    %c0_i32_1 = arith.constant 0 : i32
    return %c0_i32, %c0_i32_0 : i32, i32
  }
  func.func @transform_3(%arg0: i32) -> (i32, i32) {
    %c0_i32 = arith.constant 0 : i32
    %c0_i32_0 = arith.constant 0 : i32
    %c0_i32_1 = arith.constant 0 : i32
    return %c0_i32, %c0_i32_0 : i32, i32
  }
  func.func @transform_4(%arg0: i32) -> (i32, i32) {
    %c0_i32 = arith.constant 0 : i32
    %c0_i32_0 = arith.constant 0 : i32
    %c0_i32_1 = arith.constant 0 : i32
    return %c0_i32, %c0_i32_0 : i32, i32
  }
  func.func @transform_5(%arg0: i32) -> (i32, i32) {
    %c0_i32 = arith.constant 0 : i32
    %c0_i32_0 = arith.constant 0 : i32
    %c0_i32_1 = arith.constant 0 : i32
    return %c0_i32, %c0_i32_0 : i32, i32
  }
  func.func @transform_6(%arg0: i32) -> (i32, i32) {
    %c0_i32 = arith.constant 0 : i32
    %c0_i32_0 = arith.constant 0 : i32
    %c0_i32_1 = arith.constant 0 : i32
    return %c0_i32, %c0_i32_0 : i32, i32
  }
  func.func @transform_7(%arg0: i32) -> (i32, i32) {
    %c0_i32 = arith.constant 0 : i32
    %c0_i32_0 = arith.constant 0 : i32
    %c0_i32_1 = arith.constant 0 : i32
    return %c0_i32, %c0_i32_0 : i32, i32
  }
  func.func @transform_8(%arg0: i32) -> (i32, i32) {
    %c0_i32 = arith.constant 0 : i32
    %c0_i32_0 = arith.constant 0 : i32
    %c0_i32_1 = arith.constant 0 : i32
    return %c0_i32, %c0_i32_0 : i32, i32
  }
  func.func @transform_9(%arg0: i32) -> (i32, i32) {
    %c0_i32 = arith.constant 0 : i32
    %c0_i32_0 = arith.constant 0 : i32
    %c0_i32_1 = arith.constant 0 : i32
    return %c0_i32, %c0_i32_0 : i32, i32
  }
  func.func @transform_10(%arg0: i32) -> (i32, i32) {
    %c0_i32 = arith.constant 0 : i32
    %c0_i32_0 = arith.constant 0 : i32
    %c0_i32_1 = arith.constant 0 : i32
    return %c0_i32, %c0_i32_0 : i32, i32
  }
  func.func @transform_11(%arg0: i32) -> (i32, i32) {
    %c0_i32 = arith.constant 0 : i32
    %c0_i32_0 = arith.constant 0 : i32
    %c0_i32_1 = arith.constant 0 : i32
    return %c0_i32, %c0_i32_0 : i32, i32
  }
  func.func @transform_12(%arg0: i32) -> (i32, i32) {
    %c0_i32 = arith.constant 0 : i32
    %c0_i32_0 = arith.constant 0 : i32
    %c0_i32_1 = arith.constant 0 : i32
    return %c0_i32, %c0_i32_0 : i32, i32
  }
  func.func @transform_13(%arg0: i32) -> (i32, i32) {
    %c0_i32 = arith.constant 0 : i32
    %c0_i32_0 = arith.constant 0 : i32
    %c0_i32_1 = arith.constant 0 : i32
    return %c0_i32, %c0_i32_0 : i32, i32
  }
}

module attributes {stable_mosaic.version = 14 : i64} {
  func.func @body(%arg0: i32, %arg1: memref<128x72xbf16, #tpu.memory_space<vmem>>, %arg2: memref<10240x72xbf16, #tpu.memory_space<vmem>>, %arg3: memref<128x8xi32, #tpu.memory_space<vmem>>) attributes {dimension_semantics = [#tpu.dimension_semantics<arbitrary>], iteration_bounds = array<i64: 80>, scalar_prefetch = 0 : i64, scratch_operands = 0 : i64, tpu.core_type = #tpu.core_type<tc>, window_params = [{transform_indices = @transform_0, window_bounds = array<i64: 128, 72>}, {pipeline_mode = #tpu.pipeline_mode<synchronous>, transform_indices = @transform_1, window_bounds = array<i64: 10240, 72>}, {transform_indices = @transform_2, window_bounds = array<i64: 128, 8>}]} {
    %get3A = arith.constant 0 : index
    %get3A_0 = arith.constant 0 : index
    %get3A_1 = vector.load %arg1[%get3A, %get3A_0] : memref<128x72xbf16, #tpu.memory_space<vmem>>, vector<128x72xbf16>
    %get3A_2 = arith.constant 0 : index
    %get3A_3 = arith.constant 0 : index
    %get3A_4 = vector.load %arg2[%get3A_2, %get3A_3] : memref<10240x72xbf16, #tpu.memory_space<vmem>>, vector<10240x72xbf16>
    %dot_general3A = arith.constant dense<0.000000e+00> : vector<128x10240xf32>
    %dot_general3A_5 = tpu.matmul %get3A_1, %get3A_4, %dot_general3A {dimension_numbers = #tpu.dot_dimension_numbers<[1], [1], [0], [0], [0, 0, 1, 0], [], []>, transpose_lhs_hint = false} : vector<128x72xbf16>, vector<10240x72xbf16>, vector<128x10240xf32> -> vector<128x10240xf32>
    %iota3A = tpu.iota {dimensions = array<i32: 1>} : vector<128x10240xi32>
    %mul3A = arith.constant 128 : i32
    %mul3A_6 = arith.muli %arg0, %mul3A : i32
    %iota3A_7 = tpu.iota {dimensions = array<i32: 0>} : vector<128x10240xi32>
    %add3A = vector.broadcast %mul3A_6 : i32 to vector<128x10240xi32>
    %add3A_8 = arith.addi %add3A, %iota3A_7 : vector<128x10240xi32>
    %bitcast_convert_type3A = tpu.bitcast %dot_general3A_5 : vector<128x10240xf32> -> vector<128x10240xi32>
    %lt3A = arith.constant 0 : i32
    %lt3A_9 = vector.broadcast %lt3A : i32 to vector<128x10240xi32>
    %lt3A_10 = arith.cmpi slt, %bitcast_convert_type3A, %lt3A_9 : vector<128x10240xi32>
    %xor3A = arith.constant 2147483647 : i32
    %xor3A_11 = vector.broadcast %xor3A : i32 to vector<128x10240xi32>
    %xor3A_12 = arith.xori %bitcast_convert_type3A, %xor3A_11 : vector<128x10240xi32>
    %select_n3A = arith.select %lt3A_10, %xor3A_12, %bitcast_convert_type3A : vector<128x10240xi1>, vector<128x10240xi32>
    %and3A = arith.constant -16384 : i32
    %and3A_13 = vector.broadcast %and3A : i32 to vector<128x10240xi32>
    %and3A_14 = arith.andi %select_n3A, %and3A_13 : vector<128x10240xi32>
    %sub3A = arith.constant 16383 : i32
    %sub3A_15 = vector.broadcast %sub3A : i32 to vector<128x10240xi32>
    %sub3A_16 = arith.subi %sub3A_15, %iota3A : vector<128x10240xi32>
    %or3A = arith.ori %and3A_14, %sub3A_16 : vector<128x10240xi32>
    %eq3A = arith.cmpi eq, %iota3A, %add3A_8 : vector<128x10240xi32>
    %jit3A = arith.constant -2147483648 : i32
    %broadcast_in_dim3A = vector.broadcast %jit3A : i32 to vector<128x10240xi32>
    %select_n3A_17 = arith.select %eq3A, %broadcast_in_dim3A, %or3A : vector<128x10240xi1>, vector<128x10240xi32>
    %reduce_max3A = arith.constant dense<-2147483648> : vector<128xi32>
    %reduce_max3A_18 = vector.multi_reduction <maxsi>, %select_n3A_17, %reduce_max3A [1] : vector<128x10240xi32> to vector<128xi32>
    %broadcast_in_dim3A_19 = vector.shape_cast %reduce_max3A_18 : vector<128xi32> to vector<128x1xi32>
    %and3A_20 = arith.constant 16383 : i32
    %and3A_21 = vector.broadcast %and3A_20 : i32 to vector<128x1xi32>
    %and3A_22 = arith.andi %broadcast_in_dim3A_19, %and3A_21 : vector<128x1xi32>
    %sub3A_23 = arith.constant 16383 : i32
    %sub3A_24 = vector.broadcast %sub3A_23 : i32 to vector<128x1xi32>
    %sub3A_25 = arith.subi %sub3A_24, %and3A_22 : vector<128x1xi32>
    %eq3A_26 = vector.broadcast %broadcast_in_dim3A_19 : vector<128x1xi32> to vector<128x10240xi32>
    %eq3A_27 = arith.cmpi eq, %select_n3A_17, %eq3A_26 : vector<128x10240xi32>
    %jit3A_28 = arith.constant -2147483648 : i32
    %broadcast_in_dim3A_29 = vector.broadcast %jit3A_28 : i32 to vector<128x10240xi32>
    %select_n3A_30 = arith.select %eq3A_27, %broadcast_in_dim3A_29, %select_n3A_17 : vector<128x10240xi1>, vector<128x10240xi32>
    %reduce_max3A_31 = arith.constant dense<-2147483648> : vector<128xi32>
    %reduce_max3A_32 = vector.multi_reduction <maxsi>, %select_n3A_30, %reduce_max3A_31 [1] : vector<128x10240xi32> to vector<128xi32>
    %broadcast_in_dim3A_33 = vector.shape_cast %reduce_max3A_32 : vector<128xi32> to vector<128x1xi32>
    %and3A_34 = arith.constant 16383 : i32
    %and3A_35 = vector.broadcast %and3A_34 : i32 to vector<128x1xi32>
    %and3A_36 = arith.andi %broadcast_in_dim3A_33, %and3A_35 : vector<128x1xi32>
    %sub3A_37 = arith.constant 16383 : i32
    %sub3A_38 = vector.broadcast %sub3A_37 : i32 to vector<128x1xi32>
    %sub3A_39 = arith.subi %sub3A_38, %and3A_36 : vector<128x1xi32>
    %eq3A_40 = vector.broadcast %broadcast_in_dim3A_33 : vector<128x1xi32> to vector<128x10240xi32>
    %eq3A_41 = arith.cmpi eq, %select_n3A_30, %eq3A_40 : vector<128x10240xi32>
    %jit3A_42 = arith.constant -2147483648 : i32
    %broadcast_in_dim3A_43 = vector.broadcast %jit3A_42 : i32 to vector<128x10240xi32>
    %select_n3A_44 = arith.select %eq3A_41, %broadcast_in_dim3A_43, %select_n3A_30 : vector<128x10240xi1>, vector<128x10240xi32>
    %reduce_max3A_45 = arith.constant dense<-2147483648> : vector<128xi32>
    %reduce_max3A_46 = vector.multi_reduction <maxsi>, %select_n3A_44, %reduce_max3A_45 [1] : vector<128x10240xi32> to vector<128xi32>
    %broadcast_in_dim3A_47 = vector.shape_cast %reduce_max3A_46 : vector<128xi32> to vector<128x1xi32>
    %and3A_48 = arith.constant 16383 : i32
    %and3A_49 = vector.broadcast %and3A_48 : i32 to vector<128x1xi32>
    %and3A_50 = arith.andi %broadcast_in_dim3A_47, %and3A_49 : vector<128x1xi32>
    %sub3A_51 = arith.constant 16383 : i32
    %sub3A_52 = vector.broadcast %sub3A_51 : i32 to vector<128x1xi32>
    %sub3A_53 = arith.subi %sub3A_52, %and3A_50 : vector<128x1xi32>
    %eq3A_54 = vector.broadcast %broadcast_in_dim3A_47 : vector<128x1xi32> to vector<128x10240xi32>
    %eq3A_55 = arith.cmpi eq, %select_n3A_44, %eq3A_54 : vector<128x10240xi32>
    %jit3A_56 = arith.constant -2147483648 : i32
    %broadcast_in_dim3A_57 = vector.broadcast %jit3A_56 : i32 to vector<128x10240xi32>
    %select_n3A_58 = arith.select %eq3A_55, %broadcast_in_dim3A_57, %select_n3A_44 : vector<128x10240xi1>, vector<128x10240xi32>
    %reduce_max3A_59 = arith.constant dense<-2147483648> : vector<128xi32>
    %reduce_max3A_60 = vector.multi_reduction <maxsi>, %select_n3A_58, %reduce_max3A_59 [1] : vector<128x10240xi32> to vector<128xi32>
    %broadcast_in_dim3A_61 = vector.shape_cast %reduce_max3A_60 : vector<128xi32> to vector<128x1xi32>
    %and3A_62 = arith.constant 16383 : i32
    %and3A_63 = vector.broadcast %and3A_62 : i32 to vector<128x1xi32>
    %and3A_64 = arith.andi %broadcast_in_dim3A_61, %and3A_63 : vector<128x1xi32>
    %sub3A_65 = arith.constant 16383 : i32
    %sub3A_66 = vector.broadcast %sub3A_65 : i32 to vector<128x1xi32>
    %sub3A_67 = arith.subi %sub3A_66, %and3A_64 : vector<128x1xi32>
    %broadcast_in_dim3A_68 = arith.constant 0 : i32
    %broadcast_in_dim3A_69 = vector.broadcast %broadcast_in_dim3A_68 : i32 to vector<128x1xi32>
    %concatenate3A = tpu.concatenate %sub3A_25, %sub3A_39, %sub3A_53, %sub3A_67, %broadcast_in_dim3A_69, %broadcast_in_dim3A_69, %broadcast_in_dim3A_69, %broadcast_in_dim3A_69 in 1 : vector<128x1xi32>, vector<128x1xi32>, vector<128x1xi32>, vector<128x1xi32>, vector<128x1xi32>, vector<128x1xi32>, vector<128x1xi32>, vector<128x1xi32> -> vector<128x8xi32>
    %swap3A = arith.constant 0 : index
    %swap3A_70 = arith.constant 0 : index
    %swap3A_71 = vector.load %arg3[%swap3A, %swap3A_70] : memref<128x8xi32, #tpu.memory_space<vmem>>, vector<128x8xi32>
    tpu.vector_store %arg3[%swap3A, %swap3A_70], %concatenate3A {strides = array<i32>} : memref<128x8xi32, #tpu.memory_space<vmem>>, vector<128x8xi32>,
    return
  }
  func.func @transform_0(%arg0: i32) -> (i32, i32) {
    %c0_i32 = arith.constant 0 : i32
    %c0_i32_0 = arith.constant 0 : i32
    return %arg0, %c0_i32 : i32, i32
  }
  func.func @transform_1(%arg0: i32) -> (i32, i32) {
    %c0_i32 = arith.constant 0 : i32
    %c0_i32_0 = arith.constant 0 : i32
    %c0_i32_1 = arith.constant 0 : i32
    return %c0_i32, %c0_i32_0 : i32, i32
  }
  func.func @transform_2(%arg0: i32) -> (i32, i32) {
    %c0_i32 = arith.constant 0 : i32
    %c0_i32_0 = arith.constant 0 : i32
    return %arg0, %c0_i32 : i32, i32
  }
}

module attributes {stable_mosaic.version = 14 : i64} {
  func.func @body(%arg0: i32, %arg1: memref<128x128xf32, #tpu.memory_space<vmem>>, %arg2: memref<512x128xbf16, #tpu.memory_space<vmem>>, %arg3: memref<128x128xf32, #tpu.memory_space<vmem>>, %arg4: memref<512x128xf32, #tpu.memory_space<vmem>>, %arg5: memref<128x512xf32, #tpu.memory_space<vmem>>, %arg6: memref<128x128xf32, #tpu.memory_space<vmem>>, %arg7: memref<128x128xf32, #tpu.memory_space<vmem>>, %arg8: memref<8x128xf32, #tpu.memory_space<vmem>>, %arg9: memref<8x128xf32, #tpu.memory_space<vmem>>, %arg10: memref<8x128xf32, #tpu.memory_space<vmem>>, %arg11: memref<128x128xf32, #tpu.memory_space<vmem>>) attributes {dimension_semantics = [#tpu.dimension_semantics<arbitrary>], iteration_bounds = array<i64: 80>, scalar_prefetch = 0 : i64, scratch_operands = 0 : i64, tpu.core_type = #tpu.core_type<tc>, window_params = [{transform_indices = @transform_0, window_bounds = array<i64: 128, 128>}, {transform_indices = @transform_1, window_bounds = array<i64: 512, 128>}, {transform_indices = @transform_2, window_bounds = array<i64: 128, 128>}, {pipeline_mode = #tpu.pipeline_mode<synchronous>, transform_indices = @transform_3, window_bounds = array<i64: 512, 128>}, {pipeline_mode = #tpu.pipeline_mode<synchronous>, transform_indices = @transform_4, window_bounds = array<i64: 128, 512>}, {pipeline_mode = #tpu.pipeline_mode<synchronous>, transform_indices = @transform_5, window_bounds = array<i64: 128, 128>}, {pipeline_mode = #tpu.pipeline_mode<synchronous>, transform_indices = @transform_6, window_bounds = array<i64: 128, 128>}, {pipeline_mode = #tpu.pipeline_mode<synchronous>, transform_indices = @transform_7, window_bounds = array<i64: 8, 128>}, {pipeline_mode = #tpu.pipeline_mode<synchronous>, transform_indices = @transform_8, window_bounds = array<i64: 8, 128>}, {pipeline_mode = #tpu.pipeline_mode<synchronous>, transform_indices = @transform_9, window_bounds = array<i64: 8, 128>}, {transform_indices = @transform_10, window_bounds = array<i64: 128, 128>}]} {
    %get3A = arith.constant 0 : index
    %get3A_0 = arith.constant 0 : index
    %get3A_1 = vector.load %arg4[%get3A, %get3A_0] : memref<512x128xf32, #tpu.memory_space<vmem>>, vector<512x128xf32>
    %get3A_2 = arith.constant 0 : index
    %get3A_3 = arith.constant 0 : index
    %get3A_4 = vector.load %arg1[%get3A_2, %get3A_3] : memref<128x128xf32, #tpu.memory_space<vmem>>, vector<128x128xf32>
    %dot_general3A = arith.constant dense<0.000000e+00> : vector<512x128xf32>
    %dot_general3A_5 = tpu.matmul %get3A_1, %get3A_4, %dot_general3A {dimension_numbers = #tpu.dot_dimension_numbers<[1], [0], [0], [1], [0, 0, 1, 1], [], []>, transpose_lhs_hint = false} : vector<512x128xf32>, vector<128x128xf32>, vector<512x128xf32> -> vector<512x128xf32>
    %get3A_6 = arith.constant 0 : index
    %get3A_7 = arith.constant 0 : index
    %get3A_8 = vector.load %arg2[%get3A_6, %get3A_7] : memref<512x128xbf16, #tpu.memory_space<vmem>>, vector<512x128xbf16>
    %convert_element_type3A = arith.extf %get3A_8 : vector<512x128xbf16> to vector<512x128xf32>
    %add3A = arith.addf %dot_general3A_5, %convert_element_type3A : vector<512x128xf32>
    %get3A_9 = arith.constant 0 : index
    %get3A_10 = arith.constant 0 : index
    %get3A_11 = vector.load %arg8[%get3A_9, %get3A_10] : memref<8x128xf32, #tpu.memory_space<vmem>>, vector<1x128xf32>
    %add3A_12 = vector.broadcast %get3A_11 : vector<1x128xf32> to vector<512x128xf32>
    %add3A_13 = arith.addf %add3A, %add3A_12 : vector<512x128xf32>
    %max3A = arith.constant 0.000000e+00 : f32
    %max3A_14 = vector.broadcast %max3A : f32 to vector<512x128xf32>
    %max3A_15 = arith.maximumf %add3A_13, %max3A_14 : vector<512x128xf32>
    %get3A_16 = arith.constant 0 : index
    %get3A_17 = arith.constant 0 : index
    %get3A_18 = vector.load %arg6[%get3A_16, %get3A_17] : memref<128x128xf32, #tpu.memory_space<vmem>>, vector<128x128xf32>
    %dot_general3A_19 = arith.constant dense<0.000000e+00> : vector<512x128xf32>
    %dot_general3A_20 = tpu.matmul %max3A_15, %get3A_18, %dot_general3A_19 {dimension_numbers = #tpu.dot_dimension_numbers<[1], [0], [0], [1], [0, 0, 1, 1], [], []>, transpose_lhs_hint = false} : vector<512x128xf32>, vector<128x128xf32>, vector<512x128xf32> -> vector<512x128xf32>
    %get3A_21 = arith.constant 0 : index
    %get3A_22 = arith.constant 0 : index
    %get3A_23 = vector.load %arg9[%get3A_21, %get3A_22] : memref<8x128xf32, #tpu.memory_space<vmem>>, vector<1x128xf32>
    %add3A_24 = vector.broadcast %get3A_23 : vector<1x128xf32> to vector<512x128xf32>
    %add3A_25 = arith.addf %dot_general3A_20, %add3A_24 : vector<512x128xf32>
    %max3A_26 = arith.constant 0.000000e+00 : f32
    %max3A_27 = vector.broadcast %max3A_26 : f32 to vector<512x128xf32>
    %max3A_28 = arith.maximumf %add3A_25, %max3A_27 : vector<512x128xf32>
    %get3A_29 = arith.constant 0 : index
    %get3A_30 = arith.constant 0 : index
    %get3A_31 = vector.load %arg7[%get3A_29, %get3A_30] : memref<128x128xf32, #tpu.memory_space<vmem>>, vector<128x128xf32>
    %dot_general3A_32 = arith.constant dense<0.000000e+00> : vector<512x128xf32>
    %dot_general3A_33 = tpu.matmul %max3A_28, %get3A_31, %dot_general3A_32 {dimension_numbers = #tpu.dot_dimension_numbers<[1], [0], [0], [1], [0, 0, 1, 1], [], []>, transpose_lhs_hint = false} : vector<512x128xf32>, vector<128x128xf32>, vector<512x128xf32> -> vector<512x128xf32>
    %get3A_34 = arith.constant 0 : index
    %get3A_35 = arith.constant 0 : index
    %get3A_36 = vector.load %arg10[%get3A_34, %get3A_35] : memref<8x128xf32, #tpu.memory_space<vmem>>, vector<1x128xf32>
    %add3A_37 = vector.broadcast %get3A_36 : vector<1x128xf32> to vector<512x128xf32>
    %add3A_38 = arith.addf %dot_general3A_33, %add3A_37 : vector<512x128xf32>
    %max3A_39 = arith.constant 0.000000e+00 : f32
    %max3A_40 = vector.broadcast %max3A_39 : f32 to vector<512x128xf32>
    %max3A_41 = arith.maximumf %add3A_38, %max3A_40 : vector<512x128xf32>
    %get3A_42 = arith.constant 0 : index
    %get3A_43 = arith.constant 0 : index
    %get3A_44 = vector.load %arg5[%get3A_42, %get3A_43] : memref<128x512xf32, #tpu.memory_space<vmem>>, vector<128x512xf32>
    %dot_general3A_45 = arith.constant dense<0.000000e+00> : vector<128x128xf32>
    %dot_general3A_46 = tpu.matmul %get3A_44, %max3A_41, %dot_general3A_45 {dimension_numbers = #tpu.dot_dimension_numbers<[1], [0], [0], [1], [0, 0, 1, 1], [], []>, transpose_lhs_hint = false} : vector<128x512xf32>, vector<512x128xf32>, vector<128x128xf32> -> vector<128x128xf32>
    %get3A_47 = arith.constant 0 : index
    %get3A_48 = arith.constant 0 : index
    %get3A_49 = vector.load %arg3[%get3A_47, %get3A_48] : memref<128x128xf32, #tpu.memory_space<vmem>>, vector<128x128xf32>
    %add3A_50 = arith.addf %dot_general3A_46, %get3A_49 : vector<128x128xf32>
    %max3A_51 = arith.constant 0.000000e+00 : f32
    %max3A_52 = vector.broadcast %max3A_51 : f32 to vector<128x128xf32>
    %max3A_53 = arith.maximumf %add3A_50, %max3A_52 : vector<128x128xf32>
    %mul3A = arith.constant 128 : i32
    %mul3A_54 = arith.muli %arg0, %mul3A : i32
    %iota3A = tpu.iota {dimensions = array<i32: 0>} : vector<128x1xi32>
    %add3A_55 = vector.broadcast %mul3A_54 : i32 to vector<128x1xi32>
    %add3A_56 = arith.addi %add3A_55, %iota3A : vector<128x1xi32>
    %lt3A = arith.constant 10000 : i32
    %lt3A_57 = vector.broadcast %lt3A : i32 to vector<128x1xi32>
    %lt3A_58 = arith.cmpi slt, %add3A_56, %lt3A_57 : vector<128x1xi32>
    %jit3A = arith.constant 0.000000e+00 : f32
    %broadcast_in_dim3A = vector.shape_cast %lt3A_58 : vector<128x1xi1> to vector<128x1xi1>
    %broadcast_in_dim3A_59 = vector.broadcast %broadcast_in_dim3A : vector<128x1xi1> to vector<128x128xi1>
    %broadcast_in_dim3A_60 = vector.broadcast %jit3A : f32 to vector<128x128xf32>
    %select_n3A = arith.select %broadcast_in_dim3A_59, %max3A_53, %broadcast_in_dim3A_60 : vector<128x128xi1>, vector<128x128xf32>
    %swap3A = arith.constant 0 : index
    %swap3A_61 = arith.constant 0 : index
    %swap3A_62 = vector.load %arg11[%swap3A, %swap3A_61] : memref<128x128xf32, #tpu.memory_space<vmem>>, vector<128x128xf32>
    tpu.vector_store %arg11[%swap3A, %swap3A_61], %select_n3A {strides = array<i32>} : memref<128x128xf32, #tpu.memory_space<vmem>>, vector<128x128xf32>,
    return
  }
  func.func @transform_0(%arg0: i32) -> (i32, i32) {
    %c0_i32 = arith.constant 0 : i32
    %c0_i32_0 = arith.constant 0 : i32
    return %arg0, %c0_i32 : i32, i32
  }
  func.func @transform_1(%arg0: i32) -> (i32, i32) {
    %c0_i32 = arith.constant 0 : i32
    %c0_i32_0 = arith.constant 0 : i32
    return %arg0, %c0_i32 : i32, i32
  }
  func.func @transform_2(%arg0: i32) -> (i32, i32) {
    %c0_i32 = arith.constant 0 : i32
    %c0_i32_0 = arith.constant 0 : i32
    return %arg0, %c0_i32 : i32, i32
  }
  func.func @transform_3(%arg0: i32) -> (i32, i32) {
    %c0_i32 = arith.constant 0 : i32
    %c0_i32_0 = arith.constant 0 : i32
    %c0_i32_1 = arith.constant 0 : i32
    return %c0_i32, %c0_i32_0 : i32, i32
  }
  func.func @transform_4(%arg0: i32) -> (i32, i32) {
    %c0_i32 = arith.constant 0 : i32
    %c0_i32_0 = arith.constant 0 : i32
    %c0_i32_1 = arith.constant 0 : i32
    return %c0_i32, %c0_i32_0 : i32, i32
  }
  func.func @transform_5(%arg0: i32) -> (i32, i32) {
    %c0_i32 = arith.constant 0 : i32
    %c0_i32_0 = arith.constant 0 : i32
    %c0_i32_1 = arith.constant 0 : i32
    return %c0_i32, %c0_i32_0 : i32, i32
  }
  func.func @transform_6(%arg0: i32) -> (i32, i32) {
    %c0_i32 = arith.constant 0 : i32
    %c0_i32_0 = arith.constant 0 : i32
    %c0_i32_1 = arith.constant 0 : i32
    return %c0_i32, %c0_i32_0 : i32, i32
  }
  func.func @transform_7(%arg0: i32) -> (i32, i32) {
    %c0_i32 = arith.constant 0 : i32
    %c0_i32_0 = arith.constant 0 : i32
    %c0_i32_1 = arith.constant 0 : i32
    return %c0_i32, %c0_i32_0 : i32, i32
  }
  func.func @transform_8(%arg0: i32) -> (i32, i32) {
    %c0_i32 = arith.constant 0 : i32
    %c0_i32_0 = arith.constant 0 : i32
    %c0_i32_1 = arith.constant 0 : i32
    return %c0_i32, %c0_i32_0 : i32, i32
  }
  func.func @transform_9(%arg0: i32) -> (i32, i32) {
    %c0_i32 = arith.constant 0 : i32
    %c0_i32_0 = arith.constant 0 : i32
    %c0_i32_1 = arith.constant 0 : i32
    return %c0_i32, %c0_i32_0 : i32, i32
  }
  func.func @transform_10(%arg0: i32) -> (i32, i32) {
    %c0_i32 = arith.constant 0 : i32
    %c0_i32_0 = arith.constant 0 : i32
    return %arg0, %c0_i32 : i32, i32
  }
}

module attributes {stable_mosaic.version = 14 : i64} {
  func.func @body(%arg0: i32, %arg1: memref<10240x128xf32, #tpu.memory_space<vmem>>, %arg2: memref<8x128xf32, #tpu.memory_space<vmem>>, %arg3: memref<8x128xf32, #tpu.memory_space<vmem>>, %arg4: memref<8x128xf32, #tpu.memory_space<vmem>>, %arg5: memref<128x128xf32, #tpu.memory_space<vmem>>, %arg6: memref<128x128xf32, #tpu.memory_space<vmem>>, %arg7: memref<128x128xf32, #tpu.memory_space<vmem>>, %arg8: memref<8x128xf32, #tpu.memory_space<vmem>>, %arg9: memref<10240x136xbf16, #tpu.memory_space<vmem>>, %arg10: memref<10240x136xbf16, #tpu.memory_space<vmem>>, %arg11: memref<10240x128xf32, #tpu.memory_space<vmem>>, %arg12: memref<10240x128xbf16, #tpu.memory_space<vmem>>, %arg13: memref<10240x128xf32, #tpu.memory_space<vmem>>) attributes {dimension_semantics = [#tpu.dimension_semantics<arbitrary>], iteration_bounds = array<i64: 1>, scalar_prefetch = 0 : i64, scratch_operands = 0 : i64, tpu.core_type = #tpu.core_type<tc>, window_params = [{pipeline_mode = #tpu.pipeline_mode<synchronous>, transform_indices = @transform_0, window_bounds = array<i64: 10240, 128>}, {pipeline_mode = #tpu.pipeline_mode<synchronous>, transform_indices = @transform_1, window_bounds = array<i64: 8, 128>}, {pipeline_mode = #tpu.pipeline_mode<synchronous>, transform_indices = @transform_2, window_bounds = array<i64: 8, 128>}, {pipeline_mode = #tpu.pipeline_mode<synchronous>, transform_indices = @transform_3, window_bounds = array<i64: 8, 128>}, {pipeline_mode = #tpu.pipeline_mode<synchronous>, transform_indices = @transform_4, window_bounds = array<i64: 128, 128>}, {pipeline_mode = #tpu.pipeline_mode<synchronous>, transform_indices = @transform_5, window_bounds = array<i64: 128, 128>}, {pipeline_mode = #tpu.pipeline_mode<synchronous>, transform_indices = @transform_6, window_bounds = array<i64: 128, 128>}, {pipeline_mode = #tpu.pipeline_mode<synchronous>, transform_indices = @transform_7, window_bounds = array<i64: 8, 128>}, {pipeline_mode = #tpu.pipeline_mode<synchronous>, transform_indices = @transform_8, window_bounds = array<i64: 10240, 136>}, {pipeline_mode = #tpu.pipeline_mode<synchronous>, transform_indices = @transform_9, window_bounds = array<i64: 10240, 136>}, {pipeline_mode = #tpu.pipeline_mode<synchronous>, transform_indices = @transform_10, window_bounds = array<i64: 10240, 128>}, {pipeline_mode = #tpu.pipeline_mode<synchronous>, transform_indices = @transform_11, window_bounds = array<i64: 10240, 128>}, {pipeline_mode = #tpu.pipeline_mode<synchronous>, transform_indices = @transform_12, window_bounds = array<i64: 10240, 128>}]} {
    %iota3A = tpu.iota {dimensions = array<i32: 0>} : vector<10240x1xi32>
    %lt3A = arith.constant 10000 : i32
    %lt3A_0 = vector.broadcast %lt3A : i32 to vector<10240x1xi32>
    %lt3A_1 = arith.cmpi slt, %iota3A, %lt3A_0 : vector<10240x1xi32>
    %convert_element_type3A = arith.extui %lt3A_1 : vector<10240x1xi1> to vector<10240x1xi32>
    %convert_element_type3A_2 = arith.sitofp %convert_element_type3A : vector<10240x1xi32> to vector<10240x1xf32>
    %get3A = arith.constant 0 : index
    %get3A_3 = arith.constant 0 : index
    %get3A_4 = vector.load %arg1[%get3A, %get3A_3] : memref<10240x128xf32, #tpu.memory_space<vmem>>, vector<10240x128xf32>
    %mul3A = vector.broadcast %convert_element_type3A_2 : vector<10240x1xf32> to vector<10240x128xf32>
    %mul3A_5 = arith.mulf %get3A_4, %mul3A : vector<10240x128xf32>
    %get3A_6 = arith.constant 0 : index
    %get3A_7 = arith.constant 0 : index
    %get3A_8 = vector.load %arg2[%get3A_6, %get3A_7] : memref<8x128xf32, #tpu.memory_space<vmem>>, vector<1x128xf32>
    %get3A_9 = arith.constant 0 : index
    %get3A_10 = arith.constant 0 : index
    %get3A_11 = vector.load %arg3[%get3A_9, %get3A_10] : memref<8x128xf32, #tpu.memory_space<vmem>>, vector<1x128xf32>
    %get3A_12 = arith.constant 0 : index
    %get3A_13 = arith.constant 0 : index
    %get3A_14 = vector.load %arg4[%get3A_12, %get3A_13] : memref<8x128xf32, #tpu.memory_space<vmem>>, vector<1x128xf32>
    %reduce_sum3A = arith.constant dense<0.000000e+00> : vector<128xf32>
    %reduce_sum3A_15 = vector.multi_reduction <add>, %mul3A_5, %reduce_sum3A [0] : vector<10240x128xf32> to vector<128xf32>
    %broadcast_in_dim3A = vector.shape_cast %reduce_sum3A_15 : vector<128xf32> to vector<1x128xf32>
    %mul3A_16 = arith.constant 9.99999974E-5 : f32
    %mul3A_17 = vector.broadcast %mul3A_16 : f32 to vector<1x128xf32>
    %mul3A_18 = arith.mulf %broadcast_in_dim3A, %mul3A_17 : vector<1x128xf32>
    %mul3A_19 = arith.mulf %get3A_14, %mul3A_18 : vector<1x128xf32>
    %sub3A = vector.broadcast %mul3A_19 : vector<1x128xf32> to vector<10240x128xf32>
    %sub3A_20 = arith.subf %mul3A_5, %sub3A : vector<10240x128xf32>
    %mul3A_21 = vector.broadcast %convert_element_type3A_2 : vector<10240x1xf32> to vector<10240x128xf32>
    %mul3A_22 = arith.mulf %sub3A_20, %mul3A_21 : vector<10240x128xf32>
    %mul3A_23 = arith.mulf %mul3A_22, %mul3A_22 : vector<10240x128xf32>
    %reduce_sum3A_24 = arith.constant dense<0.000000e+00> : vector<128xf32>
    %reduce_sum3A_25 = vector.multi_reduction <add>, %mul3A_23, %reduce_sum3A_24 [0] : vector<10240x128xf32> to vector<128xf32>
    %broadcast_in_dim3A_26 = vector.shape_cast %reduce_sum3A_25 : vector<128xf32> to vector<1x128xf32>
    %mul3A_27 = arith.constant 9.99999974E-5 : f32
    %mul3A_28 = vector.broadcast %mul3A_27 : f32 to vector<1x128xf32>
    %mul3A_29 = arith.mulf %broadcast_in_dim3A_26, %mul3A_28 : vector<1x128xf32>
    %mul3A_30 = vector.broadcast %get3A_8 : vector<1x128xf32> to vector<10240x128xf32>
    %mul3A_31 = arith.mulf %mul3A_30, %mul3A_22 : vector<10240x128xf32>
    %add3A = arith.constant 9.99999974E-6 : f32
    %add3A_32 = vector.broadcast %add3A : f32 to vector<1x128xf32>
    %add3A_33 = arith.addf %mul3A_29, %add3A_32 : vector<1x128xf32>
    %rsqrt3A = math.rsqrt %add3A_33 : vector<1x128xf32>
    %mul3A_34 = vector.broadcast %rsqrt3A : vector<1x128xf32> to vector<10240x128xf32>
    %mul3A_35 = arith.mulf %mul3A_31, %mul3A_34 : vector<10240x128xf32>
    %add3A_36 = vector.broadcast %get3A_11 : vector<1x128xf32> to vector<10240x128xf32>
    %add3A_37 = arith.addf %mul3A_35, %add3A_36 : vector<10240x128xf32>
    %mul3A_38 = arith.mulf %add3A_37, %add3A_37 : vector<10240x128xf32>
    %reduce_sum3A_39 = arith.constant dense<0.000000e+00> : vector<10240xf32>
    %reduce_sum3A_40 = vector.multi_reduction <add>, %mul3A_38, %reduce_sum3A_39 [1] : vector<10240x128xf32> to vector<10240xf32>
    %broadcast_in_dim3A_41 = vector.shape_cast %reduce_sum3A_40 : vector<10240xf32> to vector<10240x1xf32>
    %gt3A = arith.constant 0.000000e+00 : f32
    %gt3A_42 = vector.broadcast %gt3A : f32 to vector<10240x1xf32>
    %gt3A_43 = arith.cmpf ogt, %convert_element_type3A_2, %gt3A_42 : vector<10240x1xf32>
    %mul3A_44 = arith.constant -5.000000e-01 : f32
    %mul3A_45 = vector.broadcast %mul3A_44 : f32 to vector<10240x1xf32>
    %mul3A_46 = arith.mulf %mul3A_45, %broadcast_in_dim3A_41 : vector<10240x1xf32>
    %jit3A = arith.constant -1.000000e+30 : f32
    %broadcast_in_dim3A_47 = vector.broadcast %jit3A : f32 to vector<10240x1xf32>
    %select_n3A = arith.select %gt3A_43, %mul3A_46, %broadcast_in_dim3A_47 : vector<10240x1xi1>, vector<10240x1xf32>
    %broadcast_in_dim3A_48 = arith.constant 0.000000e+00 : f32
    %broadcast_in_dim3A_49 = vector.broadcast %broadcast_in_dim3A_48 : f32 to vector<10240x7xf32>
    %broadcast_in_dim3A_50 = arith.constant 1.000000e+00 : f32
    %broadcast_in_dim3A_51 = vector.broadcast %broadcast_in_dim3A_50 : f32 to vector<10240x1xf32>
    %concatenate3A = tpu.concatenate %add3A_37, %broadcast_in_dim3A_51, %broadcast_in_dim3A_49 in 1 : vector<10240x128xf32>, vector<10240x1xf32>, vector<10240x7xf32> -> vector<10240x136xf32>
    %convert_element_type3A_52 = arith.truncf %concatenate3A : vector<10240x136xf32> to vector<10240x136xbf16>
    %swap3A = arith.constant 0 : index
    %swap3A_53 = arith.constant 0 : index
    %swap3A_54 = vector.load %arg9[%swap3A, %swap3A_53] : memref<10240x136xbf16, #tpu.memory_space<vmem>>, vector<10240x136xbf16>
    tpu.vector_store %arg9[%swap3A, %swap3A_53], %convert_element_type3A_52 {strides = array<i32>} : memref<10240x136xbf16, #tpu.memory_space<vmem>>, vector<10240x136xbf16>,
    %concatenate3A_55 = tpu.concatenate %add3A_37, %select_n3A, %broadcast_in_dim3A_49 in 1 : vector<10240x128xf32>, vector<10240x1xf32>, vector<10240x7xf32> -> vector<10240x136xf32>
    %convert_element_type3A_56 = arith.truncf %concatenate3A_55 : vector<10240x136xf32> to vector<10240x136xbf16>
    %swap3A_57 = arith.constant 0 : index
    %swap3A_58 = arith.constant 0 : index
    %swap3A_59 = vector.load %arg10[%swap3A_57, %swap3A_58] : memref<10240x136xbf16, #tpu.memory_space<vmem>>, vector<10240x136xbf16>
    tpu.vector_store %arg10[%swap3A_57, %swap3A_58], %convert_element_type3A_56 {strides = array<i32>} : memref<10240x136xbf16, #tpu.memory_space<vmem>>, vector<10240x136xbf16>,
    %get3A_60 = arith.constant 0 : index
    %get3A_61 = arith.constant 0 : index
    %get3A_62 = vector.load %arg5[%get3A_60, %get3A_61] : memref<128x128xf32, #tpu.memory_space<vmem>>, vector<128x128xf32>
    %dot_general3A = arith.constant dense<0.000000e+00> : vector<10240x128xf32>
    %dot_general3A_63 = tpu.matmul %add3A_37, %get3A_62, %dot_general3A {dimension_numbers = #tpu.dot_dimension_numbers<[1], [0], [0], [1], [0, 0, 1, 1], [], []>, transpose_lhs_hint = false} : vector<10240x128xf32>, vector<128x128xf32>, vector<10240x128xf32> -> vector<10240x128xf32>
    %swap3A_64 = arith.constant 0 : index
    %swap3A_65 = arith.constant 0 : index
    %swap3A_66 = vector.load %arg11[%swap3A_64, %swap3A_65] : memref<10240x128xf32, #tpu.memory_space<vmem>>, vector<10240x128xf32>
    tpu.vector_store %arg11[%swap3A_64, %swap3A_65], %dot_general3A_63 {strides = array<i32>} : memref<10240x128xf32, #tpu.memory_space<vmem>>, vector<10240x128xf32>,
    %get3A_67 = arith.constant 0 : index
    %get3A_68 = arith.constant 0 : index
    %get3A_69 = vector.load %arg6[%get3A_67, %get3A_68] : memref<128x128xf32, #tpu.memory_space<vmem>>, vector<128x128xf32>
    %dot_general3A_70 = arith.constant dense<0.000000e+00> : vector<10240x128xf32>
    %dot_general3A_71 = tpu.matmul %add3A_37, %get3A_69, %dot_general3A_70 {dimension_numbers = #tpu.dot_dimension_numbers<[1], [0], [0], [1], [0, 0, 1, 1], [], []>, transpose_lhs_hint = false} : vector<10240x128xf32>, vector<128x128xf32>, vector<10240x128xf32> -> vector<10240x128xf32>
    %convert_element_type3A_72 = arith.truncf %dot_general3A_71 : vector<10240x128xf32> to vector<10240x128xbf16>
    %swap3A_73 = arith.constant 0 : index
    %swap3A_74 = arith.constant 0 : index
    %swap3A_75 = vector.load %arg12[%swap3A_73, %swap3A_74] : memref<10240x128xbf16, #tpu.memory_space<vmem>>, vector<10240x128xbf16>
    tpu.vector_store %arg12[%swap3A_73, %swap3A_74], %convert_element_type3A_72 {strides = array<i32>} : memref<10240x128xbf16, #tpu.memory_space<vmem>>, vector<10240x128xbf16>,
    %get3A_76 = arith.constant 0 : index
    %get3A_77 = arith.constant 0 : index
    %get3A_78 = vector.load %arg7[%get3A_76, %get3A_77] : memref<128x128xf32, #tpu.memory_space<vmem>>, vector<128x128xf32>
    %dot_general3A_79 = arith.constant dense<0.000000e+00> : vector<10240x128xf32>
    %dot_general3A_80 = tpu.matmul %add3A_37, %get3A_78, %dot_general3A_79 {dimension_numbers = #tpu.dot_dimension_numbers<[1], [0], [0], [1], [0, 0, 1, 1], [], []>, transpose_lhs_hint = false} : vector<10240x128xf32>, vector<128x128xf32>, vector<10240x128xf32> -> vector<10240x128xf32>
    %get3A_81 = arith.constant 0 : index
    %get3A_82 = arith.constant 0 : index
    %get3A_83 = vector.load %arg8[%get3A_81, %get3A_82] : memref<8x128xf32, #tpu.memory_space<vmem>>, vector<1x128xf32>
    %add3A_84 = vector.broadcast %get3A_83 : vector<1x128xf32> to vector<10240x128xf32>
    %add3A_85 = arith.addf %dot_general3A_80, %add3A_84 : vector<10240x128xf32>
    %swap3A_86 = arith.constant 0 : index
    %swap3A_87 = arith.constant 0 : index
    %swap3A_88 = vector.load %arg13[%swap3A_86, %swap3A_87] : memref<10240x128xf32, #tpu.memory_space<vmem>>, vector<10240x128xf32>
    tpu.vector_store %arg13[%swap3A_86, %swap3A_87], %add3A_85 {strides = array<i32>} : memref<10240x128xf32, #tpu.memory_space<vmem>>, vector<10240x128xf32>,
    return
  }
  func.func @transform_0(%arg0: i32) -> (i32, i32) {
    %c0_i32 = arith.constant 0 : i32
    %c0_i32_0 = arith.constant 0 : i32
    %c0_i32_1 = arith.constant 0 : i32
    return %c0_i32, %c0_i32_0 : i32, i32
  }
  func.func @transform_1(%arg0: i32) -> (i32, i32) {
    %c0_i32 = arith.constant 0 : i32
    %c0_i32_0 = arith.constant 0 : i32
    %c0_i32_1 = arith.constant 0 : i32
    return %c0_i32, %c0_i32_0 : i32, i32
  }
  func.func @transform_2(%arg0: i32) -> (i32, i32) {
    %c0_i32 = arith.constant 0 : i32
    %c0_i32_0 = arith.constant 0 : i32
    %c0_i32_1 = arith.constant 0 : i32
    return %c0_i32, %c0_i32_0 : i32, i32
  }
  func.func @transform_3(%arg0: i32) -> (i32, i32) {
    %c0_i32 = arith.constant 0 : i32
    %c0_i32_0 = arith.constant 0 : i32
    %c0_i32_1 = arith.constant 0 : i32
    return %c0_i32, %c0_i32_0 : i32, i32
  }
  func.func @transform_4(%arg0: i32) -> (i32, i32) {
    %c0_i32 = arith.constant 0 : i32
    %c0_i32_0 = arith.constant 0 : i32
    %c0_i32_1 = arith.constant 0 : i32
    return %c0_i32, %c0_i32_0 : i32, i32
  }
  func.func @transform_5(%arg0: i32) -> (i32, i32) {
    %c0_i32 = arith.constant 0 : i32
    %c0_i32_0 = arith.constant 0 : i32
    %c0_i32_1 = arith.constant 0 : i32
    return %c0_i32, %c0_i32_0 : i32, i32
  }
  func.func @transform_6(%arg0: i32) -> (i32, i32) {
    %c0_i32 = arith.constant 0 : i32
    %c0_i32_0 = arith.constant 0 : i32
    %c0_i32_1 = arith.constant 0 : i32
    return %c0_i32, %c0_i32_0 : i32, i32
  }
  func.func @transform_7(%arg0: i32) -> (i32, i32) {
    %c0_i32 = arith.constant 0 : i32
    %c0_i32_0 = arith.constant 0 : i32
    %c0_i32_1 = arith.constant 0 : i32
    return %c0_i32, %c0_i32_0 : i32, i32
  }
  func.func @transform_8(%arg0: i32) -> (i32, i32) {
    %c0_i32 = arith.constant 0 : i32
    %c0_i32_0 = arith.constant 0 : i32
    %c0_i32_1 = arith.constant 0 : i32
    return %c0_i32, %c0_i32_0 : i32, i32
  }
  func.func @transform_9(%arg0: i32) -> (i32, i32) {
    %c0_i32 = arith.constant 0 : i32
    %c0_i32_0 = arith.constant 0 : i32
    %c0_i32_1 = arith.constant 0 : i32
    return %c0_i32, %c0_i32_0 : i32, i32
  }
  func.func @transform_10(%arg0: i32) -> (i32, i32) {
    %c0_i32 = arith.constant 0 : i32
    %c0_i32_0 = arith.constant 0 : i32
    %c0_i32_1 = arith.constant 0 : i32
    return %c0_i32, %c0_i32_0 : i32, i32
  }
  func.func @transform_11(%arg0: i32) -> (i32, i32) {
    %c0_i32 = arith.constant 0 : i32
    %c0_i32_0 = arith.constant 0 : i32
    %c0_i32_1 = arith.constant 0 : i32
    return %c0_i32, %c0_i32_0 : i32, i32
  }
  func.func @transform_12(%arg0: i32) -> (i32, i32) {
    %c0_i32 = arith.constant 0 : i32
    %c0_i32_0 = arith.constant 0 : i32
    %c0_i32_1 = arith.constant 0 : i32
    return %c0_i32, %c0_i32_0 : i32, i32
  }
}

module attributes {stable_mosaic.version = 14 : i64} {
  func.func @body(%arg0: i32, %arg1: memref<128x136xbf16, #tpu.memory_space<vmem>>, %arg2: memref<10240x136xbf16, #tpu.memory_space<vmem>>, %arg3: memref<128x8xi32, #tpu.memory_space<vmem>>) attributes {dimension_semantics = [#tpu.dimension_semantics<arbitrary>], iteration_bounds = array<i64: 80>, scalar_prefetch = 0 : i64, scratch_operands = 0 : i64, tpu.core_type = #tpu.core_type<tc>, window_params = [{transform_indices = @transform_0, window_bounds = array<i64: 128, 136>}, {pipeline_mode = #tpu.pipeline_mode<synchronous>, transform_indices = @transform_1, window_bounds = array<i64: 10240, 136>}, {transform_indices = @transform_2, window_bounds = array<i64: 128, 8>}]} {
    %get3A = arith.constant 0 : index
    %get3A_0 = arith.constant 0 : index
    %get3A_1 = vector.load %arg1[%get3A, %get3A_0] : memref<128x136xbf16, #tpu.memory_space<vmem>>, vector<128x136xbf16>
    %get3A_2 = arith.constant 0 : index
    %get3A_3 = arith.constant 0 : index
    %get3A_4 = vector.load %arg2[%get3A_2, %get3A_3] : memref<10240x136xbf16, #tpu.memory_space<vmem>>, vector<10240x136xbf16>
    %dot_general3A = arith.constant dense<0.000000e+00> : vector<128x10240xf32>
    %dot_general3A_5 = tpu.matmul %get3A_1, %get3A_4, %dot_general3A {dimension_numbers = #tpu.dot_dimension_numbers<[1], [1], [0], [0], [0, 0, 1, 0], [], []>, transpose_lhs_hint = false} : vector<128x136xbf16>, vector<10240x136xbf16>, vector<128x10240xf32> -> vector<128x10240xf32>
    %iota3A = tpu.iota {dimensions = array<i32: 1>} : vector<128x10240xi32>
    %mul3A = arith.constant 128 : i32
    %mul3A_6 = arith.muli %arg0, %mul3A : i32
    %iota3A_7 = tpu.iota {dimensions = array<i32: 0>} : vector<128x10240xi32>
    %add3A = vector.broadcast %mul3A_6 : i32 to vector<128x10240xi32>
    %add3A_8 = arith.addi %add3A, %iota3A_7 : vector<128x10240xi32>
    %bitcast_convert_type3A = tpu.bitcast %dot_general3A_5 : vector<128x10240xf32> -> vector<128x10240xi32>
    %lt3A = arith.constant 0 : i32
    %lt3A_9 = vector.broadcast %lt3A : i32 to vector<128x10240xi32>
    %lt3A_10 = arith.cmpi slt, %bitcast_convert_type3A, %lt3A_9 : vector<128x10240xi32>
    %xor3A = arith.constant 2147483647 : i32
    %xor3A_11 = vector.broadcast %xor3A : i32 to vector<128x10240xi32>
    %xor3A_12 = arith.xori %bitcast_convert_type3A, %xor3A_11 : vector<128x10240xi32>
    %select_n3A = arith.select %lt3A_10, %xor3A_12, %bitcast_convert_type3A : vector<128x10240xi1>, vector<128x10240xi32>
    %and3A = arith.constant -16384 : i32
    %and3A_13 = vector.broadcast %and3A : i32 to vector<128x10240xi32>
    %and3A_14 = arith.andi %select_n3A, %and3A_13 : vector<128x10240xi32>
    %sub3A = arith.constant 16383 : i32
    %sub3A_15 = vector.broadcast %sub3A : i32 to vector<128x10240xi32>
    %sub3A_16 = arith.subi %sub3A_15, %iota3A : vector<128x10240xi32>
    %or3A = arith.ori %and3A_14, %sub3A_16 : vector<128x10240xi32>
    %eq3A = arith.cmpi eq, %iota3A, %add3A_8 : vector<128x10240xi32>
    %jit3A = arith.constant -2147483648 : i32
    %broadcast_in_dim3A = vector.broadcast %jit3A : i32 to vector<128x10240xi32>
    %select_n3A_17 = arith.select %eq3A, %broadcast_in_dim3A, %or3A : vector<128x10240xi1>, vector<128x10240xi32>
    %reduce_max3A = arith.constant dense<-2147483648> : vector<128xi32>
    %reduce_max3A_18 = vector.multi_reduction <maxsi>, %select_n3A_17, %reduce_max3A [1] : vector<128x10240xi32> to vector<128xi32>
    %broadcast_in_dim3A_19 = vector.shape_cast %reduce_max3A_18 : vector<128xi32> to vector<128x1xi32>
    %and3A_20 = arith.constant 16383 : i32
    %and3A_21 = vector.broadcast %and3A_20 : i32 to vector<128x1xi32>
    %and3A_22 = arith.andi %broadcast_in_dim3A_19, %and3A_21 : vector<128x1xi32>
    %sub3A_23 = arith.constant 16383 : i32
    %sub3A_24 = vector.broadcast %sub3A_23 : i32 to vector<128x1xi32>
    %sub3A_25 = arith.subi %sub3A_24, %and3A_22 : vector<128x1xi32>
    %eq3A_26 = vector.broadcast %broadcast_in_dim3A_19 : vector<128x1xi32> to vector<128x10240xi32>
    %eq3A_27 = arith.cmpi eq, %select_n3A_17, %eq3A_26 : vector<128x10240xi32>
    %jit3A_28 = arith.constant -2147483648 : i32
    %broadcast_in_dim3A_29 = vector.broadcast %jit3A_28 : i32 to vector<128x10240xi32>
    %select_n3A_30 = arith.select %eq3A_27, %broadcast_in_dim3A_29, %select_n3A_17 : vector<128x10240xi1>, vector<128x10240xi32>
    %reduce_max3A_31 = arith.constant dense<-2147483648> : vector<128xi32>
    %reduce_max3A_32 = vector.multi_reduction <maxsi>, %select_n3A_30, %reduce_max3A_31 [1] : vector<128x10240xi32> to vector<128xi32>
    %broadcast_in_dim3A_33 = vector.shape_cast %reduce_max3A_32 : vector<128xi32> to vector<128x1xi32>
    %and3A_34 = arith.constant 16383 : i32
    %and3A_35 = vector.broadcast %and3A_34 : i32 to vector<128x1xi32>
    %and3A_36 = arith.andi %broadcast_in_dim3A_33, %and3A_35 : vector<128x1xi32>
    %sub3A_37 = arith.constant 16383 : i32
    %sub3A_38 = vector.broadcast %sub3A_37 : i32 to vector<128x1xi32>
    %sub3A_39 = arith.subi %sub3A_38, %and3A_36 : vector<128x1xi32>
    %eq3A_40 = vector.broadcast %broadcast_in_dim3A_33 : vector<128x1xi32> to vector<128x10240xi32>
    %eq3A_41 = arith.cmpi eq, %select_n3A_30, %eq3A_40 : vector<128x10240xi32>
    %jit3A_42 = arith.constant -2147483648 : i32
    %broadcast_in_dim3A_43 = vector.broadcast %jit3A_42 : i32 to vector<128x10240xi32>
    %select_n3A_44 = arith.select %eq3A_41, %broadcast_in_dim3A_43, %select_n3A_30 : vector<128x10240xi1>, vector<128x10240xi32>
    %reduce_max3A_45 = arith.constant dense<-2147483648> : vector<128xi32>
    %reduce_max3A_46 = vector.multi_reduction <maxsi>, %select_n3A_44, %reduce_max3A_45 [1] : vector<128x10240xi32> to vector<128xi32>
    %broadcast_in_dim3A_47 = vector.shape_cast %reduce_max3A_46 : vector<128xi32> to vector<128x1xi32>
    %and3A_48 = arith.constant 16383 : i32
    %and3A_49 = vector.broadcast %and3A_48 : i32 to vector<128x1xi32>
    %and3A_50 = arith.andi %broadcast_in_dim3A_47, %and3A_49 : vector<128x1xi32>
    %sub3A_51 = arith.constant 16383 : i32
    %sub3A_52 = vector.broadcast %sub3A_51 : i32 to vector<128x1xi32>
    %sub3A_53 = arith.subi %sub3A_52, %and3A_50 : vector<128x1xi32>
    %eq3A_54 = vector.broadcast %broadcast_in_dim3A_47 : vector<128x1xi32> to vector<128x10240xi32>
    %eq3A_55 = arith.cmpi eq, %select_n3A_44, %eq3A_54 : vector<128x10240xi32>
    %jit3A_56 = arith.constant -2147483648 : i32
    %broadcast_in_dim3A_57 = vector.broadcast %jit3A_56 : i32 to vector<128x10240xi32>
    %select_n3A_58 = arith.select %eq3A_55, %broadcast_in_dim3A_57, %select_n3A_44 : vector<128x10240xi1>, vector<128x10240xi32>
    %reduce_max3A_59 = arith.constant dense<-2147483648> : vector<128xi32>
    %reduce_max3A_60 = vector.multi_reduction <maxsi>, %select_n3A_58, %reduce_max3A_59 [1] : vector<128x10240xi32> to vector<128xi32>
    %broadcast_in_dim3A_61 = vector.shape_cast %reduce_max3A_60 : vector<128xi32> to vector<128x1xi32>
    %and3A_62 = arith.constant 16383 : i32
    %and3A_63 = vector.broadcast %and3A_62 : i32 to vector<128x1xi32>
    %and3A_64 = arith.andi %broadcast_in_dim3A_61, %and3A_63 : vector<128x1xi32>
    %sub3A_65 = arith.constant 16383 : i32
    %sub3A_66 = vector.broadcast %sub3A_65 : i32 to vector<128x1xi32>
    %sub3A_67 = arith.subi %sub3A_66, %and3A_64 : vector<128x1xi32>
    %broadcast_in_dim3A_68 = arith.constant 0 : i32
    %broadcast_in_dim3A_69 = vector.broadcast %broadcast_in_dim3A_68 : i32 to vector<128x1xi32>
    %concatenate3A = tpu.concatenate %sub3A_25, %sub3A_39, %sub3A_53, %sub3A_67, %broadcast_in_dim3A_69, %broadcast_in_dim3A_69, %broadcast_in_dim3A_69, %broadcast_in_dim3A_69 in 1 : vector<128x1xi32>, vector<128x1xi32>, vector<128x1xi32>, vector<128x1xi32>, vector<128x1xi32>, vector<128x1xi32>, vector<128x1xi32>, vector<128x1xi32> -> vector<128x8xi32>
    %swap3A = arith.constant 0 : index
    %swap3A_70 = arith.constant 0 : index
    %swap3A_71 = vector.load %arg3[%swap3A, %swap3A_70] : memref<128x8xi32, #tpu.memory_space<vmem>>, vector<128x8xi32>
    tpu.vector_store %arg3[%swap3A, %swap3A_70], %concatenate3A {strides = array<i32>} : memref<128x8xi32, #tpu.memory_space<vmem>>, vector<128x8xi32>,
    return
  }
  func.func @transform_0(%arg0: i32) -> (i32, i32) {
    %c0_i32 = arith.constant 0 : i32
    %c0_i32_0 = arith.constant 0 : i32
    return %arg0, %c0_i32 : i32, i32
  }
  func.func @transform_1(%arg0: i32) -> (i32, i32) {
    %c0_i32 = arith.constant 0 : i32
    %c0_i32_0 = arith.constant 0 : i32
    %c0_i32_1 = arith.constant 0 : i32
    return %c0_i32, %c0_i32_0 : i32, i32
  }
  func.func @transform_2(%arg0: i32) -> (i32, i32) {
    %c0_i32 = arith.constant 0 : i32
    %c0_i32_0 = arith.constant 0 : i32
    return %arg0, %c0_i32 : i32, i32
  }
}

module attributes {stable_mosaic.version = 14 : i64} {
  func.func @body(%arg0: i32, %arg1: memref<10240x128xf32, #tpu.memory_space<vmem>>, %arg2: memref<8x128xf32, #tpu.memory_space<vmem>>, %arg3: memref<8x128xf32, #tpu.memory_space<vmem>>, %arg4: memref<8x128xf32, #tpu.memory_space<vmem>>, %arg5: memref<128x64xf32, #tpu.memory_space<vmem>>, %arg6: memref<8x64xf32, #tpu.memory_space<vmem>>, %arg7: memref<64x64xf32, #tpu.memory_space<vmem>>, %arg8: memref<8x64xf32, #tpu.memory_space<vmem>>, %arg9: memref<64x8xf32, #tpu.memory_space<vmem>>, %arg10: memref<8x8xf32, #tpu.memory_space<vmem>>, %arg11: memref<8x128xf32, #tpu.memory_space<vmem>>) attributes {dimension_semantics = [#tpu.dimension_semantics<arbitrary>], iteration_bounds = array<i64: 1>, scalar_prefetch = 0 : i64, scratch_operands = 0 : i64, tpu.core_type = #tpu.core_type<tc>, window_params = [{pipeline_mode = #tpu.pipeline_mode<synchronous>, transform_indices = @transform_0, window_bounds = array<i64: 10240, 128>}, {pipeline_mode = #tpu.pipeline_mode<synchronous>, transform_indices = @transform_1, window_bounds = array<i64: 8, 128>}, {pipeline_mode = #tpu.pipeline_mode<synchronous>, transform_indices = @transform_2, window_bounds = array<i64: 8, 128>}, {pipeline_mode = #tpu.pipeline_mode<synchronous>, transform_indices = @transform_3, window_bounds = array<i64: 8, 128>}, {pipeline_mode = #tpu.pipeline_mode<synchronous>, transform_indices = @transform_4, window_bounds = array<i64: 128, 64>}, {pipeline_mode = #tpu.pipeline_mode<synchronous>, transform_indices = @transform_5, window_bounds = array<i64: 8, 64>}, {pipeline_mode = #tpu.pipeline_mode<synchronous>, transform_indices = @transform_6, window_bounds = array<i64: 64, 64>}, {pipeline_mode = #tpu.pipeline_mode<synchronous>, transform_indices = @transform_7, window_bounds = array<i64: 8, 64>}, {pipeline_mode = #tpu.pipeline_mode<synchronous>, transform_indices = @transform_8, window_bounds = array<i64: 64, 8>}, {pipeline_mode = #tpu.pipeline_mode<synchronous>, transform_indices = @transform_9, window_bounds = array<i64: 8, 8>}, {pipeline_mode = #tpu.pipeline_mode<synchronous>, transform_indices = @transform_10, window_bounds = array<i64: 8, 128>}]} {
    %iota3A = tpu.iota {dimensions = array<i32: 0>} : vector<10240x1xi32>
    %lt3A = arith.constant 10000 : i32
    %lt3A_0 = vector.broadcast %lt3A : i32 to vector<10240x1xi32>
    %lt3A_1 = arith.cmpi slt, %iota3A, %lt3A_0 : vector<10240x1xi32>
    %convert_element_type3A = arith.extui %lt3A_1 : vector<10240x1xi1> to vector<10240x1xi32>
    %convert_element_type3A_2 = arith.sitofp %convert_element_type3A : vector<10240x1xi32> to vector<10240x1xf32>
    %get3A = arith.constant 0 : index
    %get3A_3 = arith.constant 0 : index
    %get3A_4 = vector.load %arg1[%get3A, %get3A_3] : memref<10240x128xf32, #tpu.memory_space<vmem>>, vector<10240x128xf32>
    %mul3A = vector.broadcast %convert_element_type3A_2 : vector<10240x1xf32> to vector<10240x128xf32>
    %mul3A_5 = arith.mulf %get3A_4, %mul3A : vector<10240x128xf32>
    %get3A_6 = arith.constant 0 : index
    %get3A_7 = arith.constant 0 : index
    %get3A_8 = vector.load %arg2[%get3A_6, %get3A_7] : memref<8x128xf32, #tpu.memory_space<vmem>>, vector<1x128xf32>
    %get3A_9 = arith.constant 0 : index
    %get3A_10 = arith.constant 0 : index
    %get3A_11 = vector.load %arg3[%get3A_9, %get3A_10] : memref<8x128xf32, #tpu.memory_space<vmem>>, vector<1x128xf32>
    %get3A_12 = arith.constant 0 : index
    %get3A_13 = arith.constant 0 : index
    %get3A_14 = vector.load %arg4[%get3A_12, %get3A_13] : memref<8x128xf32, #tpu.memory_space<vmem>>, vector<1x128xf32>
    %reduce_sum3A = arith.constant dense<0.000000e+00> : vector<128xf32>
    %reduce_sum3A_15 = vector.multi_reduction <add>, %mul3A_5, %reduce_sum3A [0] : vector<10240x128xf32> to vector<128xf32>
    %broadcast_in_dim3A = vector.shape_cast %reduce_sum3A_15 : vector<128xf32> to vector<1x128xf32>
    %mul3A_16 = arith.constant 9.99999974E-5 : f32
    %mul3A_17 = vector.broadcast %mul3A_16 : f32 to vector<1x128xf32>
    %mul3A_18 = arith.mulf %broadcast_in_dim3A, %mul3A_17 : vector<1x128xf32>
    %mul3A_19 = arith.mulf %get3A_14, %mul3A_18 : vector<1x128xf32>
    %sub3A = vector.broadcast %mul3A_19 : vector<1x128xf32> to vector<10240x128xf32>
    %sub3A_20 = arith.subf %mul3A_5, %sub3A : vector<10240x128xf32>
    %mul3A_21 = vector.broadcast %convert_element_type3A_2 : vector<10240x1xf32> to vector<10240x128xf32>
    %mul3A_22 = arith.mulf %sub3A_20, %mul3A_21 : vector<10240x128xf32>
    %mul3A_23 = arith.mulf %mul3A_22, %mul3A_22 : vector<10240x128xf32>
    %reduce_sum3A_24 = arith.constant dense<0.000000e+00> : vector<128xf32>
    %reduce_sum3A_25 = vector.multi_reduction <add>, %mul3A_23, %reduce_sum3A_24 [0] : vector<10240x128xf32> to vector<128xf32>
    %broadcast_in_dim3A_26 = vector.shape_cast %reduce_sum3A_25 : vector<128xf32> to vector<1x128xf32>
    %mul3A_27 = arith.constant 9.99999974E-5 : f32
    %mul3A_28 = vector.broadcast %mul3A_27 : f32 to vector<1x128xf32>
    %mul3A_29 = arith.mulf %broadcast_in_dim3A_26, %mul3A_28 : vector<1x128xf32>
    %mul3A_30 = vector.broadcast %get3A_8 : vector<1x128xf32> to vector<10240x128xf32>
    %mul3A_31 = arith.mulf %mul3A_30, %mul3A_22 : vector<10240x128xf32>
    %add3A = arith.constant 9.99999974E-6 : f32
    %add3A_32 = vector.broadcast %add3A : f32 to vector<1x128xf32>
    %add3A_33 = arith.addf %mul3A_29, %add3A_32 : vector<1x128xf32>
    %rsqrt3A = math.rsqrt %add3A_33 : vector<1x128xf32>
    %mul3A_34 = vector.broadcast %rsqrt3A : vector<1x128xf32> to vector<10240x128xf32>
    %mul3A_35 = arith.mulf %mul3A_31, %mul3A_34 : vector<10240x128xf32>
    %add3A_36 = vector.broadcast %get3A_11 : vector<1x128xf32> to vector<10240x128xf32>
    %add3A_37 = arith.addf %mul3A_35, %add3A_36 : vector<10240x128xf32>
    %mul3A_38 = vector.broadcast %convert_element_type3A_2 : vector<10240x1xf32> to vector<10240x128xf32>
    %mul3A_39 = arith.mulf %add3A_37, %mul3A_38 : vector<10240x128xf32>
    %reduce_sum3A_40 = arith.constant dense<0.000000e+00> : vector<128xf32>
    %reduce_sum3A_41 = vector.multi_reduction <add>, %mul3A_39, %reduce_sum3A_40 [0] : vector<10240x128xf32> to vector<128xf32>
    %broadcast_in_dim3A_42 = vector.shape_cast %reduce_sum3A_41 : vector<128xf32> to vector<1x128xf32>
    %mul3A_43 = arith.constant 9.99999974E-5 : f32
    %mul3A_44 = vector.broadcast %mul3A_43 : f32 to vector<1x128xf32>
    %mul3A_45 = arith.mulf %broadcast_in_dim3A_42, %mul3A_44 : vector<1x128xf32>
    %get3A_46 = arith.constant 0 : index
    %get3A_47 = arith.constant 0 : index
    %get3A_48 = vector.load %arg5[%get3A_46, %get3A_47] : memref<128x64xf32, #tpu.memory_space<vmem>>, vector<128x64xf32>
    %dot_general3A = arith.constant dense<0.000000e+00> : vector<1x64xf32>
    %dot_general3A_49 = tpu.matmul %mul3A_45, %get3A_48, %dot_general3A {dimension_numbers = #tpu.dot_dimension_numbers<[1], [0], [0], [1], [0, 0, 1, 1], [], []>, transpose_lhs_hint = false} : vector<1x128xf32>, vector<128x64xf32>, vector<1x64xf32> -> vector<1x64xf32>
    %get3A_50 = arith.constant 0 : index
    %get3A_51 = arith.constant 0 : index
    %get3A_52 = vector.load %arg6[%get3A_50, %get3A_51] : memref<8x64xf32, #tpu.memory_space<vmem>>, vector<1x64xf32>
    %add3A_53 = arith.addf %dot_general3A_49, %get3A_52 : vector<1x64xf32>
    %max3A = arith.constant 0.000000e+00 : f32
    %max3A_54 = vector.broadcast %max3A : f32 to vector<1x64xf32>
    %max3A_55 = arith.maximumf %add3A_53, %max3A_54 : vector<1x64xf32>
    %get3A_56 = arith.constant 0 : index
    %get3A_57 = arith.constant 0 : index
    %get3A_58 = vector.load %arg7[%get3A_56, %get3A_57] : memref<64x64xf32, #tpu.memory_space<vmem>>, vector<64x64xf32>
    %dot_general3A_59 = arith.constant dense<0.000000e+00> : vector<1x64xf32>
    %dot_general3A_60 = tpu.matmul %max3A_55, %get3A_58, %dot_general3A_59 {dimension_numbers = #tpu.dot_dimension_numbers<[1], [0], [0], [1], [0, 0, 1, 1], [], []>, transpose_lhs_hint = false} : vector<1x64xf32>, vector<64x64xf32>, vector<1x64xf32> -> vector<1x64xf32>
    %get3A_61 = arith.constant 0 : index
    %get3A_62 = arith.constant 0 : index
    %get3A_63 = vector.load %arg8[%get3A_61, %get3A_62] : memref<8x64xf32, #tpu.memory_space<vmem>>, vector<1x64xf32>
    %add3A_64 = arith.addf %dot_general3A_60, %get3A_63 : vector<1x64xf32>
    %max3A_65 = arith.constant 0.000000e+00 : f32
    %max3A_66 = vector.broadcast %max3A_65 : f32 to vector<1x64xf32>
    %max3A_67 = arith.maximumf %add3A_64, %max3A_66 : vector<1x64xf32>
    %get3A_68 = arith.constant 0 : index
    %get3A_69 = arith.constant 0 : index
    %get3A_70 = vector.load %arg9[%get3A_68, %get3A_69] : memref<64x8xf32, #tpu.memory_space<vmem>>, vector<64x8xf32>
    %dot_general3A_71 = arith.constant dense<0.000000e+00> : vector<1x8xf32>
    %dot_general3A_72 = tpu.matmul %max3A_67, %get3A_70, %dot_general3A_71 {dimension_numbers = #tpu.dot_dimension_numbers<[1], [0], [0], [1], [0, 0, 1, 1], [], []>, transpose_lhs_hint = false} : vector<1x64xf32>, vector<64x8xf32>, vector<1x8xf32> -> vector<1x8xf32>
    %get3A_73 = arith.constant 0 : index
    %get3A_74 = arith.constant 0 : index
    %get3A_75 = vector.load %arg10[%get3A_73, %get3A_74] : memref<8x8xf32, #tpu.memory_space<vmem>>, vector<1x8xf32>
    %add3A_76 = arith.addf %dot_general3A_72, %get3A_75 : vector<1x8xf32>
    %slice3A = vector.extract_strided_slice %add3A_76 {offsets = [0, 0], sizes = [1, 2], strides = [1, 1]} : vector<1x8xf32> to vector<1x2xf32>
    %reduce_max3A = arith.constant dense<0xFF800000> : vector<1xf32>
    %reduce_max3A_77 = vector.multi_reduction <maximumf>, %slice3A, %reduce_max3A [1] : vector<1x2xf32> to vector<1xf32>
    %broadcast_in_dim3A_78 = vector.shape_cast %reduce_max3A_77 : vector<1xf32> to vector<1x1xf32>
    %sub3A_79 = vector.broadcast %broadcast_in_dim3A_78 : vector<1x1xf32> to vector<1x2xf32>
    %sub3A_80 = arith.subf %slice3A, %sub3A_79 : vector<1x2xf32>
    %exp3A = math.exp %sub3A_80 : vector<1x2xf32>
    %reduce_sum3A_81 = arith.constant dense<0.000000e+00> : vector<1xf32>
    %reduce_sum3A_82 = vector.multi_reduction <add>, %exp3A, %reduce_sum3A_81 [1] : vector<1x2xf32> to vector<1xf32>
    %broadcast_in_dim3A_83 = vector.shape_cast %reduce_sum3A_82 : vector<1xf32> to vector<1x1xf32>
    %div3A = vector.broadcast %broadcast_in_dim3A_83 : vector<1x1xf32> to vector<1x2xf32>
    %div3A_84 = arith.divf %exp3A, %div3A : vector<1x2xf32>
    %broadcast_in_dim3A_85 = arith.constant 0.000000e+00 : f32
    %broadcast_in_dim3A_86 = vector.broadcast %broadcast_in_dim3A_85 : f32 to vector<8x128xf32>
    %swap3A = arith.constant 0 : index
    %swap3A_87 = arith.constant 0 : index
    %swap3A_88 = vector.load %arg11[%swap3A, %swap3A_87] : memref<8x128xf32, #tpu.memory_space<vmem>>, vector<8x128xf32>
    tpu.vector_store %arg11[%swap3A, %swap3A_87], %broadcast_in_dim3A_86 {strides = array<i32>} : memref<8x128xf32, #tpu.memory_space<vmem>>, vector<8x128xf32>,
    %swap3A_89 = arith.constant 0 : index
    %swap3A_90 = arith.constant 0 : index
    %swap3A_91 = vector.load %arg11[%swap3A_89, %swap3A_90] : memref<8x128xf32, #tpu.memory_space<vmem>>, vector<1x2xf32>
    tpu.vector_store %arg11[%swap3A_89, %swap3A_90], %div3A_84 {strides = array<i32>} : memref<8x128xf32, #tpu.memory_space<vmem>>, vector<1x2xf32>,
    return
  }
  func.func @transform_0(%arg0: i32) -> (i32, i32) {
    %c0_i32 = arith.constant 0 : i32
    %c0_i32_0 = arith.constant 0 : i32
    %c0_i32_1 = arith.constant 0 : i32
    return %c0_i32, %c0_i32_0 : i32, i32
  }
  func.func @transform_1(%arg0: i32) -> (i32, i32) {
    %c0_i32 = arith.constant 0 : i32
    %c0_i32_0 = arith.constant 0 : i32
    %c0_i32_1 = arith.constant 0 : i32
    return %c0_i32, %c0_i32_0 : i32, i32
  }
  func.func @transform_2(%arg0: i32) -> (i32, i32) {
    %c0_i32 = arith.constant 0 : i32
    %c0_i32_0 = arith.constant 0 : i32
    %c0_i32_1 = arith.constant 0 : i32
    return %c0_i32, %c0_i32_0 : i32, i32
  }
  func.func @transform_3(%arg0: i32) -> (i32, i32) {
    %c0_i32 = arith.constant 0 : i32
    %c0_i32_0 = arith.constant 0 : i32
    %c0_i32_1 = arith.constant 0 : i32
    return %c0_i32, %c0_i32_0 : i32, i32
  }
  func.func @transform_4(%arg0: i32) -> (i32, i32) {
    %c0_i32 = arith.constant 0 : i32
    %c0_i32_0 = arith.constant 0 : i32
    %c0_i32_1 = arith.constant 0 : i32
    return %c0_i32, %c0_i32_0 : i32, i32
  }
  func.func @transform_5(%arg0: i32) -> (i32, i32) {
    %c0_i32 = arith.constant 0 : i32
    %c0_i32_0 = arith.constant 0 : i32
    %c0_i32_1 = arith.constant 0 : i32
    return %c0_i32, %c0_i32_0 : i32, i32
  }
  func.func @transform_6(%arg0: i32) -> (i32, i32) {
    %c0_i32 = arith.constant 0 : i32
    %c0_i32_0 = arith.constant 0 : i32
    %c0_i32_1 = arith.constant 0 : i32
    return %c0_i32, %c0_i32_0 : i32, i32
  }
  func.func @transform_7(%arg0: i32) -> (i32, i32) {
    %c0_i32 = arith.constant 0 : i32
    %c0_i32_0 = arith.constant 0 : i32
    %c0_i32_1 = arith.constant 0 : i32
    return %c0_i32, %c0_i32_0 : i32, i32
  }
  func.func @transform_8(%arg0: i32) -> (i32, i32) {
    %c0_i32 = arith.constant 0 : i32
    %c0_i32_0 = arith.constant 0 : i32
    %c0_i32_1 = arith.constant 0 : i32
    return %c0_i32, %c0_i32_0 : i32, i32
  }
  func.func @transform_9(%arg0: i32) -> (i32, i32) {
    %c0_i32 = arith.constant 0 : i32
    %c0_i32_0 = arith.constant 0 : i32
    %c0_i32_1 = arith.constant 0 : i32
    return %c0_i32, %c0_i32_0 : i32, i32
  }
  func.func @transform_10(%arg0: i32) -> (i32, i32) {
    %c0_i32 = arith.constant 0 : i32
    %c0_i32_0 = arith.constant 0 : i32
    %c0_i32_1 = arith.constant 0 : i32
    return %c0_i32, %c0_i32_0 : i32, i32
  }
}

</mosaic_0001>

<sc_bundles>
// kernel: kernel.15.cloned.1.call-start
scs
__scs_entry_jumppad:
0x0: {  	(pc) =	sbr.rel $0x88, $3  }
0x1: {  	(tag) =	ssettag $0x0;
	lr =	simm.s32 $0x1  }
0x2: {  	[smem:$0x3F45] =	sst lr;
	_ =	strace $0xD0000000  }
0x3: {  	_ = 	snop  }
0x4: {  	_ = 	snop  }
0x5: {  	_ = 	snop  }
0x6: {  	_ = 	snop  }
0x7: {  	_ = 	snop  }
__scs_overlays_trampoline_lowered:
0x8: {  	[smem:$0x3F54] =	sst s0  }
0x9: {  	[smem:$0x3F55] =	sst s1  }
0xa: {  	[smem:$0x3F56] =	sst s2  }
0xb: {  	[smem:$0x3F57] =	sst s3  }
0xc: {  	[smem:$0x3F58] =	sst s4  }
0xd: {  	[smem:$0x3F59] =	sst s5  }
0xe: {  	[smem:$0x3F5A] =	sst s6  }
0xf: {  	[smem:$0x3F5B] =	sst s7  }
0x10: {  	[smem:$0x3F5C] =	sst s8  }
0x11: {  	[smem:$0x3F5D] =	sst s9;
	s0 =	simm.s32 @!p0 $0x0  }
0x12: {  	s1 =	sld [smem:$0x3F43];
	s0 =	simm.s32 @p0 $0x1  }
0x13: {  	[smem:$0x3F5E] =	sst s0;
	s0 =	simm.s32 @!p1 $0x0  }
0x14: {  	s2 =	sld [smem:$0x3F42];
	s0 =	simm.s32 @p1 $0x1  }
0x15: {  	[smem:$0x3F5F] =	sst s0;
	s0 =	simm.s32 @!p2 $0x0  }
0x16: {  	s3 =	sld [smem:$0x3FDB];
	s0 =	simm.s32 @p2 $0x1  }
0x17: {  	s4 =	simm.s32 $0x1BF5;
	[smem:$0x3F61] =	sst s0  }
0x18: {  	s0 =	sld [smem:$0x3F44];
	_ =	swait.ge [sflag:s4], $0x0  }
0x19: {  	s7 =	sld [smem:$0x3F45]  }
0x1a: {  	s8 =	sadd.s32 $0xFFFFE003, lr  }
0x1b: {  	s9 =	sadd.s32 $0xFFFFFEF7, lr;
	s5 =	simm.s32 $0xFFFFFFFF;
	p2 =	slt.u32 s8, $0xFFFFF086  }
0x1c: {  	p1 =	slt.u32 s9, $0xF7A;
	s5 =	simm.s32 @!p2 $0x0  }
0x1d: {  	s5 =	simm.s32 @p1 $0x1;
	p0 =	seq.s32 s7, s2  }
0x1e: {  	s7 =	smul.u32 @!p0 $0xF7A, s2;
	p2 =	seq.s32 @!p0 s5, $0x0  }
0x1f: {  	s9 =	smul.u32 $0xF7A, s1;
	s8 =	simm.s32 @!p0 $0x1BF5;
	p2 =	por !p2, p0  }
0x20: {  	[sflag:s8] =	ssyncset.s32 @!p0 $0xFFFFF086;
	s6 =	sadd.s32 @!p0 s3, s7;
	s7 =	simm.s32 @!p0 $0x108  }
0x21: {  	s3 =	sadd.s32 s3, s9;
	s6 =	sadd.s32 @!p0 $0x88, s6;
	s7 =	simm.s32 @p2 $0x1082  }
0x22: {  	[simem:s7], [sflag:s8] =	dma.local @!p0 [hbm:s6], $0xF7A  }
0x23: {  	s9 =	sor.u32 $0xD0000000, s2;
	s6 =	simm.s32 $0x108;
	_ =	swait.ge @!p0 [sflag:s8], $0x0  }
0x24: {  	s3 =	sadd.s32 $0x88, s3;
	s6 =	simm.s32 @!p1 $0x1082;
	[sflag:s4] =	ssyncset.s32 $0xFFFFF086  }
0x25: {  	[simem:s6], [sflag:s4] =	dma.local [hbm:s3], $0xF7A  }
0x26: {  	[smem:$0x3F45] =	sst s1;
	(tag) =	ssettag s2;
	_ =	strace s9  }
0x27: {  	s1 =	sld [smem:$0x3F55]  }
0x28: {  	s2 =	sld [smem:$0x3F56]  }
0x29: {  	s4 =	sld [smem:$0x3F58]  }
0x2a: {  	p0 =	seq.s32 s5, $0x0;
	s5 =	sld [smem:$0x3F59]  }
0x2b: {  	s6 =	sld [smem:$0x3F5A]  }
0x2c: {  	s7 =	sld [smem:$0x3F5B]  }
0x2d: {  	s3 =	simm.s32 $0x108;
	s8 =	sld [smem:$0x3F5C]  }
0x2e: {  	s3 =	simm.s32 @!p0 $0x1082;
	s9 =	sld [smem:$0x3F5D]  }
0x2f: {  	lr =	sadd.s32 s0, s3;
	s0 =	sld [smem:$0x3F54]  }
0x30: {  	s3 =	sld [smem:$0x3F57]  }
0x31: {  	[smem:$0x3F60] =	sst s10  }
0x32: {  	s10 =	sld [smem:$0x3F5E];
	_ =	sdelay $0x3  }
0x33: {  	p0 =	seq.s32 s10, $0x1;
	s10 =	sld [smem:$0x3F60];
	_ =	sdelay $0x3  }
0x34: {  	[smem:$0x3F60] =	sst s10  }
0x35: {  	s10 =	sld [smem:$0x3F5F];
	_ =	sdelay $0x3  }
0x36: {  	p1 =	seq.s32 s10, $0x1;
	s10 =	sld [smem:$0x3F60];
	_ =	sdelay $0x3  }
0x37: {  	[smem:$0x3F60] =	sst s10  }
0x38: {  	s10 =	sld [smem:$0x3F61]  }
0x39: {  	_ = 	snop;
	(pc) =	sbr.ind lr, $3  }
0x3a: {  	_ = 	snop  }
0x3b: {  	_ = 	snop  }
0x3c: {  	p2 =	seq.s32 s10, $0x1;
	s10 =	sld [smem:$0x3F60]  }
0x3d: {  	_ =	shalt  }
0x3e: {  	_ =	shalt  }
0x3f: {  	_ =	shalt  }
0x40: {  	_ =	shalt  }
0x41: {  	_ =	shalt  }
0x42: {  	_ =	shalt  }
0x43: {  	_ =	shalt  }
0x44: {  	_ =	shalt  }
0x45: {  	_ =	shalt  }
0x46: {  	_ =	shalt  }
0x47: {  	_ =	shalt  }
0x48: {  	_ =	shalt  }
0x49: {  	_ =	shalt  }
0x4a: {  	_ =	shalt  }
0x4b: {  	_ =	shalt  }
0x4c: {  	_ =	shalt  }
0x4d: {  	_ =	shalt  }
0x4e: {  	_ =	shalt  }
0x4f: {  	_ =	shalt  }
0x50: {  	_ =	shalt  }
0x51: {  	_ =	shalt  }
0x52: {  	_ =	shalt  }
0x53: {  	_ =	shalt  }
0x54: {  	_ =	shalt  }
0x55: {  	_ =	shalt  }
0x56: {  	_ =	shalt  }
0x57: {  	_ =	shalt  }
0x58: {  	_ =	shalt  }
0x59: {  	_ =	shalt  }
0x5a: {  	_ =	shalt  }
0x5b: {  	_ =	shalt  }
0x5c: {  	_ =	shalt  }
0x5d: {  	_ =	shalt  }
0x5e: {  	_ =	shalt  }
0x5f: {  	_ =	shalt  }
0x60: {  	_ =	shalt  }
0x61: {  	_ =	shalt  }
0x62: {  	_ =	shalt  }
0x63: {  	_ =	shalt  }
0x64: {  	_ =	shalt  }
0x65: {  	_ =	shalt  }
0x66: {  	_ =	shalt  }
0x67: {  	_ =	shalt  }
0x68: {  	_ =	shalt  }
0x69: {  	_ =	shalt  }
0x6a: {  	_ =	shalt  }
0x6b: {  	_ =	shalt  }
0x6c: {  	_ =	shalt  }
0x6d: {  	_ =	shalt  }
0x6e: {  	_ =	shalt  }
0x6f: {  	_ =	shalt  }
0x70: {  	_ =	shalt  }
0x71: {  	_ =	shalt  }
0x72: {  	_ =	shalt  }
0x73: {  	_ =	shalt  }
0x74: {  	_ =	shalt  }
0x75: {  	_ =	shalt  }
0x76: {  	_ =	shalt  }
0x77: {  	_ =	shalt  }
0x78: {  	_ =	shalt  }
0x79: {  	_ =	shalt  }
0x7a: {  	_ =	shalt  }
0x7b: {  	_ =	shalt  }
0x7c: {  	_ =	shalt  }
0x7d: {  	_ =	shalt  }
0x7e: {  	_ =	shalt  }
0x7f: {  	_ =	shalt  }
0x80: {  	_ =	shalt  }
0x81: {  	_ =	shalt  }
0x82: {  	_ =	shalt  }
0x83: {  	_ =	shalt  }
0x84: {  	_ =	shalt  }
0x85: {  	_ =	shalt  }
0x86: {  	_ =	shalt  }
0x87: {  	_ =	shalt  }
.Lfunc_end0:
.L_simem_size_0:
called_computation_lowered:
.L_overlay_start_0:
0x88: {  	s2 =	sld [smem:$0x3FD9]  }
0x89: {  	s3 =	sld [smem:$0x3FFE];
	_ =	sdelay $0x1  }
0x8a: {  	s1 =	srdreg.scid  }
0x8b: {  	s0 =	sand.u32 $0x1, s1  }
0x8c: {  	s16 =	sshll.u32 s0, $0xA;
	s2 =	sadd.s32 s3, s2  }
0x8d: {  	s2 =	sadd.s32 s2, s16  }
0x8e: {  	[smem:$0x3F6C] =	sst s2  }
0x8f: {  	_ = 	snop  }
0x90: {  	(tm) =	ssettm $0x1  }
0x91: {  	s17 =	sld [smem:$0x3FFB];
	_ =	sdelay $0x3  }
0x92: {  	_ =	strace s17  }
0x93: {  	s2 =	sld [smem:$0x3FFC];
	_ =	sdelay $0x3  }
0x94: {  	_ =	strace s2  }
0x95: {  	s2 =	sld [smem:$0x3FFD];
	_ =	sdelay $0x3  }
0x96: {  	_ =	strace s2  }
0x97: {  	_ =	strace $0x8FFFFFFF  }
0x98: {  	s18 =	sld [smem:$0x3FDB];
	_ =	sdelay $0x1  }
0x99: {  	s19 =	simm.s32 $_scs_section_size  }
0x9a: {  	s4 =	simm.s32 $_size__tile_overlayer_lowered;
	s5 =	simm.s32 $_tile_overlayer_lowered  }
0x9b: {  	s22 =	simm.s32 $0x1BFF;
	s21 =	sshll.u32 s5, $0x1;
	s2 =	sadd.s32 s19, s18  }
0x9c: {  	s6 =	simm.s32 $0x0;
	s20 =	sshll.u32 s4, $0x1;
	s4 =	sadd.s32 s21, s2  }
0x9d: {  	[timem:s6], [sflag:s22] =	dma.local [hbm:s4], s20  }
0x9e: {  	_ =	swait.ge [sflag:s22], s20  }
0x9f: {  	s3 =	ssub.s32 $0x0, s20;
	[sflag:s22] =	ssyncset.done $0x0  }
0xa0: {  	[sflag:s22] =	ssyncadd.s32 s3;
	_ =	sdelay $0x1  }
0xa1: {  	s23 =	simm.s32 $0x1B8B  }
0xa2: {  	_ =	swait.ge [sflag:s23], $0x1  }
0xa3: {  	[sflag:s23] =	ssyncset.done $0x0  }
0xa4: {  	s25 =	simm.s32 $0x1B8E;
	s24 =	sld [smem:$0x3FFE];
	[sflag:s23] =	ssyncadd.s32 $0xFFFFFFFF  }
0xa5: {  	s26 =	simm.s32 $execute0_lowered;
	[smem:$0x3FD2] =	sst s25  }
0xa6: {  	s4 =	sshll.u32 s26, $0x1;
	_ =	strace $0x80000046;
	[dreg:$0x1] =	wrdreg $0xFFFFFFFF  }
0xa7: {  	s28 =	simm.s32 $_size_execute0_lowered;
	s2 =	sadd.s32 s2, s4;
	[dreg:$0x0] =	wrdreg $0x0  }
0xa8: {  	s4 =	sshll.u32 s28, $0x1;
	[dreg:$0x2] =	wrdreg s2  }
0xa9: {  	[dreg:$0x3] =	wrdreg s4  }
0xaa: {  	[dreg:$0x4] =	wrdreg $0xC0  }
0xab: {  	_ =	task [dreg:s6], $0x5FFFF  }
0xac: {  	[dreg:$0x1] =	wrdreg $0xFFFFFFFF  }
0xad: {  	[dreg:$0x0] =	wrdreg $0x60  }
0xae: {  	[dreg:$0x2] =	wrdreg s24  }
0xaf: {  	[dreg:$0x3] =	wrdreg $0x9  }
0xb0: {  	_ =	task.clear_ibuf [dreg:s6], $0x4FFFF;
	_ =	strace $0x90000046  }
0xb1: {  	s29 =	simm.s32 $0x9;
	_ =	strace $0x80000048  }
0xb2: {  	_ =	swait.ge [sflag:s29], $0x1  }
0xb3: {  	[sflag:s29] =	ssyncadd.s32 $0xFFFFFFFF  }
0xb4: {  	_ =	strace $0x90000048  }
0xb5: {  	_ =	sfence  }
0xb6: {  	s30 =	sld [smem:$0x0];
	_ =	sdelay $0x2  }
0xb7: {  	s31 =	sshll.u32 s1, $0xD;
	s1 =	sshrl.u32 s1, $0x2  }
0xb8: {  	s3 =	sand.u32 $0x4000, s31;
	s1 =	sadd.s32 s1, s30  }
0xb9: {  	s0 =	sor.u32 s3, s0;
	s1 =	sshll.u32 s1, $0x11  }
0xba: {  	s0 =	sor.u32 s1, s0  }
0xbb: {  	s0 =	sadd.s32 $0x8F2B, s0  }
0xbc: {  	[sflag:s0] =	ssyncadd.remote.s32 $0x1  }
0xbd: {  	_ =	sfence.sel $0xFFFF  }
0xbe: {  	[dreg:$0x0] =	wrdreg $0xFFFFFFFF;
	(pc) =	sbr.abs _section_cstart, $3  }
0xbf: {  	[dreg:$0x1] =	wrdreg $0xFFFFFFFF  }
0xc0: {  	_ =	task.clear_ibuf [dreg:s6], $0x2FFFF;
	_ =	strace $0x9FFFFFFF  }
0xc1: {  	(tm) =	ssettm $0x7FFFFFFF  }
tec
execute0_lowered:
.L_overlay_start_1:
0x0: {  	(tag) =	ssettag $0x1  }
0x1: {  	s1 =	srdreg.scid  }
0x2: {  	s0 =	stileid.u32;
	s5 =	rddreg [dreg:$0x0];
	s2 =	simm.s32 $0x0  }
0x3: {  	s15 =	simm.s32 $0x5000;
	s16 =	simm.s32 $0x6000;
	s17 =	simm.s32 $0x1  }
0x4: {  	s18 =	simm.s32 $0x3;
	s19 =	simm.s32 $0x2;
	s20 =	simm.s32 $0x4  }
0x5: {  	s21 =	simm.s32 $0x4F00;
	s22 =	simm.s32 $0x4F80;
	s23 =	simm.s32 $0x0  }
0x6: {  	s8 =	sand.u32 $0x1, s1;
	s1 =	rddreg [dreg:$0x1];
	s11 =	smul.u32 $0x5000, s0  }
0x7: {  	s3 =	sshll.u32 s0, $0x1;
	[smem:$0x7FF] =	sst s2;
	s13 =	smul.u32 $0x14000, s0  }
0x8: {  	s4 =	sadd.s32 $0x37A00, s5;
	s12 =	sadd.s32 $0x5FA00, s5;
	s29 =	smul.u32 $0x2800, s8  }
0x9: {  	s6 =	sor.u32 s8, s3;
	_ =	strace $0x80000047;
	s14 =	smul.u32 $0xA000, s8  }
0xa: {  	s3 =	sadd.s32 $0x41A00, s5;
	s9 =	ssub.s32 $0x2, s8;
	s7 =	smul.u32 $0x2800, s6  }
0xb: {  	s10 =	smul.u32 $0xA0000, s6;
	s28 =	sshrl.u32 s9, $0x1;
	s31 =	sadd.s32 s13, s12  }
0xc: {  	s13 =	simm.s32 $0x2800;
	s9 =	ssub.s32 s9, s28;
	s11 =	sadd.s32 s29, s11  }
0xd: {  	s7 =	sshrl.u32 s7, $0x3;
	s10 =	sshrl.u32 s10, $0x4;
	s11 =	sshll.u32 s11, $0x2  }
0xe: {  	s9 =	smax.u32 s9, $0x1;
	s26 =	sadd.s32 s7, s5;
	s10 =	sadd.s32 s12, s10  }
0xf: {  	s30 =	sadd.s32 s11, s12;
	s11 =	sadd.s32 s14, s31;
	s12 =	simm.s32 $0x5  }
0x10: {  	s14 =	simm.s32 $0x80;
	s5 =	sadd.s32 $0x4BA00, s26;
	s6 =	sadd.s32 $0x55A00, s26  }
0x11: {  	s7 =	sadd.s32 $0x9C00, s10;
	s8 =	sadd.s32 $0x9E00, s10;
	s10 =	sadd.s32 $0x200, s30  }
.LBB2_1:
0x12: {  	[tilespmem:s2], [sflag:$0x5] =	stream.linear.gather [hbm4b:s5+s2], $0x2800, $0x38;
	[tilespmem:$0x7000] =	vst v63  }
0x13: {  	_ =	swait.ge [sflag:s12], $0x2800  }
0x14: {  	[sflag:s12] =	ssyncset.done $0x0  }
0x15: {  	[sflag:s12] =	ssyncadd.s32 $0xFFFFD800  }
0x16: {  	[tilespmem:s13], [sflag:$0x5] =	stream.linear.gather [hbm4b:s6+s2], $0x2800, $0x38;
	[tilespmem:$0x7000] =	vst v63  }
0x17: {  	_ =	swait.ge [sflag:s12], $0x2800  }
0x18: {  	[sflag:s12] =	ssyncset.done $0x0  }
0x19: {  	[sflag:s12] =	ssyncadd.s32 $0xFFFFD800  }
0x1a: {  	[tilespmem:s15], [sflag:$0x1] =	stream.indirect.gather [hbm4b:s3+s14], $0x20, s2, s14, $0xb8;
	[tilespmem:$0x7000] =	vst v63  }
0x1b: {  	_ = 	snop  }
0x1c: {  	[tilespmem:s16], [sflag:$0x2] =	stream.indirect.gather [hbm4b:s3+s14], $0x20, s14, s14, $0xb8;
	[tilespmem:$0x7000] =	vst v63  }
0x1d: {  	_ =	swait.ge [sflag:s17], $0x1000  }
0x1e: {  	[sflag:s17] =	ssyncset.done $0x0  }
0x1f: {  	s24 =	simm.s32 $0x2800;
	[sflag:s17] =	ssyncadd.s32 $0xFFFFF000  }
0x20: {  	[tilespmem:s15], [sflag:$0x3] =	stream.indirect.gather.add.bf16 [hbm:s4], $0x20, s24, s14, $0xb8;
	[tilespmem:$0x7000] =	vst v63  }
0x21: {  	_ =	swait.ge [sflag:s18], $0x1000  }
0x22: {  	[sflag:s18] =	ssyncset.done $0x0  }
0x23: {  	s28 =	sadd.s32 $0x0, s11;
	[sflag:s18] =	ssyncadd.s32 $0xFFFFF000  }
0x24: {  	[hbm4b:s28+s2] =	stream.linear.scatter [tilespmem:s15], [sflag:$0x5], $0x1000, $0x38;
	[tilespmem:$0x7000] =	vst v63  }
0x25: {  	_ =	swait.ge [sflag:s12], $0x1000  }
0x26: {  	[sflag:s12] =	ssyncset.done $0x0  }
0x27: {  	s29 =	simm.s32 $0x100;
	[sflag:s12] =	ssyncadd.s32 $0xFFFFF000  }
0x28: {  	[tilespmem:s15], [sflag:$0x1] =	stream.indirect.gather [hbm4b:s3+s14], $0x20, s29, s14, $0xb8;
	[tilespmem:$0x7000] =	vst v63  }
0x29: {  	_ =	swait.ge [sflag:s19], $0x1000  }
0x2a: {  	[sflag:s19] =	ssyncset.done $0x0  }
0x2b: {  	s30 =	simm.s32 $0x2880;
	[sflag:s19] =	ssyncadd.s32 $0xFFFFF000  }
0x2c: {  	[tilespmem:s16], [sflag:$0x4] =	stream.indirect.gather.add.bf16 [hbm:s4], $0x20, s30, s14, $0xb8;
	[tilespmem:$0x7000] =	vst v63  }
0x2d: {  	_ =	swait.ge [sflag:s20], $0x1000  }
0x2e: {  	[sflag:s20] =	ssyncset.done $0x0  }
0x2f: {  	s31 =	sadd.s32 $0x0, s10;
	[sflag:s20] =	ssyncadd.s32 $0xFFFFF000  }
0x30: {  	[hbm4b:s31+s2] =	stream.linear.scatter [tilespmem:s16], [sflag:$0x5], $0x1000, $0x38;
	[tilespmem:$0x7000] =	vst v63  }
0x31: {  	_ =	swait.ge [sflag:s12], $0x1000  }
0x32: {  	[sflag:s12] =	ssyncset.done $0x0  }
0x33: {  	s25 =	simm.s32 $0x180;
	s24 =	simm.s32 $0x400;
	[sflag:s12] =	ssyncadd.s32 $0xFFFFF000  }
.LBB2_2:
0x34: {  	[tilespmem:s16], [sflag:$0x2] =	stream.indirect.gather [hbm4b:s3+s14], $0x20, s25, s14, $0xb8;
	[tilespmem:$0x7000] =	vst v63  }
0x35: {  	s25 =	smov.u32 s24  }
0x36: {  	p0 =	sne.s32 s24, $0x9800;
	s24 =	sadd.s32 $0x400, s24;
	_ =	swait.ge [sflag:s17], $0x1000  }
0x37: {  	s26 =	sshra.s32 s25, $0x2;
	[sflag:s17] =	ssyncset.done $0x0  }
0x38: {  	s28 =	sadd.s32 $0x2800, s26;
	[sflag:s17] =	ssyncadd.s32 $0xFFFFF000  }
0x39: {  	[tilespmem:s15], [sflag:$0x3] =	stream.indirect.gather.add.bf16 [hbm:s4], $0x20, s28, s14, $0xb8;
	[tilespmem:$0x7000] =	vst v63  }
0x3a: {  	_ =	swait.ge [sflag:s18], $0x1000  }
0x3b: {  	[sflag:s18] =	ssyncset.done $0x0  }
0x3c: {  	s28 =	sadd.s32 s25, s11;
	[sflag:s18] =	ssyncadd.s32 $0xFFFFF000  }
0x3d: {  	[hbm4b:s28+s2] =	stream.linear.scatter [tilespmem:s15], [sflag:$0x5], $0x1000, $0x38;
	[tilespmem:$0x7000] =	vst v63  }
0x3e: {  	_ =	swait.ge [sflag:s12], $0x1000  }
0x3f: {  	[sflag:s12] =	ssyncset.done $0x0  }
0x40: {  	s28 =	sadd.s32 $0x100, s26;
	[sflag:s12] =	ssyncadd.s32 $0xFFFFF000  }
0x41: {  	[tilespmem:s15], [sflag:$0x1] =	stream.indirect.gather [hbm4b:s3+s14], $0x20, s28, s14, $0xb8;
	[tilespmem:$0x7000] =	vst v63  }
0x42: {  	_ =	swait.ge [sflag:s19], $0x1000  }
0x43: {  	[sflag:s19] =	ssyncset.done $0x0  }
0x44: {  	s28 =	sadd.s32 $0x2880, s26;
	[sflag:s19] =	ssyncadd.s32 $0xFFFFF000  }
0x45: {  	[tilespmem:s16], [sflag:$0x4] =	stream.indirect.gather.add.bf16 [hbm:s4], $0x20, s28, s14, $0xb8;
	[tilespmem:$0x7000] =	vst v63  }
0x46: {  	_ =	swait.ge [sflag:s20], $0x1000  }
0x47: {  	[sflag:s20] =	ssyncset.done $0x0  }
.Ltmp0:
0x48: {  	s25 =	sadd.s32 s25, s10;
	[sflag:s20] =	ssyncadd.s32 $0xFFFFF000;
	(pc) =	sbr.rel @p0 .LBB2_2-.Ltmp0, $4  }
0x49: {  	[hbm4b:s25+s2] =	stream.linear.scatter [tilespmem:s16], [sflag:$0x5], $0x1000, $0x38;
	[tilespmem:$0x7000] =	vst v63  }
0x4a: {  	_ =	swait.ge [sflag:s12], $0x1000  }
0x4b: {  	[sflag:s12] =	ssyncset.done $0x0  }
0x4c: {  	s25 =	sadd.s32 $0x180, s26;
	[sflag:s12] =	ssyncadd.s32 $0xFFFFF000  }
0x4d: {  	[tilespmem:s16], [sflag:$0x2] =	stream.indirect.gather [hbm4b:s3+s14], $0x20, s25, s14, $0xb8;
	[tilespmem:$0x7000] =	vst v63  }
0x4e: {  	_ =	swait.ge [sflag:s17], $0x1000  }
0x4f: {  	[sflag:s17] =	ssyncset.done $0x0  }
0x50: {  	[sflag:s17] =	ssyncadd.s32 $0xFFFFF000  }
0x51: {  	[tilespmem:s15], [sflag:$0x3] =	stream.indirect.gather.add.bf16 [hbm:s4], $0x20, s21, s14, $0xb8;
	[tilespmem:$0x7000] =	vst v63  }
0x52: {  	_ =	swait.ge [sflag:s18], $0x1000  }
0x53: {  	[sflag:s18] =	ssyncset.done $0x0  }
0x54: {  	[sflag:s18] =	ssyncadd.s32 $0xFFFFF000  }
0x55: {  	[hbm4b:s7+s2] =	stream.linear.scatter [tilespmem:s15], [sflag:$0x5], $0x1000, $0x38;
	[tilespmem:$0x7000] =	vst v63  }
0x56: {  	_ =	swait.ge [sflag:s12], $0x1000  }
0x57: {  	[sflag:s12] =	ssyncset.done $0x0  }
0x58: {  	[sflag:s12] =	ssyncadd.s32 $0xFFFFF000  }
0x59: {  	_ =	swait.ge [sflag:s19], $0x1000  }
0x5a: {  	[sflag:s19] =	ssyncset.done $0x0  }
0x5b: {  	[sflag:s19] =	ssyncadd.s32 $0xFFFFF000  }
0x5c: {  	[tilespmem:s16], [sflag:$0x4] =	stream.indirect.gather.add.bf16 [hbm:s4], $0x20, s22, s14, $0xb8;
	[tilespmem:$0x7000] =	vst v63  }
0x5d: {  	s23 =	sadd.s32 $0x1, s23;
	_ =	swait.ge [sflag:s20], $0x1000  }
0x5e: {  	p0 =	sne.s32 s23, s9;
	[sflag:s20] =	ssyncset.done $0x0  }
.Ltmp1:
0x5f: {  	[sflag:s20] =	ssyncadd.s32 $0xFFFFF000;
	(pc) =	sbr.rel @p0 .LBB2_1-.Ltmp1, $4  }
0x60: {  	[hbm4b:s8+s2] =	stream.linear.scatter [tilespmem:s16], [sflag:$0x5], $0x1000, $0x38;
	[tilespmem:$0x7000] =	vst v63  }
0x61: {  	_ =	swait.ge [sflag:s12], $0x1000  }
0x62: {  	[sflag:s12] =	ssyncset.done $0x0  }
0x63: {  	[sflag:s12] =	ssyncadd.s32 $0xFFFFF000  }
0x64: {  	_ =	sfence.sel $0x180000  }
0x65: {  	[bflag:$0x0] =	sbarrier.arrive $0xFFFF  }
0x66: {  	p0 =	sne.s32 s0, $0x0;
	_ =	strace $0x90000047  }
0x67: {  	s0 =	sadd.s32 @!p0 $0x100000, s1;
	[bflag:$0x2] =	sbarrier.arrive $0xFFFF  }
0x68: {  	[sflag:s0] =	ssyncadd.tile.s32 @!p0 $0x1;
	_ =	shalt  }
.Lfunc_end2:
_tile_overlayer_lowered:
.L_overlay_start_2:
0x69: {  	(tag) =	ssettag $0x2  }
0x6a: {  	s0 =	rddreg [dreg:$0x0];
	s2 =	stileid.u32  }
0x6b: {  	s1 =	rddreg [dreg:$0x1];
	p0 =	sne.s32 s2, $0x0  }
0x6c: {  	s3 =	rddreg [dreg:$0x2];
	[bflag:$0x3] =	sbarrier.arrive $0xFFFF;
	s2 =	simm.s32 @!p0 $0x1C05  }
0x6d: {  	[timem:s3], [sflag:s2] =	dma.local @!p0 [hbm:s0], s1  }
0x6e: {  	s0 =	simm.s32 @!p0 $0x5  }
0x6f: {  	_ =	swait.ge @!p0 [sflag:s0], s1  }
0x70: {  	s1 =	ssub.s32 @!p0 $0x0, s1;
	[sflag:s0] =	ssyncset.done @!p0 $0x0  }
0x71: {  	[sflag:s0] =	ssyncadd.s32 @!p0 s1  }
0x72: {  	[bflag:$0x3] =	sbarrier.arrive $0xFFFF  }
0x73: {  	_ =	shalt  }

// kernel: kernel.18.cloned.1.call-start
scs
__scs_entry_jumppad:
0x0: {  	(pc) =	sbr.rel $0x88, $3  }
0x1: {  	(tag) =	ssettag $0x0;
	lr =	simm.s32 $0x1  }
0x2: {  	[smem:$0x3F45] =	sst lr;
	_ =	strace $0xD0000000  }
0x3: {  	_ = 	snop  }
0x4: {  	_ = 	snop  }
0x5: {  	_ = 	snop  }
0x6: {  	_ = 	snop  }
0x7: {  	_ = 	snop  }
__scs_overlays_trampoline_lowered:
0x8: {  	[smem:$0x3F54] =	sst s0  }
0x9: {  	[smem:$0x3F55] =	sst s1  }
0xa: {  	[smem:$0x3F56] =	sst s2  }
0xb: {  	[smem:$0x3F57] =	sst s3  }
0xc: {  	[smem:$0x3F58] =	sst s4  }
0xd: {  	[smem:$0x3F59] =	sst s5  }
0xe: {  	[smem:$0x3F5A] =	sst s6  }
0xf: {  	[smem:$0x3F5B] =	sst s7  }
0x10: {  	[smem:$0x3F5C] =	sst s8  }
0x11: {  	[smem:$0x3F5D] =	sst s9;
	s0 =	simm.s32 @!p0 $0x0  }
0x12: {  	s1 =	sld [smem:$0x3F43];
	s0 =	simm.s32 @p0 $0x1  }
0x13: {  	[smem:$0x3F5E] =	sst s0;
	s0 =	simm.s32 @!p1 $0x0  }
0x14: {  	s2 =	sld [smem:$0x3F42];
	s0 =	simm.s32 @p1 $0x1  }
0x15: {  	[smem:$0x3F5F] =	sst s0;
	s0 =	simm.s32 @!p2 $0x0  }
0x16: {  	s3 =	sld [smem:$0x3FDB];
	s0 =	simm.s32 @p2 $0x1  }
0x17: {  	s4 =	simm.s32 $0x1BF5;
	[smem:$0x3F61] =	sst s0  }
0x18: {  	s0 =	sld [smem:$0x3F44];
	_ =	swait.ge [sflag:s4], $0x0  }
0x19: {  	s7 =	sld [smem:$0x3F45]  }
0x1a: {  	s8 =	sadd.s32 $0xFFFFE003, lr  }
0x1b: {  	s9 =	sadd.s32 $0xFFFFFEF7, lr;
	s5 =	simm.s32 $0xFFFFFFFF;
	p2 =	slt.u32 s8, $0xFFFFF086  }
0x1c: {  	p1 =	slt.u32 s9, $0xF7A;
	s5 =	simm.s32 @!p2 $0x0  }
0x1d: {  	s5 =	simm.s32 @p1 $0x1;
	p0 =	seq.s32 s7, s2  }
0x1e: {  	s7 =	smul.u32 @!p0 $0xF7A, s2;
	p2 =	seq.s32 @!p0 s5, $0x0  }
0x1f: {  	s9 =	smul.u32 $0xF7A, s1;
	s8 =	simm.s32 @!p0 $0x1BF5;
	p2 =	por !p2, p0  }
0x20: {  	[sflag:s8] =	ssyncset.s32 @!p0 $0xFFFFF086;
	s6 =	sadd.s32 @!p0 s3, s7;
	s7 =	simm.s32 @!p0 $0x108  }
0x21: {  	s3 =	sadd.s32 s3, s9;
	s6 =	sadd.s32 @!p0 $0x88, s6;
	s7 =	simm.s32 @p2 $0x1082  }
0x22: {  	[simem:s7], [sflag:s8] =	dma.local @!p0 [hbm:s6], $0xF7A  }
0x23: {  	s9 =	sor.u32 $0xD0000000, s2;
	s6 =	simm.s32 $0x108;
	_ =	swait.ge @!p0 [sflag:s8], $0x0  }
0x24: {  	s3 =	sadd.s32 $0x88, s3;
	s6 =	simm.s32 @!p1 $0x1082;
	[sflag:s4] =	ssyncset.s32 $0xFFFFF086  }
0x25: {  	[simem:s6], [sflag:s4] =	dma.local [hbm:s3], $0xF7A  }
0x26: {  	[smem:$0x3F45] =	sst s1;
	(tag) =	ssettag s2;
	_ =	strace s9  }
0x27: {  	s1 =	sld [smem:$0x3F55]  }
0x28: {  	s2 =	sld [smem:$0x3F56]  }
0x29: {  	s4 =	sld [smem:$0x3F58]  }
0x2a: {  	p0 =	seq.s32 s5, $0x0;
	s5 =	sld [smem:$0x3F59]  }
0x2b: {  	s6 =	sld [smem:$0x3F5A]  }
0x2c: {  	s7 =	sld [smem:$0x3F5B]  }
0x2d: {  	s3 =	simm.s32 $0x108;
	s8 =	sld [smem:$0x3F5C]  }
0x2e: {  	s3 =	simm.s32 @!p0 $0x1082;
	s9 =	sld [smem:$0x3F5D]  }
0x2f: {  	lr =	sadd.s32 s0, s3;
	s0 =	sld [smem:$0x3F54]  }
0x30: {  	s3 =	sld [smem:$0x3F57]  }
0x31: {  	[smem:$0x3F60] =	sst s10  }
0x32: {  	s10 =	sld [smem:$0x3F5E];
	_ =	sdelay $0x3  }
0x33: {  	p0 =	seq.s32 s10, $0x1;
	s10 =	sld [smem:$0x3F60];
	_ =	sdelay $0x3  }
0x34: {  	[smem:$0x3F60] =	sst s10  }
0x35: {  	s10 =	sld [smem:$0x3F5F];
	_ =	sdelay $0x3  }
0x36: {  	p1 =	seq.s32 s10, $0x1;
	s10 =	sld [smem:$0x3F60];
	_ =	sdelay $0x3  }
0x37: {  	[smem:$0x3F60] =	sst s10  }
0x38: {  	s10 =	sld [smem:$0x3F61]  }
0x39: {  	_ = 	snop;
	(pc) =	sbr.ind lr, $3  }
0x3a: {  	_ = 	snop  }
0x3b: {  	_ = 	snop  }
0x3c: {  	p2 =	seq.s32 s10, $0x1;
	s10 =	sld [smem:$0x3F60]  }
0x3d: {  	_ =	shalt  }
0x3e: {  	_ =	shalt  }
0x3f: {  	_ =	shalt  }
0x40: {  	_ =	shalt  }
0x41: {  	_ =	shalt  }
0x42: {  	_ =	shalt  }
0x43: {  	_ =	shalt  }
0x44: {  	_ =	shalt  }
0x45: {  	_ =	shalt  }
0x46: {  	_ =	shalt  }
0x47: {  	_ =	shalt  }
0x48: {  	_ =	shalt  }
0x49: {  	_ =	shalt  }
0x4a: {  	_ =	shalt  }
0x4b: {  	_ =	shalt  }
0x4c: {  	_ =	shalt  }
0x4d: {  	_ =	shalt  }
0x4e: {  	_ =	shalt  }
0x4f: {  	_ =	shalt  }
0x50: {  	_ =	shalt  }
0x51: {  	_ =	shalt  }
0x52: {  	_ =	shalt  }
0x53: {  	_ =	shalt  }
0x54: {  	_ =	shalt  }
0x55: {  	_ =	shalt  }
0x56: {  	_ =	shalt  }
0x57: {  	_ =	shalt  }
0x58: {  	_ =	shalt  }
0x59: {  	_ =	shalt  }
0x5a: {  	_ =	shalt  }
0x5b: {  	_ =	shalt  }
0x5c: {  	_ =	shalt  }
0x5d: {  	_ =	shalt  }
0x5e: {  	_ =	shalt  }
0x5f: {  	_ =	shalt  }
0x60: {  	_ =	shalt  }
0x61: {  	_ =	shalt  }
0x62: {  	_ =	shalt  }
0x63: {  	_ =	shalt  }
0x64: {  	_ =	shalt  }
0x65: {  	_ =	shalt  }
0x66: {  	_ =	shalt  }
0x67: {  	_ =	shalt  }
0x68: {  	_ =	shalt  }
0x69: {  	_ =	shalt  }
0x6a: {  	_ =	shalt  }
0x6b: {  	_ =	shalt  }
0x6c: {  	_ =	shalt  }
0x6d: {  	_ =	shalt  }
0x6e: {  	_ =	shalt  }
0x6f: {  	_ =	shalt  }
0x70: {  	_ =	shalt  }
0x71: {  	_ =	shalt  }
0x72: {  	_ =	shalt  }
0x73: {  	_ =	shalt  }
0x74: {  	_ =	shalt  }
0x75: {  	_ =	shalt  }
0x76: {  	_ =	shalt  }
0x77: {  	_ =	shalt  }
0x78: {  	_ =	shalt  }
0x79: {  	_ =	shalt  }
0x7a: {  	_ =	shalt  }
0x7b: {  	_ =	shalt  }
0x7c: {  	_ =	shalt  }
0x7d: {  	_ =	shalt  }
0x7e: {  	_ =	shalt  }
0x7f: {  	_ =	shalt  }
0x80: {  	_ =	shalt  }
0x81: {  	_ =	shalt  }
0x82: {  	_ =	shalt  }
0x83: {  	_ =	shalt  }
0x84: {  	_ =	shalt  }
0x85: {  	_ =	shalt  }
0x86: {  	_ =	shalt  }
0x87: {  	_ =	shalt  }
.Lfunc_end0:
.L_simem_size_0:
called_computation.1_lowered:
.L_overlay_start_0:
0x88: {  	s2 =	sld [smem:$0x3FD9]  }
0x89: {  	s3 =	sld [smem:$0x3FFE];
	_ =	sdelay $0x1  }
0x8a: {  	s1 =	srdreg.scid  }
0x8b: {  	s0 =	sand.u32 $0x1, s1  }
0x8c: {  	s16 =	sshll.u32 s0, $0xA;
	s2 =	sadd.s32 s3, s2  }
0x8d: {  	s2 =	sadd.s32 s2, s16  }
0x8e: {  	[smem:$0x3F6C] =	sst s2  }
0x8f: {  	_ = 	snop  }
0x90: {  	(tm) =	ssettm $0x1  }
0x91: {  	s17 =	sld [smem:$0x3FFB];
	_ =	sdelay $0x3  }
0x92: {  	_ =	strace s17  }
0x93: {  	s2 =	sld [smem:$0x3FFC];
	_ =	sdelay $0x3  }
0x94: {  	_ =	strace s2  }
0x95: {  	s2 =	sld [smem:$0x3FFD];
	_ =	sdelay $0x3  }
0x96: {  	_ =	strace s2  }
0x97: {  	_ =	strace $0x8FFFFFFF  }
0x98: {  	s18 =	sld [smem:$0x3FDB];
	_ =	sdelay $0x1  }
0x99: {  	s19 =	simm.s32 $_scs_section_size  }
0x9a: {  	s4 =	simm.s32 $_size__tile_overlayer_lowered;
	s5 =	simm.s32 $_tile_overlayer_lowered  }
0x9b: {  	s22 =	simm.s32 $0x1BFF;
	s21 =	sshll.u32 s5, $0x1;
	s2 =	sadd.s32 s19, s18  }
0x9c: {  	s6 =	simm.s32 $0x0;
	s20 =	sshll.u32 s4, $0x1;
	s4 =	sadd.s32 s21, s2  }
0x9d: {  	[timem:s6], [sflag:s22] =	dma.local [hbm:s4], s20  }
0x9e: {  	_ =	swait.ge [sflag:s22], s20  }
0x9f: {  	s3 =	ssub.s32 $0x0, s20;
	[sflag:s22] =	ssyncset.done $0x0  }
0xa0: {  	[sflag:s22] =	ssyncadd.s32 s3;
	_ =	sdelay $0x1  }
0xa1: {  	s23 =	simm.s32 $0x1B8B  }
0xa2: {  	_ =	swait.ge [sflag:s23], $0x1  }
0xa3: {  	[sflag:s23] =	ssyncset.done $0x0  }
0xa4: {  	s25 =	simm.s32 $0x1B8E;
	s24 =	sld [smem:$0x3FFE];
	[sflag:s23] =	ssyncadd.s32 $0xFFFFFFFF  }
0xa5: {  	s26 =	simm.s32 $execute0_lowered;
	[smem:$0x3FD2] =	sst s25  }
0xa6: {  	s4 =	sshll.u32 s26, $0x1;
	_ =	strace $0x80000049;
	[dreg:$0x1] =	wrdreg $0xFFFFFFFF  }
0xa7: {  	s28 =	simm.s32 $_size_execute0_lowered;
	s2 =	sadd.s32 s2, s4;
	[dreg:$0x0] =	wrdreg $0x0  }
0xa8: {  	s4 =	sshll.u32 s28, $0x1;
	[dreg:$0x2] =	wrdreg s2  }
0xa9: {  	[dreg:$0x3] =	wrdreg s4  }
0xaa: {  	[dreg:$0x4] =	wrdreg $0xC0  }
0xab: {  	_ =	task [dreg:s6], $0x5FFFF  }
0xac: {  	[dreg:$0x1] =	wrdreg $0xFFFFFFFF  }
0xad: {  	[dreg:$0x0] =	wrdreg $0x60  }
0xae: {  	[dreg:$0x2] =	wrdreg s24  }
0xaf: {  	[dreg:$0x3] =	wrdreg $0x78000  }
0xb0: {  	[dreg:$0x4] =	wrdreg $0x9  }
0xb1: {  	_ =	task.clear_ibuf [dreg:s6], $0x5FFFF;
	_ =	strace $0x90000049  }
0xb2: {  	s29 =	simm.s32 $0x9;
	_ =	strace $0x8000004B  }
0xb3: {  	_ =	swait.ge [sflag:s29], $0x1  }
0xb4: {  	[sflag:s29] =	ssyncadd.s32 $0xFFFFFFFF  }
0xb5: {  	_ =	strace $0x9000004B  }
0xb6: {  	_ =	sfence  }
0xb7: {  	s30 =	sld [smem:$0x0];
	_ =	sdelay $0x2  }
0xb8: {  	s31 =	sshll.u32 s1, $0xD;
	s1 =	sshrl.u32 s1, $0x2  }
0xb9: {  	s3 =	sand.u32 $0x4000, s31;
	s1 =	sadd.s32 s1, s30  }
0xba: {  	s0 =	sor.u32 s3, s0;
	s1 =	sshll.u32 s1, $0x11  }
0xbb: {  	s0 =	sor.u32 s1, s0  }
0xbc: {  	s0 =	sadd.s32 $0x8F2B, s0  }
0xbd: {  	[sflag:s0] =	ssyncadd.remote.s32 $0x1  }
0xbe: {  	_ =	sfence.sel $0xFFFF  }
0xbf: {  	[dreg:$0x0] =	wrdreg $0xFFFFFFFF;
	(pc) =	sbr.abs _section_cstart, $3  }
0xc0: {  	[dreg:$0x1] =	wrdreg $0xFFFFFFFF  }
0xc1: {  	_ =	task.clear_ibuf [dreg:s6], $0x2FFFF;
	_ =	strace $0x9FFFFFFF  }
0xc2: {  	(tm) =	ssettm $0x7FFFFFFF  }
0xc3: {  	_ =	shalt  }
tec
execute0_lowered:
.L_overlay_start_1:
0x0: {  	(tag) =	ssettag $0x1  }
0x1: {  	s1 =	srdreg.scid;
	s5 =	rddreg [dreg:$0x0]  }
0x2: {  	s0 =	stileid.u32;
	s2 =	rddreg [dreg:$0x1];
	s3 =	simm.s32 $0x0  }
0x3: {  	s17 =	simm.s32 $0x80;
	s18 =	simm.s32 $0x2;
	s19 =	simm.s32 $0x2700  }
0x4: {  	s20 =	simm.s32 $0x2780;
	s21 =	simm.s32 $0x0;
	s4 =	sand.u32 $0x1, s1  }
0x5: {  	s29 =	sshll.u32 s0, $0x1;
	s1 =	rddreg [dreg:$0x2];
	s8 =	smul.u32 $0x1900, s0  }
0x6: {  	[smem:$0x7FF] =	sst s3;
	s9 =	sadd.s32 $0x55A00, s5;
	s12 =	smul.u32 $0x32000, s0  }
0x7: {  	s14 =	sshll.u32 s0, $0x6;
	s6 =	sor.u32 s4, s29;
	s10 =	smul.u32 $0x19000, s4  }
0x8: {  	_ =	strace $0x8000004A;
	s11 =	ssub.s32 $0x2, s4;
	s4 =	sadd.s32 $0x37A00, s5  }
0x9: {  	s7 =	smul.u32 $0x2800, s6;
	s30 =	sshrl.u32 s11, $0x1;
	s31 =	sshrl.u32 s12, $0x2  }
0xa: {  	s15 =	smul.u32 $0x19000, s6;
	s12 =	sadd.s32 s12, s9;
	s8 =	sadd.s32 s8, s10  }
0xb: {  	s11 =	ssub.s32 s11, s30;
	s16 =	sadd.s32 s31, s2;
	s12 =	sadd.s32 s10, s12  }
0xc: {  	s7 =	sshrl.u32 s7, $0x3;
	s13 =	sadd.s32 s8, s5;
	s10 =	smax.u32 s11, $0x1  }
0xd: {  	s11 =	sadd.s32 $0xF00, s12;
	s12 =	sshrl.u32 s16, $0x3;
	s16 =	simm.s32 $0x1  }
0xe: {  	s7 =	sadd.s32 s7, s5;
	s5 =	sor.u32 $0x1C03, s14;
	s14 =	simm.s32 $0x2800  }
0xf: {  	s6 =	sadd.s32 $0x4BA00, s7;
	s7 =	sadd.s32 s9, s15;
	s9 =	sadd.s32 $0x375A00, s13  }
0x10: {  	s13 =	simm.s32 $0x3;
	s15 =	simm.s32 $0x5000;
	s8 =	sadd.s32 $0x500, s7  }
.LBB2_1:
0x11: {  	[spmem:s12], [sflag:s5] =	dma.local [hbm:s4], $0x1900  }
0x12: {  	_ =	swait.ge [sflag:s13], $0x1900  }
0x13: {  	[sflag:s13] =	ssyncset.done $0x0  }
0x14: {  	[sflag:s13] =	ssyncadd.s32 $0xFFFFE700  }
0x15: {  	[tilespmem:s3], [sflag:$0x3] =	stream.linear.gather [hbm4b:s6+s3], $0x2800, $0x38;
	[tilespmem:$0x14000] =	vst v63  }
0x16: {  	_ =	swait.ge [sflag:s13], $0x2800  }
0x17: {  	[sflag:s13] =	ssyncset.done $0x0  }
0x18: {  	[sflag:s13] =	ssyncadd.s32 $0xFFFFD800  }
0x19: {  	[bflag:$0x0] =	sbarrier.arrive $0xFFFF  }
0x1a: {  	[tilespmem:s14], [sflag:$0x1] =	stream.linear.gather [hbm4b:s7+s3], $0x2800, $0x38;
	[tilespmem:$0x14000] =	vst v63  }
0x1b: {  	_ = 	snop  }
0x1c: {  	[tilespmem:s15], [sflag:$0x2] =	stream.linear.gather [hbm4b:s8+s3], $0x2800, $0x38;
	[tilespmem:$0x14000] =	vst v63  }
0x1d: {  	_ =	swait.ge [sflag:s16], $0x2800  }
0x1e: {  	[sflag:s16] =	ssyncset.done $0x0  }
0x1f: {  	s22 =	simm.s32 $0x0;
	[sflag:s16] =	ssyncadd.s32 $0xFFFFD800  }
0x20: {  	[spmem:s2] =	stream.indirect.scatter.add.f32 [tilespmem:s14], [sflag:$0x3], $0x50, s22, s17, $0xb8;
	[tilespmem:$0x14000] =	vst v63  }
0x21: {  	_ =	swait.ge [sflag:s13], $0x2800  }
0x22: {  	[sflag:s13] =	ssyncset.done $0x0  }
0x23: {  	s30 =	sadd.s32 $0xFFFFFB00, s11;
	[sflag:s13] =	ssyncadd.s32 $0xFFFFD800  }
0x24: {  	[tilespmem:s14], [sflag:$0x1] =	stream.linear.gather [hbm4b:s30+s3], $0x2800, $0x38;
	[tilespmem:$0x14000] =	vst v63  }
0x25: {  	_ =	swait.ge [sflag:s18], $0x2800  }
0x26: {  	[sflag:s18] =	ssyncset.done $0x0  }
0x27: {  	s31 =	simm.s32 $0x80;
	[sflag:s18] =	ssyncadd.s32 $0xFFFFD800  }
0x28: {  	[spmem:s2] =	stream.indirect.scatter.add.f32 [tilespmem:s15], [sflag:$0x3], $0x50, s31, s17, $0xb8;
	[tilespmem:$0x14000] =	vst v63  }
0x29: {  	_ =	swait.ge [sflag:s13], $0x2800  }
0x2a: {  	s23 =	sadd.s32 $0xA00, s11;
	[sflag:s13] =	ssyncset.done $0x0  }
0x2b: {  	s24 =	smov.u32 s11;
	s22 =	simm.s32 $0x400;
	[sflag:s13] =	ssyncadd.s32 $0xFFFFD800  }
.LBB2_2:
0x2c: {  	[tilespmem:s15], [sflag:$0x2] =	stream.linear.gather [hbm4b:s24+s3], $0x2800, $0x38;
	[tilespmem:$0x14000] =	vst v63  }
0x2d: {  	s25 =	smov.u32 s22;
	s24 =	smov.u32 s23  }
0x2e: {  	p0 =	sne.s32 s22, $0x9800;
	s22 =	sadd.s32 $0x400, s22;
	_ =	swait.ge [sflag:s16], $0x2800  }
0x2f: {  	[sflag:s16] =	ssyncset.done $0x0  }
0x30: {  	s25 =	sshra.s32 s25, $0x2;
	[sflag:s16] =	ssyncadd.s32 $0xFFFFD800  }
0x31: {  	[spmem:s2] =	stream.indirect.scatter.add.f32 [tilespmem:s14], [sflag:$0x3], $0x50, s25, s17, $0xb8;
	[tilespmem:$0x14000] =	vst v63  }
0x32: {  	_ =	swait.ge [sflag:s13], $0x2800  }
0x33: {  	[sflag:s13] =	ssyncset.done $0x0  }
0x34: {  	s26 =	sadd.s32 $0xFFFFFB00, s23;
	[sflag:s13] =	ssyncadd.s32 $0xFFFFD800  }
0x35: {  	[tilespmem:s14], [sflag:$0x1] =	stream.linear.gather [hbm4b:s26+s3], $0x2800, $0x38;
	[tilespmem:$0x14000] =	vst v63  }
0x36: {  	_ =	swait.ge [sflag:s18], $0x2800  }
0x37: {  	[sflag:s18] =	ssyncset.done $0x0  }
.Ltmp0:
0x38: {  	s25 =	sadd.s32 $0x80, s25;
	[sflag:s18] =	ssyncadd.s32 $0xFFFFD800;
	(pc) =	sbr.rel @p0 .LBB2_2-.Ltmp0, $4  }
0x39: {  	[spmem:s2] =	stream.indirect.scatter.add.f32 [tilespmem:s15], [sflag:$0x3], $0x50, s25, s17, $0xb8;
	[tilespmem:$0x14000] =	vst v63  }
0x3a: {  	_ =	swait.ge [sflag:s13], $0x2800  }
0x3b: {  	[sflag:s13] =	ssyncset.done $0x0  }
0x3c: {  	s23 =	sadd.s32 $0xA00, s23;
	[sflag:s13] =	ssyncadd.s32 $0xFFFFD800  }
0x3d: {  	[tilespmem:s15], [sflag:$0x2] =	stream.linear.gather [hbm4b:s24+s3], $0x2800, $0x38;
	[tilespmem:$0x14000] =	vst v63  }
0x3e: {  	_ =	swait.ge [sflag:s16], $0x2800  }
0x3f: {  	[sflag:s16] =	ssyncset.done $0x0  }
0x40: {  	[sflag:s16] =	ssyncadd.s32 $0xFFFFD800  }
0x41: {  	[spmem:s2] =	stream.indirect.scatter.add.f32 [tilespmem:s14], [sflag:$0x3], $0x50, s19, s17, $0xb8;
	[tilespmem:$0x14000] =	vst v63  }
0x42: {  	_ =	swait.ge [sflag:s13], $0x2800  }
0x43: {  	[sflag:s13] =	ssyncset.done $0x0  }
0x44: {  	[sflag:s13] =	ssyncadd.s32 $0xFFFFD800  }
0x45: {  	_ =	swait.ge [sflag:s18], $0x2800  }
0x46: {  	[sflag:s18] =	ssyncset.done $0x0  }
0x47: {  	[sflag:s18] =	ssyncadd.s32 $0xFFFFD800  }
0x48: {  	[spmem:s2] =	stream.indirect.scatter.add.f32 [tilespmem:s15], [sflag:$0x3], $0x50, s20, s17, $0xb8;
	[tilespmem:$0x14000] =	vst v63  }
0x49: {  	_ =	swait.ge [sflag:s13], $0x2800  }
0x4a: {  	s21 =	sadd.s32 $0x1, s21;
	[sflag:s13] =	ssyncset.done $0x0  }
0x4b: {  	p0 =	sne.s32 s21, s10;
	[sflag:s13] =	ssyncadd.s32 $0xFFFFD800  }
.Ltmp1:
0x4c: {  	[bflag:$0x0] =	sbarrier.arrive $0xFFFF;
	(pc) =	sbr.rel @p0 .LBB2_1-.Ltmp1, $4  }
0x4d: {  	[hbm:s9], [sflag:s5] =	dma.local [spmem:s12], $0x1900  }
0x4e: {  	_ =	swait.ge [sflag:s13], $0x1900  }
0x4f: {  	[sflag:s13] =	ssyncset.done $0x0  }
0x50: {  	[sflag:s13] =	ssyncadd.s32 $0xFFFFE700  }
0x51: {  	_ =	sfence.sel $0x180000  }
0x52: {  	[bflag:$0x0] =	sbarrier.arrive $0xFFFF  }
0x53: {  	p0 =	sne.s32 s0, $0x0;
	_ =	strace $0x9000004A  }
0x54: {  	s0 =	sadd.s32 @!p0 $0x100000, s1;
	[bflag:$0x2] =	sbarrier.arrive $0xFFFF  }
0x55: {  	[sflag:s0] =	ssyncadd.tile.s32 @!p0 $0x1;
	_ =	shalt  }
.Lfunc_end2:
_tile_overlayer_lowered:
.L_overlay_start_2:
0x56: {  	(tag) =	ssettag $0x2  }
0x57: {  	s0 =	rddreg [dreg:$0x0];
	s2 =	stileid.u32  }
0x58: {  	s1 =	rddreg [dreg:$0x1];
	p0 =	sne.s32 s2, $0x0  }
0x59: {  	s3 =	rddreg [dreg:$0x2];
	[bflag:$0x3] =	sbarrier.arrive $0xFFFF;
	s2 =	simm.s32 @!p0 $0x1C03  }
0x5a: {  	[timem:s3], [sflag:s2] =	dma.local @!p0 [hbm:s0], s1  }
0x5b: {  	s0 =	simm.s32 @!p0 $0x3  }
0x5c: {  	_ =	swait.ge @!p0 [sflag:s0], s1  }
0x5d: {  	s1 =	ssub.s32 @!p0 $0x0, s1;
	[sflag:s0] =	ssyncset.done @!p0 $0x0  }
0x5e: {  	[sflag:s0] =	ssyncadd.s32 @!p0 s1  }
0x5f: {  	[bflag:$0x3] =	sbarrier.arrive $0xFFFF  }
0x60: {  	_ =	shalt  }

// kernel: kernel.21.cloned.1.call-start
scs
__scs_entry_jumppad:
0x0: {  	(pc) =	sbr.rel $0x88, $3  }
0x1: {  	(tag) =	ssettag $0x0;
	lr =	simm.s32 $0x1  }
0x2: {  	[smem:$0x3F45] =	sst lr;
	_ =	strace $0xD0000000  }
0x3: {  	_ = 	snop  }
0x4: {  	_ = 	snop  }
0x5: {  	_ = 	snop  }
0x6: {  	_ = 	snop  }
0x7: {  	_ = 	snop  }
__scs_overlays_trampoline_lowered:
0x8: {  	[smem:$0x3F54] =	sst s0  }
0x9: {  	[smem:$0x3F55] =	sst s1  }
0xa: {  	[smem:$0x3F56] =	sst s2  }
0xb: {  	[smem:$0x3F57] =	sst s3  }
0xc: {  	[smem:$0x3F58] =	sst s4  }
0xd: {  	[smem:$0x3F59] =	sst s5  }
0xe: {  	[smem:$0x3F5A] =	sst s6  }
0xf: {  	[smem:$0x3F5B] =	sst s7  }
0x10: {  	[smem:$0x3F5C] =	sst s8  }
0x11: {  	[smem:$0x3F5D] =	sst s9;
	s0 =	simm.s32 @!p0 $0x0  }
0x12: {  	s1 =	sld [smem:$0x3F43];
	s0 =	simm.s32 @p0 $0x1  }
0x13: {  	[smem:$0x3F5E] =	sst s0;
	s0 =	simm.s32 @!p1 $0x0  }
0x14: {  	s2 =	sld [smem:$0x3F42];
	s0 =	simm.s32 @p1 $0x1  }
0x15: {  	[smem:$0x3F5F] =	sst s0;
	s0 =	simm.s32 @!p2 $0x0  }
0x16: {  	s3 =	sld [smem:$0x3FDB];
	s0 =	simm.s32 @p2 $0x1  }
0x17: {  	s4 =	simm.s32 $0x1BF5;
	[smem:$0x3F61] =	sst s0  }
0x18: {  	s0 =	sld [smem:$0x3F44];
	_ =	swait.ge [sflag:s4], $0x0  }
0x19: {  	s7 =	sld [smem:$0x3F45]  }
0x1a: {  	s8 =	sadd.s32 $0xFFFFE003, lr  }
0x1b: {  	s9 =	sadd.s32 $0xFFFFFEF7, lr;
	s5 =	simm.s32 $0xFFFFFFFF;
	p2 =	slt.u32 s8, $0xFFFFF086  }
0x1c: {  	p1 =	slt.u32 s9, $0xF7A;
	s5 =	simm.s32 @!p2 $0x0  }
0x1d: {  	s5 =	simm.s32 @p1 $0x1;
	p0 =	seq.s32 s7, s2  }
0x1e: {  	s7 =	smul.u32 @!p0 $0xF7A, s2;
	p2 =	seq.s32 @!p0 s5, $0x0  }
0x1f: {  	s9 =	smul.u32 $0xF7A, s1;
	s8 =	simm.s32 @!p0 $0x1BF5;
	p2 =	por !p2, p0  }
0x20: {  	[sflag:s8] =	ssyncset.s32 @!p0 $0xFFFFF086;
	s6 =	sadd.s32 @!p0 s3, s7;
	s7 =	simm.s32 @!p0 $0x108  }
0x21: {  	s3 =	sadd.s32 s3, s9;
	s6 =	sadd.s32 @!p0 $0x88, s6;
	s7 =	simm.s32 @p2 $0x1082  }
0x22: {  	[simem:s7], [sflag:s8] =	dma.local @!p0 [hbm:s6], $0xF7A  }
0x23: {  	s9 =	sor.u32 $0xD0000000, s2;
	s6 =	simm.s32 $0x108;
	_ =	swait.ge @!p0 [sflag:s8], $0x0  }
0x24: {  	s3 =	sadd.s32 $0x88, s3;
	s6 =	simm.s32 @!p1 $0x1082;
	[sflag:s4] =	ssyncset.s32 $0xFFFFF086  }
0x25: {  	[simem:s6], [sflag:s4] =	dma.local [hbm:s3], $0xF7A  }
0x26: {  	[smem:$0x3F45] =	sst s1;
	(tag) =	ssettag s2;
	_ =	strace s9  }
0x27: {  	s1 =	sld [smem:$0x3F55]  }
0x28: {  	s2 =	sld [smem:$0x3F56]  }
0x29: {  	s4 =	sld [smem:$0x3F58]  }
0x2a: {  	p0 =	seq.s32 s5, $0x0;
	s5 =	sld [smem:$0x3F59]  }
0x2b: {  	s6 =	sld [smem:$0x3F5A]  }
0x2c: {  	s7 =	sld [smem:$0x3F5B]  }
0x2d: {  	s3 =	simm.s32 $0x108;
	s8 =	sld [smem:$0x3F5C]  }
0x2e: {  	s3 =	simm.s32 @!p0 $0x1082;
	s9 =	sld [smem:$0x3F5D]  }
0x2f: {  	lr =	sadd.s32 s0, s3;
	s0 =	sld [smem:$0x3F54]  }
0x30: {  	s3 =	sld [smem:$0x3F57]  }
0x31: {  	[smem:$0x3F60] =	sst s10  }
0x32: {  	s10 =	sld [smem:$0x3F5E];
	_ =	sdelay $0x3  }
0x33: {  	p0 =	seq.s32 s10, $0x1;
	s10 =	sld [smem:$0x3F60];
	_ =	sdelay $0x3  }
0x34: {  	[smem:$0x3F60] =	sst s10  }
0x35: {  	s10 =	sld [smem:$0x3F5F];
	_ =	sdelay $0x3  }
0x36: {  	p1 =	seq.s32 s10, $0x1;
	s10 =	sld [smem:$0x3F60];
	_ =	sdelay $0x3  }
0x37: {  	[smem:$0x3F60] =	sst s10  }
0x38: {  	s10 =	sld [smem:$0x3F61]  }
0x39: {  	_ = 	snop;
	(pc) =	sbr.ind lr, $3  }
0x3a: {  	_ = 	snop  }
0x3b: {  	_ = 	snop  }
0x3c: {  	p2 =	seq.s32 s10, $0x1;
	s10 =	sld [smem:$0x3F60]  }
0x3d: {  	_ =	shalt  }
0x3e: {  	_ =	shalt  }
0x3f: {  	_ =	shalt  }
0x40: {  	_ =	shalt  }
0x41: {  	_ =	shalt  }
0x42: {  	_ =	shalt  }
0x43: {  	_ =	shalt  }
0x44: {  	_ =	shalt  }
0x45: {  	_ =	shalt  }
0x46: {  	_ =	shalt  }
0x47: {  	_ =	shalt  }
0x48: {  	_ =	shalt  }
0x49: {  	_ =	shalt  }
0x4a: {  	_ =	shalt  }
0x4b: {  	_ =	shalt  }
0x4c: {  	_ =	shalt  }
0x4d: {  	_ =	shalt  }
0x4e: {  	_ =	shalt  }
0x4f: {  	_ =	shalt  }
0x50: {  	_ =	shalt  }
0x51: {  	_ =	shalt  }
0x52: {  	_ =	shalt  }
0x53: {  	_ =	shalt  }
0x54: {  	_ =	shalt  }
0x55: {  	_ =	shalt  }
0x56: {  	_ =	shalt  }
0x57: {  	_ =	shalt  }
0x58: {  	_ =	shalt  }
0x59: {  	_ =	shalt  }
0x5a: {  	_ =	shalt  }
0x5b: {  	_ =	shalt  }
0x5c: {  	_ =	shalt  }
0x5d: {  	_ =	shalt  }
0x5e: {  	_ =	shalt  }
0x5f: {  	_ =	shalt  }
0x60: {  	_ =	shalt  }
0x61: {  	_ =	shalt  }
0x62: {  	_ =	shalt  }
0x63: {  	_ =	shalt  }
0x64: {  	_ =	shalt  }
0x65: {  	_ =	shalt  }
0x66: {  	_ =	shalt  }
0x67: {  	_ =	shalt  }
0x68: {  	_ =	shalt  }
0x69: {  	_ =	shalt  }
0x6a: {  	_ =	shalt  }
0x6b: {  	_ =	shalt  }
0x6c: {  	_ =	shalt  }
0x6d: {  	_ =	shalt  }
0x6e: {  	_ =	shalt  }
0x6f: {  	_ =	shalt  }
0x70: {  	_ =	shalt  }
0x71: {  	_ =	shalt  }
0x72: {  	_ =	shalt  }
0x73: {  	_ =	shalt  }
0x74: {  	_ =	shalt  }
0x75: {  	_ =	shalt  }
0x76: {  	_ =	shalt  }
0x77: {  	_ =	shalt  }
0x78: {  	_ =	shalt  }
0x79: {  	_ =	shalt  }
0x7a: {  	_ =	shalt  }
0x7b: {  	_ =	shalt  }
0x7c: {  	_ =	shalt  }
0x7d: {  	_ =	shalt  }
0x7e: {  	_ =	shalt  }
0x7f: {  	_ =	shalt  }
0x80: {  	_ =	shalt  }
0x81: {  	_ =	shalt  }
0x82: {  	_ =	shalt  }
0x83: {  	_ =	shalt  }
0x84: {  	_ =	shalt  }
0x85: {  	_ =	shalt  }
0x86: {  	_ =	shalt  }
0x87: {  	_ =	shalt  }
.Lfunc_end0:
.L_simem_size_0:
called_computation.2_lowered:
.L_overlay_start_0:
0x88: {  	s2 =	sld [smem:$0x3FD9]  }
0x89: {  	s3 =	sld [smem:$0x3FFE];
	_ =	sdelay $0x1  }
0x8a: {  	s1 =	srdreg.scid  }
0x8b: {  	s0 =	sand.u32 $0x1, s1  }
0x8c: {  	s16 =	sshll.u32 s0, $0xA;
	s2 =	sadd.s32 s3, s2  }
0x8d: {  	s2 =	sadd.s32 s2, s16  }
0x8e: {  	[smem:$0x3F6C] =	sst s2  }
0x8f: {  	_ = 	snop  }
0x90: {  	(tm) =	ssettm $0x1  }
0x91: {  	s17 =	sld [smem:$0x3FFB];
	_ =	sdelay $0x3  }
0x92: {  	_ =	strace s17  }
0x93: {  	s2 =	sld [smem:$0x3FFC];
	_ =	sdelay $0x3  }
0x94: {  	_ =	strace s2  }
0x95: {  	s2 =	sld [smem:$0x3FFD];
	_ =	sdelay $0x3  }
0x96: {  	_ =	strace s2  }
0x97: {  	_ =	strace $0x8FFFFFFF  }
0x98: {  	s18 =	sld [smem:$0x3FDB];
	_ =	sdelay $0x1  }
0x99: {  	s19 =	simm.s32 $_scs_section_size  }
0x9a: {  	s4 =	simm.s32 $_size__tile_overlayer_lowered;
	s5 =	simm.s32 $_tile_overlayer_lowered  }
0x9b: {  	s22 =	simm.s32 $0x1BFF;
	s21 =	sshll.u32 s5, $0x1;
	s2 =	sadd.s32 s19, s18  }
0x9c: {  	s6 =	simm.s32 $0x0;
	s20 =	sshll.u32 s4, $0x1;
	s4 =	sadd.s32 s21, s2  }
0x9d: {  	[timem:s6], [sflag:s22] =	dma.local [hbm:s4], s20  }
0x9e: {  	_ =	swait.ge [sflag:s22], s20  }
0x9f: {  	s3 =	ssub.s32 $0x0, s20;
	[sflag:s22] =	ssyncset.done $0x0  }
0xa0: {  	[sflag:s22] =	ssyncadd.s32 s3;
	_ =	sdelay $0x1  }
0xa1: {  	s23 =	simm.s32 $0x1B8B  }
0xa2: {  	_ =	swait.ge [sflag:s23], $0x1  }
0xa3: {  	[sflag:s23] =	ssyncset.done $0x0  }
0xa4: {  	s25 =	simm.s32 $0x1B8E;
	s24 =	sld [smem:$0x3FFE];
	[sflag:s23] =	ssyncadd.s32 $0xFFFFFFFF  }
0xa5: {  	s26 =	simm.s32 $execute0_lowered;
	[smem:$0x3FD2] =	sst s25  }
0xa6: {  	s4 =	sshll.u32 s26, $0x1;
	_ =	strace $0x8000004C;
	[dreg:$0x1] =	wrdreg $0xFFFFFFFF  }
0xa7: {  	s28 =	simm.s32 $_size_execute0_lowered;
	s2 =	sadd.s32 s2, s4;
	[dreg:$0x0] =	wrdreg $0x0  }
0xa8: {  	s4 =	sshll.u32 s28, $0x1;
	[dreg:$0x2] =	wrdreg s2  }
0xa9: {  	[dreg:$0x3] =	wrdreg s4  }
0xaa: {  	[dreg:$0x4] =	wrdreg $0xC0  }
0xab: {  	_ =	task [dreg:s6], $0x5FFFF  }
0xac: {  	[dreg:$0x1] =	wrdreg $0xFFFFFFFF  }
0xad: {  	[dreg:$0x0] =	wrdreg $0x60  }
0xae: {  	[dreg:$0x2] =	wrdreg s24  }
0xaf: {  	[dreg:$0x3] =	wrdreg $0x9  }
0xb0: {  	_ =	task.clear_ibuf [dreg:s6], $0x4FFFF;
	_ =	strace $0x9000004C  }
0xb1: {  	s29 =	simm.s32 $0x9;
	_ =	strace $0x8000004E  }
0xb2: {  	_ =	swait.ge [sflag:s29], $0x1  }
0xb3: {  	[sflag:s29] =	ssyncadd.s32 $0xFFFFFFFF  }
0xb4: {  	_ =	strace $0x9000004E  }
0xb5: {  	_ =	sfence  }
0xb6: {  	s30 =	sld [smem:$0x0];
	_ =	sdelay $0x2  }
0xb7: {  	s31 =	sshll.u32 s1, $0xD;
	s1 =	sshrl.u32 s1, $0x2  }
0xb8: {  	s3 =	sand.u32 $0x4000, s31;
	s1 =	sadd.s32 s1, s30  }
0xb9: {  	s0 =	sor.u32 s3, s0;
	s1 =	sshll.u32 s1, $0x11  }
0xba: {  	s0 =	sor.u32 s1, s0  }
0xbb: {  	s0 =	sadd.s32 $0x8F2B, s0  }
0xbc: {  	[sflag:s0] =	ssyncadd.remote.s32 $0x1  }
0xbd: {  	_ =	sfence.sel $0xFFFF  }
0xbe: {  	[dreg:$0x0] =	wrdreg $0xFFFFFFFF;
	(pc) =	sbr.abs _section_cstart, $3  }
0xbf: {  	[dreg:$0x1] =	wrdreg $0xFFFFFFFF  }
0xc0: {  	_ =	task.clear_ibuf [dreg:s6], $0x2FFFF;
	_ =	strace $0x9FFFFFFF  }
0xc1: {  	(tm) =	ssettm $0x7FFFFFFF  }
tec
execute0_lowered:
.L_overlay_start_1:
0x0: {  	(tag) =	ssettag $0x1  }
0x1: {  	s1 =	srdreg.scid;
	s0 =	stileid.u32  }
0x2: {  	s29 =	sand.u32 $0x1, s1;
	s26 =	sshll.u32 s0, $0x1  }
0x3: {  	s11 =	sor.u32 s29, s26  }
0x4: {  	s10 =	rddreg [dreg:$0x0];
	s3 =	smul.u32 $0xA0, s11  }
0x5: {  	s2 =	simm.s32 $0x0;
	s1 =	rddreg [dreg:$0x1]  }
0x6: {  	[smem:$0x7FF] =	sst s2;
	s3 =	sadd.s32 s3, s10  }
0x7: {  	_ =	strace $0x8000004D;
	s4 =	sadd.s32 $0xFA00, s3;
	s3 =	simm.s32 $0x3  }
0x8: {  	[tilespmem:s2], [sflag:$0x3] =	stream.linear.gather [hbm4b:s4+s2], $0x500, $0x38;
	[tilespmem:$0x4500] =	vst v63  }
0x9: {  	_ =	swait.ge [sflag:s3], $0x500  }
0xa: {  	s6 =	simm.s32 $0x80;
	[sflag:s3] =	ssyncset.done $0x0  }
0xb: {  	s7 =	simm.s32 $0x500;
	s5 =	sadd.s32 $0x10E00, s10;
	[sflag:s3] =	ssyncadd.s32 $0xFFFFFB00  }
0xc: {  	[tilespmem:s7], [sflag:$0x1] =	stream.indirect.gather [hbm4b:s5+s6], $0x40, s2, s6, $0xb8;
	[tilespmem:$0x4500] =	vst v63  }
0xd: {  	s8 =	simm.s32 $0x2500;
	s9 =	simm.s32 $0x1;
	s12 =	smul.u32 $0x28000, s11  }
0xe: {  	[tilespmem:s8], [sflag:$0x2] =	stream.indirect.gather [hbm4b:s5+s6], $0x40, s6, s6, $0xb8;
	[tilespmem:$0x4500] =	vst v63  }
0xf: {  	_ =	swait.ge [sflag:s9], $0x2000  }
0x10: {  	s13 =	sadd.s32 $0x24E00, s10;
	s31 =	sshrl.u32 s12, $0x4;
	[sflag:s9] =	ssyncset.done $0x0  }
0x11: {  	s10 =	sadd.s32 s13, s31;
	[sflag:s9] =	ssyncadd.s32 $0xFFFFE000  }
0x12: {  	[hbm4b:s10+s2] =	stream.linear.scatter [tilespmem:s7], [sflag:$0x3], $0x2000, $0x38;
	[tilespmem:$0x4500] =	vst v63  }
0x13: {  	_ =	swait.ge [sflag:s3], $0x2000  }
0x14: {  	s14 =	smul.u32 $0x2800, s11;
	[sflag:s3] =	ssyncset.done $0x0  }
0x15: {  	s11 =	simm.s32 $0x100;
	s12 =	simm.s32 $0x2;
	[sflag:s3] =	ssyncadd.s32 $0xFFFFE000  }
0x16: {  	[tilespmem:s7], [sflag:$0x1] =	stream.indirect.gather [hbm4b:s5+s6], $0x40, s11, s6, $0xb8;
	[tilespmem:$0x4500] =	vst v63  }
0x17: {  	_ =	swait.ge [sflag:s12], $0x2000  }
0x18: {  	s25 =	sadd.s32 s13, s14;
	[sflag:s12] =	ssyncset.done $0x0  }
0x19: {  	s13 =	sadd.s32 $0x400, s25;
	[sflag:s12] =	ssyncadd.s32 $0xFFFFE000  }
0x1a: {  	[hbm4b:s13+s2] =	stream.linear.scatter [tilespmem:s8], [sflag:$0x3], $0x2000, $0x38;
	[tilespmem:$0x4500] =	vst v63  }
0x1b: {  	_ =	swait.ge [sflag:s3], $0x2000  }
0x1c: {  	[sflag:s3] =	ssyncset.done $0x0  }
0x1d: {  	s14 =	simm.s32 $0x180;
	[sflag:s3] =	ssyncadd.s32 $0xFFFFE000  }
0x1e: {  	[tilespmem:s8], [sflag:$0x2] =	stream.indirect.gather [hbm4b:s5+s6], $0x40, s14, s6, $0xb8;
	[tilespmem:$0x4500] =	vst v63  }
0x1f: {  	_ =	swait.ge [sflag:s9], $0x2000  }
0x20: {  	[sflag:s9] =	ssyncset.done $0x0  }
0x21: {  	s15 =	sadd.s32 $0x800, s10;
	[sflag:s9] =	ssyncadd.s32 $0xFFFFE000  }
0x22: {  	[hbm4b:s15+s2] =	stream.linear.scatter [tilespmem:s7], [sflag:$0x3], $0x2000, $0x38;
	[tilespmem:$0x4500] =	vst v63  }
0x23: {  	_ =	swait.ge [sflag:s3], $0x2000  }
0x24: {  	[sflag:s3] =	ssyncset.done $0x0  }
0x25: {  	s16 =	simm.s32 $0x200;
	[sflag:s3] =	ssyncadd.s32 $0xFFFFE000  }
0x26: {  	[tilespmem:s7], [sflag:$0x1] =	stream.indirect.gather [hbm4b:s5+s6], $0x40, s16, s6, $0xb8;
	[tilespmem:$0x4500] =	vst v63  }
0x27: {  	_ =	swait.ge [sflag:s12], $0x2000  }
0x28: {  	[sflag:s12] =	ssyncset.done $0x0  }
0x29: {  	s17 =	sadd.s32 $0xC00, s25;
	[sflag:s12] =	ssyncadd.s32 $0xFFFFE000  }
0x2a: {  	[hbm4b:s17+s2] =	stream.linear.scatter [tilespmem:s8], [sflag:$0x3], $0x2000, $0x38;
	[tilespmem:$0x4500] =	vst v63  }
0x2b: {  	_ =	swait.ge [sflag:s3], $0x2000  }
0x2c: {  	[sflag:s3] =	ssyncset.done $0x0  }
0x2d: {  	s18 =	simm.s32 $0x280;
	[sflag:s3] =	ssyncadd.s32 $0xFFFFE000  }
0x2e: {  	[tilespmem:s8], [sflag:$0x2] =	stream.indirect.gather [hbm4b:s5+s6], $0x40, s18, s6, $0xb8;
	[tilespmem:$0x4500] =	vst v63  }
0x2f: {  	_ =	swait.ge [sflag:s9], $0x2000  }
0x30: {  	[sflag:s9] =	ssyncset.done $0x0  }
0x31: {  	s19 =	sadd.s32 $0x1000, s10;
	[sflag:s9] =	ssyncadd.s32 $0xFFFFE000  }
0x32: {  	[hbm4b:s19+s2] =	stream.linear.scatter [tilespmem:s7], [sflag:$0x3], $0x2000, $0x38;
	[tilespmem:$0x4500] =	vst v63  }
0x33: {  	_ =	swait.ge [sflag:s3], $0x2000  }
0x34: {  	[sflag:s3] =	ssyncset.done $0x0  }
0x35: {  	s20 =	simm.s32 $0x300;
	[sflag:s3] =	ssyncadd.s32 $0xFFFFE000  }
0x36: {  	[tilespmem:s7], [sflag:$0x1] =	stream.indirect.gather [hbm4b:s5+s6], $0x40, s20, s6, $0xb8;
	[tilespmem:$0x4500] =	vst v63  }
0x37: {  	_ =	swait.ge [sflag:s12], $0x2000  }
0x38: {  	[sflag:s12] =	ssyncset.done $0x0  }
0x39: {  	s21 =	sadd.s32 $0x1400, s25;
	[sflag:s12] =	ssyncadd.s32 $0xFFFFE000  }
0x3a: {  	[hbm4b:s21+s2] =	stream.linear.scatter [tilespmem:s8], [sflag:$0x3], $0x2000, $0x38;
	[tilespmem:$0x4500] =	vst v63  }
0x3b: {  	_ =	swait.ge [sflag:s3], $0x2000  }
0x3c: {  	[sflag:s3] =	ssyncset.done $0x0  }
0x3d: {  	s22 =	simm.s32 $0x380;
	[sflag:s3] =	ssyncadd.s32 $0xFFFFE000  }
0x3e: {  	[tilespmem:s8], [sflag:$0x2] =	stream.indirect.gather [hbm4b:s5+s6], $0x40, s22, s6, $0xb8;
	[tilespmem:$0x4500] =	vst v63  }
0x3f: {  	_ =	swait.ge [sflag:s9], $0x2000  }
0x40: {  	[sflag:s9] =	ssyncset.done $0x0  }
0x41: {  	s23 =	sadd.s32 $0x1800, s10;
	[sflag:s9] =	ssyncadd.s32 $0xFFFFE000  }
0x42: {  	[hbm4b:s23+s2] =	stream.linear.scatter [tilespmem:s7], [sflag:$0x3], $0x2000, $0x38;
	[tilespmem:$0x4500] =	vst v63  }
0x43: {  	_ =	swait.ge [sflag:s3], $0x2000  }
0x44: {  	[sflag:s3] =	ssyncset.done $0x0  }
0x45: {  	s24 =	simm.s32 $0x400;
	[sflag:s3] =	ssyncadd.s32 $0xFFFFE000  }
0x46: {  	[tilespmem:s7], [sflag:$0x1] =	stream.indirect.gather [hbm4b:s5+s6], $0x40, s24, s6, $0xb8;
	[tilespmem:$0x4500] =	vst v63  }
0x47: {  	_ =	swait.ge [sflag:s12], $0x2000  }
0x48: {  	[sflag:s12] =	ssyncset.done $0x0  }
0x49: {  	s25 =	sadd.s32 $0x1C00, s25;
	[sflag:s12] =	ssyncadd.s32 $0xFFFFE000  }
0x4a: {  	[hbm4b:s25+s2] =	stream.linear.scatter [tilespmem:s8], [sflag:$0x3], $0x2000, $0x38;
	[tilespmem:$0x4500] =	vst v63  }
0x4b: {  	_ =	swait.ge [sflag:s3], $0x2000  }
0x4c: {  	[sflag:s3] =	ssyncset.done $0x0  }
0x4d: {  	s26 =	simm.s32 $0x480;
	[sflag:s3] =	ssyncadd.s32 $0xFFFFE000  }
0x4e: {  	[tilespmem:s8], [sflag:$0x2] =	stream.indirect.gather [hbm4b:s5+s6], $0x40, s26, s6, $0xb8;
	[tilespmem:$0x4500] =	vst v63  }
0x4f: {  	_ =	swait.ge [sflag:s9], $0x2000  }
0x50: {  	[sflag:s9] =	ssyncset.done $0x0  }
0x51: {  	s29 =	ssub.s32 $0x2, s29;
	s28 =	sadd.s32 $0x2000, s10;
	[sflag:s9] =	ssyncadd.s32 $0xFFFFE000  }
0x52: {  	[hbm4b:s28+s2] =	stream.linear.scatter [tilespmem:s7], [sflag:$0x3], $0x2000, $0x38;
	[tilespmem:$0x4500] =	vst v63  }
0x53: {  	s30 =	sshrl.u32 s29, $0x1;
	_ =	swait.ge [sflag:s3], $0x2000  }
0x54: {  	s29 =	ssub.s32 s29, s30;
	[sflag:s3] =	ssyncset.done $0x0  }
0x55: {  	s30 =	smax.u32 s29, $0x1;
	[sflag:s3] =	ssyncadd.s32 $0xFFFFE000  }
0x56: {  	p0 =	sne.s32 s30, $0x1;
	_ =	swait.ge [sflag:s12], $0x2000  }
.Ltmp0:
0x57: {  	[sflag:s12] =	ssyncset.done $0x0;
	(pc) =	sbr.rel @!p0 .LBB2_2-.Ltmp0, $4  }
0x58: {  	s29 =	sadd.s32 $0x2400, s10;
	[sflag:s12] =	ssyncadd.s32 $0xFFFFE000  }
0x59: {  	[hbm4b:s29+s2] =	stream.linear.scatter [tilespmem:s8], [sflag:$0x3], $0x2000, $0x38;
	[tilespmem:$0x4500] =	vst v63  }
0x5a: {  	_ =	swait.ge [sflag:s3], $0x2000  }
0x5b: {  	s30 =	sadd.s32 $0xFFFFFFFF, s30;
	[sflag:s3] =	ssyncset.done $0x0  }
.LBB2_1:
0x5c: {  	p0 =	sne.s32 s30, $0x1;
	s30 =	sadd.s32 $0xFFFFFFFF, s30;
	[sflag:s3] =	ssyncadd.s32 $0xFFFFE000  }
0x5d: {  	[tilespmem:s2], [sflag:$0x3] =	stream.linear.gather [hbm4b:s4+s2], $0x500, $0x38;
	[tilespmem:$0x4500] =	vst v63  }
0x5e: {  	_ =	swait.ge [sflag:s3], $0x500  }
0x5f: {  	[sflag:s3] =	ssyncset.done $0x0  }
0x60: {  	[sflag:s3] =	ssyncadd.s32 $0xFFFFFB00  }
0x61: {  	[tilespmem:s7], [sflag:$0x1] =	stream.indirect.gather [hbm4b:s5+s6], $0x40, s2, s6, $0xb8;
	[tilespmem:$0x4500] =	vst v63  }
0x62: {  	_ = 	snop  }
0x63: {  	[tilespmem:s8], [sflag:$0x2] =	stream.indirect.gather [hbm4b:s5+s6], $0x40, s6, s6, $0xb8;
	[tilespmem:$0x4500] =	vst v63  }
0x64: {  	_ =	swait.ge [sflag:s9], $0x2000  }
0x65: {  	[sflag:s9] =	ssyncset.done $0x0  }
0x66: {  	[sflag:s9] =	ssyncadd.s32 $0xFFFFE000  }
0x67: {  	[hbm4b:s10+s2] =	stream.linear.scatter [tilespmem:s7], [sflag:$0x3], $0x2000, $0x38;
	[tilespmem:$0x4500] =	vst v63  }
0x68: {  	_ =	swait.ge [sflag:s3], $0x2000  }
0x69: {  	[sflag:s3] =	ssyncset.done $0x0  }
0x6a: {  	[sflag:s3] =	ssyncadd.s32 $0xFFFFE000  }
0x6b: {  	[tilespmem:s7], [sflag:$0x1] =	stream.indirect.gather [hbm4b:s5+s6], $0x40, s11, s6, $0xb8;
	[tilespmem:$0x4500] =	vst v63  }
0x6c: {  	_ =	swait.ge [sflag:s12], $0x2000  }
0x6d: {  	[sflag:s12] =	ssyncset.done $0x0  }
0x6e: {  	[sflag:s12] =	ssyncadd.s32 $0xFFFFE000  }
0x6f: {  	[hbm4b:s13+s2] =	stream.linear.scatter [tilespmem:s8], [sflag:$0x3], $0x2000, $0x38;
	[tilespmem:$0x4500] =	vst v63  }
0x70: {  	_ =	swait.ge [sflag:s3], $0x2000  }
0x71: {  	[sflag:s3] =	ssyncset.done $0x0  }
0x72: {  	[sflag:s3] =	ssyncadd.s32 $0xFFFFE000  }
0x73: {  	[tilespmem:s8], [sflag:$0x2] =	stream.indirect.gather [hbm4b:s5+s6], $0x40, s14, s6, $0xb8;
	[tilespmem:$0x4500] =	vst v63  }
0x74: {  	_ =	swait.ge [sflag:s9], $0x2000  }
0x75: {  	[sflag:s9] =	ssyncset.done $0x0  }
0x76: {  	[sflag:s9] =	ssyncadd.s32 $0xFFFFE000  }
0x77: {  	[hbm4b:s15+s2] =	stream.linear.scatter [tilespmem:s7], [sflag:$0x3], $0x2000, $0x38;
	[tilespmem:$0x4500] =	vst v63  }
0x78: {  	_ =	swait.ge [sflag:s3], $0x2000  }
0x79: {  	[sflag:s3] =	ssyncset.done $0x0  }
0x7a: {  	[sflag:s3] =	ssyncadd.s32 $0xFFFFE000  }
0x7b: {  	[tilespmem:s7], [sflag:$0x1] =	stream.indirect.gather [hbm4b:s5+s6], $0x40, s16, s6, $0xb8;
	[tilespmem:$0x4500] =	vst v63  }
0x7c: {  	_ =	swait.ge [sflag:s12], $0x2000  }
0x7d: {  	[sflag:s12] =	ssyncset.done $0x0  }
0x7e: {  	[sflag:s12] =	ssyncadd.s32 $0xFFFFE000  }
0x7f: {  	[hbm4b:s17+s2] =	stream.linear.scatter [tilespmem:s8], [sflag:$0x3], $0x2000, $0x38;
	[tilespmem:$0x4500] =	vst v63  }
0x80: {  	_ =	swait.ge [sflag:s3], $0x2000  }
0x81: {  	[sflag:s3] =	ssyncset.done $0x0  }
0x82: {  	[sflag:s3] =	ssyncadd.s32 $0xFFFFE000  }
0x83: {  	[tilespmem:s8], [sflag:$0x2] =	stream.indirect.gather [hbm4b:s5+s6], $0x40, s18, s6, $0xb8;
	[tilespmem:$0x4500] =	vst v63  }
0x84: {  	_ =	swait.ge [sflag:s9], $0x2000  }
0x85: {  	[sflag:s9] =	ssyncset.done $0x0  }
0x86: {  	[sflag:s9] =	ssyncadd.s32 $0xFFFFE000  }
0x87: {  	[hbm4b:s19+s2] =	stream.linear.scatter [tilespmem:s7], [sflag:$0x3], $0x2000, $0x38;
	[tilespmem:$0x4500] =	vst v63  }
0x88: {  	_ =	swait.ge [sflag:s3], $0x2000  }
0x89: {  	[sflag:s3] =	ssyncset.done $0x0  }
0x8a: {  	[sflag:s3] =	ssyncadd.s32 $0xFFFFE000  }
0x8b: {  	[tilespmem:s7], [sflag:$0x1] =	stream.indirect.gather [hbm4b:s5+s6], $0x40, s20, s6, $0xb8;
	[tilespmem:$0x4500] =	vst v63  }
0x8c: {  	_ =	swait.ge [sflag:s12], $0x2000  }
0x8d: {  	[sflag:s12] =	ssyncset.done $0x0  }
0x8e: {  	[sflag:s12] =	ssyncadd.s32 $0xFFFFE000  }
0x8f: {  	[hbm4b:s21+s2] =	stream.linear.scatter [tilespmem:s8], [sflag:$0x3], $0x2000, $0x38;
	[tilespmem:$0x4500] =	vst v63  }
0x90: {  	_ =	swait.ge [sflag:s3], $0x2000  }
0x91: {  	[sflag:s3] =	ssyncset.done $0x0  }
0x92: {  	[sflag:s3] =	ssyncadd.s32 $0xFFFFE000  }
0x93: {  	[tilespmem:s8], [sflag:$0x2] =	stream.indirect.gather [hbm4b:s5+s6], $0x40, s22, s6, $0xb8;
	[tilespmem:$0x4500] =	vst v63  }
0x94: {  	_ =	swait.ge [sflag:s9], $0x2000  }
0x95: {  	[sflag:s9] =	ssyncset.done $0x0  }
0x96: {  	[sflag:s9] =	ssyncadd.s32 $0xFFFFE000  }
0x97: {  	[hbm4b:s23+s2] =	stream.linear.scatter [tilespmem:s7], [sflag:$0x3], $0x2000, $0x38;
	[tilespmem:$0x4500] =	vst v63  }
0x98: {  	_ =	swait.ge [sflag:s3], $0x2000  }
0x99: {  	[sflag:s3] =	ssyncset.done $0x0  }
0x9a: {  	[sflag:s3] =	ssyncadd.s32 $0xFFFFE000  }
0x9b: {  	[tilespmem:s7], [sflag:$0x1] =	stream.indirect.gather [hbm4b:s5+s6], $0x40, s24, s6, $0xb8;
	[tilespmem:$0x4500] =	vst v63  }
0x9c: {  	_ =	swait.ge [sflag:s12], $0x2000  }
0x9d: {  	[sflag:s12] =	ssyncset.done $0x0  }
0x9e: {  	[sflag:s12] =	ssyncadd.s32 $0xFFFFE000  }
0x9f: {  	[hbm4b:s25+s2] =	stream.linear.scatter [tilespmem:s8], [sflag:$0x3], $0x2000, $0x38;
	[tilespmem:$0x4500] =	vst v63  }
0xa0: {  	_ =	swait.ge [sflag:s3], $0x2000  }
0xa1: {  	[sflag:s3] =	ssyncset.done $0x0  }
0xa2: {  	[sflag:s3] =	ssyncadd.s32 $0xFFFFE000  }
0xa3: {  	[tilespmem:s8], [sflag:$0x2] =	stream.indirect.gather [hbm4b:s5+s6], $0x40, s26, s6, $0xb8;
	[tilespmem:$0x4500] =	vst v63  }
0xa4: {  	_ =	swait.ge [sflag:s9], $0x2000  }
0xa5: {  	[sflag:s9] =	ssyncset.done $0x0  }
0xa6: {  	[sflag:s9] =	ssyncadd.s32 $0xFFFFE000  }
0xa7: {  	[hbm4b:s28+s2] =	stream.linear.scatter [tilespmem:s7], [sflag:$0x3], $0x2000, $0x38;
	[tilespmem:$0x4500] =	vst v63  }
0xa8: {  	_ =	swait.ge [sflag:s3], $0x2000  }
0xa9: {  	[sflag:s3] =	ssyncset.done $0x0  }
0xaa: {  	[sflag:s3] =	ssyncadd.s32 $0xFFFFE000  }
0xab: {  	_ =	swait.ge [sflag:s12], $0x2000  }
.Ltmp1:
0xac: {  	[sflag:s12] =	ssyncset.done $0x0;
	(pc) =	sbr.rel @p0 .LBB2_1-.Ltmp1, $4  }
0xad: {  	[sflag:s12] =	ssyncadd.s32 $0xFFFFE000  }
0xae: {  	[hbm4b:s29+s2] =	stream.linear.scatter [tilespmem:s8], [sflag:$0x3], $0x2000, $0x38;
	[tilespmem:$0x4500] =	vst v63  }
0xaf: {  	_ =	swait.ge [sflag:s3], $0x2000  }
0xb0: {  	[sflag:s3] =	ssyncset.done $0x0  }
.LBB2_2:
0xb1: {  	[sflag:s3] =	ssyncadd.s32 $0xFFFFE000  }
0xb2: {  	_ =	sfence.sel $0x180000  }
0xb3: {  	[bflag:$0x0] =	sbarrier.arrive $0xFFFF  }
0xb4: {  	p0 =	sne.s32 s0, $0x0;
	_ =	strace $0x9000004D  }
0xb5: {  	s0 =	sadd.s32 @!p0 $0x100000, s1;
	[bflag:$0x2] =	sbarrier.arrive $0xFFFF  }
0xb6: {  	[sflag:s0] =	ssyncadd.tile.s32 @!p0 $0x1;
	_ =	shalt  }
.Lfunc_end2:
_tile_overlayer_lowered:
.L_overlay_start_2:
0xb7: {  	(tag) =	ssettag $0x2  }
0xb8: {  	s0 =	rddreg [dreg:$0x0];
	s2 =	stileid.u32  }
0xb9: {  	s1 =	rddreg [dreg:$0x1];
	p0 =	sne.s32 s2, $0x0  }
0xba: {  	s3 =	rddreg [dreg:$0x2];
	[bflag:$0x3] =	sbarrier.arrive $0xFFFF;
	s2 =	simm.s32 @!p0 $0x1C03  }
0xbb: {  	[timem:s3], [sflag:s2] =	dma.local @!p0 [hbm:s0], s1  }
0xbc: {  	s0 =	simm.s32 @!p0 $0x3  }
0xbd: {  	_ =	swait.ge @!p0 [sflag:s0], s1  }
0xbe: {  	s1 =	ssub.s32 @!p0 $0x0, s1;
	[sflag:s0] =	ssyncset.done @!p0 $0x0  }
0xbf: {  	[sflag:s0] =	ssyncadd.s32 @!p0 s1  }
0xc0: {  	[bflag:$0x3] =	sbarrier.arrive $0xFFFF  }
0xc1: {  	_ =	shalt  }

// kernel: kernel.24.cloned.1.call-start
scs
__scs_entry_jumppad:
0x0: {  	(pc) =	sbr.rel $0x88, $3  }
0x1: {  	(tag) =	ssettag $0x0;
	lr =	simm.s32 $0x1  }
0x2: {  	[smem:$0x3F45] =	sst lr;
	_ =	strace $0xD0000000  }
0x3: {  	_ = 	snop  }
0x4: {  	_ = 	snop  }
0x5: {  	_ = 	snop  }
0x6: {  	_ = 	snop  }
0x7: {  	_ = 	snop  }
__scs_overlays_trampoline_lowered:
0x8: {  	[smem:$0x3F54] =	sst s0  }
0x9: {  	[smem:$0x3F55] =	sst s1  }
0xa: {  	[smem:$0x3F56] =	sst s2  }
0xb: {  	[smem:$0x3F57] =	sst s3  }
0xc: {  	[smem:$0x3F58] =	sst s4  }
0xd: {  	[smem:$0x3F59] =	sst s5  }
0xe: {  	[smem:$0x3F5A] =	sst s6  }
0xf: {  	[smem:$0x3F5B] =	sst s7  }
0x10: {  	[smem:$0x3F5C] =	sst s8  }
0x11: {  	[smem:$0x3F5D] =	sst s9;
	s0 =	simm.s32 @!p0 $0x0  }
0x12: {  	s1 =	sld [smem:$0x3F43];
	s0 =	simm.s32 @p0 $0x1  }
0x13: {  	[smem:$0x3F5E] =	sst s0;
	s0 =	simm.s32 @!p1 $0x0  }
0x14: {  	s2 =	sld [smem:$0x3F42];
	s0 =	simm.s32 @p1 $0x1  }
0x15: {  	[smem:$0x3F5F] =	sst s0;
	s0 =	simm.s32 @!p2 $0x0  }
0x16: {  	s3 =	sld [smem:$0x3FDB];
	s0 =	simm.s32 @p2 $0x1  }
0x17: {  	s4 =	simm.s32 $0x1BF5;
	[smem:$0x3F61] =	sst s0  }
0x18: {  	s0 =	sld [smem:$0x3F44];
	_ =	swait.ge [sflag:s4], $0x0  }
0x19: {  	s7 =	sld [smem:$0x3F45]  }
0x1a: {  	s8 =	sadd.s32 $0xFFFFE003, lr  }
0x1b: {  	s9 =	sadd.s32 $0xFFFFFEF7, lr;
	s5 =	simm.s32 $0xFFFFFFFF;
	p2 =	slt.u32 s8, $0xFFFFF086  }
0x1c: {  	p1 =	slt.u32 s9, $0xF7A;
	s5 =	simm.s32 @!p2 $0x0  }
0x1d: {  	s5 =	simm.s32 @p1 $0x1;
	p0 =	seq.s32 s7, s2  }
0x1e: {  	s7 =	smul.u32 @!p0 $0xF7A, s2;
	p2 =	seq.s32 @!p0 s5, $0x0  }
0x1f: {  	s9 =	smul.u32 $0xF7A, s1;
	s8 =	simm.s32 @!p0 $0x1BF5;
	p2 =	por !p2, p0  }
0x20: {  	[sflag:s8] =	ssyncset.s32 @!p0 $0xFFFFF086;
	s6 =	sadd.s32 @!p0 s3, s7;
	s7 =	simm.s32 @!p0 $0x108  }
0x21: {  	s3 =	sadd.s32 s3, s9;
	s6 =	sadd.s32 @!p0 $0x88, s6;
	s7 =	simm.s32 @p2 $0x1082  }
0x22: {  	[simem:s7], [sflag:s8] =	dma.local @!p0 [hbm:s6], $0xF7A  }
0x23: {  	s9 =	sor.u32 $0xD0000000, s2;
	s6 =	simm.s32 $0x108;
	_ =	swait.ge @!p0 [sflag:s8], $0x0  }
0x24: {  	s3 =	sadd.s32 $0x88, s3;
	s6 =	simm.s32 @!p1 $0x1082;
	[sflag:s4] =	ssyncset.s32 $0xFFFFF086  }
0x25: {  	[simem:s6], [sflag:s4] =	dma.local [hbm:s3], $0xF7A  }
0x26: {  	[smem:$0x3F45] =	sst s1;
	(tag) =	ssettag s2;
	_ =	strace s9  }
0x27: {  	s1 =	sld [smem:$0x3F55]  }
0x28: {  	s2 =	sld [smem:$0x3F56]  }
0x29: {  	s4 =	sld [smem:$0x3F58]  }
0x2a: {  	p0 =	seq.s32 s5, $0x0;
	s5 =	sld [smem:$0x3F59]  }
0x2b: {  	s6 =	sld [smem:$0x3F5A]  }
0x2c: {  	s7 =	sld [smem:$0x3F5B]  }
0x2d: {  	s3 =	simm.s32 $0x108;
	s8 =	sld [smem:$0x3F5C]  }
0x2e: {  	s3 =	simm.s32 @!p0 $0x1082;
	s9 =	sld [smem:$0x3F5D]  }
0x2f: {  	lr =	sadd.s32 s0, s3;
	s0 =	sld [smem:$0x3F54]  }
0x30: {  	s3 =	sld [smem:$0x3F57]  }
0x31: {  	[smem:$0x3F60] =	sst s10  }
0x32: {  	s10 =	sld [smem:$0x3F5E];
	_ =	sdelay $0x3  }
0x33: {  	p0 =	seq.s32 s10, $0x1;
	s10 =	sld [smem:$0x3F60];
	_ =	sdelay $0x3  }
0x34: {  	[smem:$0x3F60] =	sst s10  }
0x35: {  	s10 =	sld [smem:$0x3F5F];
	_ =	sdelay $0x3  }
0x36: {  	p1 =	seq.s32 s10, $0x1;
	s10 =	sld [smem:$0x3F60];
	_ =	sdelay $0x3  }
0x37: {  	[smem:$0x3F60] =	sst s10  }
0x38: {  	s10 =	sld [smem:$0x3F61]  }
0x39: {  	_ = 	snop;
	(pc) =	sbr.ind lr, $3  }
0x3a: {  	_ = 	snop  }
0x3b: {  	_ = 	snop  }
0x3c: {  	p2 =	seq.s32 s10, $0x1;
	s10 =	sld [smem:$0x3F60]  }
0x3d: {  	_ =	shalt  }
0x3e: {  	_ =	shalt  }
0x3f: {  	_ =	shalt  }
0x40: {  	_ =	shalt  }
0x41: {  	_ =	shalt  }
0x42: {  	_ =	shalt  }
0x43: {  	_ =	shalt  }
0x44: {  	_ =	shalt  }
0x45: {  	_ =	shalt  }
0x46: {  	_ =	shalt  }
0x47: {  	_ =	shalt  }
0x48: {  	_ =	shalt  }
0x49: {  	_ =	shalt  }
0x4a: {  	_ =	shalt  }
0x4b: {  	_ =	shalt  }
0x4c: {  	_ =	shalt  }
0x4d: {  	_ =	shalt  }
0x4e: {  	_ =	shalt  }
0x4f: {  	_ =	shalt  }
0x50: {  	_ =	shalt  }
0x51: {  	_ =	shalt  }
0x52: {  	_ =	shalt  }
0x53: {  	_ =	shalt  }
0x54: {  	_ =	shalt  }
0x55: {  	_ =	shalt  }
0x56: {  	_ =	shalt  }
0x57: {  	_ =	shalt  }
0x58: {  	_ =	shalt  }
0x59: {  	_ =	shalt  }
0x5a: {  	_ =	shalt  }
0x5b: {  	_ =	shalt  }
0x5c: {  	_ =	shalt  }
0x5d: {  	_ =	shalt  }
0x5e: {  	_ =	shalt  }
0x5f: {  	_ =	shalt  }
0x60: {  	_ =	shalt  }
0x61: {  	_ =	shalt  }
0x62: {  	_ =	shalt  }
0x63: {  	_ =	shalt  }
0x64: {  	_ =	shalt  }
0x65: {  	_ =	shalt  }
0x66: {  	_ =	shalt  }
0x67: {  	_ =	shalt  }
0x68: {  	_ =	shalt  }
0x69: {  	_ =	shalt  }
0x6a: {  	_ =	shalt  }
0x6b: {  	_ =	shalt  }
0x6c: {  	_ =	shalt  }
0x6d: {  	_ =	shalt  }
0x6e: {  	_ =	shalt  }
0x6f: {  	_ =	shalt  }
0x70: {  	_ =	shalt  }
0x71: {  	_ =	shalt  }
0x72: {  	_ =	shalt  }
0x73: {  	_ =	shalt  }
0x74: {  	_ =	shalt  }
0x75: {  	_ =	shalt  }
0x76: {  	_ =	shalt  }
0x77: {  	_ =	shalt  }
0x78: {  	_ =	shalt  }
0x79: {  	_ =	shalt  }
0x7a: {  	_ =	shalt  }
0x7b: {  	_ =	shalt  }
0x7c: {  	_ =	shalt  }
0x7d: {  	_ =	shalt  }
0x7e: {  	_ =	shalt  }
0x7f: {  	_ =	shalt  }
0x80: {  	_ =	shalt  }
0x81: {  	_ =	shalt  }
0x82: {  	_ =	shalt  }
0x83: {  	_ =	shalt  }
0x84: {  	_ =	shalt  }
0x85: {  	_ =	shalt  }
0x86: {  	_ =	shalt  }
0x87: {  	_ =	shalt  }
.Lfunc_end0:
.L_simem_size_0:
called_computation.3_lowered:
.L_overlay_start_0:
0x88: {  	s2 =	sld [smem:$0x3FD9]  }
0x89: {  	s3 =	sld [smem:$0x3FFE];
	_ =	sdelay $0x1  }
0x8a: {  	s1 =	srdreg.scid  }
0x8b: {  	s0 =	sand.u32 $0x1, s1  }
0x8c: {  	s16 =	sshll.u32 s0, $0xA;
	s2 =	sadd.s32 s3, s2  }
0x8d: {  	s2 =	sadd.s32 s2, s16  }
0x8e: {  	[smem:$0x3F6C] =	sst s2  }
0x8f: {  	_ = 	snop  }
0x90: {  	(tm) =	ssettm $0x1  }
0x91: {  	s17 =	sld [smem:$0x3FFB];
	_ =	sdelay $0x3  }
0x92: {  	_ =	strace s17  }
0x93: {  	s2 =	sld [smem:$0x3FFC];
	_ =	sdelay $0x3  }
0x94: {  	_ =	strace s2  }
0x95: {  	s2 =	sld [smem:$0x3FFD];
	_ =	sdelay $0x3  }
0x96: {  	_ =	strace s2  }
0x97: {  	_ =	strace $0x8FFFFFFF  }
0x98: {  	s18 =	sld [smem:$0x3FDB];
	_ =	sdelay $0x1  }
0x99: {  	s19 =	simm.s32 $_scs_section_size  }
0x9a: {  	s4 =	simm.s32 $_size__tile_overlayer_lowered;
	s5 =	simm.s32 $_tile_overlayer_lowered  }
0x9b: {  	s22 =	simm.s32 $0x1BFF;
	s21 =	sshll.u32 s5, $0x1;
	s2 =	sadd.s32 s19, s18  }
0x9c: {  	s6 =	simm.s32 $0x0;
	s20 =	sshll.u32 s4, $0x1;
	s4 =	sadd.s32 s21, s2  }
0x9d: {  	[timem:s6], [sflag:s22] =	dma.local [hbm:s4], s20  }
0x9e: {  	_ =	swait.ge [sflag:s22], s20  }
0x9f: {  	s3 =	ssub.s32 $0x0, s20;
	[sflag:s22] =	ssyncset.done $0x0  }
0xa0: {  	[sflag:s22] =	ssyncadd.s32 s3;
	_ =	sdelay $0x1  }
0xa1: {  	s23 =	simm.s32 $0x1B8B  }
0xa2: {  	_ =	swait.ge [sflag:s23], $0x1  }
0xa3: {  	[sflag:s23] =	ssyncset.done $0x0  }
0xa4: {  	s25 =	simm.s32 $0x1B8E;
	s24 =	sld [smem:$0x3FFE];
	[sflag:s23] =	ssyncadd.s32 $0xFFFFFFFF  }
0xa5: {  	s26 =	simm.s32 $execute0_lowered;
	[smem:$0x3FD2] =	sst s25  }
0xa6: {  	s4 =	sshll.u32 s26, $0x1;
	_ =	strace $0x8000004F;
	[dreg:$0x1] =	wrdreg $0xFFFFFFFF  }
0xa7: {  	s28 =	simm.s32 $_size_execute0_lowered;
	s2 =	sadd.s32 s2, s4;
	[dreg:$0x0] =	wrdreg $0x0  }
0xa8: {  	s4 =	sshll.u32 s28, $0x1;
	[dreg:$0x2] =	wrdreg s2  }
0xa9: {  	[dreg:$0x3] =	wrdreg s4  }
0xaa: {  	[dreg:$0x4] =	wrdreg $0xC0  }
0xab: {  	_ =	task [dreg:s6], $0x5FFFF  }
0xac: {  	[dreg:$0x1] =	wrdreg $0xFFFFFFFF  }
0xad: {  	[dreg:$0x0] =	wrdreg $0x60  }
0xae: {  	[dreg:$0x2] =	wrdreg s24  }
0xaf: {  	[dreg:$0x3] =	wrdreg $0x9  }
0xb0: {  	_ =	task.clear_ibuf [dreg:s6], $0x4FFFF;
	_ =	strace $0x9000004F  }
0xb1: {  	s29 =	simm.s32 $0x9;
	_ =	strace $0x80000051  }
0xb2: {  	_ =	swait.ge [sflag:s29], $0x1  }
0xb3: {  	[sflag:s29] =	ssyncadd.s32 $0xFFFFFFFF  }
0xb4: {  	_ =	strace $0x90000051  }
0xb5: {  	_ =	sfence  }
0xb6: {  	s30 =	sld [smem:$0x0];
	_ =	sdelay $0x2  }
0xb7: {  	s31 =	sshll.u32 s1, $0xD;
	s1 =	sshrl.u32 s1, $0x2  }
0xb8: {  	s3 =	sand.u32 $0x4000, s31;
	s1 =	sadd.s32 s1, s30  }
0xb9: {  	s0 =	sor.u32 s3, s0;
	s1 =	sshll.u32 s1, $0x11  }
0xba: {  	s0 =	sor.u32 s1, s0  }
0xbb: {  	s0 =	sadd.s32 $0x8F2B, s0  }
0xbc: {  	[sflag:s0] =	ssyncadd.remote.s32 $0x1  }
0xbd: {  	_ =	sfence.sel $0xFFFF  }
0xbe: {  	[dreg:$0x0] =	wrdreg $0xFFFFFFFF;
	(pc) =	sbr.abs _section_cstart, $3  }
0xbf: {  	[dreg:$0x1] =	wrdreg $0xFFFFFFFF  }
0xc0: {  	_ =	task.clear_ibuf [dreg:s6], $0x2FFFF;
	_ =	strace $0x9FFFFFFF  }
0xc1: {  	(tm) =	ssettm $0x7FFFFFFF  }
tec
execute0_lowered:
.L_overlay_start_1:
0x0: {  	(tag) =	ssettag $0x1  }
0x1: {  	s0 =	srdreg.scid  }
0x2: {  	s29 =	sand.u32 $0x1, s0  }
0x3: {  	s0 =	stileid.u32;
	s1 =	sshll.u32 s29, $0x4  }
0x4: {  	s11 =	sor.u32 s0, s1  }
0x5: {  	s10 =	rddreg [dreg:$0x0];
	s2 =	simm.s32 $0x0;
	s3 =	smul.u32 $0xA0, s11  }
0x6: {  	[smem:$0x7FF] =	sst s2  }
0x7: {  	s1 =	rddreg [dreg:$0x1];
	s3 =	sadd.s32 s3, s10  }
0x8: {  	_ =	strace $0x80000050;
	s4 =	sadd.s32 $0xFA00, s3;
	s3 =	simm.s32 $0x3  }
0x9: {  	[tilespmem:s2], [sflag:$0x3] =	stream.linear.gather [hbm4b:s4+s2], $0x500, $0x38;
	[tilespmem:$0x4500] =	vst v63  }
0xa: {  	_ =	swait.ge [sflag:s3], $0x500  }
0xb: {  	s6 =	simm.s32 $0x80;
	[sflag:s3] =	ssyncset.done $0x0  }
0xc: {  	s7 =	simm.s32 $0x500;
	s5 =	sadd.s32 $0x10E00, s10;
	[sflag:s3] =	ssyncadd.s32 $0xFFFFFB00  }
0xd: {  	[tilespmem:s7], [sflag:$0x1] =	stream.indirect.gather [hbm4b:s5+s6], $0x40, s2, s6, $0xb8;
	[tilespmem:$0x4500] =	vst v63  }
0xe: {  	s8 =	simm.s32 $0x2500;
	s9 =	simm.s32 $0x1;
	s12 =	smul.u32 $0x28000, s11  }
0xf: {  	[tilespmem:s8], [sflag:$0x2] =	stream.indirect.gather [hbm4b:s5+s6], $0x40, s6, s6, $0xb8;
	[tilespmem:$0x4500] =	vst v63  }
0x10: {  	_ =	swait.ge [sflag:s9], $0x2000  }
0x11: {  	s13 =	sadd.s32 $0x5FA00, s10;
	s31 =	sshrl.u32 s12, $0x4;
	[sflag:s9] =	ssyncset.done $0x0  }
0x12: {  	s10 =	sadd.s32 s13, s31;
	[sflag:s9] =	ssyncadd.s32 $0xFFFFE000  }
0x13: {  	[hbm4b:s10+s2] =	stream.linear.scatter [tilespmem:s7], [sflag:$0x3], $0x2000, $0x38;
	[tilespmem:$0x4500] =	vst v63  }
0x14: {  	_ =	swait.ge [sflag:s3], $0x2000  }
0x15: {  	s14 =	smul.u32 $0x2800, s11;
	[sflag:s3] =	ssyncset.done $0x0  }
0x16: {  	s11 =	simm.s32 $0x100;
	s12 =	simm.s32 $0x2;
	[sflag:s3] =	ssyncadd.s32 $0xFFFFE000  }
0x17: {  	[tilespmem:s7], [sflag:$0x1] =	stream.indirect.gather [hbm4b:s5+s6], $0x40, s11, s6, $0xb8;
	[tilespmem:$0x4500] =	vst v63  }
0x18: {  	_ =	swait.ge [sflag:s12], $0x2000  }
0x19: {  	s25 =	sadd.s32 s13, s14;
	[sflag:s12] =	ssyncset.done $0x0  }
0x1a: {  	s13 =	sadd.s32 $0x400, s25;
	[sflag:s12] =	ssyncadd.s32 $0xFFFFE000  }
0x1b: {  	[hbm4b:s13+s2] =	stream.linear.scatter [tilespmem:s8], [sflag:$0x3], $0x2000, $0x38;
	[tilespmem:$0x4500] =	vst v63  }
0x1c: {  	_ =	swait.ge [sflag:s3], $0x2000  }
0x1d: {  	[sflag:s3] =	ssyncset.done $0x0  }
0x1e: {  	s14 =	simm.s32 $0x180;
	[sflag:s3] =	ssyncadd.s32 $0xFFFFE000  }
0x1f: {  	[tilespmem:s8], [sflag:$0x2] =	stream.indirect.gather [hbm4b:s5+s6], $0x40, s14, s6, $0xb8;
	[tilespmem:$0x4500] =	vst v63  }
0x20: {  	_ =	swait.ge [sflag:s9], $0x2000  }
0x21: {  	[sflag:s9] =	ssyncset.done $0x0  }
0x22: {  	s15 =	sadd.s32 $0x800, s10;
	[sflag:s9] =	ssyncadd.s32 $0xFFFFE000  }
0x23: {  	[hbm4b:s15+s2] =	stream.linear.scatter [tilespmem:s7], [sflag:$0x3], $0x2000, $0x38;
	[tilespmem:$0x4500] =	vst v63  }
0x24: {  	_ =	swait.ge [sflag:s3], $0x2000  }
0x25: {  	[sflag:s3] =	ssyncset.done $0x0  }
0x26: {  	s16 =	simm.s32 $0x200;
	[sflag:s3] =	ssyncadd.s32 $0xFFFFE000  }
0x27: {  	[tilespmem:s7], [sflag:$0x1] =	stream.indirect.gather [hbm4b:s5+s6], $0x40, s16, s6, $0xb8;
	[tilespmem:$0x4500] =	vst v63  }
0x28: {  	_ =	swait.ge [sflag:s12], $0x2000  }
0x29: {  	[sflag:s12] =	ssyncset.done $0x0  }
0x2a: {  	s17 =	sadd.s32 $0xC00, s25;
	[sflag:s12] =	ssyncadd.s32 $0xFFFFE000  }
0x2b: {  	[hbm4b:s17+s2] =	stream.linear.scatter [tilespmem:s8], [sflag:$0x3], $0x2000, $0x38;
	[tilespmem:$0x4500] =	vst v63  }
0x2c: {  	_ =	swait.ge [sflag:s3], $0x2000  }
0x2d: {  	[sflag:s3] =	ssyncset.done $0x0  }
0x2e: {  	s18 =	simm.s32 $0x280;
	[sflag:s3] =	ssyncadd.s32 $0xFFFFE000  }
0x2f: {  	[tilespmem:s8], [sflag:$0x2] =	stream.indirect.gather [hbm4b:s5+s6], $0x40, s18, s6, $0xb8;
	[tilespmem:$0x4500] =	vst v63  }
0x30: {  	_ =	swait.ge [sflag:s9], $0x2000  }
0x31: {  	[sflag:s9] =	ssyncset.done $0x0  }
0x32: {  	s19 =	sadd.s32 $0x1000, s10;
	[sflag:s9] =	ssyncadd.s32 $0xFFFFE000  }
0x33: {  	[hbm4b:s19+s2] =	stream.linear.scatter [tilespmem:s7], [sflag:$0x3], $0x2000, $0x38;
	[tilespmem:$0x4500] =	vst v63  }
0x34: {  	_ =	swait.ge [sflag:s3], $0x2000  }
0x35: {  	[sflag:s3] =	ssyncset.done $0x0  }
0x36: {  	s20 =	simm.s32 $0x300;
	[sflag:s3] =	ssyncadd.s32 $0xFFFFE000  }
0x37: {  	[tilespmem:s7], [sflag:$0x1] =	stream.indirect.gather [hbm4b:s5+s6], $0x40, s20, s6, $0xb8;
	[tilespmem:$0x4500] =	vst v63  }
0x38: {  	_ =	swait.ge [sflag:s12], $0x2000  }
0x39: {  	[sflag:s12] =	ssyncset.done $0x0  }
0x3a: {  	s21 =	sadd.s32 $0x1400, s25;
	[sflag:s12] =	ssyncadd.s32 $0xFFFFE000  }
0x3b: {  	[hbm4b:s21+s2] =	stream.linear.scatter [tilespmem:s8], [sflag:$0x3], $0x2000, $0x38;
	[tilespmem:$0x4500] =	vst v63  }
0x3c: {  	_ =	swait.ge [sflag:s3], $0x2000  }
0x3d: {  	[sflag:s3] =	ssyncset.done $0x0  }
0x3e: {  	s22 =	simm.s32 $0x380;
	[sflag:s3] =	ssyncadd.s32 $0xFFFFE000  }
0x3f: {  	[tilespmem:s8], [sflag:$0x2] =	stream.indirect.gather [hbm4b:s5+s6], $0x40, s22, s6, $0xb8;
	[tilespmem:$0x4500] =	vst v63  }
0x40: {  	_ =	swait.ge [sflag:s9], $0x2000  }
0x41: {  	[sflag:s9] =	ssyncset.done $0x0  }
0x42: {  	s23 =	sadd.s32 $0x1800, s10;
	[sflag:s9] =	ssyncadd.s32 $0xFFFFE000  }
0x43: {  	[hbm4b:s23+s2] =	stream.linear.scatter [tilespmem:s7], [sflag:$0x3], $0x2000, $0x38;
	[tilespmem:$0x4500] =	vst v63  }
0x44: {  	_ =	swait.ge [sflag:s3], $0x2000  }
0x45: {  	[sflag:s3] =	ssyncset.done $0x0  }
0x46: {  	s24 =	simm.s32 $0x400;
	[sflag:s3] =	ssyncadd.s32 $0xFFFFE000  }
0x47: {  	[tilespmem:s7], [sflag:$0x1] =	stream.indirect.gather [hbm4b:s5+s6], $0x40, s24, s6, $0xb8;
	[tilespmem:$0x4500] =	vst v63  }
0x48: {  	_ =	swait.ge [sflag:s12], $0x2000  }
0x49: {  	[sflag:s12] =	ssyncset.done $0x0  }
0x4a: {  	s25 =	sadd.s32 $0x1C00, s25;
	[sflag:s12] =	ssyncadd.s32 $0xFFFFE000  }
0x4b: {  	[hbm4b:s25+s2] =	stream.linear.scatter [tilespmem:s8], [sflag:$0x3], $0x2000, $0x38;
	[tilespmem:$0x4500] =	vst v63  }
0x4c: {  	_ =	swait.ge [sflag:s3], $0x2000  }
0x4d: {  	[sflag:s3] =	ssyncset.done $0x0  }
0x4e: {  	s26 =	simm.s32 $0x480;
	[sflag:s3] =	ssyncadd.s32 $0xFFFFE000  }
0x4f: {  	[tilespmem:s8], [sflag:$0x2] =	stream.indirect.gather [hbm4b:s5+s6], $0x40, s26, s6, $0xb8;
	[tilespmem:$0x4500] =	vst v63  }
0x50: {  	_ =	swait.ge [sflag:s9], $0x2000  }
0x51: {  	[sflag:s9] =	ssyncset.done $0x0  }
0x52: {  	s29 =	ssub.s32 $0x2, s29;
	s28 =	sadd.s32 $0x2000, s10;
	[sflag:s9] =	ssyncadd.s32 $0xFFFFE000  }
0x53: {  	[hbm4b:s28+s2] =	stream.linear.scatter [tilespmem:s7], [sflag:$0x3], $0x2000, $0x38;
	[tilespmem:$0x4500] =	vst v63  }
0x54: {  	s30 =	sshrl.u32 s29, $0x1;
	_ =	swait.ge [sflag:s3], $0x2000  }
0x55: {  	s29 =	ssub.s32 s29, s30;
	[sflag:s3] =	ssyncset.done $0x0  }
0x56: {  	s30 =	smax.u32 s29, $0x1;
	[sflag:s3] =	ssyncadd.s32 $0xFFFFE000  }
0x57: {  	p0 =	sne.s32 s30, $0x1;
	_ =	swait.ge [sflag:s12], $0x2000  }
.Ltmp0:
0x58: {  	[sflag:s12] =	ssyncset.done $0x0;
	(pc) =	sbr.rel @!p0 .LBB2_2-.Ltmp0, $4  }
0x59: {  	s29 =	sadd.s32 $0x2400, s10;
	[sflag:s12] =	ssyncadd.s32 $0xFFFFE000  }
0x5a: {  	[hbm4b:s29+s2] =	stream.linear.scatter [tilespmem:s8], [sflag:$0x3], $0x2000, $0x38;
	[tilespmem:$0x4500] =	vst v63  }
0x5b: {  	_ =	swait.ge [sflag:s3], $0x2000  }
0x5c: {  	s30 =	sadd.s32 $0xFFFFFFFF, s30;
	[sflag:s3] =	ssyncset.done $0x0  }
.LBB2_1:
0x5d: {  	p0 =	sne.s32 s30, $0x1;
	s30 =	sadd.s32 $0xFFFFFFFF, s30;
	[sflag:s3] =	ssyncadd.s32 $0xFFFFE000  }
0x5e: {  	[tilespmem:s2], [sflag:$0x3] =	stream.linear.gather [hbm4b:s4+s2], $0x500, $0x38;
	[tilespmem:$0x4500] =	vst v63  }
0x5f: {  	_ =	swait.ge [sflag:s3], $0x500  }
0x60: {  	[sflag:s3] =	ssyncset.done $0x0  }
0x61: {  	[sflag:s3] =	ssyncadd.s32 $0xFFFFFB00  }
0x62: {  	[tilespmem:s7], [sflag:$0x1] =	stream.indirect.gather [hbm4b:s5+s6], $0x40, s2, s6, $0xb8;
	[tilespmem:$0x4500] =	vst v63  }
0x63: {  	_ = 	snop  }
0x64: {  	[tilespmem:s8], [sflag:$0x2] =	stream.indirect.gather [hbm4b:s5+s6], $0x40, s6, s6, $0xb8;
	[tilespmem:$0x4500] =	vst v63  }
0x65: {  	_ =	swait.ge [sflag:s9], $0x2000  }
0x66: {  	[sflag:s9] =	ssyncset.done $0x0  }
0x67: {  	[sflag:s9] =	ssyncadd.s32 $0xFFFFE000  }
0x68: {  	[hbm4b:s10+s2] =	stream.linear.scatter [tilespmem:s7], [sflag:$0x3], $0x2000, $0x38;
	[tilespmem:$0x4500] =	vst v63  }
0x69: {  	_ =	swait.ge [sflag:s3], $0x2000  }
0x6a: {  	[sflag:s3] =	ssyncset.done $0x0  }
0x6b: {  	[sflag:s3] =	ssyncadd.s32 $0xFFFFE000  }
0x6c: {  	[tilespmem:s7], [sflag:$0x1] =	stream.indirect.gather [hbm4b:s5+s6], $0x40, s11, s6, $0xb8;
	[tilespmem:$0x4500] =	vst v63  }
0x6d: {  	_ =	swait.ge [sflag:s12], $0x2000  }
0x6e: {  	[sflag:s12] =	ssyncset.done $0x0  }
0x6f: {  	[sflag:s12] =	ssyncadd.s32 $0xFFFFE000  }
0x70: {  	[hbm4b:s13+s2] =	stream.linear.scatter [tilespmem:s8], [sflag:$0x3], $0x2000, $0x38;
	[tilespmem:$0x4500] =	vst v63  }
0x71: {  	_ =	swait.ge [sflag:s3], $0x2000  }
0x72: {  	[sflag:s3] =	ssyncset.done $0x0  }
0x73: {  	[sflag:s3] =	ssyncadd.s32 $0xFFFFE000  }
0x74: {  	[tilespmem:s8], [sflag:$0x2] =	stream.indirect.gather [hbm4b:s5+s6], $0x40, s14, s6, $0xb8;
	[tilespmem:$0x4500] =	vst v63  }
0x75: {  	_ =	swait.ge [sflag:s9], $0x2000  }
0x76: {  	[sflag:s9] =	ssyncset.done $0x0  }
0x77: {  	[sflag:s9] =	ssyncadd.s32 $0xFFFFE000  }
0x78: {  	[hbm4b:s15+s2] =	stream.linear.scatter [tilespmem:s7], [sflag:$0x3], $0x2000, $0x38;
	[tilespmem:$0x4500] =	vst v63  }
0x79: {  	_ =	swait.ge [sflag:s3], $0x2000  }
0x7a: {  	[sflag:s3] =	ssyncset.done $0x0  }
0x7b: {  	[sflag:s3] =	ssyncadd.s32 $0xFFFFE000  }
0x7c: {  	[tilespmem:s7], [sflag:$0x1] =	stream.indirect.gather [hbm4b:s5+s6], $0x40, s16, s6, $0xb8;
	[tilespmem:$0x4500] =	vst v63  }
0x7d: {  	_ =	swait.ge [sflag:s12], $0x2000  }
0x7e: {  	[sflag:s12] =	ssyncset.done $0x0  }
0x7f: {  	[sflag:s12] =	ssyncadd.s32 $0xFFFFE000  }
0x80: {  	[hbm4b:s17+s2] =	stream.linear.scatter [tilespmem:s8], [sflag:$0x3], $0x2000, $0x38;
	[tilespmem:$0x4500] =	vst v63  }
0x81: {  	_ =	swait.ge [sflag:s3], $0x2000  }
0x82: {  	[sflag:s3] =	ssyncset.done $0x0  }
0x83: {  	[sflag:s3] =	ssyncadd.s32 $0xFFFFE000  }
0x84: {  	[tilespmem:s8], [sflag:$0x2] =	stream.indirect.gather [hbm4b:s5+s6], $0x40, s18, s6, $0xb8;
	[tilespmem:$0x4500] =	vst v63  }
0x85: {  	_ =	swait.ge [sflag:s9], $0x2000  }
0x86: {  	[sflag:s9] =	ssyncset.done $0x0  }
0x87: {  	[sflag:s9] =	ssyncadd.s32 $0xFFFFE000  }
0x88: {  	[hbm4b:s19+s2] =	stream.linear.scatter [tilespmem:s7], [sflag:$0x3], $0x2000, $0x38;
	[tilespmem:$0x4500] =	vst v63  }
0x89: {  	_ =	swait.ge [sflag:s3], $0x2000  }
0x8a: {  	[sflag:s3] =	ssyncset.done $0x0  }
0x8b: {  	[sflag:s3] =	ssyncadd.s32 $0xFFFFE000  }
0x8c: {  	[tilespmem:s7], [sflag:$0x1] =	stream.indirect.gather [hbm4b:s5+s6], $0x40, s20, s6, $0xb8;
	[tilespmem:$0x4500] =	vst v63  }
0x8d: {  	_ =	swait.ge [sflag:s12], $0x2000  }
0x8e: {  	[sflag:s12] =	ssyncset.done $0x0  }
0x8f: {  	[sflag:s12] =	ssyncadd.s32 $0xFFFFE000  }
0x90: {  	[hbm4b:s21+s2] =	stream.linear.scatter [tilespmem:s8], [sflag:$0x3], $0x2000, $0x38;
	[tilespmem:$0x4500] =	vst v63  }
0x91: {  	_ =	swait.ge [sflag:s3], $0x2000  }
0x92: {  	[sflag:s3] =	ssyncset.done $0x0  }
0x93: {  	[sflag:s3] =	ssyncadd.s32 $0xFFFFE000  }
0x94: {  	[tilespmem:s8], [sflag:$0x2] =	stream.indirect.gather [hbm4b:s5+s6], $0x40, s22, s6, $0xb8;
	[tilespmem:$0x4500] =	vst v63  }
0x95: {  	_ =	swait.ge [sflag:s9], $0x2000  }
0x96: {  	[sflag:s9] =	ssyncset.done $0x0  }
0x97: {  	[sflag:s9] =	ssyncadd.s32 $0xFFFFE000  }
0x98: {  	[hbm4b:s23+s2] =	stream.linear.scatter [tilespmem:s7], [sflag:$0x3], $0x2000, $0x38;
	[tilespmem:$0x4500] =	vst v63  }
0x99: {  	_ =	swait.ge [sflag:s3], $0x2000  }
0x9a: {  	[sflag:s3] =	ssyncset.done $0x0  }
0x9b: {  	[sflag:s3] =	ssyncadd.s32 $0xFFFFE000  }
0x9c: {  	[tilespmem:s7], [sflag:$0x1] =	stream.indirect.gather [hbm4b:s5+s6], $0x40, s24, s6, $0xb8;
	[tilespmem:$0x4500] =	vst v63  }
0x9d: {  	_ =	swait.ge [sflag:s12], $0x2000  }
0x9e: {  	[sflag:s12] =	ssyncset.done $0x0  }
0x9f: {  	[sflag:s12] =	ssyncadd.s32 $0xFFFFE000  }
0xa0: {  	[hbm4b:s25+s2] =	stream.linear.scatter [tilespmem:s8], [sflag:$0x3], $0x2000, $0x38;
	[tilespmem:$0x4500] =	vst v63  }
0xa1: {  	_ =	swait.ge [sflag:s3], $0x2000  }
0xa2: {  	[sflag:s3] =	ssyncset.done $0x0  }
0xa3: {  	[sflag:s3] =	ssyncadd.s32 $0xFFFFE000  }
0xa4: {  	[tilespmem:s8], [sflag:$0x2] =	stream.indirect.gather [hbm4b:s5+s6], $0x40, s26, s6, $0xb8;
	[tilespmem:$0x4500] =	vst v63  }
0xa5: {  	_ =	swait.ge [sflag:s9], $0x2000  }
0xa6: {  	[sflag:s9] =	ssyncset.done $0x0  }
0xa7: {  	[sflag:s9] =	ssyncadd.s32 $0xFFFFE000  }
0xa8: {  	[hbm4b:s28+s2] =	stream.linear.scatter [tilespmem:s7], [sflag:$0x3], $0x2000, $0x38;
	[tilespmem:$0x4500] =	vst v63  }
0xa9: {  	_ =	swait.ge [sflag:s3], $0x2000  }
0xaa: {  	[sflag:s3] =	ssyncset.done $0x0  }
0xab: {  	[sflag:s3] =	ssyncadd.s32 $0xFFFFE000  }
0xac: {  	_ =	swait.ge [sflag:s12], $0x2000  }
.Ltmp1:
0xad: {  	[sflag:s12] =	ssyncset.done $0x0;
	(pc) =	sbr.rel @p0 .LBB2_1-.Ltmp1, $4  }
0xae: {  	[sflag:s12] =	ssyncadd.s32 $0xFFFFE000  }
0xaf: {  	[hbm4b:s29+s2] =	stream.linear.scatter [tilespmem:s8], [sflag:$0x3], $0x2000, $0x38;
	[tilespmem:$0x4500] =	vst v63  }
0xb0: {  	_ =	swait.ge [sflag:s3], $0x2000  }
0xb1: {  	[sflag:s3] =	ssyncset.done $0x0  }
.LBB2_2:
0xb2: {  	[sflag:s3] =	ssyncadd.s32 $0xFFFFE000  }
0xb3: {  	_ =	sfence.sel $0x180000  }
0xb4: {  	[bflag:$0x0] =	sbarrier.arrive $0xFFFF  }
0xb5: {  	p0 =	sne.s32 s0, $0x0;
	_ =	strace $0x90000050  }
0xb6: {  	s0 =	sadd.s32 @!p0 $0x100000, s1;
	[bflag:$0x2] =	sbarrier.arrive $0xFFFF  }
0xb7: {  	[sflag:s0] =	ssyncadd.tile.s32 @!p0 $0x1;
	_ =	shalt  }
.Lfunc_end2:
_tile_overlayer_lowered:
.L_overlay_start_2:
0xb8: {  	(tag) =	ssettag $0x2  }
0xb9: {  	s0 =	rddreg [dreg:$0x0];
	s2 =	stileid.u32  }
0xba: {  	s1 =	rddreg [dreg:$0x1];
	p0 =	sne.s32 s2, $0x0  }
0xbb: {  	s3 =	rddreg [dreg:$0x2];
	[bflag:$0x3] =	sbarrier.arrive $0xFFFF;
	s2 =	simm.s32 @!p0 $0x1C03  }
0xbc: {  	[timem:s3], [sflag:s2] =	dma.local @!p0 [hbm:s0], s1  }
0xbd: {  	s0 =	simm.s32 @!p0 $0x3  }
0xbe: {  	_ =	swait.ge @!p0 [sflag:s0], s1  }
0xbf: {  	s1 =	ssub.s32 @!p0 $0x0, s1;
	[sflag:s0] =	ssyncset.done @!p0 $0x0  }
0xc0: {  	[sflag:s0] =	ssyncadd.s32 @!p0 s1  }
0xc1: {  	[bflag:$0x3] =	sbarrier.arrive $0xFFFF  }
0xc2: {  	_ =	shalt  }

</sc_bundles>
